<compile_context>
chip_gen: v7x
topology: tpu7x:2x2x1
jax: 0.10.2.dev20260603
libtpu: 0.0.44.dev20260713+nightly
codegen_flags: <defaults>
</compile_context>

<pallas_src>
import functools

import jax
import jax.numpy as jnp
from jax import lax
from jax.experimental import pallas as pl
from jax.experimental.pallas import tpu as pltpu
from jax.experimental.pallas import tpu_sc as plsc

N = 10000
H = 128
C = 8
K = 3
G = 400
Bn = 1000
Nb = N // Bn
NBH = Nb // 2
GRP = Bn * C + Bn + 8
HALF = NBH * GRP
WORKERS = 32
PW = 1408
HALF_PAD = WORKERS * PW
RC = 352
NCHUNK = PW // RC

_f32 = jnp.float32
_bf16 = jnp.bfloat16


@functools.cache
def _sc_gather_fn():
    @functools.partial(
        pl.kernel,
        mesh=plsc.VectorSubcoreMesh(core_axis_name="c", subcore_axis_name="s"),
        out_type=jax.ShapeDtypeStruct((HALF_PAD, H), _f32),
    scratch_types=[
            pltpu.VMEM((PW,), jnp.int32),
            pltpu.VMEM((RC, H), _f32),
            pltpu.VMEM((RC, H), _f32),
            pltpu.SemaphoreType.DMA,
            pltpu.SemaphoreType.DMA,
            pltpu.SemaphoreType.DMA,
            pltpu.SemaphoreType.DMA,
        ],
    )
    def _sc_gather(u_hbm, idx_hbm, out_hbm, idx_v, rows0, rows1,
                   gs0, gs1, ws0, ws1):
        wid = lax.axis_index("s") * 2 + lax.axis_index("c")
        base = wid * PW
        bufs = [rows0, rows1]
        gsems = [gs0, gs1]
        wsems = [ws0, ws1]
        pltpu.sync_copy(idx_hbm.at[pl.ds(base, PW)], idx_v)
        gath = [None] * NCHUNK
        wr = [None] * NCHUNK
        gath[0] = pltpu.async_copy(
            u_hbm.at[idx_v.at[pl.ds(0, RC)]], bufs[0], gsems[0])
        for k in range(NCHUNK):
            gath[k].wait()
            if k + 1 < NCHUNK:
                if k >= 1:
                    wr[k - 1].wait()
                gath[k + 1] = pltpu.async_copy(
                    u_hbm.at[idx_v.at[pl.ds((k + 1) * RC, RC)]],
                    bufs[(k + 1) % 2], gsems[(k + 1) % 2])
            wr[k] = pltpu.async_copy(
                bufs[k % 2], out_hbm.at[pl.ds(base + k * RC, RC)],
                wsems[k % 2])
        wr[NCHUNK - 2].wait()
        wr[NCHUNK - 1].wait()

    return _sc_gather


def _embed_body(x_ref, w_ref, b_ref, o_ref):
    o_ref[...] = jnp.dot(x_ref[...], w_ref[...],
                         preferred_element_type=_f32) + b_ref[...]


def _embed(x, W, b2d):
    return pl.pallas_call(
        _embed_body,
        grid=(Nb,),
        in_specs=[
            pl.BlockSpec((Bn, H), lambda i: (i, 0)),
            pl.BlockSpec((H, H), lambda i: (0, 0)),
            pl.BlockSpec((1, H), lambda i: (0, 0)),
        ],
        out_specs=pl.BlockSpec((Bn, H), lambda i: (i, 0)),
        out_shape=jax.ShapeDtypeStruct((N, H), _f32),
    )(x, W, b2d)


def _elu(v):
    return jnp.where(v > 0, v, jnp.exp(v) - 1.0)


def _bn_scale(st_ref, gam_ref, bet_ref):
    mean = st_ref[0:1, :] * (1.0 / N)
    var = st_ref[1:2, :] * (1.0 / N) - mean * mean
    sc = lax.rsqrt(var + 1e-5) * gam_ref[...]
    return sc, bet_ref[...] - mean * sc


def _a_compute(gath_ref, u_ref, st_ref, gam_ref, bet_ref, wk_ref, bk_ref,
               ws_ref, wp_ref, bsp_ref):
    sc, sh = _bn_scale(st_ref, gam_ref, bet_ref)
    blk = gath_ref[...] * sc + sh
    neigh = blk[:Bn * C, :]
    hp = blk[Bn * C:Bn * C + Bn, :]
    h = u_ref[...] * sc + sh
    acc = jnp.zeros((Bn, C, H), _f32)
    for j in range(K):
        y = jnp.dot(neigh, wk_ref[j], preferred_element_type=_f32)
        y3 = y.reshape(Bn, C, H)
        if j:
            y3 = jnp.concatenate([y3[:, j:], y3[:, :j]], axis=1)
        acc = acc + y3
    acc = acc + bk_ref[...].reshape(1, 1, H)
    agg = _elu(acc).sum(axis=1)
    pre = (agg + jnp.dot(h, ws_ref[...], preferred_element_type=_f32)
           + jnp.dot(hp, wp_ref[...], preferred_element_type=_f32)
           + bsp_ref[...])
    return _elu(pre) + h


def _a_compute0(gath_ref, x_ref, we_ref, be_ref, wk_ref, bk_ref, ws_ref,
                wp_ref, bsp_ref):
    we = we_ref[...]
    be = be_ref[...]
    blk = gath_ref[...]
    neigh = blk[:Bn * C, :]
    hp = blk[Bn * C:Bn * C + Bn, :]
    h = jnp.dot(x_ref[...], we, preferred_element_type=_f32) + be
    wksum = wk_ref[0] + wk_ref[1] + wk_ref[2]
    kb = bk_ref[...] + jnp.dot(be, wksum, preferred_element_type=_f32)
    acc = jnp.zeros((Bn, C, H), _f32)
    for j in range(K):
        wkeff = jnp.dot(we, wk_ref[j], preferred_element_type=_f32)
        y = jnp.dot(neigh, wkeff, preferred_element_type=_f32)
        y3 = y.reshape(Bn, C, H)
        if j:
            y3 = jnp.concatenate([y3[:, j:], y3[:, :j]], axis=1)
        acc = acc + y3
    acc = acc + kb.reshape(1, 1, H)
    agg = _elu(acc).sum(axis=1)
    wp = wp_ref[...]
    wpeff = jnp.dot(we, wp, preferred_element_type=_f32)
    pre = (agg + jnp.dot(h, ws_ref[...], preferred_element_type=_f32)
           + jnp.dot(hp, wpeff, preferred_element_type=_f32)
           + bsp_ref[...] + jnp.dot(be, wp, preferred_element_type=_f32))
    return _elu(pre) + h


def _layer_a_body(gath_ref, u_ref, st_ref, gam_ref, bet_ref, wk_ref, bk_ref,
                  ws_ref, wp_ref, bsp_ref, g_ref, st1_ref):
    i = pl.program_id(0)
    g = _a_compute(gath_ref, u_ref, st_ref, gam_ref, bet_ref, wk_ref, bk_ref,
                   ws_ref, wp_ref, bsp_ref)
    g_ref[...] = g

    @pl.when(i == 0)
    def _():
        st1_ref[...] = jnp.zeros((8, H), _f32)

    ones_row = jnp.full((1, Bn), 1.0, _f32)
    st1_ref[0:1, :] += jnp.dot(ones_row, g, preferred_element_type=_f32)
    st1_ref[1:2, :] += jnp.dot(ones_row, g * g, preferred_element_type=_f32)


def _layer_a_half(gath, u, st_prev, gam_prev, bet_prev, Wk_l, bk_sum, Ws_l,
                  Wp_l, bsp, half):
    return pl.pallas_call(
        _layer_a_body,
        grid=(NBH,),
        in_specs=[
            pl.BlockSpec((GRP, H), lambda i: (i, 0)),
            pl.BlockSpec((Bn, H), lambda i: (i + half * NBH, 0)),
            pl.BlockSpec((8, H), lambda i: (0, 0)),
            pl.BlockSpec((1, H), lambda i: (0, 0)),
            pl.BlockSpec((1, H), lambda i: (0, 0)),
            pl.BlockSpec((K, H, H), lambda i: (0, 0, 0)),
            pl.BlockSpec((1, H), lambda i: (0, 0)),
            pl.BlockSpec((H, H), lambda i: (0, 0)),
            pl.BlockSpec((H, H), lambda i: (0, 0)),
            pl.BlockSpec((1, H), lambda i: (0, 0)),
        ],
        out_specs=[
            pl.BlockSpec((Bn, H), lambda i: (i, 0)),
            pl.BlockSpec((8, H), lambda i: (0, 0)),
        ],
        out_shape=[
            jax.ShapeDtypeStruct((NBH * Bn, H), _f32),
            jax.ShapeDtypeStruct((8, H), _f32),
        ],
    )(gath, u, st_prev, gam_prev, bet_prev, Wk_l, bk_sum, Ws_l, Wp_l, bsp)


NT = NBH + Nb


def _layer_a0_body(gath_ref, x_ref, we_ref, be_ref, wk_ref, bk_ref,
                   ws_ref, wp_ref, bsp_ref, g_ref, st1_ref):
    i = pl.program_id(0)
    g = _a_compute0(gath_ref, x_ref, we_ref, be_ref, wk_ref, bk_ref,
                    ws_ref, wp_ref, bsp_ref)
    g_ref[...] = g

    @pl.when(i == 0)
    def _():
        st1_ref[...] = jnp.zeros((8, H), _f32)

    ones_row = jnp.full((1, Bn), 1.0, _f32)
    st1_ref[0:1, :] += jnp.dot(ones_row, g, preferred_element_type=_f32)
    st1_ref[1:2, :] += jnp.dot(ones_row, g * g, preferred_element_type=_f32)


def _layer_a_half0(gath, x, We, be2, Wk_l, bk_sum, Ws_l, Wp_l, bsp, half):
    return pl.pallas_call(
        _layer_a0_body,
        grid=(NBH,),
        in_specs=[
            pl.BlockSpec((GRP, H), lambda i: (i, 0)),
            pl.BlockSpec((Bn, H), lambda i: (i + half * NBH, 0)),
            pl.BlockSpec((H, H), lambda i: (0, 0)),
            pl.BlockSpec((1, H), lambda i: (0, 0)),
            pl.BlockSpec((K, H, H), lambda i: (0, 0, 0)),
            pl.BlockSpec((1, H), lambda i: (0, 0)),
            pl.BlockSpec((H, H), lambda i: (0, 0)),
            pl.BlockSpec((H, H), lambda i: (0, 0)),
            pl.BlockSpec((1, H), lambda i: (0, 0)),
        ],
        out_specs=[
            pl.BlockSpec((Bn, H), lambda i: (i, 0)),
            pl.BlockSpec((8, H), lambda i: (0, 0)),
        ],
        out_shape=[
            jax.ShapeDtypeStruct((NBH * Bn, H), _f32),
            jax.ShapeDtypeStruct((8, H), _f32),
        ],
    )(gath, x, We, be2, Wk_l, bk_sum, Ws_l, Wp_l, bsp)


def _bn1_from(st, gam_ref, bet_ref):
    mean = st[0:1, :] * (1.0 / N)
    var = st[1:2, :] * (1.0 / N) - mean * mean
    sc = lax.rsqrt(var + 1e-5) * gam_ref[...]
    return sc, bet_ref[...] - mean * sc


def _ab_a_phase(s, gath_ref, u_ref, stp_ref, gamp_ref, betp_ref, wk_ref,
                bk_ref, ws_ref, wp_ref, bsp_ref, gb_s, stb_s):
    g = _a_compute(gath_ref, u_ref, stp_ref, gamp_ref, betp_ref, wk_ref,
                   bk_ref, ws_ref, wp_ref, bsp_ref)
    off = pl.multiple_of(s * Bn, Bn)
    gb_s[pl.ds(off, Bn), :] = g

    @pl.when(s == 0)
    def _():
        stb_s[...] = jnp.zeros((8, H), _f32)

    ones_row = jnp.full((1, Bn), 1.0, _f32)
    stb_s[0:1, :] += jnp.dot(ones_row, g, preferred_element_type=_f32)
    stb_s[1:2, :] += jnp.dot(ones_row, g * g, preferred_element_type=_f32)


def _ab_u(s, ga_ref, sta_ref, gam1_ref, bet1_ref, w1_ref, b1_ref, w2_ref,
          b2_ref, gb_s, stb_s):
    off = pl.multiple_of(jnp.maximum(s - 2 * NBH, 0) * Bn, Bn)
    gb = gb_s[pl.ds(off, Bn), :]
    g = jnp.where(s < 2 * NBH, ga_ref[...], gb)
    sc, sh = _bn1_from(sta_ref[...] + stb_s[...], gam1_ref, bet1_ref)
    gn = g * sc + sh
    m = jnp.maximum(jnp.dot(gn, w1_ref[...], preferred_element_type=_f32)
                    + b1_ref[...], 0.0)
    m = jnp.dot(m, w2_ref[...], preferred_element_type=_f32) + b2_ref[...]
    return gn + m


_AB_IN_SPECS = [
    pl.BlockSpec((GRP, H), lambda s: (jnp.minimum(s, NBH - 1), 0)),
    pl.BlockSpec((Bn, H), lambda s: (jnp.minimum(s + NBH, Nb - 1), 0)),
    pl.BlockSpec((8, H), lambda s: (0, 0)),
    pl.BlockSpec((1, H), lambda s: (0, 0)),
    pl.BlockSpec((1, H), lambda s: (0, 0)),
    pl.BlockSpec((K, H, H), lambda s: (0, 0, 0)),
    pl.BlockSpec((1, H), lambda s: (0, 0)),
    pl.BlockSpec((H, H), lambda s: (0, 0)),
    pl.BlockSpec((H, H), lambda s: (0, 0)),
    pl.BlockSpec((1, H), lambda s: (0, 0)),
    pl.BlockSpec((Bn, H), lambda s: (jnp.clip(s - NBH, 0, NBH - 1), 0)),
    pl.BlockSpec((8, H), lambda s: (0, 0)),
    pl.BlockSpec((1, H), lambda s: (0, 0)),
    pl.BlockSpec((1, H), lambda s: (0, 0)),
    pl.BlockSpec((H, H), lambda s: (0, 0)),
    pl.BlockSpec((1, H), lambda s: (0, 0)),
    pl.BlockSpec((H, H), lambda s: (0, 0)),
    pl.BlockSpec((1, H), lambda s: (0, 0)),
]


def _layer_ab_body(gath_ref, u_ref, stp_ref, gamp_ref, betp_ref, wk_ref,
                   bk_ref, ws_ref, wp_ref, bsp_ref, ga_ref, sta_ref,
                   gam1_ref, bet1_ref, w1_ref, b1_ref, w2_ref, b2_ref,
                   uo_ref, st2_ref, gb_s, stb_s):
    s = pl.program_id(0)

    @pl.when(s < NBH)
    def _():
        _ab_a_phase(s, gath_ref, u_ref, stp_ref, gamp_ref, betp_ref, wk_ref,
                    bk_ref, ws_ref, wp_ref, bsp_ref, gb_s, stb_s)

    @pl.when(s >= NBH)
    def _():
        u = _ab_u(s, ga_ref, sta_ref, gam1_ref, bet1_ref, w1_ref, b1_ref,
                  w2_ref, b2_ref, gb_s, stb_s)
        uo_ref[...] = u

        @pl.when(s == NBH)
        def _():
            st2_ref[...] = jnp.zeros((8, H), _f32)

        ones_row = jnp.full((1, Bn), 1.0, _f32)
        st2_ref[0:1, :] += jnp.dot(ones_row, u, preferred_element_type=_f32)
        st2_ref[1:2, :] += jnp.dot(ones_row, u * u,
                                   preferred_element_type=_f32)


def _layer_ab(gathB, u, stp, gamp, betp, Wk_l, bk_sum, Ws_l, Wp_l, bsp,
              gA, stA, gam1, bet1, W1, b1, W2, b2):
    return pl.pallas_call(
        _layer_ab_body,
        grid=(NT,),
        in_specs=_AB_IN_SPECS,
        out_specs=[
            pl.BlockSpec((Bn, H), lambda s: (jnp.clip(s - NBH, 0, Nb - 1), 0)),
            pl.BlockSpec((8, H), lambda s: (0, 0)),
        ],
        out_shape=[
            jax.ShapeDtypeStruct((N, H), _f32),
            jax.ShapeDtypeStruct((8, H), _f32),
        ],
        scratch_shapes=[
            pltpu.VMEM((NBH * Bn, H), _f32),
            pltpu.VMEM((8, H), _f32),
        ],
    )(gathB, u, stp, gamp, betp, Wk_l, bk_sum, Ws_l, Wp_l, bsp,
      gA, stA, gam1, bet1, W1, b1, W2, b2)


def _layer_ab0_body(gath_ref, x_ref, we_ref, be_ref, wk_ref,
                    bk_ref, ws_ref, wp_ref, bsp_ref, ga_ref, sta_ref,
                    gam1_ref, bet1_ref, w1_ref, b1_ref, w2_ref, b2_ref,
                    uo_ref, st2_ref, gb_s, stb_s):
    s = pl.program_id(0)

    @pl.when(s < NBH)
    def _():
        g = _a_compute0(gath_ref, x_ref, we_ref, be_ref, wk_ref, bk_ref,
                        ws_ref, wp_ref, bsp_ref)
        off = pl.multiple_of(s * Bn, Bn)
        gb_s[pl.ds(off, Bn), :] = g

        @pl.when(s == 0)
        def _():
            stb_s[...] = jnp.zeros((8, H), _f32)

        ones_row = jnp.full((1, Bn), 1.0, _f32)
        stb_s[0:1, :] += jnp.dot(ones_row, g, preferred_element_type=_f32)
        stb_s[1:2, :] += jnp.dot(ones_row, g * g, preferred_element_type=_f32)

    @pl.when(s >= NBH)
    def _():
        u = _ab_u(s, ga_ref, sta_ref, gam1_ref, bet1_ref, w1_ref, b1_ref,
                  w2_ref, b2_ref, gb_s, stb_s)
        uo_ref[...] = u

        @pl.when(s == NBH)
        def _():
            st2_ref[...] = jnp.zeros((8, H), _f32)

        ones_row = jnp.full((1, Bn), 1.0, _f32)
        st2_ref[0:1, :] += jnp.dot(ones_row, u, preferred_element_type=_f32)
        st2_ref[1:2, :] += jnp.dot(ones_row, u * u,
                                   preferred_element_type=_f32)


def _layer_ab0(gathB, x, We, be2, Wk_l, bk_sum, Ws_l, Wp_l, bsp,
               gA, stA, gam1, bet1, W1, b1, W2, b2):
    in_specs = [
        pl.BlockSpec((GRP, H), lambda s: (jnp.minimum(s, NBH - 1), 0)),
        pl.BlockSpec((Bn, H), lambda s: (jnp.minimum(s + NBH, Nb - 1), 0)),
        pl.BlockSpec((H, H), lambda s: (0, 0)),
        pl.BlockSpec((1, H), lambda s: (0, 0)),
        pl.BlockSpec((K, H, H), lambda s: (0, 0, 0)),
        pl.BlockSpec((1, H), lambda s: (0, 0)),
        pl.BlockSpec((H, H), lambda s: (0, 0)),
        pl.BlockSpec((H, H), lambda s: (0, 0)),
        pl.BlockSpec((1, H), lambda s: (0, 0)),
        pl.BlockSpec((Bn, H), lambda s: (jnp.clip(s - NBH, 0, NBH - 1), 0)),
        pl.BlockSpec((8, H), lambda s: (0, 0)),
        pl.BlockSpec((1, H), lambda s: (0, 0)),
        pl.BlockSpec((1, H), lambda s: (0, 0)),
        pl.BlockSpec((H, H), lambda s: (0, 0)),
        pl.BlockSpec((1, H), lambda s: (0, 0)),
        pl.BlockSpec((H, H), lambda s: (0, 0)),
        pl.BlockSpec((1, H), lambda s: (0, 0)),
    ]
    return pl.pallas_call(
        _layer_ab0_body,
        grid=(NT,),
        in_specs=in_specs,
        out_specs=[
            pl.BlockSpec((Bn, H), lambda s: (jnp.clip(s - NBH, 0, Nb - 1), 0)),
            pl.BlockSpec((8, H), lambda s: (0, 0)),
        ],
        out_shape=[
            jax.ShapeDtypeStruct((N, H), _f32),
            jax.ShapeDtypeStruct((8, H), _f32),
        ],
        scratch_shapes=[
            pltpu.VMEM((NBH * Bn, H), _f32),
            pltpu.VMEM((8, H), _f32),
        ],
    )(gathB, x, We, be2, Wk_l, bk_sum, Ws_l, Wp_l, bsp,
      gA, stA, gam1, bet1, W1, b1, W2, b2)


def _layer_ab_last_body(gath_ref, u_ref, stp_ref, gamp_ref, betp_ref, wk_ref,
                        bk_ref, ws_ref, wp_ref, bsp_ref, ga_ref, sta_ref,
                        gam1_ref, bet1_ref, w1_ref, b1_ref, w2_ref, b2_ref,
                        gam2_ref, bet2_ref, bi_ref, ow1_ref, ob1_ref, ow2_ref,
                        ob2_ref, ow3_ref, ob3_ref, z_ref, gb_s, stb_s, st2_s,
                        pooled_s, cnt_s):
    s = pl.program_id(0)

    @pl.when(s < NBH)
    def _():
        _ab_a_phase(s, gath_ref, u_ref, stp_ref, gamp_ref, betp_ref, wk_ref,
                    bk_ref, ws_ref, wp_ref, bsp_ref, gb_s, stb_s)

    @pl.when(s >= NBH)
    def _():
        u = _ab_u(s, ga_ref, sta_ref, gam1_ref, bet1_ref, w1_ref, b1_ref,
                  w2_ref, b2_ref, gb_s, stb_s)

        @pl.when(s == NBH)
        def _():
            st2_s[...] = jnp.zeros((8, H), _f32)
            pooled_s[...] = jnp.zeros((G, H), _f32)
            cnt_s[...] = jnp.zeros((G, H), _f32)

        ones_row = jnp.full((1, Bn), 1.0, _f32)
        st2_s[0:1, :] += jnp.dot(ones_row, u, preferred_element_type=_f32)
        st2_s[1:2, :] += jnp.dot(ones_row, u * u, preferred_element_type=_f32)
        bi = bi_ref[...].reshape(1, Bn)
        oh = (lax.broadcasted_iota(jnp.int32, (G, Bn), 0) == bi).astype(_f32)
        pooled_s[...] += jnp.dot(oh, u, preferred_element_type=_f32,
                                 precision=lax.Precision.HIGHEST)
        cnt_s[...] += jnp.sum(oh, axis=1, keepdims=True)

        @pl.when(s == NT - 1)
        def _():
            st = st2_s[...]
            mean = st[0:1, :] * (1.0 / N)
            var = st[1:2, :] * (1.0 / N) - mean * mean
            sc = lax.rsqrt(var + 1e-5) * gam2_ref[...]
            sh = bet2_ref[...] - mean * sc
            p = pooled_s[...] * sc + cnt_s[...][:, 0:1] * sh
            z1 = jnp.maximum(
                jnp.dot(p, ow1_ref[...], preferred_element_type=_f32)
                + ob1_ref[...], 0.0)
            z2 = jnp.maximum(
                jnp.dot(z1, ow2_ref[...], preferred_element_type=_f32)
                + ob2_ref[...], 0.0)
            z_ref[...] = ((z2 * ow3_ref[...]).sum(axis=1, keepdims=True)
                          + ob3_ref[...])


def _layer_ab_last(gathB, u, stp, gamp, betp, Wk_l, bk_sum, Ws_l, Wp_l, bsp,
                   gA, stA, gam1, bet1, W1, b1, W2, b2, gam2, bet2, bidx3,
                   oW1, ob1, oW2, ob2, oW3row, ob3s):
    return pl.pallas_call(
        _layer_ab_last_body,
        grid=(NT,),
        in_specs=_AB_IN_SPECS + [
            pl.BlockSpec((1, H), lambda s: (0, 0)),
            pl.BlockSpec((1, H), lambda s: (0, 0)),
            pl.BlockSpec((1, 1, Bn), lambda s: (jnp.clip(s - NBH, 0, Nb - 1),
                                                0, 0)),
            pl.BlockSpec((H, H // 2), lambda s: (0, 0)),
            pl.BlockSpec((1, H // 2), lambda s: (0, 0)),
            pl.BlockSpec((H // 2, H // 4), lambda s: (0, 0)),
            pl.BlockSpec((1, H // 4), lambda s: (0, 0)),
            pl.BlockSpec((1, H // 4), lambda s: (0, 0)),
            pl.BlockSpec((1, 1), lambda s: (0, 0)),
        ],
        out_specs=pl.BlockSpec((G, 1), lambda s: (0, 0)),
        out_shape=jax.ShapeDtypeStruct((G, 1), _f32),
        scratch_shapes=[
            pltpu.VMEM((NBH * Bn, H), _f32),
            pltpu.VMEM((8, H), _f32),
            pltpu.VMEM((8, H), _f32),
            pltpu.VMEM((G, H), _f32),
            pltpu.VMEM((G, H), _f32),
        ],
    )(gathB, u, stp, gamp, betp, Wk_l, bk_sum, Ws_l, Wp_l, bsp,
      gA, stA, gam1, bet1, W1, b1, W2, b2, gam2, bet2, bidx3,
      oW1, ob1, oW2, ob2, oW3row, ob3s)


def kernel(x, circle_index, parallel_node_index, batch_idx, edge_index,
           W_emb, b_emb, Wk, bk, Wself, bself, Wpar, bpar,
           bn1_g, bn1_b, mlpW1, mlpb1, mlpW2, mlpb2, bn2_g, bn2_b,
           oW1, ob1, oW2, ob2, oW3, ob3):
    del edge_index
    cid2 = circle_index.astype(jnp.int32).reshape(Nb, Bn * C)
    par2 = parallel_node_index.astype(jnp.int32).reshape(Nb, Bn)
    packed = jnp.concatenate(
        [cid2, par2, jnp.zeros((Nb, 8), jnp.int32)], axis=1)
    pad = jnp.zeros((HALF_PAD - HALF,), jnp.int32)
    idxA = jnp.concatenate([packed[:NBH].reshape(-1), pad])
    idxB = jnp.concatenate([packed[NBH:].reshape(-1), pad])
    bidx3 = batch_idx.astype(jnp.int32).reshape(Nb, 1, Bn)
    bk_sum = bk.sum(axis=1)
    bsp = bself + bpar
    ones1 = jnp.ones((1, H), _f32)
    zeros1 = jnp.zeros((1, H), _f32)
    stats_id = jnp.concatenate(
        [jnp.zeros((1, H), _f32),
         jnp.full((1, H), N * (1.0 - 1e-5), _f32),
         jnp.zeros((6, H), _f32)])

    st_prev, gam_prev, bet_prev = stats_id, ones1, zeros1
    gather = _sc_gather_fn()
    L = Wk.shape[0]
    u = x
    for l in range(L):
        gthA = gather(u, idxA)
        gthB = gather(u, idxB)
        if l == 0:
            a0args = (u, W_emb, b_emb.reshape(1, H), Wk[l],
                      bk_sum[l].reshape(1, H), Wself[l], Wpar[l],
                      bsp[l].reshape(1, H))
            gA, stA = _layer_a_half0(gthA, *a0args, 0)
            u, st2 = _layer_ab0(gthB, *a0args, gA, stA,
                                bn1_g[l].reshape(1, H),
                                bn1_b[l].reshape(1, H), mlpW1[l],
                                mlpb1[l].reshape(1, H), mlpW2[l],
                                mlpb2[l].reshape(1, H))
            st_prev, gam_prev, bet_prev = (st2, bn2_g[l].reshape(1, H),
                                           bn2_b[l].reshape(1, H))
            continue
        gA, stA = _layer_a_half(gthA, u, st_prev, gam_prev, bet_prev, Wk[l],
                                bk_sum[l].reshape(1, H), Wself[l], Wpar[l],
                                bsp[l].reshape(1, H), 0)
        abargs = (gthB, u, st_prev, gam_prev, bet_prev, Wk[l],
                  bk_sum[l].reshape(1, H), Wself[l], Wpar[l],
                  bsp[l].reshape(1, H), gA, stA, bn1_g[l].reshape(1, H),
                  bn1_b[l].reshape(1, H), mlpW1[l], mlpb1[l].reshape(1, H),
                  mlpW2[l], mlpb2[l].reshape(1, H))
        if l == L - 1:
            return _layer_ab_last(*abargs, bn2_g[l].reshape(1, H),
                                  bn2_b[l].reshape(1, H), bidx3, oW1,
                                  ob1.reshape(1, H // 2), oW2,
                                  ob2.reshape(1, H // 4),
                                  oW3.reshape(1, H // 4), ob3.reshape(1, 1))
        u, st2 = _layer_ab(*abargs)
        st_prev, gam_prev, bet_prev = (st2, bn2_g[l].reshape(1, H),
                                       bn2_b[l].reshape(1, H))

# --- scband reference (transcript-rebuilt; emitter-appended) ---
"""Pipeline reference for scband-chi-ennmodel-19567871000721 (READ-ONLY COPY).

The authoritative reference and input builder live on the scoring server;
editing this copy changes nothing except your own understanding.
"""

import jax, jax.numpy as jnp
import numpy as np

N = 10000
E = 320000
H = 128
K = 3
L = 3
C = 8
G = 400

def setup_inputs(seed: int = 0):
    key = jax.random.key(seed)
    ks = [jax.random.fold_in(key, i) for i in range(32)]
    s = 1.0 / np.sqrt(H)
    return {
        "x": jax.random.normal(ks[0], (N, H), dtype=jnp.float32),
        "circle_index": jax.random.randint(ks[1], (N, C), 0, N),
        "parallel_node_index": jax.random.randint(ks[2], (N,), 0, N),
        "batch_idx": jnp.sort(jax.random.randint(ks[3], (N,), 0, G)),
        "edge_index": jax.random.randint(ks[4], (2, E), 0, N),
        "W_emb": jax.random.normal(ks[5], (H, H), dtype=jnp.float32) * s,
        "b_emb": jnp.zeros((H,), jnp.float32),
        "Wk": jax.random.normal(ks[6], (L, K, H, H), dtype=jnp.float32) * s,
        "bk": jnp.zeros((L, K, H), jnp.float32),
        "Wself": jax.random.normal(ks[7], (L, H, H), dtype=jnp.float32) * s,
        "bself": jnp.zeros((L, H), jnp.float32),
        "Wpar": jax.random.normal(ks[8], (L, H, H), dtype=jnp.float32) * s,
        "bpar": jnp.zeros((L, H), jnp.float32),
        "bn1_g": jnp.ones((L, H), jnp.float32),
        "bn1_b": jnp.zeros((L, H), jnp.float32),
        "mlpW1": jax.random.normal(ks[9], (L, H, H), dtype=jnp.float32) * s,
        "mlpb1": jnp.zeros((L, H), jnp.float32),
        "mlpW2": jax.random.normal(ks[10], (L, H, H), dtype=jnp.float32) * s,
        "mlpb2": jnp.zeros((L, H), jnp.float32),
        "bn2_g": jnp.ones((L, H), jnp.float32),
        "bn2_b": jnp.zeros((L, H), jnp.float32),
        "oW1": jax.random.normal(ks[11], (H, H // 2), dtype=jnp.float32) * s,
        "ob1": jnp.zeros((H // 2,), jnp.float32),
        "oW2": jax.random.normal(ks[12], (H // 2, H // 4), dtype=jnp.float32) * (1.0 / np.sqrt(H // 2)),
        "ob2": jnp.zeros((H // 4,), jnp.float32),
        "oW3": jax.random.normal(ks[13], (H // 4, 1), dtype=jnp.float32) * (1.0 / np.sqrt(H // 4)),
        "ob3": jnp.zeros((1,), jnp.float32),
    }

def _bn(h, g, b):
    m = h.mean(axis=0)
    v = h.var(axis=0)
    return (h - m) / jnp.sqrt(v + 1e-5) * g + b

def _chienn_layer(x, circle_index, parallel_idx, Wk, bk, Ws, bs, Wp, bp):
    # gather ordered circle neighbors: (N, C, H)
    neigh = x[circle_index]
    acc = jnp.zeros_like(neigh)
    # message for each start position i uses k consecutive neighbors (wrap-around),
    # each transformed by its own linear embedding (eq. 4 of ChiENN)
    for j in range(Wk.shape[0]):
        shifted = jnp.roll(neigh, -j, axis=1)
        acc = acc + jnp.einsum('nch,hd->ncd', shifted, Wk[j]) + bk[j]
    msg = jax.nn.elu(acc)
    agg = msg.sum(axis=1)
    return jax.nn.elu(agg + x @ Ws + bs + x[parallel_idx] @ Wp + bp)

def reference(x, circle_index, parallel_node_index, batch_idx, edge_index,
              W_emb, b_emb, Wk, bk, Wself, bself, Wpar, bpar,
              bn1_g, bn1_b, mlpW1, mlpb1, mlpW2, mlpb2, bn2_g, bn2_b,
              oW1, ob1, oW2, ob2, oW3, ob3):
    del edge_index  # ChiENN uses circle_index instead of edge_index
    h = x @ W_emb + b_emb
    for l in range(Wk.shape[0]):
        res = h
        g = _chienn_layer(h, circle_index, parallel_node_index,
                          Wk[l], bk[l], Wself[l], bself[l], Wpar[l], bpar[l]) + res
        g = _bn(g, bn1_g[l], bn1_b[l])
        m = jax.nn.relu(g @ mlpW1[l] + mlpb1[l]) @ mlpW2[l] + mlpb2[l]
        g = g + m
        h = _bn(g, bn2_g[l], bn2_b[l])
    # to_dense_batch + sum over node axis == segment sum by graph id
    pooled = jax.ops.segment_sum(h, batch_idx, num_segments=G)
    z = jax.nn.relu(pooled @ oW1 + ob1)
    z = jax.nn.relu(z @ oW2 + ob2)
    return z @ oW3 + ob3

if __name__ == "__main__":
    import jax
    _d = setup_inputs()
    print(jax.jit(kernel)(*tuple(_d.values())))

</pallas_src>

<mosaic_0001>
#map = affine_map<(d0, d1) -> (0, 0)>
#map1 = affine_map<(d0, d1) -> (0)>
module attributes {stable_mosaic.version = 14 : i64} {
  func.func @_sc_gather(%arg0: i32, %arg1: i32, %arg2: memref<10000x128xf32, #tpu.memory_space<hbm>>, %arg3: memref<45056xi32, #tpu.memory_space<hbm>>, %arg4: memref<45056x128xf32, #tpu.memory_space<hbm>>, %arg5: memref<1408xi32, #tpu.memory_space<vmem>>, %arg6: memref<352x128xf32, #tpu.memory_space<vmem>>, %arg7: memref<352x128xf32, #tpu.memory_space<vmem>>, %arg8: memref<!tpu.dma_semaphore, #tpu.memory_space<semaphore_mem>>, %arg9: memref<!tpu.dma_semaphore, #tpu.memory_space<semaphore_mem>>, %arg10: memref<!tpu.dma_semaphore, #tpu.memory_space<semaphore_mem>>, %arg11: memref<!tpu.dma_semaphore, #tpu.memory_space<semaphore_mem>>) attributes {dimension_semantics = [#tpu.dimension_semantics<core_parallel>, #tpu.dimension_semantics<subcore_parallel>], iteration_bounds = array<i64: 2, 16>, scalar_prefetch = 0 : i64, scratch_operands = 7 : i64, tpu.core_type = #tpu.core_type<sc_vector_subcore>, window_params = [{transform_indices = #map}, {transform_indices = #map1}, {transform_indices = #map}]} {
    %mul3A = arith.constant 2 : i32
    %mul3A_0 = arith.muli %arg1, %mul3A : i32
    %add3A = arith.addi %mul3A_0, %arg0 : i32
    %mul3A_1 = arith.constant 1408 : i32
    %mul3A_2 = arith.muli %add3A, %mul3A_1 : i32
    "tpu.region"() ({
      %run_scoped3A = tpu.sem_alloc : memref<!tpu.dma_semaphore, #tpu.memory_space<semaphore_mem>>
      %dma_start3A_81 = tpu.memref_slice %arg3[%mul3A_2] : memref<45056xi32, #tpu.memory_space<hbm>> -> memref<1408xi32, #tpu.memory_space<hbm>>
      %dma_start3A_82 = tpu.memref_slice %arg3[%mul3A_2] : memref<45056xi32, #tpu.memory_space<hbm>> -> memref<1408xi32, #tpu.memory_space<hbm>>
      tpu.enqueue_dma source(%dma_start3A_82 : memref<1408xi32, #tpu.memory_space<hbm>>) target(%arg5 : memref<1408xi32, #tpu.memory_space<vmem>>) target_semaphore(%run_scoped3A : memref<!tpu.dma_semaphore, #tpu.memory_space<semaphore_mem>>)
      %dma_wait3A_83 = tpu.memref_slice %arg3[%mul3A_2] : memref<45056xi32, #tpu.memory_space<hbm>> -> memref<1408xi32, #tpu.memory_space<hbm>>
      %dma_wait3A_84 = tpu.memref_slice %arg3[%mul3A_2] : memref<45056xi32, #tpu.memory_space<hbm>> -> memref<1408xi32, #tpu.memory_space<hbm>>
      tpu.wait_dma2 semaphore(%run_scoped3A : memref<!tpu.dma_semaphore, #tpu.memory_space<semaphore_mem>>) src(%dma_wait3A_84 : memref<1408xi32, #tpu.memory_space<hbm>>) dst(%arg5 : memref<1408xi32, #tpu.memory_space<vmem>>)
      tpu.yield
    }) : () -> ()
    %dma_start3A = arith.constant 0 : i32
    %dma_start3A_3 = tpu.memref_slice %arg5[%dma_start3A] : memref<1408xi32, #tpu.memory_space<vmem>> -> memref<352xi32, #tpu.memory_space<vmem>>
    %dma_start3A_4 = arith.constant 0 : i32
    %dma_start3A_5 = arith.constant 0 : i32
    %dma_start3A_6 = tpu.memref_slice %arg2[%dma_start3A_4, %dma_start3A_5] : memref<10000x128xf32, #tpu.memory_space<hbm>> -> memref<10000x128xf32, #tpu.memory_space<hbm>>
    tpu.enqueue_indirect_dma source(%dma_start3A_6 : memref<10000x128xf32, #tpu.memory_space<hbm>>) target(%arg6 : memref<352x128xf32, #tpu.memory_space<vmem>>) offsets(%dma_start3A_3 : memref<352xi32, #tpu.memory_space<vmem>>) semaphore(%arg8 : memref<!tpu.dma_semaphore, #tpu.memory_space<semaphore_mem>>)
    %dma_wait3A = arith.constant 0 : i32
    %dma_wait3A_7 = tpu.memref_slice %arg5[%dma_wait3A] : memref<1408xi32, #tpu.memory_space<vmem>> -> memref<352xi32, #tpu.memory_space<vmem>>
    %dma_wait3A_8 = arith.constant 0 : i32
    %dma_wait3A_9 = arith.constant 0 : i32
    %dma_wait3A_10 = tpu.memref_slice %arg2[%dma_wait3A_8, %dma_wait3A_9] : memref<10000x128xf32, #tpu.memory_space<hbm>> -> memref<10000x128xf32, #tpu.memory_space<hbm>>
    tpu.wait_indirect_dma semaphore(%arg8 : memref<!tpu.dma_semaphore, #tpu.memory_space<semaphore_mem>>) src(%dma_wait3A_10 : memref<10000x128xf32, #tpu.memory_space<hbm>>) dst(%arg6 : memref<352x128xf32, #tpu.memory_space<vmem>>)
    %dma_start3A_11 = arith.constant 352 : i32
    %dma_start3A_12 = tpu.memref_slice %arg5[%dma_start3A_11] : memref<1408xi32, #tpu.memory_space<vmem>> -> memref<352xi32, #tpu.memory_space<vmem>>
    %dma_start3A_13 = arith.constant 0 : i32
    %dma_start3A_14 = arith.constant 0 : i32
    %dma_start3A_15 = tpu.memref_slice %arg2[%dma_start3A_13, %dma_start3A_14] : memref<10000x128xf32, #tpu.memory_space<hbm>> -> memref<10000x128xf32, #tpu.memory_space<hbm>>
    tpu.enqueue_indirect_dma source(%dma_start3A_15 : memref<10000x128xf32, #tpu.memory_space<hbm>>) target(%arg7 : memref<352x128xf32, #tpu.memory_space<vmem>>) offsets(%dma_start3A_12 : memref<352xi32, #tpu.memory_space<vmem>>) semaphore(%arg9 : memref<!tpu.dma_semaphore, #tpu.memory_space<semaphore_mem>>)
    %add3A_16 = arith.constant 0 : i32
    %add3A_17 = arith.addi %mul3A_2, %add3A_16 : i32
    %dma_start3A_18 = arith.constant 0 : i32
    %dma_start3A_19 = tpu.memref_slice %arg4[%add3A_17, %dma_start3A_18] : memref<45056x128xf32, #tpu.memory_space<hbm>> -> memref<352x128xf32, #tpu.memory_space<hbm>>
    %dma_start3A_20 = arith.constant 0 : i32
    %dma_start3A_21 = tpu.memref_slice %arg4[%add3A_17, %dma_start3A_20] : memref<45056x128xf32, #tpu.memory_space<hbm>> -> memref<352x128xf32, #tpu.memory_space<hbm>>
    tpu.enqueue_dma source(%arg6 : memref<352x128xf32, #tpu.memory_space<vmem>>) target(%dma_start3A_21 : memref<352x128xf32, #tpu.memory_space<hbm>>) target_semaphore(%arg10 : memref<!tpu.dma_semaphore, #tpu.memory_space<semaphore_mem>>)
    %dma_wait3A_22 = arith.constant 352 : i32
    %dma_wait3A_23 = tpu.memref_slice %arg5[%dma_wait3A_22] : memref<1408xi32, #tpu.memory_space<vmem>> -> memref<352xi32, #tpu.memory_space<vmem>>
    %dma_wait3A_24 = arith.constant 0 : i32
    %dma_wait3A_25 = arith.constant 0 : i32
    %dma_wait3A_26 = tpu.memref_slice %arg2[%dma_wait3A_24, %dma_wait3A_25] : memref<10000x128xf32, #tpu.memory_space<hbm>> -> memref<10000x128xf32, #tpu.memory_space<hbm>>
    tpu.wait_indirect_dma semaphore(%arg9 : memref<!tpu.dma_semaphore, #tpu.memory_space<semaphore_mem>>) src(%dma_wait3A_26 : memref<10000x128xf32, #tpu.memory_space<hbm>>) dst(%arg7 : memref<352x128xf32, #tpu.memory_space<vmem>>)
    %dma_wait3A_27 = arith.constant 0 : i32
    %dma_wait3A_28 = tpu.memref_slice %arg4[%add3A_17, %dma_wait3A_27] : memref<45056x128xf32, #tpu.memory_space<hbm>> -> memref<352x128xf32, #tpu.memory_space<hbm>>
    %dma_wait3A_29 = arith.constant 0 : i32
    %dma_wait3A_30 = tpu.memref_slice %arg4[%add3A_17, %dma_wait3A_29] : memref<45056x128xf32, #tpu.memory_space<hbm>> -> memref<352x128xf32, #tpu.memory_space<hbm>>
    tpu.wait_dma2 semaphore(%arg10 : memref<!tpu.dma_semaphore, #tpu.memory_space<semaphore_mem>>) src(%arg6 : memref<352x128xf32, #tpu.memory_space<vmem>>) dst(%dma_wait3A_30 : memref<352x128xf32, #tpu.memory_space<hbm>>)
    %dma_start3A_31 = arith.constant 704 : i32
    %dma_start3A_32 = tpu.memref_slice %arg5[%dma_start3A_31] : memref<1408xi32, #tpu.memory_space<vmem>> -> memref<352xi32, #tpu.memory_space<vmem>>
    %dma_start3A_33 = arith.constant 0 : i32
    %dma_start3A_34 = arith.constant 0 : i32
    %dma_start3A_35 = tpu.memref_slice %arg2[%dma_start3A_33, %dma_start3A_34] : memref<10000x128xf32, #tpu.memory_space<hbm>> -> memref<10000x128xf32, #tpu.memory_space<hbm>>
    tpu.enqueue_indirect_dma source(%dma_start3A_35 : memref<10000x128xf32, #tpu.memory_space<hbm>>) target(%arg6 : memref<352x128xf32, #tpu.memory_space<vmem>>) offsets(%dma_start3A_32 : memref<352xi32, #tpu.memory_space<vmem>>) semaphore(%arg8 : memref<!tpu.dma_semaphore, #tpu.memory_space<semaphore_mem>>)
    %add3A_36 = arith.constant 352 : i32
    %add3A_37 = arith.addi %mul3A_2, %add3A_36 : i32
    %dma_start3A_38 = arith.constant 0 : i32
    %dma_start3A_39 = tpu.memref_slice %arg4[%add3A_37, %dma_start3A_38] : memref<45056x128xf32, #tpu.memory_space<hbm>> -> memref<352x128xf32, #tpu.memory_space<hbm>>
    %dma_start3A_40 = arith.constant 0 : i32
    %dma_start3A_41 = tpu.memref_slice %arg4[%add3A_37, %dma_start3A_40] : memref<45056x128xf32, #tpu.memory_space<hbm>> -> memref<352x128xf32, #tpu.memory_space<hbm>>
    tpu.enqueue_dma source(%arg7 : memref<352x128xf32, #tpu.memory_space<vmem>>) target(%dma_start3A_41 : memref<352x128xf32, #tpu.memory_space<hbm>>) target_semaphore(%arg11 : memref<!tpu.dma_semaphore, #tpu.memory_space<semaphore_mem>>)
    %dma_wait3A_42 = arith.constant 704 : i32
    %dma_wait3A_43 = tpu.memref_slice %arg5[%dma_wait3A_42] : memref<1408xi32, #tpu.memory_space<vmem>> -> memref<352xi32, #tpu.memory_space<vmem>>
    %dma_wait3A_44 = arith.constant 0 : i32
    %dma_wait3A_45 = arith.constant 0 : i32
    %dma_wait3A_46 = tpu.memref_slice %arg2[%dma_wait3A_44, %dma_wait3A_45] : memref<10000x128xf32, #tpu.memory_space<hbm>> -> memref<10000x128xf32, #tpu.memory_space<hbm>>
    tpu.wait_indirect_dma semaphore(%arg8 : memref<!tpu.dma_semaphore, #tpu.memory_space<semaphore_mem>>) src(%dma_wait3A_46 : memref<10000x128xf32, #tpu.memory_space<hbm>>) dst(%arg6 : memref<352x128xf32, #tpu.memory_space<vmem>>)
    %dma_wait3A_47 = arith.constant 0 : i32
    %dma_wait3A_48 = tpu.memref_slice %arg4[%add3A_37, %dma_wait3A_47] : memref<45056x128xf32, #tpu.memory_space<hbm>> -> memref<352x128xf32, #tpu.memory_space<hbm>>
    %dma_wait3A_49 = arith.constant 0 : i32
    %dma_wait3A_50 = tpu.memref_slice %arg4[%add3A_37, %dma_wait3A_49] : memref<45056x128xf32, #tpu.memory_space<hbm>> -> memref<352x128xf32, #tpu.memory_space<hbm>>
    tpu.wait_dma2 semaphore(%arg11 : memref<!tpu.dma_semaphore, #tpu.memory_space<semaphore_mem>>) src(%arg7 : memref<352x128xf32, #tpu.memory_space<vmem>>) dst(%dma_wait3A_50 : memref<352x128xf32, #tpu.memory_space<hbm>>)
    %dma_start3A_51 = arith.constant 1056 : i32
    %dma_start3A_52 = tpu.memref_slice %arg5[%dma_start3A_51] : memref<1408xi32, #tpu.memory_space<vmem>> -> memref<352xi32, #tpu.memory_space<vmem>>
    %dma_start3A_53 = arith.constant 0 : i32
    %dma_start3A_54 = arith.constant 0 : i32
    %dma_start3A_55 = tpu.memref_slice %arg2[%dma_start3A_53, %dma_start3A_54] : memref<10000x128xf32, #tpu.memory_space<hbm>> -> memref<10000x128xf32, #tpu.memory_space<hbm>>
    tpu.enqueue_indirect_dma source(%dma_start3A_55 : memref<10000x128xf32, #tpu.memory_space<hbm>>) target(%arg7 : memref<352x128xf32, #tpu.memory_space<vmem>>) offsets(%dma_start3A_52 : memref<352xi32, #tpu.memory_space<vmem>>) semaphore(%arg9 : memref<!tpu.dma_semaphore, #tpu.memory_space<semaphore_mem>>)
    %add3A_56 = arith.constant 704 : i32
    %add3A_57 = arith.addi %mul3A_2, %add3A_56 : i32
    %dma_start3A_58 = arith.constant 0 : i32
    %dma_start3A_59 = tpu.memref_slice %arg4[%add3A_57, %dma_start3A_58] : memref<45056x128xf32, #tpu.memory_space<hbm>> -> memref<352x128xf32, #tpu.memory_space<hbm>>
    %dma_start3A_60 = arith.constant 0 : i32
    %dma_start3A_61 = tpu.memref_slice %arg4[%add3A_57, %dma_start3A_60] : memref<45056x128xf32, #tpu.memory_space<hbm>> -> memref<352x128xf32, #tpu.memory_space<hbm>>
    tpu.enqueue_dma source(%arg6 : memref<352x128xf32, #tpu.memory_space<vmem>>) target(%dma_start3A_61 : memref<352x128xf32, #tpu.memory_space<hbm>>) target_semaphore(%arg10 : memref<!tpu.dma_semaphore, #tpu.memory_space<semaphore_mem>>)
    %dma_wait3A_62 = arith.constant 1056 : i32
    %dma_wait3A_63 = tpu.memref_slice %arg5[%dma_wait3A_62] : memref<1408xi32, #tpu.memory_space<vmem>> -> memref<352xi32, #tpu.memory_space<vmem>>
    %dma_wait3A_64 = arith.constant 0 : i32
    %dma_wait3A_65 = arith.constant 0 : i32
    %dma_wait3A_66 = tpu.memref_slice %arg2[%dma_wait3A_64, %dma_wait3A_65] : memref<10000x128xf32, #tpu.memory_space<hbm>> -> memref<10000x128xf32, #tpu.memory_space<hbm>>
    tpu.wait_indirect_dma semaphore(%arg9 : memref<!tpu.dma_semaphore, #tpu.memory_space<semaphore_mem>>) src(%dma_wait3A_66 : memref<10000x128xf32, #tpu.memory_space<hbm>>) dst(%arg7 : memref<352x128xf32, #tpu.memory_space<vmem>>)
    %add3A_67 = arith.constant 1056 : i32
    %add3A_68 = arith.addi %mul3A_2, %add3A_67 : i32
    %dma_start3A_69 = arith.constant 0 : i32
    %dma_start3A_70 = tpu.memref_slice %arg4[%add3A_68, %dma_start3A_69] : memref<45056x128xf32, #tpu.memory_space<hbm>> -> memref<352x128xf32, #tpu.memory_space<hbm>>
    %dma_start3A_71 = arith.constant 0 : i32
    %dma_start3A_72 = tpu.memref_slice %arg4[%add3A_68, %dma_start3A_71] : memref<45056x128xf32, #tpu.memory_space<hbm>> -> memref<352x128xf32, #tpu.memory_space<hbm>>
    tpu.enqueue_dma source(%arg7 : memref<352x128xf32, #tpu.memory_space<vmem>>) target(%dma_start3A_72 : memref<352x128xf32, #tpu.memory_space<hbm>>) target_semaphore(%arg11 : memref<!tpu.dma_semaphore, #tpu.memory_space<semaphore_mem>>)
    %dma_wait3A_73 = arith.constant 0 : i32
    %dma_wait3A_74 = tpu.memref_slice %arg4[%add3A_57, %dma_wait3A_73] : memref<45056x128xf32, #tpu.memory_space<hbm>> -> memref<352x128xf32, #tpu.memory_space<hbm>>
    %dma_wait3A_75 = arith.constant 0 : i32
    %dma_wait3A_76 = tpu.memref_slice %arg4[%add3A_57, %dma_wait3A_75] : memref<45056x128xf32, #tpu.memory_space<hbm>> -> memref<352x128xf32, #tpu.memory_space<hbm>>
    tpu.wait_dma2 semaphore(%arg10 : memref<!tpu.dma_semaphore, #tpu.memory_space<semaphore_mem>>) src(%arg6 : memref<352x128xf32, #tpu.memory_space<vmem>>) dst(%dma_wait3A_76 : memref<352x128xf32, #tpu.memory_space<hbm>>)
    %dma_wait3A_77 = arith.constant 0 : i32
    %dma_wait3A_78 = tpu.memref_slice %arg4[%add3A_68, %dma_wait3A_77] : memref<45056x128xf32, #tpu.memory_space<hbm>> -> memref<352x128xf32, #tpu.memory_space<hbm>>
    %dma_wait3A_79 = arith.constant 0 : i32
    %dma_wait3A_80 = tpu.memref_slice %arg4[%add3A_68, %dma_wait3A_79] : memref<45056x128xf32, #tpu.memory_space<hbm>> -> memref<352x128xf32, #tpu.memory_space<hbm>>
    tpu.wait_dma2 semaphore(%arg11 : memref<!tpu.dma_semaphore, #tpu.memory_space<semaphore_mem>>) src(%arg7 : memref<352x128xf32, #tpu.memory_space<vmem>>) dst(%dma_wait3A_80 : memref<352x128xf32, #tpu.memory_space<hbm>>)
    return
  }
}

#map = affine_map<(d0, d1) -> (0, 0)>
#map1 = affine_map<(d0, d1) -> (0)>
module attributes {stable_mosaic.version = 14 : i64} {
  func.func @_sc_gather(%arg0: i32, %arg1: i32, %arg2: memref<10000x128xf32, #tpu.memory_space<hbm>>, %arg3: memref<45056xi32, #tpu.memory_space<hbm>>, %arg4: memref<45056x128xf32, #tpu.memory_space<hbm>>, %arg5: memref<1408xi32, #tpu.memory_space<vmem>>, %arg6: memref<352x128xf32, #tpu.memory_space<vmem>>, %arg7: memref<352x128xf32, #tpu.memory_space<vmem>>, %arg8: memref<!tpu.dma_semaphore, #tpu.memory_space<semaphore_mem>>, %arg9: memref<!tpu.dma_semaphore, #tpu.memory_space<semaphore_mem>>, %arg10: memref<!tpu.dma_semaphore, #tpu.memory_space<semaphore_mem>>, %arg11: memref<!tpu.dma_semaphore, #tpu.memory_space<semaphore_mem>>) attributes {dimension_semantics = [#tpu.dimension_semantics<core_parallel>, #tpu.dimension_semantics<subcore_parallel>], iteration_bounds = array<i64: 2, 16>, scalar_prefetch = 0 : i64, scratch_operands = 7 : i64, tpu.core_type = #tpu.core_type<sc_vector_subcore>, window_params = [{transform_indices = #map}, {transform_indices = #map1}, {transform_indices = #map}]} {
    %mul3A = arith.constant 2 : i32
    %mul3A_0 = arith.muli %arg1, %mul3A : i32
    %add3A = arith.addi %mul3A_0, %arg0 : i32
    %mul3A_1 = arith.constant 1408 : i32
    %mul3A_2 = arith.muli %add3A, %mul3A_1 : i32
    "tpu.region"() ({
      %run_scoped3A = tpu.sem_alloc : memref<!tpu.dma_semaphore, #tpu.memory_space<semaphore_mem>>
      %dma_start3A_81 = tpu.memref_slice %arg3[%mul3A_2] : memref<45056xi32, #tpu.memory_space<hbm>> -> memref<1408xi32, #tpu.memory_space<hbm>>
      %dma_start3A_82 = tpu.memref_slice %arg3[%mul3A_2] : memref<45056xi32, #tpu.memory_space<hbm>> -> memref<1408xi32, #tpu.memory_space<hbm>>
      tpu.enqueue_dma source(%dma_start3A_82 : memref<1408xi32, #tpu.memory_space<hbm>>) target(%arg5 : memref<1408xi32, #tpu.memory_space<vmem>>) target_semaphore(%run_scoped3A : memref<!tpu.dma_semaphore, #tpu.memory_space<semaphore_mem>>)
      %dma_wait3A_83 = tpu.memref_slice %arg3[%mul3A_2] : memref<45056xi32, #tpu.memory_space<hbm>> -> memref<1408xi32, #tpu.memory_space<hbm>>
      %dma_wait3A_84 = tpu.memref_slice %arg3[%mul3A_2] : memref<45056xi32, #tpu.memory_space<hbm>> -> memref<1408xi32, #tpu.memory_space<hbm>>
      tpu.wait_dma2 semaphore(%run_scoped3A : memref<!tpu.dma_semaphore, #tpu.memory_space<semaphore_mem>>) src(%dma_wait3A_84 : memref<1408xi32, #tpu.memory_space<hbm>>) dst(%arg5 : memref<1408xi32, #tpu.memory_space<vmem>>)
      tpu.yield
    }) : () -> ()
    %dma_start3A = arith.constant 0 : i32
    %dma_start3A_3 = tpu.memref_slice %arg5[%dma_start3A] : memref<1408xi32, #tpu.memory_space<vmem>> -> memref<352xi32, #tpu.memory_space<vmem>>
    %dma_start3A_4 = arith.constant 0 : i32
    %dma_start3A_5 = arith.constant 0 : i32
    %dma_start3A_6 = tpu.memref_slice %arg2[%dma_start3A_4, %dma_start3A_5] : memref<10000x128xf32, #tpu.memory_space<hbm>> -> memref<10000x128xf32, #tpu.memory_space<hbm>>
    tpu.enqueue_indirect_dma source(%dma_start3A_6 : memref<10000x128xf32, #tpu.memory_space<hbm>>) target(%arg6 : memref<352x128xf32, #tpu.memory_space<vmem>>) offsets(%dma_start3A_3 : memref<352xi32, #tpu.memory_space<vmem>>) semaphore(%arg8 : memref<!tpu.dma_semaphore, #tpu.memory_space<semaphore_mem>>)
    %dma_wait3A = arith.constant 0 : i32
    %dma_wait3A_7 = tpu.memref_slice %arg5[%dma_wait3A] : memref<1408xi32, #tpu.memory_space<vmem>> -> memref<352xi32, #tpu.memory_space<vmem>>
    %dma_wait3A_8 = arith.constant 0 : i32
    %dma_wait3A_9 = arith.constant 0 : i32
    %dma_wait3A_10 = tpu.memref_slice %arg2[%dma_wait3A_8, %dma_wait3A_9] : memref<10000x128xf32, #tpu.memory_space<hbm>> -> memref<10000x128xf32, #tpu.memory_space<hbm>>
    tpu.wait_indirect_dma semaphore(%arg8 : memref<!tpu.dma_semaphore, #tpu.memory_space<semaphore_mem>>) src(%dma_wait3A_10 : memref<10000x128xf32, #tpu.memory_space<hbm>>) dst(%arg6 : memref<352x128xf32, #tpu.memory_space<vmem>>)
    %dma_start3A_11 = arith.constant 352 : i32
    %dma_start3A_12 = tpu.memref_slice %arg5[%dma_start3A_11] : memref<1408xi32, #tpu.memory_space<vmem>> -> memref<352xi32, #tpu.memory_space<vmem>>
    %dma_start3A_13 = arith.constant 0 : i32
    %dma_start3A_14 = arith.constant 0 : i32
    %dma_start3A_15 = tpu.memref_slice %arg2[%dma_start3A_13, %dma_start3A_14] : memref<10000x128xf32, #tpu.memory_space<hbm>> -> memref<10000x128xf32, #tpu.memory_space<hbm>>
    tpu.enqueue_indirect_dma source(%dma_start3A_15 : memref<10000x128xf32, #tpu.memory_space<hbm>>) target(%arg7 : memref<352x128xf32, #tpu.memory_space<vmem>>) offsets(%dma_start3A_12 : memref<352xi32, #tpu.memory_space<vmem>>) semaphore(%arg9 : memref<!tpu.dma_semaphore, #tpu.memory_space<semaphore_mem>>)
    %add3A_16 = arith.constant 0 : i32
    %add3A_17 = arith.addi %mul3A_2, %add3A_16 : i32
    %dma_start3A_18 = arith.constant 0 : i32
    %dma_start3A_19 = tpu.memref_slice %arg4[%add3A_17, %dma_start3A_18] : memref<45056x128xf32, #tpu.memory_space<hbm>> -> memref<352x128xf32, #tpu.memory_space<hbm>>
    %dma_start3A_20 = arith.constant 0 : i32
    %dma_start3A_21 = tpu.memref_slice %arg4[%add3A_17, %dma_start3A_20] : memref<45056x128xf32, #tpu.memory_space<hbm>> -> memref<352x128xf32, #tpu.memory_space<hbm>>
    tpu.enqueue_dma source(%arg6 : memref<352x128xf32, #tpu.memory_space<vmem>>) target(%dma_start3A_21 : memref<352x128xf32, #tpu.memory_space<hbm>>) target_semaphore(%arg10 : memref<!tpu.dma_semaphore, #tpu.memory_space<semaphore_mem>>)
    %dma_wait3A_22 = arith.constant 352 : i32
    %dma_wait3A_23 = tpu.memref_slice %arg5[%dma_wait3A_22] : memref<1408xi32, #tpu.memory_space<vmem>> -> memref<352xi32, #tpu.memory_space<vmem>>
    %dma_wait3A_24 = arith.constant 0 : i32
    %dma_wait3A_25 = arith.constant 0 : i32
    %dma_wait3A_26 = tpu.memref_slice %arg2[%dma_wait3A_24, %dma_wait3A_25] : memref<10000x128xf32, #tpu.memory_space<hbm>> -> memref<10000x128xf32, #tpu.memory_space<hbm>>
    tpu.wait_indirect_dma semaphore(%arg9 : memref<!tpu.dma_semaphore, #tpu.memory_space<semaphore_mem>>) src(%dma_wait3A_26 : memref<10000x128xf32, #tpu.memory_space<hbm>>) dst(%arg7 : memref<352x128xf32, #tpu.memory_space<vmem>>)
    %dma_wait3A_27 = arith.constant 0 : i32
    %dma_wait3A_28 = tpu.memref_slice %arg4[%add3A_17, %dma_wait3A_27] : memref<45056x128xf32, #tpu.memory_space<hbm>> -> memref<352x128xf32, #tpu.memory_space<hbm>>
    %dma_wait3A_29 = arith.constant 0 : i32
    %dma_wait3A_30 = tpu.memref_slice %arg4[%add3A_17, %dma_wait3A_29] : memref<45056x128xf32, #tpu.memory_space<hbm>> -> memref<352x128xf32, #tpu.memory_space<hbm>>
    tpu.wait_dma2 semaphore(%arg10 : memref<!tpu.dma_semaphore, #tpu.memory_space<semaphore_mem>>) src(%arg6 : memref<352x128xf32, #tpu.memory_space<vmem>>) dst(%dma_wait3A_30 : memref<352x128xf32, #tpu.memory_space<hbm>>)
    %dma_start3A_31 = arith.constant 704 : i32
    %dma_start3A_32 = tpu.memref_slice %arg5[%dma_start3A_31] : memref<1408xi32, #tpu.memory_space<vmem>> -> memref<352xi32, #tpu.memory_space<vmem>>
    %dma_start3A_33 = arith.constant 0 : i32
    %dma_start3A_34 = arith.constant 0 : i32
    %dma_start3A_35 = tpu.memref_slice %arg2[%dma_start3A_33, %dma_start3A_34] : memref<10000x128xf32, #tpu.memory_space<hbm>> -> memref<10000x128xf32, #tpu.memory_space<hbm>>
    tpu.enqueue_indirect_dma source(%dma_start3A_35 : memref<10000x128xf32, #tpu.memory_space<hbm>>) target(%arg6 : memref<352x128xf32, #tpu.memory_space<vmem>>) offsets(%dma_start3A_32 : memref<352xi32, #tpu.memory_space<vmem>>) semaphore(%arg8 : memref<!tpu.dma_semaphore, #tpu.memory_space<semaphore_mem>>)
    %add3A_36 = arith.constant 352 : i32
    %add3A_37 = arith.addi %mul3A_2, %add3A_36 : i32
    %dma_start3A_38 = arith.constant 0 : i32
    %dma_start3A_39 = tpu.memref_slice %arg4[%add3A_37, %dma_start3A_38] : memref<45056x128xf32, #tpu.memory_space<hbm>> -> memref<352x128xf32, #tpu.memory_space<hbm>>
    %dma_start3A_40 = arith.constant 0 : i32
    %dma_start3A_41 = tpu.memref_slice %arg4[%add3A_37, %dma_start3A_40] : memref<45056x128xf32, #tpu.memory_space<hbm>> -> memref<352x128xf32, #tpu.memory_space<hbm>>
    tpu.enqueue_dma source(%arg7 : memref<352x128xf32, #tpu.memory_space<vmem>>) target(%dma_start3A_41 : memref<352x128xf32, #tpu.memory_space<hbm>>) target_semaphore(%arg11 : memref<!tpu.dma_semaphore, #tpu.memory_space<semaphore_mem>>)
    %dma_wait3A_42 = arith.constant 704 : i32
    %dma_wait3A_43 = tpu.memref_slice %arg5[%dma_wait3A_42] : memref<1408xi32, #tpu.memory_space<vmem>> -> memref<352xi32, #tpu.memory_space<vmem>>
    %dma_wait3A_44 = arith.constant 0 : i32
    %dma_wait3A_45 = arith.constant 0 : i32
    %dma_wait3A_46 = tpu.memref_slice %arg2[%dma_wait3A_44, %dma_wait3A_45] : memref<10000x128xf32, #tpu.memory_space<hbm>> -> memref<10000x128xf32, #tpu.memory_space<hbm>>
    tpu.wait_indirect_dma semaphore(%arg8 : memref<!tpu.dma_semaphore, #tpu.memory_space<semaphore_mem>>) src(%dma_wait3A_46 : memref<10000x128xf32, #tpu.memory_space<hbm>>) dst(%arg6 : memref<352x128xf32, #tpu.memory_space<vmem>>)
    %dma_wait3A_47 = arith.constant 0 : i32
    %dma_wait3A_48 = tpu.memref_slice %arg4[%add3A_37, %dma_wait3A_47] : memref<45056x128xf32, #tpu.memory_space<hbm>> -> memref<352x128xf32, #tpu.memory_space<hbm>>
    %dma_wait3A_49 = arith.constant 0 : i32
    %dma_wait3A_50 = tpu.memref_slice %arg4[%add3A_37, %dma_wait3A_49] : memref<45056x128xf32, #tpu.memory_space<hbm>> -> memref<352x128xf32, #tpu.memory_space<hbm>>
    tpu.wait_dma2 semaphore(%arg11 : memref<!tpu.dma_semaphore, #tpu.memory_space<semaphore_mem>>) src(%arg7 : memref<352x128xf32, #tpu.memory_space<vmem>>) dst(%dma_wait3A_50 : memref<352x128xf32, #tpu.memory_space<hbm>>)
    %dma_start3A_51 = arith.constant 1056 : i32
    %dma_start3A_52 = tpu.memref_slice %arg5[%dma_start3A_51] : memref<1408xi32, #tpu.memory_space<vmem>> -> memref<352xi32, #tpu.memory_space<vmem>>
    %dma_start3A_53 = arith.constant 0 : i32
    %dma_start3A_54 = arith.constant 0 : i32
    %dma_start3A_55 = tpu.memref_slice %arg2[%dma_start3A_53, %dma_start3A_54] : memref<10000x128xf32, #tpu.memory_space<hbm>> -> memref<10000x128xf32, #tpu.memory_space<hbm>>
    tpu.enqueue_indirect_dma source(%dma_start3A_55 : memref<10000x128xf32, #tpu.memory_space<hbm>>) target(%arg7 : memref<352x128xf32, #tpu.memory_space<vmem>>) offsets(%dma_start3A_52 : memref<352xi32, #tpu.memory_space<vmem>>) semaphore(%arg9 : memref<!tpu.dma_semaphore, #tpu.memory_space<semaphore_mem>>)
    %add3A_56 = arith.constant 704 : i32
    %add3A_57 = arith.addi %mul3A_2, %add3A_56 : i32
    %dma_start3A_58 = arith.constant 0 : i32
    %dma_start3A_59 = tpu.memref_slice %arg4[%add3A_57, %dma_start3A_58] : memref<45056x128xf32, #tpu.memory_space<hbm>> -> memref<352x128xf32, #tpu.memory_space<hbm>>
    %dma_start3A_60 = arith.constant 0 : i32
    %dma_start3A_61 = tpu.memref_slice %arg4[%add3A_57, %dma_start3A_60] : memref<45056x128xf32, #tpu.memory_space<hbm>> -> memref<352x128xf32, #tpu.memory_space<hbm>>
    tpu.enqueue_dma source(%arg6 : memref<352x128xf32, #tpu.memory_space<vmem>>) target(%dma_start3A_61 : memref<352x128xf32, #tpu.memory_space<hbm>>) target_semaphore(%arg10 : memref<!tpu.dma_semaphore, #tpu.memory_space<semaphore_mem>>)
    %dma_wait3A_62 = arith.constant 1056 : i32
    %dma_wait3A_63 = tpu.memref_slice %arg5[%dma_wait3A_62] : memref<1408xi32, #tpu.memory_space<vmem>> -> memref<352xi32, #tpu.memory_space<vmem>>
    %dma_wait3A_64 = arith.constant 0 : i32
    %dma_wait3A_65 = arith.constant 0 : i32
    %dma_wait3A_66 = tpu.memref_slice %arg2[%dma_wait3A_64, %dma_wait3A_65] : memref<10000x128xf32, #tpu.memory_space<hbm>> -> memref<10000x128xf32, #tpu.memory_space<hbm>>
    tpu.wait_indirect_dma semaphore(%arg9 : memref<!tpu.dma_semaphore, #tpu.memory_space<semaphore_mem>>) src(%dma_wait3A_66 : memref<10000x128xf32, #tpu.memory_space<hbm>>) dst(%arg7 : memref<352x128xf32, #tpu.memory_space<vmem>>)
    %add3A_67 = arith.constant 1056 : i32
    %add3A_68 = arith.addi %mul3A_2, %add3A_67 : i32
    %dma_start3A_69 = arith.constant 0 : i32
    %dma_start3A_70 = tpu.memref_slice %arg4[%add3A_68, %dma_start3A_69] : memref<45056x128xf32, #tpu.memory_space<hbm>> -> memref<352x128xf32, #tpu.memory_space<hbm>>
    %dma_start3A_71 = arith.constant 0 : i32
    %dma_start3A_72 = tpu.memref_slice %arg4[%add3A_68, %dma_start3A_71] : memref<45056x128xf32, #tpu.memory_space<hbm>> -> memref<352x128xf32, #tpu.memory_space<hbm>>
    tpu.enqueue_dma source(%arg7 : memref<352x128xf32, #tpu.memory_space<vmem>>) target(%dma_start3A_72 : memref<352x128xf32, #tpu.memory_space<hbm>>) target_semaphore(%arg11 : memref<!tpu.dma_semaphore, #tpu.memory_space<semaphore_mem>>)
    %dma_wait3A_73 = arith.constant 0 : i32
    %dma_wait3A_74 = tpu.memref_slice %arg4[%add3A_57, %dma_wait3A_73] : memref<45056x128xf32, #tpu.memory_space<hbm>> -> memref<352x128xf32, #tpu.memory_space<hbm>>
    %dma_wait3A_75 = arith.constant 0 : i32
    %dma_wait3A_76 = tpu.memref_slice %arg4[%add3A_57, %dma_wait3A_75] : memref<45056x128xf32, #tpu.memory_space<hbm>> -> memref<352x128xf32, #tpu.memory_space<hbm>>
    tpu.wait_dma2 semaphore(%arg10 : memref<!tpu.dma_semaphore, #tpu.memory_space<semaphore_mem>>) src(%arg6 : memref<352x128xf32, #tpu.memory_space<vmem>>) dst(%dma_wait3A_76 : memref<352x128xf32, #tpu.memory_space<hbm>>)
    %dma_wait3A_77 = arith.constant 0 : i32
    %dma_wait3A_78 = tpu.memref_slice %arg4[%add3A_68, %dma_wait3A_77] : memref<45056x128xf32, #tpu.memory_space<hbm>> -> memref<352x128xf32, #tpu.memory_space<hbm>>
    %dma_wait3A_79 = arith.constant 0 : i32
    %dma_wait3A_80 = tpu.memref_slice %arg4[%add3A_68, %dma_wait3A_79] : memref<45056x128xf32, #tpu.memory_space<hbm>> -> memref<352x128xf32, #tpu.memory_space<hbm>>
    tpu.wait_dma2 semaphore(%arg11 : memref<!tpu.dma_semaphore, #tpu.memory_space<semaphore_mem>>) src(%arg7 : memref<352x128xf32, #tpu.memory_space<vmem>>) dst(%dma_wait3A_80 : memref<352x128xf32, #tpu.memory_space<hbm>>)
    return
  }
}

#map = affine_map<(d0, d1) -> (0, 0)>
#map1 = affine_map<(d0, d1) -> (0)>
module attributes {stable_mosaic.version = 14 : i64} {
  func.func @_sc_gather(%arg0: i32, %arg1: i32, %arg2: memref<10000x128xf32, #tpu.memory_space<hbm>>, %arg3: memref<45056xi32, #tpu.memory_space<hbm>>, %arg4: memref<45056x128xf32, #tpu.memory_space<hbm>>, %arg5: memref<1408xi32, #tpu.memory_space<vmem>>, %arg6: memref<352x128xf32, #tpu.memory_space<vmem>>, %arg7: memref<352x128xf32, #tpu.memory_space<vmem>>, %arg8: memref<!tpu.dma_semaphore, #tpu.memory_space<semaphore_mem>>, %arg9: memref<!tpu.dma_semaphore, #tpu.memory_space<semaphore_mem>>, %arg10: memref<!tpu.dma_semaphore, #tpu.memory_space<semaphore_mem>>, %arg11: memref<!tpu.dma_semaphore, #tpu.memory_space<semaphore_mem>>) attributes {dimension_semantics = [#tpu.dimension_semantics<core_parallel>, #tpu.dimension_semantics<subcore_parallel>], iteration_bounds = array<i64: 2, 16>, scalar_prefetch = 0 : i64, scratch_operands = 7 : i64, tpu.core_type = #tpu.core_type<sc_vector_subcore>, window_params = [{transform_indices = #map}, {transform_indices = #map1}, {transform_indices = #map}]} {
    %mul3A = arith.constant 2 : i32
    %mul3A_0 = arith.muli %arg1, %mul3A : i32
    %add3A = arith.addi %mul3A_0, %arg0 : i32
    %mul3A_1 = arith.constant 1408 : i32
    %mul3A_2 = arith.muli %add3A, %mul3A_1 : i32
    "tpu.region"() ({
      %run_scoped3A = tpu.sem_alloc : memref<!tpu.dma_semaphore, #tpu.memory_space<semaphore_mem>>
      %dma_start3A_81 = tpu.memref_slice %arg3[%mul3A_2] : memref<45056xi32, #tpu.memory_space<hbm>> -> memref<1408xi32, #tpu.memory_space<hbm>>
      %dma_start3A_82 = tpu.memref_slice %arg3[%mul3A_2] : memref<45056xi32, #tpu.memory_space<hbm>> -> memref<1408xi32, #tpu.memory_space<hbm>>
      tpu.enqueue_dma source(%dma_start3A_82 : memref<1408xi32, #tpu.memory_space<hbm>>) target(%arg5 : memref<1408xi32, #tpu.memory_space<vmem>>) target_semaphore(%run_scoped3A : memref<!tpu.dma_semaphore, #tpu.memory_space<semaphore_mem>>)
      %dma_wait3A_83 = tpu.memref_slice %arg3[%mul3A_2] : memref<45056xi32, #tpu.memory_space<hbm>> -> memref<1408xi32, #tpu.memory_space<hbm>>
      %dma_wait3A_84 = tpu.memref_slice %arg3[%mul3A_2] : memref<45056xi32, #tpu.memory_space<hbm>> -> memref<1408xi32, #tpu.memory_space<hbm>>
      tpu.wait_dma2 semaphore(%run_scoped3A : memref<!tpu.dma_semaphore, #tpu.memory_space<semaphore_mem>>) src(%dma_wait3A_84 : memref<1408xi32, #tpu.memory_space<hbm>>) dst(%arg5 : memref<1408xi32, #tpu.memory_space<vmem>>)
      tpu.yield
    }) : () -> ()
    %dma_start3A = arith.constant 0 : i32
    %dma_start3A_3 = tpu.memref_slice %arg5[%dma_start3A] : memref<1408xi32, #tpu.memory_space<vmem>> -> memref<352xi32, #tpu.memory_space<vmem>>
    %dma_start3A_4 = arith.constant 0 : i32
    %dma_start3A_5 = arith.constant 0 : i32
    %dma_start3A_6 = tpu.memref_slice %arg2[%dma_start3A_4, %dma_start3A_5] : memref<10000x128xf32, #tpu.memory_space<hbm>> -> memref<10000x128xf32, #tpu.memory_space<hbm>>
    tpu.enqueue_indirect_dma source(%dma_start3A_6 : memref<10000x128xf32, #tpu.memory_space<hbm>>) target(%arg6 : memref<352x128xf32, #tpu.memory_space<vmem>>) offsets(%dma_start3A_3 : memref<352xi32, #tpu.memory_space<vmem>>) semaphore(%arg8 : memref<!tpu.dma_semaphore, #tpu.memory_space<semaphore_mem>>)
    %dma_wait3A = arith.constant 0 : i32
    %dma_wait3A_7 = tpu.memref_slice %arg5[%dma_wait3A] : memref<1408xi32, #tpu.memory_space<vmem>> -> memref<352xi32, #tpu.memory_space<vmem>>
    %dma_wait3A_8 = arith.constant 0 : i32
    %dma_wait3A_9 = arith.constant 0 : i32
    %dma_wait3A_10 = tpu.memref_slice %arg2[%dma_wait3A_8, %dma_wait3A_9] : memref<10000x128xf32, #tpu.memory_space<hbm>> -> memref<10000x128xf32, #tpu.memory_space<hbm>>
    tpu.wait_indirect_dma semaphore(%arg8 : memref<!tpu.dma_semaphore, #tpu.memory_space<semaphore_mem>>) src(%dma_wait3A_10 : memref<10000x128xf32, #tpu.memory_space<hbm>>) dst(%arg6 : memref<352x128xf32, #tpu.memory_space<vmem>>)
    %dma_start3A_11 = arith.constant 352 : i32
    %dma_start3A_12 = tpu.memref_slice %arg5[%dma_start3A_11] : memref<1408xi32, #tpu.memory_space<vmem>> -> memref<352xi32, #tpu.memory_space<vmem>>
    %dma_start3A_13 = arith.constant 0 : i32
    %dma_start3A_14 = arith.constant 0 : i32
    %dma_start3A_15 = tpu.memref_slice %arg2[%dma_start3A_13, %dma_start3A_14] : memref<10000x128xf32, #tpu.memory_space<hbm>> -> memref<10000x128xf32, #tpu.memory_space<hbm>>
    tpu.enqueue_indirect_dma source(%dma_start3A_15 : memref<10000x128xf32, #tpu.memory_space<hbm>>) target(%arg7 : memref<352x128xf32, #tpu.memory_space<vmem>>) offsets(%dma_start3A_12 : memref<352xi32, #tpu.memory_space<vmem>>) semaphore(%arg9 : memref<!tpu.dma_semaphore, #tpu.memory_space<semaphore_mem>>)
    %add3A_16 = arith.constant 0 : i32
    %add3A_17 = arith.addi %mul3A_2, %add3A_16 : i32
    %dma_start3A_18 = arith.constant 0 : i32
    %dma_start3A_19 = tpu.memref_slice %arg4[%add3A_17, %dma_start3A_18] : memref<45056x128xf32, #tpu.memory_space<hbm>> -> memref<352x128xf32, #tpu.memory_space<hbm>>
    %dma_start3A_20 = arith.constant 0 : i32
    %dma_start3A_21 = tpu.memref_slice %arg4[%add3A_17, %dma_start3A_20] : memref<45056x128xf32, #tpu.memory_space<hbm>> -> memref<352x128xf32, #tpu.memory_space<hbm>>
    tpu.enqueue_dma source(%arg6 : memref<352x128xf32, #tpu.memory_space<vmem>>) target(%dma_start3A_21 : memref<352x128xf32, #tpu.memory_space<hbm>>) target_semaphore(%arg10 : memref<!tpu.dma_semaphore, #tpu.memory_space<semaphore_mem>>)
    %dma_wait3A_22 = arith.constant 352 : i32
    %dma_wait3A_23 = tpu.memref_slice %arg5[%dma_wait3A_22] : memref<1408xi32, #tpu.memory_space<vmem>> -> memref<352xi32, #tpu.memory_space<vmem>>
    %dma_wait3A_24 = arith.constant 0 : i32
    %dma_wait3A_25 = arith.constant 0 : i32
    %dma_wait3A_26 = tpu.memref_slice %arg2[%dma_wait3A_24, %dma_wait3A_25] : memref<10000x128xf32, #tpu.memory_space<hbm>> -> memref<10000x128xf32, #tpu.memory_space<hbm>>
    tpu.wait_indirect_dma semaphore(%arg9 : memref<!tpu.dma_semaphore, #tpu.memory_space<semaphore_mem>>) src(%dma_wait3A_26 : memref<10000x128xf32, #tpu.memory_space<hbm>>) dst(%arg7 : memref<352x128xf32, #tpu.memory_space<vmem>>)
    %dma_wait3A_27 = arith.constant 0 : i32
    %dma_wait3A_28 = tpu.memref_slice %arg4[%add3A_17, %dma_wait3A_27] : memref<45056x128xf32, #tpu.memory_space<hbm>> -> memref<352x128xf32, #tpu.memory_space<hbm>>
    %dma_wait3A_29 = arith.constant 0 : i32
    %dma_wait3A_30 = tpu.memref_slice %arg4[%add3A_17, %dma_wait3A_29] : memref<45056x128xf32, #tpu.memory_space<hbm>> -> memref<352x128xf32, #tpu.memory_space<hbm>>
    tpu.wait_dma2 semaphore(%arg10 : memref<!tpu.dma_semaphore, #tpu.memory_space<semaphore_mem>>) src(%arg6 : memref<352x128xf32, #tpu.memory_space<vmem>>) dst(%dma_wait3A_30 : memref<352x128xf32, #tpu.memory_space<hbm>>)
    %dma_start3A_31 = arith.constant 704 : i32
    %dma_start3A_32 = tpu.memref_slice %arg5[%dma_start3A_31] : memref<1408xi32, #tpu.memory_space<vmem>> -> memref<352xi32, #tpu.memory_space<vmem>>
    %dma_start3A_33 = arith.constant 0 : i32
    %dma_start3A_34 = arith.constant 0 : i32
    %dma_start3A_35 = tpu.memref_slice %arg2[%dma_start3A_33, %dma_start3A_34] : memref<10000x128xf32, #tpu.memory_space<hbm>> -> memref<10000x128xf32, #tpu.memory_space<hbm>>
    tpu.enqueue_indirect_dma source(%dma_start3A_35 : memref<10000x128xf32, #tpu.memory_space<hbm>>) target(%arg6 : memref<352x128xf32, #tpu.memory_space<vmem>>) offsets(%dma_start3A_32 : memref<352xi32, #tpu.memory_space<vmem>>) semaphore(%arg8 : memref<!tpu.dma_semaphore, #tpu.memory_space<semaphore_mem>>)
    %add3A_36 = arith.constant 352 : i32
    %add3A_37 = arith.addi %mul3A_2, %add3A_36 : i32
    %dma_start3A_38 = arith.constant 0 : i32
    %dma_start3A_39 = tpu.memref_slice %arg4[%add3A_37, %dma_start3A_38] : memref<45056x128xf32, #tpu.memory_space<hbm>> -> memref<352x128xf32, #tpu.memory_space<hbm>>
    %dma_start3A_40 = arith.constant 0 : i32
    %dma_start3A_41 = tpu.memref_slice %arg4[%add3A_37, %dma_start3A_40] : memref<45056x128xf32, #tpu.memory_space<hbm>> -> memref<352x128xf32, #tpu.memory_space<hbm>>
    tpu.enqueue_dma source(%arg7 : memref<352x128xf32, #tpu.memory_space<vmem>>) target(%dma_start3A_41 : memref<352x128xf32, #tpu.memory_space<hbm>>) target_semaphore(%arg11 : memref<!tpu.dma_semaphore, #tpu.memory_space<semaphore_mem>>)
    %dma_wait3A_42 = arith.constant 704 : i32
    %dma_wait3A_43 = tpu.memref_slice %arg5[%dma_wait3A_42] : memref<1408xi32, #tpu.memory_space<vmem>> -> memref<352xi32, #tpu.memory_space<vmem>>
    %dma_wait3A_44 = arith.constant 0 : i32
    %dma_wait3A_45 = arith.constant 0 : i32
    %dma_wait3A_46 = tpu.memref_slice %arg2[%dma_wait3A_44, %dma_wait3A_45] : memref<10000x128xf32, #tpu.memory_space<hbm>> -> memref<10000x128xf32, #tpu.memory_space<hbm>>
    tpu.wait_indirect_dma semaphore(%arg8 : memref<!tpu.dma_semaphore, #tpu.memory_space<semaphore_mem>>) src(%dma_wait3A_46 : memref<10000x128xf32, #tpu.memory_space<hbm>>) dst(%arg6 : memref<352x128xf32, #tpu.memory_space<vmem>>)
    %dma_wait3A_47 = arith.constant 0 : i32
    %dma_wait3A_48 = tpu.memref_slice %arg4[%add3A_37, %dma_wait3A_47] : memref<45056x128xf32, #tpu.memory_space<hbm>> -> memref<352x128xf32, #tpu.memory_space<hbm>>
    %dma_wait3A_49 = arith.constant 0 : i32
    %dma_wait3A_50 = tpu.memref_slice %arg4[%add3A_37, %dma_wait3A_49] : memref<45056x128xf32, #tpu.memory_space<hbm>> -> memref<352x128xf32, #tpu.memory_space<hbm>>
    tpu.wait_dma2 semaphore(%arg11 : memref<!tpu.dma_semaphore, #tpu.memory_space<semaphore_mem>>) src(%arg7 : memref<352x128xf32, #tpu.memory_space<vmem>>) dst(%dma_wait3A_50 : memref<352x128xf32, #tpu.memory_space<hbm>>)
    %dma_start3A_51 = arith.constant 1056 : i32
    %dma_start3A_52 = tpu.memref_slice %arg5[%dma_start3A_51] : memref<1408xi32, #tpu.memory_space<vmem>> -> memref<352xi32, #tpu.memory_space<vmem>>
    %dma_start3A_53 = arith.constant 0 : i32
    %dma_start3A_54 = arith.constant 0 : i32
    %dma_start3A_55 = tpu.memref_slice %arg2[%dma_start3A_53, %dma_start3A_54] : memref<10000x128xf32, #tpu.memory_space<hbm>> -> memref<10000x128xf32, #tpu.memory_space<hbm>>
    tpu.enqueue_indirect_dma source(%dma_start3A_55 : memref<10000x128xf32, #tpu.memory_space<hbm>>) target(%arg7 : memref<352x128xf32, #tpu.memory_space<vmem>>) offsets(%dma_start3A_52 : memref<352xi32, #tpu.memory_space<vmem>>) semaphore(%arg9 : memref<!tpu.dma_semaphore, #tpu.memory_space<semaphore_mem>>)
    %add3A_56 = arith.constant 704 : i32
    %add3A_57 = arith.addi %mul3A_2, %add3A_56 : i32
    %dma_start3A_58 = arith.constant 0 : i32
    %dma_start3A_59 = tpu.memref_slice %arg4[%add3A_57, %dma_start3A_58] : memref<45056x128xf32, #tpu.memory_space<hbm>> -> memref<352x128xf32, #tpu.memory_space<hbm>>
    %dma_start3A_60 = arith.constant 0 : i32
    %dma_start3A_61 = tpu.memref_slice %arg4[%add3A_57, %dma_start3A_60] : memref<45056x128xf32, #tpu.memory_space<hbm>> -> memref<352x128xf32, #tpu.memory_space<hbm>>
    tpu.enqueue_dma source(%arg6 : memref<352x128xf32, #tpu.memory_space<vmem>>) target(%dma_start3A_61 : memref<352x128xf32, #tpu.memory_space<hbm>>) target_semaphore(%arg10 : memref<!tpu.dma_semaphore, #tpu.memory_space<semaphore_mem>>)
    %dma_wait3A_62 = arith.constant 1056 : i32
    %dma_wait3A_63 = tpu.memref_slice %arg5[%dma_wait3A_62] : memref<1408xi32, #tpu.memory_space<vmem>> -> memref<352xi32, #tpu.memory_space<vmem>>
    %dma_wait3A_64 = arith.constant 0 : i32
    %dma_wait3A_65 = arith.constant 0 : i32
    %dma_wait3A_66 = tpu.memref_slice %arg2[%dma_wait3A_64, %dma_wait3A_65] : memref<10000x128xf32, #tpu.memory_space<hbm>> -> memref<10000x128xf32, #tpu.memory_space<hbm>>
    tpu.wait_indirect_dma semaphore(%arg9 : memref<!tpu.dma_semaphore, #tpu.memory_space<semaphore_mem>>) src(%dma_wait3A_66 : memref<10000x128xf32, #tpu.memory_space<hbm>>) dst(%arg7 : memref<352x128xf32, #tpu.memory_space<vmem>>)
    %add3A_67 = arith.constant 1056 : i32
    %add3A_68 = arith.addi %mul3A_2, %add3A_67 : i32
    %dma_start3A_69 = arith.constant 0 : i32
    %dma_start3A_70 = tpu.memref_slice %arg4[%add3A_68, %dma_start3A_69] : memref<45056x128xf32, #tpu.memory_space<hbm>> -> memref<352x128xf32, #tpu.memory_space<hbm>>
    %dma_start3A_71 = arith.constant 0 : i32
    %dma_start3A_72 = tpu.memref_slice %arg4[%add3A_68, %dma_start3A_71] : memref<45056x128xf32, #tpu.memory_space<hbm>> -> memref<352x128xf32, #tpu.memory_space<hbm>>
    tpu.enqueue_dma source(%arg7 : memref<352x128xf32, #tpu.memory_space<vmem>>) target(%dma_start3A_72 : memref<352x128xf32, #tpu.memory_space<hbm>>) target_semaphore(%arg11 : memref<!tpu.dma_semaphore, #tpu.memory_space<semaphore_mem>>)
    %dma_wait3A_73 = arith.constant 0 : i32
    %dma_wait3A_74 = tpu.memref_slice %arg4[%add3A_57, %dma_wait3A_73] : memref<45056x128xf32, #tpu.memory_space<hbm>> -> memref<352x128xf32, #tpu.memory_space<hbm>>
    %dma_wait3A_75 = arith.constant 0 : i32
    %dma_wait3A_76 = tpu.memref_slice %arg4[%add3A_57, %dma_wait3A_75] : memref<45056x128xf32, #tpu.memory_space<hbm>> -> memref<352x128xf32, #tpu.memory_space<hbm>>
    tpu.wait_dma2 semaphore(%arg10 : memref<!tpu.dma_semaphore, #tpu.memory_space<semaphore_mem>>) src(%arg6 : memref<352x128xf32, #tpu.memory_space<vmem>>) dst(%dma_wait3A_76 : memref<352x128xf32, #tpu.memory_space<hbm>>)
    %dma_wait3A_77 = arith.constant 0 : i32
    %dma_wait3A_78 = tpu.memref_slice %arg4[%add3A_68, %dma_wait3A_77] : memref<45056x128xf32, #tpu.memory_space<hbm>> -> memref<352x128xf32, #tpu.memory_space<hbm>>
    %dma_wait3A_79 = arith.constant 0 : i32
    %dma_wait3A_80 = tpu.memref_slice %arg4[%add3A_68, %dma_wait3A_79] : memref<45056x128xf32, #tpu.memory_space<hbm>> -> memref<352x128xf32, #tpu.memory_space<hbm>>
    tpu.wait_dma2 semaphore(%arg11 : memref<!tpu.dma_semaphore, #tpu.memory_space<semaphore_mem>>) src(%arg7 : memref<352x128xf32, #tpu.memory_space<vmem>>) dst(%dma_wait3A_80 : memref<352x128xf32, #tpu.memory_space<hbm>>)
    return
  }
}

#map = affine_map<(d0, d1) -> (0, 0)>
#map1 = affine_map<(d0, d1) -> (0)>
module attributes {stable_mosaic.version = 14 : i64} {
  func.func @_sc_gather(%arg0: i32, %arg1: i32, %arg2: memref<10000x128xf32, #tpu.memory_space<hbm>>, %arg3: memref<45056xi32, #tpu.memory_space<hbm>>, %arg4: memref<45056x128xf32, #tpu.memory_space<hbm>>, %arg5: memref<1408xi32, #tpu.memory_space<vmem>>, %arg6: memref<352x128xf32, #tpu.memory_space<vmem>>, %arg7: memref<352x128xf32, #tpu.memory_space<vmem>>, %arg8: memref<!tpu.dma_semaphore, #tpu.memory_space<semaphore_mem>>, %arg9: memref<!tpu.dma_semaphore, #tpu.memory_space<semaphore_mem>>, %arg10: memref<!tpu.dma_semaphore, #tpu.memory_space<semaphore_mem>>, %arg11: memref<!tpu.dma_semaphore, #tpu.memory_space<semaphore_mem>>) attributes {dimension_semantics = [#tpu.dimension_semantics<core_parallel>, #tpu.dimension_semantics<subcore_parallel>], iteration_bounds = array<i64: 2, 16>, scalar_prefetch = 0 : i64, scratch_operands = 7 : i64, tpu.core_type = #tpu.core_type<sc_vector_subcore>, window_params = [{transform_indices = #map}, {transform_indices = #map1}, {transform_indices = #map}]} {
    %mul3A = arith.constant 2 : i32
    %mul3A_0 = arith.muli %arg1, %mul3A : i32
    %add3A = arith.addi %mul3A_0, %arg0 : i32
    %mul3A_1 = arith.constant 1408 : i32
    %mul3A_2 = arith.muli %add3A, %mul3A_1 : i32
    "tpu.region"() ({
      %run_scoped3A = tpu.sem_alloc : memref<!tpu.dma_semaphore, #tpu.memory_space<semaphore_mem>>
      %dma_start3A_81 = tpu.memref_slice %arg3[%mul3A_2] : memref<45056xi32, #tpu.memory_space<hbm>> -> memref<1408xi32, #tpu.memory_space<hbm>>
      %dma_start3A_82 = tpu.memref_slice %arg3[%mul3A_2] : memref<45056xi32, #tpu.memory_space<hbm>> -> memref<1408xi32, #tpu.memory_space<hbm>>
      tpu.enqueue_dma source(%dma_start3A_82 : memref<1408xi32, #tpu.memory_space<hbm>>) target(%arg5 : memref<1408xi32, #tpu.memory_space<vmem>>) target_semaphore(%run_scoped3A : memref<!tpu.dma_semaphore, #tpu.memory_space<semaphore_mem>>)
      %dma_wait3A_83 = tpu.memref_slice %arg3[%mul3A_2] : memref<45056xi32, #tpu.memory_space<hbm>> -> memref<1408xi32, #tpu.memory_space<hbm>>
      %dma_wait3A_84 = tpu.memref_slice %arg3[%mul3A_2] : memref<45056xi32, #tpu.memory_space<hbm>> -> memref<1408xi32, #tpu.memory_space<hbm>>
      tpu.wait_dma2 semaphore(%run_scoped3A : memref<!tpu.dma_semaphore, #tpu.memory_space<semaphore_mem>>) src(%dma_wait3A_84 : memref<1408xi32, #tpu.memory_space<hbm>>) dst(%arg5 : memref<1408xi32, #tpu.memory_space<vmem>>)
      tpu.yield
    }) : () -> ()
    %dma_start3A = arith.constant 0 : i32
    %dma_start3A_3 = tpu.memref_slice %arg5[%dma_start3A] : memref<1408xi32, #tpu.memory_space<vmem>> -> memref<352xi32, #tpu.memory_space<vmem>>
    %dma_start3A_4 = arith.constant 0 : i32
    %dma_start3A_5 = arith.constant 0 : i32
    %dma_start3A_6 = tpu.memref_slice %arg2[%dma_start3A_4, %dma_start3A_5] : memref<10000x128xf32, #tpu.memory_space<hbm>> -> memref<10000x128xf32, #tpu.memory_space<hbm>>
    tpu.enqueue_indirect_dma source(%dma_start3A_6 : memref<10000x128xf32, #tpu.memory_space<hbm>>) target(%arg6 : memref<352x128xf32, #tpu.memory_space<vmem>>) offsets(%dma_start3A_3 : memref<352xi32, #tpu.memory_space<vmem>>) semaphore(%arg8 : memref<!tpu.dma_semaphore, #tpu.memory_space<semaphore_mem>>)
    %dma_wait3A = arith.constant 0 : i32
    %dma_wait3A_7 = tpu.memref_slice %arg5[%dma_wait3A] : memref<1408xi32, #tpu.memory_space<vmem>> -> memref<352xi32, #tpu.memory_space<vmem>>
    %dma_wait3A_8 = arith.constant 0 : i32
    %dma_wait3A_9 = arith.constant 0 : i32
    %dma_wait3A_10 = tpu.memref_slice %arg2[%dma_wait3A_8, %dma_wait3A_9] : memref<10000x128xf32, #tpu.memory_space<hbm>> -> memref<10000x128xf32, #tpu.memory_space<hbm>>
    tpu.wait_indirect_dma semaphore(%arg8 : memref<!tpu.dma_semaphore, #tpu.memory_space<semaphore_mem>>) src(%dma_wait3A_10 : memref<10000x128xf32, #tpu.memory_space<hbm>>) dst(%arg6 : memref<352x128xf32, #tpu.memory_space<vmem>>)
    %dma_start3A_11 = arith.constant 352 : i32
    %dma_start3A_12 = tpu.memref_slice %arg5[%dma_start3A_11] : memref<1408xi32, #tpu.memory_space<vmem>> -> memref<352xi32, #tpu.memory_space<vmem>>
    %dma_start3A_13 = arith.constant 0 : i32
    %dma_start3A_14 = arith.constant 0 : i32
    %dma_start3A_15 = tpu.memref_slice %arg2[%dma_start3A_13, %dma_start3A_14] : memref<10000x128xf32, #tpu.memory_space<hbm>> -> memref<10000x128xf32, #tpu.memory_space<hbm>>
    tpu.enqueue_indirect_dma source(%dma_start3A_15 : memref<10000x128xf32, #tpu.memory_space<hbm>>) target(%arg7 : memref<352x128xf32, #tpu.memory_space<vmem>>) offsets(%dma_start3A_12 : memref<352xi32, #tpu.memory_space<vmem>>) semaphore(%arg9 : memref<!tpu.dma_semaphore, #tpu.memory_space<semaphore_mem>>)
    %add3A_16 = arith.constant 0 : i32
    %add3A_17 = arith.addi %mul3A_2, %add3A_16 : i32
    %dma_start3A_18 = arith.constant 0 : i32
    %dma_start3A_19 = tpu.memref_slice %arg4[%add3A_17, %dma_start3A_18] : memref<45056x128xf32, #tpu.memory_space<hbm>> -> memref<352x128xf32, #tpu.memory_space<hbm>>
    %dma_start3A_20 = arith.constant 0 : i32
    %dma_start3A_21 = tpu.memref_slice %arg4[%add3A_17, %dma_start3A_20] : memref<45056x128xf32, #tpu.memory_space<hbm>> -> memref<352x128xf32, #tpu.memory_space<hbm>>
    tpu.enqueue_dma source(%arg6 : memref<352x128xf32, #tpu.memory_space<vmem>>) target(%dma_start3A_21 : memref<352x128xf32, #tpu.memory_space<hbm>>) target_semaphore(%arg10 : memref<!tpu.dma_semaphore, #tpu.memory_space<semaphore_mem>>)
    %dma_wait3A_22 = arith.constant 352 : i32
    %dma_wait3A_23 = tpu.memref_slice %arg5[%dma_wait3A_22] : memref<1408xi32, #tpu.memory_space<vmem>> -> memref<352xi32, #tpu.memory_space<vmem>>
    %dma_wait3A_24 = arith.constant 0 : i32
    %dma_wait3A_25 = arith.constant 0 : i32
    %dma_wait3A_26 = tpu.memref_slice %arg2[%dma_wait3A_24, %dma_wait3A_25] : memref<10000x128xf32, #tpu.memory_space<hbm>> -> memref<10000x128xf32, #tpu.memory_space<hbm>>
    tpu.wait_indirect_dma semaphore(%arg9 : memref<!tpu.dma_semaphore, #tpu.memory_space<semaphore_mem>>) src(%dma_wait3A_26 : memref<10000x128xf32, #tpu.memory_space<hbm>>) dst(%arg7 : memref<352x128xf32, #tpu.memory_space<vmem>>)
    %dma_wait3A_27 = arith.constant 0 : i32
    %dma_wait3A_28 = tpu.memref_slice %arg4[%add3A_17, %dma_wait3A_27] : memref<45056x128xf32, #tpu.memory_space<hbm>> -> memref<352x128xf32, #tpu.memory_space<hbm>>
    %dma_wait3A_29 = arith.constant 0 : i32
    %dma_wait3A_30 = tpu.memref_slice %arg4[%add3A_17, %dma_wait3A_29] : memref<45056x128xf32, #tpu.memory_space<hbm>> -> memref<352x128xf32, #tpu.memory_space<hbm>>
    tpu.wait_dma2 semaphore(%arg10 : memref<!tpu.dma_semaphore, #tpu.memory_space<semaphore_mem>>) src(%arg6 : memref<352x128xf32, #tpu.memory_space<vmem>>) dst(%dma_wait3A_30 : memref<352x128xf32, #tpu.memory_space<hbm>>)
    %dma_start3A_31 = arith.constant 704 : i32
    %dma_start3A_32 = tpu.memref_slice %arg5[%dma_start3A_31] : memref<1408xi32, #tpu.memory_space<vmem>> -> memref<352xi32, #tpu.memory_space<vmem>>
    %dma_start3A_33 = arith.constant 0 : i32
    %dma_start3A_34 = arith.constant 0 : i32
    %dma_start3A_35 = tpu.memref_slice %arg2[%dma_start3A_33, %dma_start3A_34] : memref<10000x128xf32, #tpu.memory_space<hbm>> -> memref<10000x128xf32, #tpu.memory_space<hbm>>
    tpu.enqueue_indirect_dma source(%dma_start3A_35 : memref<10000x128xf32, #tpu.memory_space<hbm>>) target(%arg6 : memref<352x128xf32, #tpu.memory_space<vmem>>) offsets(%dma_start3A_32 : memref<352xi32, #tpu.memory_space<vmem>>) semaphore(%arg8 : memref<!tpu.dma_semaphore, #tpu.memory_space<semaphore_mem>>)
    %add3A_36 = arith.constant 352 : i32
    %add3A_37 = arith.addi %mul3A_2, %add3A_36 : i32
    %dma_start3A_38 = arith.constant 0 : i32
    %dma_start3A_39 = tpu.memref_slice %arg4[%add3A_37, %dma_start3A_38] : memref<45056x128xf32, #tpu.memory_space<hbm>> -> memref<352x128xf32, #tpu.memory_space<hbm>>
    %dma_start3A_40 = arith.constant 0 : i32
    %dma_start3A_41 = tpu.memref_slice %arg4[%add3A_37, %dma_start3A_40] : memref<45056x128xf32, #tpu.memory_space<hbm>> -> memref<352x128xf32, #tpu.memory_space<hbm>>
    tpu.enqueue_dma source(%arg7 : memref<352x128xf32, #tpu.memory_space<vmem>>) target(%dma_start3A_41 : memref<352x128xf32, #tpu.memory_space<hbm>>) target_semaphore(%arg11 : memref<!tpu.dma_semaphore, #tpu.memory_space<semaphore_mem>>)
    %dma_wait3A_42 = arith.constant 704 : i32
    %dma_wait3A_43 = tpu.memref_slice %arg5[%dma_wait3A_42] : memref<1408xi32, #tpu.memory_space<vmem>> -> memref<352xi32, #tpu.memory_space<vmem>>
    %dma_wait3A_44 = arith.constant 0 : i32
    %dma_wait3A_45 = arith.constant 0 : i32
    %dma_wait3A_46 = tpu.memref_slice %arg2[%dma_wait3A_44, %dma_wait3A_45] : memref<10000x128xf32, #tpu.memory_space<hbm>> -> memref<10000x128xf32, #tpu.memory_space<hbm>>
    tpu.wait_indirect_dma semaphore(%arg8 : memref<!tpu.dma_semaphore, #tpu.memory_space<semaphore_mem>>) src(%dma_wait3A_46 : memref<10000x128xf32, #tpu.memory_space<hbm>>) dst(%arg6 : memref<352x128xf32, #tpu.memory_space<vmem>>)
    %dma_wait3A_47 = arith.constant 0 : i32
    %dma_wait3A_48 = tpu.memref_slice %arg4[%add3A_37, %dma_wait3A_47] : memref<45056x128xf32, #tpu.memory_space<hbm>> -> memref<352x128xf32, #tpu.memory_space<hbm>>
    %dma_wait3A_49 = arith.constant 0 : i32
    %dma_wait3A_50 = tpu.memref_slice %arg4[%add3A_37, %dma_wait3A_49] : memref<45056x128xf32, #tpu.memory_space<hbm>> -> memref<352x128xf32, #tpu.memory_space<hbm>>
    tpu.wait_dma2 semaphore(%arg11 : memref<!tpu.dma_semaphore, #tpu.memory_space<semaphore_mem>>) src(%arg7 : memref<352x128xf32, #tpu.memory_space<vmem>>) dst(%dma_wait3A_50 : memref<352x128xf32, #tpu.memory_space<hbm>>)
    %dma_start3A_51 = arith.constant 1056 : i32
    %dma_start3A_52 = tpu.memref_slice %arg5[%dma_start3A_51] : memref<1408xi32, #tpu.memory_space<vmem>> -> memref<352xi32, #tpu.memory_space<vmem>>
    %dma_start3A_53 = arith.constant 0 : i32
    %dma_start3A_54 = arith.constant 0 : i32
    %dma_start3A_55 = tpu.memref_slice %arg2[%dma_start3A_53, %dma_start3A_54] : memref<10000x128xf32, #tpu.memory_space<hbm>> -> memref<10000x128xf32, #tpu.memory_space<hbm>>
    tpu.enqueue_indirect_dma source(%dma_start3A_55 : memref<10000x128xf32, #tpu.memory_space<hbm>>) target(%arg7 : memref<352x128xf32, #tpu.memory_space<vmem>>) offsets(%dma_start3A_52 : memref<352xi32, #tpu.memory_space<vmem>>) semaphore(%arg9 : memref<!tpu.dma_semaphore, #tpu.memory_space<semaphore_mem>>)
    %add3A_56 = arith.constant 704 : i32
    %add3A_57 = arith.addi %mul3A_2, %add3A_56 : i32
    %dma_start3A_58 = arith.constant 0 : i32
    %dma_start3A_59 = tpu.memref_slice %arg4[%add3A_57, %dma_start3A_58] : memref<45056x128xf32, #tpu.memory_space<hbm>> -> memref<352x128xf32, #tpu.memory_space<hbm>>
    %dma_start3A_60 = arith.constant 0 : i32
    %dma_start3A_61 = tpu.memref_slice %arg4[%add3A_57, %dma_start3A_60] : memref<45056x128xf32, #tpu.memory_space<hbm>> -> memref<352x128xf32, #tpu.memory_space<hbm>>
    tpu.enqueue_dma source(%arg6 : memref<352x128xf32, #tpu.memory_space<vmem>>) target(%dma_start3A_61 : memref<352x128xf32, #tpu.memory_space<hbm>>) target_semaphore(%arg10 : memref<!tpu.dma_semaphore, #tpu.memory_space<semaphore_mem>>)
    %dma_wait3A_62 = arith.constant 1056 : i32
    %dma_wait3A_63 = tpu.memref_slice %arg5[%dma_wait3A_62] : memref<1408xi32, #tpu.memory_space<vmem>> -> memref<352xi32, #tpu.memory_space<vmem>>
    %dma_wait3A_64 = arith.constant 0 : i32
    %dma_wait3A_65 = arith.constant 0 : i32
    %dma_wait3A_66 = tpu.memref_slice %arg2[%dma_wait3A_64, %dma_wait3A_65] : memref<10000x128xf32, #tpu.memory_space<hbm>> -> memref<10000x128xf32, #tpu.memory_space<hbm>>
    tpu.wait_indirect_dma semaphore(%arg9 : memref<!tpu.dma_semaphore, #tpu.memory_space<semaphore_mem>>) src(%dma_wait3A_66 : memref<10000x128xf32, #tpu.memory_space<hbm>>) dst(%arg7 : memref<352x128xf32, #tpu.memory_space<vmem>>)
    %add3A_67 = arith.constant 1056 : i32
    %add3A_68 = arith.addi %mul3A_2, %add3A_67 : i32
    %dma_start3A_69 = arith.constant 0 : i32
    %dma_start3A_70 = tpu.memref_slice %arg4[%add3A_68, %dma_start3A_69] : memref<45056x128xf32, #tpu.memory_space<hbm>> -> memref<352x128xf32, #tpu.memory_space<hbm>>
    %dma_start3A_71 = arith.constant 0 : i32
    %dma_start3A_72 = tpu.memref_slice %arg4[%add3A_68, %dma_start3A_71] : memref<45056x128xf32, #tpu.memory_space<hbm>> -> memref<352x128xf32, #tpu.memory_space<hbm>>
    tpu.enqueue_dma source(%arg7 : memref<352x128xf32, #tpu.memory_space<vmem>>) target(%dma_start3A_72 : memref<352x128xf32, #tpu.memory_space<hbm>>) target_semaphore(%arg11 : memref<!tpu.dma_semaphore, #tpu.memory_space<semaphore_mem>>)
    %dma_wait3A_73 = arith.constant 0 : i32
    %dma_wait3A_74 = tpu.memref_slice %arg4[%add3A_57, %dma_wait3A_73] : memref<45056x128xf32, #tpu.memory_space<hbm>> -> memref<352x128xf32, #tpu.memory_space<hbm>>
    %dma_wait3A_75 = arith.constant 0 : i32
    %dma_wait3A_76 = tpu.memref_slice %arg4[%add3A_57, %dma_wait3A_75] : memref<45056x128xf32, #tpu.memory_space<hbm>> -> memref<352x128xf32, #tpu.memory_space<hbm>>
    tpu.wait_dma2 semaphore(%arg10 : memref<!tpu.dma_semaphore, #tpu.memory_space<semaphore_mem>>) src(%arg6 : memref<352x128xf32, #tpu.memory_space<vmem>>) dst(%dma_wait3A_76 : memref<352x128xf32, #tpu.memory_space<hbm>>)
    %dma_wait3A_77 = arith.constant 0 : i32
    %dma_wait3A_78 = tpu.memref_slice %arg4[%add3A_68, %dma_wait3A_77] : memref<45056x128xf32, #tpu.memory_space<hbm>> -> memref<352x128xf32, #tpu.memory_space<hbm>>
    %dma_wait3A_79 = arith.constant 0 : i32
    %dma_wait3A_80 = tpu.memref_slice %arg4[%add3A_68, %dma_wait3A_79] : memref<45056x128xf32, #tpu.memory_space<hbm>> -> memref<352x128xf32, #tpu.memory_space<hbm>>
    tpu.wait_dma2 semaphore(%arg11 : memref<!tpu.dma_semaphore, #tpu.memory_space<semaphore_mem>>) src(%arg7 : memref<352x128xf32, #tpu.memory_space<vmem>>) dst(%dma_wait3A_80 : memref<352x128xf32, #tpu.memory_space<hbm>>)
    return
  }
}

#map = affine_map<(d0, d1) -> (0, 0)>
#map1 = affine_map<(d0, d1) -> (0)>
module attributes {stable_mosaic.version = 14 : i64} {
  func.func @_sc_gather(%arg0: i32, %arg1: i32, %arg2: memref<10000x128xf32, #tpu.memory_space<hbm>>, %arg3: memref<45056xi32, #tpu.memory_space<hbm>>, %arg4: memref<45056x128xf32, #tpu.memory_space<hbm>>, %arg5: memref<1408xi32, #tpu.memory_space<vmem>>, %arg6: memref<352x128xf32, #tpu.memory_space<vmem>>, %arg7: memref<352x128xf32, #tpu.memory_space<vmem>>, %arg8: memref<!tpu.dma_semaphore, #tpu.memory_space<semaphore_mem>>, %arg9: memref<!tpu.dma_semaphore, #tpu.memory_space<semaphore_mem>>, %arg10: memref<!tpu.dma_semaphore, #tpu.memory_space<semaphore_mem>>, %arg11: memref<!tpu.dma_semaphore, #tpu.memory_space<semaphore_mem>>) attributes {dimension_semantics = [#tpu.dimension_semantics<core_parallel>, #tpu.dimension_semantics<subcore_parallel>], iteration_bounds = array<i64: 2, 16>, scalar_prefetch = 0 : i64, scratch_operands = 7 : i64, tpu.core_type = #tpu.core_type<sc_vector_subcore>, window_params = [{transform_indices = #map}, {transform_indices = #map1}, {transform_indices = #map}]} {
    %mul3A = arith.constant 2 : i32
    %mul3A_0 = arith.muli %arg1, %mul3A : i32
    %add3A = arith.addi %mul3A_0, %arg0 : i32
    %mul3A_1 = arith.constant 1408 : i32
    %mul3A_2 = arith.muli %add3A, %mul3A_1 : i32
    "tpu.region"() ({
      %run_scoped3A = tpu.sem_alloc : memref<!tpu.dma_semaphore, #tpu.memory_space<semaphore_mem>>
      %dma_start3A_81 = tpu.memref_slice %arg3[%mul3A_2] : memref<45056xi32, #tpu.memory_space<hbm>> -> memref<1408xi32, #tpu.memory_space<hbm>>
      %dma_start3A_82 = tpu.memref_slice %arg3[%mul3A_2] : memref<45056xi32, #tpu.memory_space<hbm>> -> memref<1408xi32, #tpu.memory_space<hbm>>
      tpu.enqueue_dma source(%dma_start3A_82 : memref<1408xi32, #tpu.memory_space<hbm>>) target(%arg5 : memref<1408xi32, #tpu.memory_space<vmem>>) target_semaphore(%run_scoped3A : memref<!tpu.dma_semaphore, #tpu.memory_space<semaphore_mem>>)
      %dma_wait3A_83 = tpu.memref_slice %arg3[%mul3A_2] : memref<45056xi32, #tpu.memory_space<hbm>> -> memref<1408xi32, #tpu.memory_space<hbm>>
      %dma_wait3A_84 = tpu.memref_slice %arg3[%mul3A_2] : memref<45056xi32, #tpu.memory_space<hbm>> -> memref<1408xi32, #tpu.memory_space<hbm>>
      tpu.wait_dma2 semaphore(%run_scoped3A : memref<!tpu.dma_semaphore, #tpu.memory_space<semaphore_mem>>) src(%dma_wait3A_84 : memref<1408xi32, #tpu.memory_space<hbm>>) dst(%arg5 : memref<1408xi32, #tpu.memory_space<vmem>>)
      tpu.yield
    }) : () -> ()
    %dma_start3A = arith.constant 0 : i32
    %dma_start3A_3 = tpu.memref_slice %arg5[%dma_start3A] : memref<1408xi32, #tpu.memory_space<vmem>> -> memref<352xi32, #tpu.memory_space<vmem>>
    %dma_start3A_4 = arith.constant 0 : i32
    %dma_start3A_5 = arith.constant 0 : i32
    %dma_start3A_6 = tpu.memref_slice %arg2[%dma_start3A_4, %dma_start3A_5] : memref<10000x128xf32, #tpu.memory_space<hbm>> -> memref<10000x128xf32, #tpu.memory_space<hbm>>
    tpu.enqueue_indirect_dma source(%dma_start3A_6 : memref<10000x128xf32, #tpu.memory_space<hbm>>) target(%arg6 : memref<352x128xf32, #tpu.memory_space<vmem>>) offsets(%dma_start3A_3 : memref<352xi32, #tpu.memory_space<vmem>>) semaphore(%arg8 : memref<!tpu.dma_semaphore, #tpu.memory_space<semaphore_mem>>)
    %dma_wait3A = arith.constant 0 : i32
    %dma_wait3A_7 = tpu.memref_slice %arg5[%dma_wait3A] : memref<1408xi32, #tpu.memory_space<vmem>> -> memref<352xi32, #tpu.memory_space<vmem>>
    %dma_wait3A_8 = arith.constant 0 : i32
    %dma_wait3A_9 = arith.constant 0 : i32
    %dma_wait3A_10 = tpu.memref_slice %arg2[%dma_wait3A_8, %dma_wait3A_9] : memref<10000x128xf32, #tpu.memory_space<hbm>> -> memref<10000x128xf32, #tpu.memory_space<hbm>>
    tpu.wait_indirect_dma semaphore(%arg8 : memref<!tpu.dma_semaphore, #tpu.memory_space<semaphore_mem>>) src(%dma_wait3A_10 : memref<10000x128xf32, #tpu.memory_space<hbm>>) dst(%arg6 : memref<352x128xf32, #tpu.memory_space<vmem>>)
    %dma_start3A_11 = arith.constant 352 : i32
    %dma_start3A_12 = tpu.memref_slice %arg5[%dma_start3A_11] : memref<1408xi32, #tpu.memory_space<vmem>> -> memref<352xi32, #tpu.memory_space<vmem>>
    %dma_start3A_13 = arith.constant 0 : i32
    %dma_start3A_14 = arith.constant 0 : i32
    %dma_start3A_15 = tpu.memref_slice %arg2[%dma_start3A_13, %dma_start3A_14] : memref<10000x128xf32, #tpu.memory_space<hbm>> -> memref<10000x128xf32, #tpu.memory_space<hbm>>
    tpu.enqueue_indirect_dma source(%dma_start3A_15 : memref<10000x128xf32, #tpu.memory_space<hbm>>) target(%arg7 : memref<352x128xf32, #tpu.memory_space<vmem>>) offsets(%dma_start3A_12 : memref<352xi32, #tpu.memory_space<vmem>>) semaphore(%arg9 : memref<!tpu.dma_semaphore, #tpu.memory_space<semaphore_mem>>)
    %add3A_16 = arith.constant 0 : i32
    %add3A_17 = arith.addi %mul3A_2, %add3A_16 : i32
    %dma_start3A_18 = arith.constant 0 : i32
    %dma_start3A_19 = tpu.memref_slice %arg4[%add3A_17, %dma_start3A_18] : memref<45056x128xf32, #tpu.memory_space<hbm>> -> memref<352x128xf32, #tpu.memory_space<hbm>>
    %dma_start3A_20 = arith.constant 0 : i32
    %dma_start3A_21 = tpu.memref_slice %arg4[%add3A_17, %dma_start3A_20] : memref<45056x128xf32, #tpu.memory_space<hbm>> -> memref<352x128xf32, #tpu.memory_space<hbm>>
    tpu.enqueue_dma source(%arg6 : memref<352x128xf32, #tpu.memory_space<vmem>>) target(%dma_start3A_21 : memref<352x128xf32, #tpu.memory_space<hbm>>) target_semaphore(%arg10 : memref<!tpu.dma_semaphore, #tpu.memory_space<semaphore_mem>>)
    %dma_wait3A_22 = arith.constant 352 : i32
    %dma_wait3A_23 = tpu.memref_slice %arg5[%dma_wait3A_22] : memref<1408xi32, #tpu.memory_space<vmem>> -> memref<352xi32, #tpu.memory_space<vmem>>
    %dma_wait3A_24 = arith.constant 0 : i32
    %dma_wait3A_25 = arith.constant 0 : i32
    %dma_wait3A_26 = tpu.memref_slice %arg2[%dma_wait3A_24, %dma_wait3A_25] : memref<10000x128xf32, #tpu.memory_space<hbm>> -> memref<10000x128xf32, #tpu.memory_space<hbm>>
    tpu.wait_indirect_dma semaphore(%arg9 : memref<!tpu.dma_semaphore, #tpu.memory_space<semaphore_mem>>) src(%dma_wait3A_26 : memref<10000x128xf32, #tpu.memory_space<hbm>>) dst(%arg7 : memref<352x128xf32, #tpu.memory_space<vmem>>)
    %dma_wait3A_27 = arith.constant 0 : i32
    %dma_wait3A_28 = tpu.memref_slice %arg4[%add3A_17, %dma_wait3A_27] : memref<45056x128xf32, #tpu.memory_space<hbm>> -> memref<352x128xf32, #tpu.memory_space<hbm>>
    %dma_wait3A_29 = arith.constant 0 : i32
    %dma_wait3A_30 = tpu.memref_slice %arg4[%add3A_17, %dma_wait3A_29] : memref<45056x128xf32, #tpu.memory_space<hbm>> -> memref<352x128xf32, #tpu.memory_space<hbm>>
    tpu.wait_dma2 semaphore(%arg10 : memref<!tpu.dma_semaphore, #tpu.memory_space<semaphore_mem>>) src(%arg6 : memref<352x128xf32, #tpu.memory_space<vmem>>) dst(%dma_wait3A_30 : memref<352x128xf32, #tpu.memory_space<hbm>>)
    %dma_start3A_31 = arith.constant 704 : i32
    %dma_start3A_32 = tpu.memref_slice %arg5[%dma_start3A_31] : memref<1408xi32, #tpu.memory_space<vmem>> -> memref<352xi32, #tpu.memory_space<vmem>>
    %dma_start3A_33 = arith.constant 0 : i32
    %dma_start3A_34 = arith.constant 0 : i32
    %dma_start3A_35 = tpu.memref_slice %arg2[%dma_start3A_33, %dma_start3A_34] : memref<10000x128xf32, #tpu.memory_space<hbm>> -> memref<10000x128xf32, #tpu.memory_space<hbm>>
    tpu.enqueue_indirect_dma source(%dma_start3A_35 : memref<10000x128xf32, #tpu.memory_space<hbm>>) target(%arg6 : memref<352x128xf32, #tpu.memory_space<vmem>>) offsets(%dma_start3A_32 : memref<352xi32, #tpu.memory_space<vmem>>) semaphore(%arg8 : memref<!tpu.dma_semaphore, #tpu.memory_space<semaphore_mem>>)
    %add3A_36 = arith.constant 352 : i32
    %add3A_37 = arith.addi %mul3A_2, %add3A_36 : i32
    %dma_start3A_38 = arith.constant 0 : i32
    %dma_start3A_39 = tpu.memref_slice %arg4[%add3A_37, %dma_start3A_38] : memref<45056x128xf32, #tpu.memory_space<hbm>> -> memref<352x128xf32, #tpu.memory_space<hbm>>
    %dma_start3A_40 = arith.constant 0 : i32
    %dma_start3A_41 = tpu.memref_slice %arg4[%add3A_37, %dma_start3A_40] : memref<45056x128xf32, #tpu.memory_space<hbm>> -> memref<352x128xf32, #tpu.memory_space<hbm>>
    tpu.enqueue_dma source(%arg7 : memref<352x128xf32, #tpu.memory_space<vmem>>) target(%dma_start3A_41 : memref<352x128xf32, #tpu.memory_space<hbm>>) target_semaphore(%arg11 : memref<!tpu.dma_semaphore, #tpu.memory_space<semaphore_mem>>)
    %dma_wait3A_42 = arith.constant 704 : i32
    %dma_wait3A_43 = tpu.memref_slice %arg5[%dma_wait3A_42] : memref<1408xi32, #tpu.memory_space<vmem>> -> memref<352xi32, #tpu.memory_space<vmem>>
    %dma_wait3A_44 = arith.constant 0 : i32
    %dma_wait3A_45 = arith.constant 0 : i32
    %dma_wait3A_46 = tpu.memref_slice %arg2[%dma_wait3A_44, %dma_wait3A_45] : memref<10000x128xf32, #tpu.memory_space<hbm>> -> memref<10000x128xf32, #tpu.memory_space<hbm>>
    tpu.wait_indirect_dma semaphore(%arg8 : memref<!tpu.dma_semaphore, #tpu.memory_space<semaphore_mem>>) src(%dma_wait3A_46 : memref<10000x128xf32, #tpu.memory_space<hbm>>) dst(%arg6 : memref<352x128xf32, #tpu.memory_space<vmem>>)
    %dma_wait3A_47 = arith.constant 0 : i32
    %dma_wait3A_48 = tpu.memref_slice %arg4[%add3A_37, %dma_wait3A_47] : memref<45056x128xf32, #tpu.memory_space<hbm>> -> memref<352x128xf32, #tpu.memory_space<hbm>>
    %dma_wait3A_49 = arith.constant 0 : i32
    %dma_wait3A_50 = tpu.memref_slice %arg4[%add3A_37, %dma_wait3A_49] : memref<45056x128xf32, #tpu.memory_space<hbm>> -> memref<352x128xf32, #tpu.memory_space<hbm>>
    tpu.wait_dma2 semaphore(%arg11 : memref<!tpu.dma_semaphore, #tpu.memory_space<semaphore_mem>>) src(%arg7 : memref<352x128xf32, #tpu.memory_space<vmem>>) dst(%dma_wait3A_50 : memref<352x128xf32, #tpu.memory_space<hbm>>)
    %dma_start3A_51 = arith.constant 1056 : i32
    %dma_start3A_52 = tpu.memref_slice %arg5[%dma_start3A_51] : memref<1408xi32, #tpu.memory_space<vmem>> -> memref<352xi32, #tpu.memory_space<vmem>>
    %dma_start3A_53 = arith.constant 0 : i32
    %dma_start3A_54 = arith.constant 0 : i32
    %dma_start3A_55 = tpu.memref_slice %arg2[%dma_start3A_53, %dma_start3A_54] : memref<10000x128xf32, #tpu.memory_space<hbm>> -> memref<10000x128xf32, #tpu.memory_space<hbm>>
    tpu.enqueue_indirect_dma source(%dma_start3A_55 : memref<10000x128xf32, #tpu.memory_space<hbm>>) target(%arg7 : memref<352x128xf32, #tpu.memory_space<vmem>>) offsets(%dma_start3A_52 : memref<352xi32, #tpu.memory_space<vmem>>) semaphore(%arg9 : memref<!tpu.dma_semaphore, #tpu.memory_space<semaphore_mem>>)
    %add3A_56 = arith.constant 704 : i32
    %add3A_57 = arith.addi %mul3A_2, %add3A_56 : i32
    %dma_start3A_58 = arith.constant 0 : i32
    %dma_start3A_59 = tpu.memref_slice %arg4[%add3A_57, %dma_start3A_58] : memref<45056x128xf32, #tpu.memory_space<hbm>> -> memref<352x128xf32, #tpu.memory_space<hbm>>
    %dma_start3A_60 = arith.constant 0 : i32
    %dma_start3A_61 = tpu.memref_slice %arg4[%add3A_57, %dma_start3A_60] : memref<45056x128xf32, #tpu.memory_space<hbm>> -> memref<352x128xf32, #tpu.memory_space<hbm>>
    tpu.enqueue_dma source(%arg6 : memref<352x128xf32, #tpu.memory_space<vmem>>) target(%dma_start3A_61 : memref<352x128xf32, #tpu.memory_space<hbm>>) target_semaphore(%arg10 : memref<!tpu.dma_semaphore, #tpu.memory_space<semaphore_mem>>)
    %dma_wait3A_62 = arith.constant 1056 : i32
    %dma_wait3A_63 = tpu.memref_slice %arg5[%dma_wait3A_62] : memref<1408xi32, #tpu.memory_space<vmem>> -> memref<352xi32, #tpu.memory_space<vmem>>
    %dma_wait3A_64 = arith.constant 0 : i32
    %dma_wait3A_65 = arith.constant 0 : i32
    %dma_wait3A_66 = tpu.memref_slice %arg2[%dma_wait3A_64, %dma_wait3A_65] : memref<10000x128xf32, #tpu.memory_space<hbm>> -> memref<10000x128xf32, #tpu.memory_space<hbm>>
    tpu.wait_indirect_dma semaphore(%arg9 : memref<!tpu.dma_semaphore, #tpu.memory_space<semaphore_mem>>) src(%dma_wait3A_66 : memref<10000x128xf32, #tpu.memory_space<hbm>>) dst(%arg7 : memref<352x128xf32, #tpu.memory_space<vmem>>)
    %add3A_67 = arith.constant 1056 : i32
    %add3A_68 = arith.addi %mul3A_2, %add3A_67 : i32
    %dma_start3A_69 = arith.constant 0 : i32
    %dma_start3A_70 = tpu.memref_slice %arg4[%add3A_68, %dma_start3A_69] : memref<45056x128xf32, #tpu.memory_space<hbm>> -> memref<352x128xf32, #tpu.memory_space<hbm>>
    %dma_start3A_71 = arith.constant 0 : i32
    %dma_start3A_72 = tpu.memref_slice %arg4[%add3A_68, %dma_start3A_71] : memref<45056x128xf32, #tpu.memory_space<hbm>> -> memref<352x128xf32, #tpu.memory_space<hbm>>
    tpu.enqueue_dma source(%arg7 : memref<352x128xf32, #tpu.memory_space<vmem>>) target(%dma_start3A_72 : memref<352x128xf32, #tpu.memory_space<hbm>>) target_semaphore(%arg11 : memref<!tpu.dma_semaphore, #tpu.memory_space<semaphore_mem>>)
    %dma_wait3A_73 = arith.constant 0 : i32
    %dma_wait3A_74 = tpu.memref_slice %arg4[%add3A_57, %dma_wait3A_73] : memref<45056x128xf32, #tpu.memory_space<hbm>> -> memref<352x128xf32, #tpu.memory_space<hbm>>
    %dma_wait3A_75 = arith.constant 0 : i32
    %dma_wait3A_76 = tpu.memref_slice %arg4[%add3A_57, %dma_wait3A_75] : memref<45056x128xf32, #tpu.memory_space<hbm>> -> memref<352x128xf32, #tpu.memory_space<hbm>>
    tpu.wait_dma2 semaphore(%arg10 : memref<!tpu.dma_semaphore, #tpu.memory_space<semaphore_mem>>) src(%arg6 : memref<352x128xf32, #tpu.memory_space<vmem>>) dst(%dma_wait3A_76 : memref<352x128xf32, #tpu.memory_space<hbm>>)
    %dma_wait3A_77 = arith.constant 0 : i32
    %dma_wait3A_78 = tpu.memref_slice %arg4[%add3A_68, %dma_wait3A_77] : memref<45056x128xf32, #tpu.memory_space<hbm>> -> memref<352x128xf32, #tpu.memory_space<hbm>>
    %dma_wait3A_79 = arith.constant 0 : i32
    %dma_wait3A_80 = tpu.memref_slice %arg4[%add3A_68, %dma_wait3A_79] : memref<45056x128xf32, #tpu.memory_space<hbm>> -> memref<352x128xf32, #tpu.memory_space<hbm>>
    tpu.wait_dma2 semaphore(%arg11 : memref<!tpu.dma_semaphore, #tpu.memory_space<semaphore_mem>>) src(%arg7 : memref<352x128xf32, #tpu.memory_space<vmem>>) dst(%dma_wait3A_80 : memref<352x128xf32, #tpu.memory_space<hbm>>)
    return
  }
}

#map = affine_map<(d0, d1) -> (0, 0)>
#map1 = affine_map<(d0, d1) -> (0)>
module attributes {stable_mosaic.version = 14 : i64} {
  func.func @_sc_gather(%arg0: i32, %arg1: i32, %arg2: memref<10000x128xf32, #tpu.memory_space<hbm>>, %arg3: memref<45056xi32, #tpu.memory_space<hbm>>, %arg4: memref<45056x128xf32, #tpu.memory_space<hbm>>, %arg5: memref<1408xi32, #tpu.memory_space<vmem>>, %arg6: memref<352x128xf32, #tpu.memory_space<vmem>>, %arg7: memref<352x128xf32, #tpu.memory_space<vmem>>, %arg8: memref<!tpu.dma_semaphore, #tpu.memory_space<semaphore_mem>>, %arg9: memref<!tpu.dma_semaphore, #tpu.memory_space<semaphore_mem>>, %arg10: memref<!tpu.dma_semaphore, #tpu.memory_space<semaphore_mem>>, %arg11: memref<!tpu.dma_semaphore, #tpu.memory_space<semaphore_mem>>) attributes {dimension_semantics = [#tpu.dimension_semantics<core_parallel>, #tpu.dimension_semantics<subcore_parallel>], iteration_bounds = array<i64: 2, 16>, scalar_prefetch = 0 : i64, scratch_operands = 7 : i64, tpu.core_type = #tpu.core_type<sc_vector_subcore>, window_params = [{transform_indices = #map}, {transform_indices = #map1}, {transform_indices = #map}]} {
    %mul3A = arith.constant 2 : i32
    %mul3A_0 = arith.muli %arg1, %mul3A : i32
    %add3A = arith.addi %mul3A_0, %arg0 : i32
    %mul3A_1 = arith.constant 1408 : i32
    %mul3A_2 = arith.muli %add3A, %mul3A_1 : i32
    "tpu.region"() ({
      %run_scoped3A = tpu.sem_alloc : memref<!tpu.dma_semaphore, #tpu.memory_space<semaphore_mem>>
      %dma_start3A_81 = tpu.memref_slice %arg3[%mul3A_2] : memref<45056xi32, #tpu.memory_space<hbm>> -> memref<1408xi32, #tpu.memory_space<hbm>>
      %dma_start3A_82 = tpu.memref_slice %arg3[%mul3A_2] : memref<45056xi32, #tpu.memory_space<hbm>> -> memref<1408xi32, #tpu.memory_space<hbm>>
      tpu.enqueue_dma source(%dma_start3A_82 : memref<1408xi32, #tpu.memory_space<hbm>>) target(%arg5 : memref<1408xi32, #tpu.memory_space<vmem>>) target_semaphore(%run_scoped3A : memref<!tpu.dma_semaphore, #tpu.memory_space<semaphore_mem>>)
      %dma_wait3A_83 = tpu.memref_slice %arg3[%mul3A_2] : memref<45056xi32, #tpu.memory_space<hbm>> -> memref<1408xi32, #tpu.memory_space<hbm>>
      %dma_wait3A_84 = tpu.memref_slice %arg3[%mul3A_2] : memref<45056xi32, #tpu.memory_space<hbm>> -> memref<1408xi32, #tpu.memory_space<hbm>>
      tpu.wait_dma2 semaphore(%run_scoped3A : memref<!tpu.dma_semaphore, #tpu.memory_space<semaphore_mem>>) src(%dma_wait3A_84 : memref<1408xi32, #tpu.memory_space<hbm>>) dst(%arg5 : memref<1408xi32, #tpu.memory_space<vmem>>)
      tpu.yield
    }) : () -> ()
    %dma_start3A = arith.constant 0 : i32
    %dma_start3A_3 = tpu.memref_slice %arg5[%dma_start3A] : memref<1408xi32, #tpu.memory_space<vmem>> -> memref<352xi32, #tpu.memory_space<vmem>>
    %dma_start3A_4 = arith.constant 0 : i32
    %dma_start3A_5 = arith.constant 0 : i32
    %dma_start3A_6 = tpu.memref_slice %arg2[%dma_start3A_4, %dma_start3A_5] : memref<10000x128xf32, #tpu.memory_space<hbm>> -> memref<10000x128xf32, #tpu.memory_space<hbm>>
    tpu.enqueue_indirect_dma source(%dma_start3A_6 : memref<10000x128xf32, #tpu.memory_space<hbm>>) target(%arg6 : memref<352x128xf32, #tpu.memory_space<vmem>>) offsets(%dma_start3A_3 : memref<352xi32, #tpu.memory_space<vmem>>) semaphore(%arg8 : memref<!tpu.dma_semaphore, #tpu.memory_space<semaphore_mem>>)
    %dma_wait3A = arith.constant 0 : i32
    %dma_wait3A_7 = tpu.memref_slice %arg5[%dma_wait3A] : memref<1408xi32, #tpu.memory_space<vmem>> -> memref<352xi32, #tpu.memory_space<vmem>>
    %dma_wait3A_8 = arith.constant 0 : i32
    %dma_wait3A_9 = arith.constant 0 : i32
    %dma_wait3A_10 = tpu.memref_slice %arg2[%dma_wait3A_8, %dma_wait3A_9] : memref<10000x128xf32, #tpu.memory_space<hbm>> -> memref<10000x128xf32, #tpu.memory_space<hbm>>
    tpu.wait_indirect_dma semaphore(%arg8 : memref<!tpu.dma_semaphore, #tpu.memory_space<semaphore_mem>>) src(%dma_wait3A_10 : memref<10000x128xf32, #tpu.memory_space<hbm>>) dst(%arg6 : memref<352x128xf32, #tpu.memory_space<vmem>>)
    %dma_start3A_11 = arith.constant 352 : i32
    %dma_start3A_12 = tpu.memref_slice %arg5[%dma_start3A_11] : memref<1408xi32, #tpu.memory_space<vmem>> -> memref<352xi32, #tpu.memory_space<vmem>>
    %dma_start3A_13 = arith.constant 0 : i32
    %dma_start3A_14 = arith.constant 0 : i32
    %dma_start3A_15 = tpu.memref_slice %arg2[%dma_start3A_13, %dma_start3A_14] : memref<10000x128xf32, #tpu.memory_space<hbm>> -> memref<10000x128xf32, #tpu.memory_space<hbm>>
    tpu.enqueue_indirect_dma source(%dma_start3A_15 : memref<10000x128xf32, #tpu.memory_space<hbm>>) target(%arg7 : memref<352x128xf32, #tpu.memory_space<vmem>>) offsets(%dma_start3A_12 : memref<352xi32, #tpu.memory_space<vmem>>) semaphore(%arg9 : memref<!tpu.dma_semaphore, #tpu.memory_space<semaphore_mem>>)
    %add3A_16 = arith.constant 0 : i32
    %add3A_17 = arith.addi %mul3A_2, %add3A_16 : i32
    %dma_start3A_18 = arith.constant 0 : i32
    %dma_start3A_19 = tpu.memref_slice %arg4[%add3A_17, %dma_start3A_18] : memref<45056x128xf32, #tpu.memory_space<hbm>> -> memref<352x128xf32, #tpu.memory_space<hbm>>
    %dma_start3A_20 = arith.constant 0 : i32
    %dma_start3A_21 = tpu.memref_slice %arg4[%add3A_17, %dma_start3A_20] : memref<45056x128xf32, #tpu.memory_space<hbm>> -> memref<352x128xf32, #tpu.memory_space<hbm>>
    tpu.enqueue_dma source(%arg6 : memref<352x128xf32, #tpu.memory_space<vmem>>) target(%dma_start3A_21 : memref<352x128xf32, #tpu.memory_space<hbm>>) target_semaphore(%arg10 : memref<!tpu.dma_semaphore, #tpu.memory_space<semaphore_mem>>)
    %dma_wait3A_22 = arith.constant 352 : i32
    %dma_wait3A_23 = tpu.memref_slice %arg5[%dma_wait3A_22] : memref<1408xi32, #tpu.memory_space<vmem>> -> memref<352xi32, #tpu.memory_space<vmem>>
    %dma_wait3A_24 = arith.constant 0 : i32
    %dma_wait3A_25 = arith.constant 0 : i32
    %dma_wait3A_26 = tpu.memref_slice %arg2[%dma_wait3A_24, %dma_wait3A_25] : memref<10000x128xf32, #tpu.memory_space<hbm>> -> memref<10000x128xf32, #tpu.memory_space<hbm>>
    tpu.wait_indirect_dma semaphore(%arg9 : memref<!tpu.dma_semaphore, #tpu.memory_space<semaphore_mem>>) src(%dma_wait3A_26 : memref<10000x128xf32, #tpu.memory_space<hbm>>) dst(%arg7 : memref<352x128xf32, #tpu.memory_space<vmem>>)
    %dma_wait3A_27 = arith.constant 0 : i32
    %dma_wait3A_28 = tpu.memref_slice %arg4[%add3A_17, %dma_wait3A_27] : memref<45056x128xf32, #tpu.memory_space<hbm>> -> memref<352x128xf32, #tpu.memory_space<hbm>>
    %dma_wait3A_29 = arith.constant 0 : i32
    %dma_wait3A_30 = tpu.memref_slice %arg4[%add3A_17, %dma_wait3A_29] : memref<45056x128xf32, #tpu.memory_space<hbm>> -> memref<352x128xf32, #tpu.memory_space<hbm>>
    tpu.wait_dma2 semaphore(%arg10 : memref<!tpu.dma_semaphore, #tpu.memory_space<semaphore_mem>>) src(%arg6 : memref<352x128xf32, #tpu.memory_space<vmem>>) dst(%dma_wait3A_30 : memref<352x128xf32, #tpu.memory_space<hbm>>)
    %dma_start3A_31 = arith.constant 704 : i32
    %dma_start3A_32 = tpu.memref_slice %arg5[%dma_start3A_31] : memref<1408xi32, #tpu.memory_space<vmem>> -> memref<352xi32, #tpu.memory_space<vmem>>
    %dma_start3A_33 = arith.constant 0 : i32
    %dma_start3A_34 = arith.constant 0 : i32
    %dma_start3A_35 = tpu.memref_slice %arg2[%dma_start3A_33, %dma_start3A_34] : memref<10000x128xf32, #tpu.memory_space<hbm>> -> memref<10000x128xf32, #tpu.memory_space<hbm>>
    tpu.enqueue_indirect_dma source(%dma_start3A_35 : memref<10000x128xf32, #tpu.memory_space<hbm>>) target(%arg6 : memref<352x128xf32, #tpu.memory_space<vmem>>) offsets(%dma_start3A_32 : memref<352xi32, #tpu.memory_space<vmem>>) semaphore(%arg8 : memref<!tpu.dma_semaphore, #tpu.memory_space<semaphore_mem>>)
    %add3A_36 = arith.constant 352 : i32
    %add3A_37 = arith.addi %mul3A_2, %add3A_36 : i32
    %dma_start3A_38 = arith.constant 0 : i32
    %dma_start3A_39 = tpu.memref_slice %arg4[%add3A_37, %dma_start3A_38] : memref<45056x128xf32, #tpu.memory_space<hbm>> -> memref<352x128xf32, #tpu.memory_space<hbm>>
    %dma_start3A_40 = arith.constant 0 : i32
    %dma_start3A_41 = tpu.memref_slice %arg4[%add3A_37, %dma_start3A_40] : memref<45056x128xf32, #tpu.memory_space<hbm>> -> memref<352x128xf32, #tpu.memory_space<hbm>>
    tpu.enqueue_dma source(%arg7 : memref<352x128xf32, #tpu.memory_space<vmem>>) target(%dma_start3A_41 : memref<352x128xf32, #tpu.memory_space<hbm>>) target_semaphore(%arg11 : memref<!tpu.dma_semaphore, #tpu.memory_space<semaphore_mem>>)
    %dma_wait3A_42 = arith.constant 704 : i32
    %dma_wait3A_43 = tpu.memref_slice %arg5[%dma_wait3A_42] : memref<1408xi32, #tpu.memory_space<vmem>> -> memref<352xi32, #tpu.memory_space<vmem>>
    %dma_wait3A_44 = arith.constant 0 : i32
    %dma_wait3A_45 = arith.constant 0 : i32
    %dma_wait3A_46 = tpu.memref_slice %arg2[%dma_wait3A_44, %dma_wait3A_45] : memref<10000x128xf32, #tpu.memory_space<hbm>> -> memref<10000x128xf32, #tpu.memory_space<hbm>>
    tpu.wait_indirect_dma semaphore(%arg8 : memref<!tpu.dma_semaphore, #tpu.memory_space<semaphore_mem>>) src(%dma_wait3A_46 : memref<10000x128xf32, #tpu.memory_space<hbm>>) dst(%arg6 : memref<352x128xf32, #tpu.memory_space<vmem>>)
    %dma_wait3A_47 = arith.constant 0 : i32
    %dma_wait3A_48 = tpu.memref_slice %arg4[%add3A_37, %dma_wait3A_47] : memref<45056x128xf32, #tpu.memory_space<hbm>> -> memref<352x128xf32, #tpu.memory_space<hbm>>
    %dma_wait3A_49 = arith.constant 0 : i32
    %dma_wait3A_50 = tpu.memref_slice %arg4[%add3A_37, %dma_wait3A_49] : memref<45056x128xf32, #tpu.memory_space<hbm>> -> memref<352x128xf32, #tpu.memory_space<hbm>>
    tpu.wait_dma2 semaphore(%arg11 : memref<!tpu.dma_semaphore, #tpu.memory_space<semaphore_mem>>) src(%arg7 : memref<352x128xf32, #tpu.memory_space<vmem>>) dst(%dma_wait3A_50 : memref<352x128xf32, #tpu.memory_space<hbm>>)
    %dma_start3A_51 = arith.constant 1056 : i32
    %dma_start3A_52 = tpu.memref_slice %arg5[%dma_start3A_51] : memref<1408xi32, #tpu.memory_space<vmem>> -> memref<352xi32, #tpu.memory_space<vmem>>
    %dma_start3A_53 = arith.constant 0 : i32
    %dma_start3A_54 = arith.constant 0 : i32
    %dma_start3A_55 = tpu.memref_slice %arg2[%dma_start3A_53, %dma_start3A_54] : memref<10000x128xf32, #tpu.memory_space<hbm>> -> memref<10000x128xf32, #tpu.memory_space<hbm>>
    tpu.enqueue_indirect_dma source(%dma_start3A_55 : memref<10000x128xf32, #tpu.memory_space<hbm>>) target(%arg7 : memref<352x128xf32, #tpu.memory_space<vmem>>) offsets(%dma_start3A_52 : memref<352xi32, #tpu.memory_space<vmem>>) semaphore(%arg9 : memref<!tpu.dma_semaphore, #tpu.memory_space<semaphore_mem>>)
    %add3A_56 = arith.constant 704 : i32
    %add3A_57 = arith.addi %mul3A_2, %add3A_56 : i32
    %dma_start3A_58 = arith.constant 0 : i32
    %dma_start3A_59 = tpu.memref_slice %arg4[%add3A_57, %dma_start3A_58] : memref<45056x128xf32, #tpu.memory_space<hbm>> -> memref<352x128xf32, #tpu.memory_space<hbm>>
    %dma_start3A_60 = arith.constant 0 : i32
    %dma_start3A_61 = tpu.memref_slice %arg4[%add3A_57, %dma_start3A_60] : memref<45056x128xf32, #tpu.memory_space<hbm>> -> memref<352x128xf32, #tpu.memory_space<hbm>>
    tpu.enqueue_dma source(%arg6 : memref<352x128xf32, #tpu.memory_space<vmem>>) target(%dma_start3A_61 : memref<352x128xf32, #tpu.memory_space<hbm>>) target_semaphore(%arg10 : memref<!tpu.dma_semaphore, #tpu.memory_space<semaphore_mem>>)
    %dma_wait3A_62 = arith.constant 1056 : i32
    %dma_wait3A_63 = tpu.memref_slice %arg5[%dma_wait3A_62] : memref<1408xi32, #tpu.memory_space<vmem>> -> memref<352xi32, #tpu.memory_space<vmem>>
    %dma_wait3A_64 = arith.constant 0 : i32
    %dma_wait3A_65 = arith.constant 0 : i32
    %dma_wait3A_66 = tpu.memref_slice %arg2[%dma_wait3A_64, %dma_wait3A_65] : memref<10000x128xf32, #tpu.memory_space<hbm>> -> memref<10000x128xf32, #tpu.memory_space<hbm>>
    tpu.wait_indirect_dma semaphore(%arg9 : memref<!tpu.dma_semaphore, #tpu.memory_space<semaphore_mem>>) src(%dma_wait3A_66 : memref<10000x128xf32, #tpu.memory_space<hbm>>) dst(%arg7 : memref<352x128xf32, #tpu.memory_space<vmem>>)
    %add3A_67 = arith.constant 1056 : i32
    %add3A_68 = arith.addi %mul3A_2, %add3A_67 : i32
    %dma_start3A_69 = arith.constant 0 : i32
    %dma_start3A_70 = tpu.memref_slice %arg4[%add3A_68, %dma_start3A_69] : memref<45056x128xf32, #tpu.memory_space<hbm>> -> memref<352x128xf32, #tpu.memory_space<hbm>>
    %dma_start3A_71 = arith.constant 0 : i32
    %dma_start3A_72 = tpu.memref_slice %arg4[%add3A_68, %dma_start3A_71] : memref<45056x128xf32, #tpu.memory_space<hbm>> -> memref<352x128xf32, #tpu.memory_space<hbm>>
    tpu.enqueue_dma source(%arg7 : memref<352x128xf32, #tpu.memory_space<vmem>>) target(%dma_start3A_72 : memref<352x128xf32, #tpu.memory_space<hbm>>) target_semaphore(%arg11 : memref<!tpu.dma_semaphore, #tpu.memory_space<semaphore_mem>>)
    %dma_wait3A_73 = arith.constant 0 : i32
    %dma_wait3A_74 = tpu.memref_slice %arg4[%add3A_57, %dma_wait3A_73] : memref<45056x128xf32, #tpu.memory_space<hbm>> -> memref<352x128xf32, #tpu.memory_space<hbm>>
    %dma_wait3A_75 = arith.constant 0 : i32
    %dma_wait3A_76 = tpu.memref_slice %arg4[%add3A_57, %dma_wait3A_75] : memref<45056x128xf32, #tpu.memory_space<hbm>> -> memref<352x128xf32, #tpu.memory_space<hbm>>
    tpu.wait_dma2 semaphore(%arg10 : memref<!tpu.dma_semaphore, #tpu.memory_space<semaphore_mem>>) src(%arg6 : memref<352x128xf32, #tpu.memory_space<vmem>>) dst(%dma_wait3A_76 : memref<352x128xf32, #tpu.memory_space<hbm>>)
    %dma_wait3A_77 = arith.constant 0 : i32
    %dma_wait3A_78 = tpu.memref_slice %arg4[%add3A_68, %dma_wait3A_77] : memref<45056x128xf32, #tpu.memory_space<hbm>> -> memref<352x128xf32, #tpu.memory_space<hbm>>
    %dma_wait3A_79 = arith.constant 0 : i32
    %dma_wait3A_80 = tpu.memref_slice %arg4[%add3A_68, %dma_wait3A_79] : memref<45056x128xf32, #tpu.memory_space<hbm>> -> memref<352x128xf32, #tpu.memory_space<hbm>>
    tpu.wait_dma2 semaphore(%arg11 : memref<!tpu.dma_semaphore, #tpu.memory_space<semaphore_mem>>) src(%arg7 : memref<352x128xf32, #tpu.memory_space<vmem>>) dst(%dma_wait3A_80 : memref<352x128xf32, #tpu.memory_space<hbm>>)
    return
  }
}

module attributes {stable_mosaic.version = 14 : i64} {
  func.func @_layer_a0_body(%arg0: i32, %arg1: memref<9008x128xf32, #tpu.memory_space<vmem>>, %arg2: memref<1000x128xf32, #tpu.memory_space<vmem>>, %arg3: memref<128x128xf32, #tpu.memory_space<vmem>>, %arg4: memref<1x128xf32, #tpu.memory_space<vmem>>, %arg5: memref<3x128x128xf32, #tpu.memory_space<vmem>>, %arg6: memref<1x128xf32, #tpu.memory_space<vmem>>, %arg7: memref<128x128xf32, #tpu.memory_space<vmem>>, %arg8: memref<128x128xf32, #tpu.memory_space<vmem>>, %arg9: memref<1x128xf32, #tpu.memory_space<vmem>>, %arg10: memref<1000x128xf32, #tpu.memory_space<vmem>>, %arg11: memref<8x128xf32, #tpu.memory_space<vmem>>) attributes {dimension_semantics = [#tpu.dimension_semantics<arbitrary>], iteration_bounds = array<i64: 5>, scalar_prefetch = 0 : i64, scratch_operands = 0 : i64, tpu.core_type = #tpu.core_type<tc>, window_params = [{transform_indices = @transform_0, window_bounds = array<i64: 9008, 128>}, {transform_indices = @transform_1, window_bounds = array<i64: 1000, 128>}, {pipeline_mode = #tpu.pipeline_mode<synchronous>, transform_indices = @transform_2, window_bounds = array<i64: 128, 128>}, {pipeline_mode = #tpu.pipeline_mode<synchronous>, transform_indices = @transform_3, window_bounds = array<i64: 1, 128>}, {pipeline_mode = #tpu.pipeline_mode<synchronous>, transform_indices = @transform_4, window_bounds = array<i64: 3, 128, 128>}, {pipeline_mode = #tpu.pipeline_mode<synchronous>, transform_indices = @transform_5, window_bounds = array<i64: 1, 128>}, {pipeline_mode = #tpu.pipeline_mode<synchronous>, transform_indices = @transform_6, window_bounds = array<i64: 128, 128>}, {pipeline_mode = #tpu.pipeline_mode<synchronous>, transform_indices = @transform_7, window_bounds = array<i64: 128, 128>}, {pipeline_mode = #tpu.pipeline_mode<synchronous>, transform_indices = @transform_8, window_bounds = array<i64: 1, 128>}, {transform_indices = @transform_9, window_bounds = array<i64: 1000, 128>}, {pipeline_mode = #tpu.pipeline_mode<synchronous>, transform_indices = @transform_10, window_bounds = array<i64: 8, 128>}]} {
    %get3A = arith.constant 0 : index
    %get3A_0 = arith.constant 0 : index
    %get3A_1 = vector.load %arg3[%get3A, %get3A_0] : memref<128x128xf32, #tpu.memory_space<vmem>>, vector<128x128xf32>
    %get3A_2 = arith.constant 0 : index
    %get3A_3 = arith.constant 0 : index
    %get3A_4 = vector.load %arg4[%get3A_2, %get3A_3] : memref<1x128xf32, #tpu.memory_space<vmem>>, vector<1x128xf32>
    %get3A_5 = arith.constant 0 : index
    %get3A_6 = arith.constant 0 : index
    %get3A_7 = vector.load %arg1[%get3A_5, %get3A_6] : memref<9008x128xf32, #tpu.memory_space<vmem>>, vector<9008x128xf32>
    %slice3A = vector.extract_strided_slice %get3A_7 {offsets = [0, 0], sizes = [8000, 128], strides = [1, 1]} : vector<9008x128xf32> to vector<8000x128xf32>
    %slice3A_8 = vector.extract_strided_slice %get3A_7 {offsets = [8000, 0], sizes = [1000, 128], strides = [1, 1]} : vector<9008x128xf32> to vector<1000x128xf32>
    %get3A_9 = arith.constant 0 : index
    %get3A_10 = arith.constant 0 : index
    %get3A_11 = vector.load %arg2[%get3A_9, %get3A_10] : memref<1000x128xf32, #tpu.memory_space<vmem>>, vector<1000x128xf32>
    %dot_general3A = arith.constant dense<0.000000e+00> : vector<1000x128xf32>
    %dot_general3A_12 = tpu.matmul %get3A_11, %get3A_1, %dot_general3A {dimension_numbers = #tpu.dot_dimension_numbers<[1], [0], [0], [1], [0, 0, 1, 1], [], []>, transpose_lhs_hint = false} : vector<1000x128xf32>, vector<128x128xf32>, vector<1000x128xf32> -> vector<1000x128xf32>
    %add3A = vector.broadcast %get3A_4 : vector<1x128xf32> to vector<1000x128xf32>
    %add3A_13 = arith.addf %dot_general3A_12, %add3A : vector<1000x128xf32>
    %get3A_14 = arith.constant 0 : index
    %get3A_15 = arith.constant 0 : index
    %get3A_16 = arith.constant 0 : index
    %get3A_17 = vector.load %arg5[%get3A_14, %get3A_15, %get3A_16] : memref<3x128x128xf32, #tpu.memory_space<vmem>>, vector<1x128x128xf32>
    %get3A_18 = vector.shape_cast %get3A_17 : vector<1x128x128xf32> to vector<128x128xf32>
    %get3A_19 = arith.constant 1 : index
    %get3A_20 = arith.constant 0 : index
    %get3A_21 = arith.constant 0 : index
    %get3A_22 = vector.load %arg5[%get3A_19, %get3A_20, %get3A_21] : memref<3x128x128xf32, #tpu.memory_space<vmem>>, vector<1x128x128xf32>
    %get3A_23 = vector.shape_cast %get3A_22 : vector<1x128x128xf32> to vector<128x128xf32>
    %add3A_24 = arith.addf %get3A_18, %get3A_23 : vector<128x128xf32>
    %get3A_25 = arith.constant 2 : index
    %get3A_26 = arith.constant 0 : index
    %get3A_27 = arith.constant 0 : index
    %get3A_28 = vector.load %arg5[%get3A_25, %get3A_26, %get3A_27] : memref<3x128x128xf32, #tpu.memory_space<vmem>>, vector<1x128x128xf32>
    %get3A_29 = vector.shape_cast %get3A_28 : vector<1x128x128xf32> to vector<128x128xf32>
    %add3A_30 = arith.addf %add3A_24, %get3A_29 : vector<128x128xf32>
    %get3A_31 = arith.constant 0 : index
    %get3A_32 = arith.constant 0 : index
    %get3A_33 = vector.load %arg6[%get3A_31, %get3A_32] : memref<1x128xf32, #tpu.memory_space<vmem>>, vector<1x128xf32>
    %dot_general3A_34 = arith.constant dense<0.000000e+00> : vector<1x128xf32>
    %dot_general3A_35 = tpu.matmul %get3A_4, %add3A_30, %dot_general3A_34 {dimension_numbers = #tpu.dot_dimension_numbers<[1], [0], [0], [1], [0, 0, 1, 1], [], []>, transpose_lhs_hint = false} : vector<1x128xf32>, vector<128x128xf32>, vector<1x128xf32> -> vector<1x128xf32>
    %add3A_36 = arith.addf %get3A_33, %dot_general3A_35 : vector<1x128xf32>
    %broadcast_in_dim3A = arith.constant 0.000000e+00 : f32
    %broadcast_in_dim3A_37 = vector.broadcast %broadcast_in_dim3A : f32 to vector<1000x8x128xf32>
    %get3A_38 = arith.constant 0 : index
    %get3A_39 = arith.constant 0 : index
    %get3A_40 = arith.constant 0 : index
    %get3A_41 = vector.load %arg5[%get3A_38, %get3A_39, %get3A_40] : memref<3x128x128xf32, #tpu.memory_space<vmem>>, vector<1x128x128xf32>
    %get3A_42 = vector.shape_cast %get3A_41 : vector<1x128x128xf32> to vector<128x128xf32>
    %dot_general3A_43 = arith.constant dense<0.000000e+00> : vector<128x128xf32>
    %dot_general3A_44 = tpu.matmul %get3A_1, %get3A_42, %dot_general3A_43 {dimension_numbers = #tpu.dot_dimension_numbers<[1], [0], [0], [1], [0, 0, 1, 1], [], []>, transpose_lhs_hint = false} : vector<128x128xf32>, vector<128x128xf32>, vector<128x128xf32> -> vector<128x128xf32>
    %dot_general3A_45 = arith.constant dense<0.000000e+00> : vector<8000x128xf32>
    %dot_general3A_46 = tpu.matmul %slice3A, %dot_general3A_44, %dot_general3A_45 {dimension_numbers = #tpu.dot_dimension_numbers<[1], [0], [0], [1], [0, 0, 1, 1], [], []>, transpose_lhs_hint = false} : vector<8000x128xf32>, vector<128x128xf32>, vector<8000x128xf32> -> vector<8000x128xf32>
    %reshape3A = vector.shape_cast %dot_general3A_46 : vector<8000x128xf32> to vector<1000x8x128xf32>
    %add3A_47 = arith.addf %broadcast_in_dim3A_37, %reshape3A : vector<1000x8x128xf32>
    %get3A_48 = arith.constant 1 : index
    %get3A_49 = arith.constant 0 : index
    %get3A_50 = arith.constant 0 : index
    %get3A_51 = vector.load %arg5[%get3A_48, %get3A_49, %get3A_50] : memref<3x128x128xf32, #tpu.memory_space<vmem>>, vector<1x128x128xf32>
    %get3A_52 = vector.shape_cast %get3A_51 : vector<1x128x128xf32> to vector<128x128xf32>
    %dot_general3A_53 = arith.constant dense<0.000000e+00> : vector<128x128xf32>
    %dot_general3A_54 = tpu.matmul %get3A_1, %get3A_52, %dot_general3A_53 {dimension_numbers = #tpu.dot_dimension_numbers<[1], [0], [0], [1], [0, 0, 1, 1], [], []>, transpose_lhs_hint = false} : vector<128x128xf32>, vector<128x128xf32>, vector<128x128xf32> -> vector<128x128xf32>
    %dot_general3A_55 = arith.constant dense<0.000000e+00> : vector<8000x128xf32>
    %dot_general3A_56 = tpu.matmul %slice3A, %dot_general3A_54, %dot_general3A_55 {dimension_numbers = #tpu.dot_dimension_numbers<[1], [0], [0], [1], [0, 0, 1, 1], [], []>, transpose_lhs_hint = false} : vector<8000x128xf32>, vector<128x128xf32>, vector<8000x128xf32> -> vector<8000x128xf32>
    %reshape3A_57 = vector.shape_cast %dot_general3A_56 : vector<8000x128xf32> to vector<1000x8x128xf32>
    %slice3A_58 = vector.extract_strided_slice %reshape3A_57 {offsets = [0, 1, 0], sizes = [1000, 7, 128], strides = [1, 1, 1]} : vector<1000x8x128xf32> to vector<1000x7x128xf32>
    %slice3A_59 = vector.extract_strided_slice %reshape3A_57 {offsets = [0, 0, 0], sizes = [1000, 1, 128], strides = [1, 1, 1]} : vector<1000x8x128xf32> to vector<1000x1x128xf32>
    %concatenate3A = tpu.concatenate %slice3A_58, %slice3A_59 in 1 : vector<1000x7x128xf32>, vector<1000x1x128xf32> -> vector<1000x8x128xf32>
    %add3A_60 = arith.addf %add3A_47, %concatenate3A : vector<1000x8x128xf32>
    %get3A_61 = arith.constant 2 : index
    %get3A_62 = arith.constant 0 : index
    %get3A_63 = arith.constant 0 : index
    %get3A_64 = vector.load %arg5[%get3A_61, %get3A_62, %get3A_63] : memref<3x128x128xf32, #tpu.memory_space<vmem>>, vector<1x128x128xf32>
    %get3A_65 = vector.shape_cast %get3A_64 : vector<1x128x128xf32> to vector<128x128xf32>
    %dot_general3A_66 = arith.constant dense<0.000000e+00> : vector<128x128xf32>
    %dot_general3A_67 = tpu.matmul %get3A_1, %get3A_65, %dot_general3A_66 {dimension_numbers = #tpu.dot_dimension_numbers<[1], [0], [0], [1], [0, 0, 1, 1], [], []>, transpose_lhs_hint = false} : vector<128x128xf32>, vector<128x128xf32>, vector<128x128xf32> -> vector<128x128xf32>
    %dot_general3A_68 = arith.constant dense<0.000000e+00> : vector<8000x128xf32>
    %dot_general3A_69 = tpu.matmul %slice3A, %dot_general3A_67, %dot_general3A_68 {dimension_numbers = #tpu.dot_dimension_numbers<[1], [0], [0], [1], [0, 0, 1, 1], [], []>, transpose_lhs_hint = false} : vector<8000x128xf32>, vector<128x128xf32>, vector<8000x128xf32> -> vector<8000x128xf32>
    %reshape3A_70 = vector.shape_cast %dot_general3A_69 : vector<8000x128xf32> to vector<1000x8x128xf32>
    %slice3A_71 = vector.extract_strided_slice %reshape3A_70 {offsets = [0, 2, 0], sizes = [1000, 6, 128], strides = [1, 1, 1]} : vector<1000x8x128xf32> to vector<1000x6x128xf32>
    %slice3A_72 = vector.extract_strided_slice %reshape3A_70 {offsets = [0, 0, 0], sizes = [1000, 2, 128], strides = [1, 1, 1]} : vector<1000x8x128xf32> to vector<1000x2x128xf32>
    %concatenate3A_73 = tpu.concatenate %slice3A_71, %slice3A_72 in 1 : vector<1000x6x128xf32>, vector<1000x2x128xf32> -> vector<1000x8x128xf32>
    %add3A_74 = arith.addf %add3A_60, %concatenate3A_73 : vector<1000x8x128xf32>
    %reshape3A_75 = vector.shape_cast %add3A_36 : vector<1x128xf32> to vector<1x1x128xf32>
    %add3A_76 = vector.broadcast %reshape3A_75 : vector<1x1x128xf32> to vector<1000x8x128xf32>
    %add3A_77 = arith.addf %add3A_74, %add3A_76 : vector<1000x8x128xf32>
    %gt3A = arith.constant 0.000000e+00 : f32
    %gt3A_78 = vector.broadcast %gt3A : f32 to vector<1000x8x128xf32>
    %gt3A_79 = arith.cmpf ogt, %add3A_77, %gt3A_78 : vector<1000x8x128xf32>
    %exp3A = math.exp %add3A_77 : vector<1000x8x128xf32>
    %sub3A = arith.constant 1.000000e+00 : f32
    %sub3A_80 = vector.broadcast %sub3A : f32 to vector<1000x8x128xf32>
    %sub3A_81 = arith.subf %exp3A, %sub3A_80 : vector<1000x8x128xf32>
    %select_n3A = arith.select %gt3A_79, %add3A_77, %sub3A_81 : vector<1000x8x128xi1>, vector<1000x8x128xf32>
    %reduce_sum3A = arith.constant dense<0.000000e+00> : vector<1000x128xf32>
    %reduce_sum3A_82 = vector.multi_reduction <add>, %select_n3A, %reduce_sum3A [1] : vector<1000x8x128xf32> to vector<1000x128xf32>
    %get3A_83 = arith.constant 0 : index
    %get3A_84 = arith.constant 0 : index
    %get3A_85 = vector.load %arg8[%get3A_83, %get3A_84] : memref<128x128xf32, #tpu.memory_space<vmem>>, vector<128x128xf32>
    %dot_general3A_86 = arith.constant dense<0.000000e+00> : vector<128x128xf32>
    %dot_general3A_87 = tpu.matmul %get3A_1, %get3A_85, %dot_general3A_86 {dimension_numbers = #tpu.dot_dimension_numbers<[1], [0], [0], [1], [0, 0, 1, 1], [], []>, transpose_lhs_hint = false} : vector<128x128xf32>, vector<128x128xf32>, vector<128x128xf32> -> vector<128x128xf32>
    %get3A_88 = arith.constant 0 : index
    %get3A_89 = arith.constant 0 : index
    %get3A_90 = vector.load %arg7[%get3A_88, %get3A_89] : memref<128x128xf32, #tpu.memory_space<vmem>>, vector<128x128xf32>
    %dot_general3A_91 = arith.constant dense<0.000000e+00> : vector<1000x128xf32>
    %dot_general3A_92 = tpu.matmul %add3A_13, %get3A_90, %dot_general3A_91 {dimension_numbers = #tpu.dot_dimension_numbers<[1], [0], [0], [1], [0, 0, 1, 1], [], []>, transpose_lhs_hint = false} : vector<1000x128xf32>, vector<128x128xf32>, vector<1000x128xf32> -> vector<1000x128xf32>
    %add3A_93 = arith.addf %reduce_sum3A_82, %dot_general3A_92 : vector<1000x128xf32>
    %dot_general3A_94 = arith.constant dense<0.000000e+00> : vector<1000x128xf32>
    %dot_general3A_95 = tpu.matmul %slice3A_8, %dot_general3A_87, %dot_general3A_94 {dimension_numbers = #tpu.dot_dimension_numbers<[1], [0], [0], [1], [0, 0, 1, 1], [], []>, transpose_lhs_hint = false} : vector<1000x128xf32>, vector<128x128xf32>, vector<1000x128xf32> -> vector<1000x128xf32>
    %add3A_96 = arith.addf %add3A_93, %dot_general3A_95 : vector<1000x128xf32>
    %get3A_97 = arith.constant 0 : index
    %get3A_98 = arith.constant 0 : index
    %get3A_99 = vector.load %arg9[%get3A_97, %get3A_98] : memref<1x128xf32, #tpu.memory_space<vmem>>, vector<1x128xf32>
    %add3A_100 = vector.broadcast %get3A_99 : vector<1x128xf32> to vector<1000x128xf32>
    %add3A_101 = arith.addf %add3A_96, %add3A_100 : vector<1000x128xf32>
    %dot_general3A_102 = arith.constant dense<0.000000e+00> : vector<1x128xf32>
    %dot_general3A_103 = tpu.matmul %get3A_4, %get3A_85, %dot_general3A_102 {dimension_numbers = #tpu.dot_dimension_numbers<[1], [0], [0], [1], [0, 0, 1, 1], [], []>, transpose_lhs_hint = false} : vector<1x128xf32>, vector<128x128xf32>, vector<1x128xf32> -> vector<1x128xf32>
    %add3A_104 = vector.broadcast %dot_general3A_103 : vector<1x128xf32> to vector<1000x128xf32>
    %add3A_105 = arith.addf %add3A_101, %add3A_104 : vector<1000x128xf32>
    %gt3A_106 = arith.constant 0.000000e+00 : f32
    %gt3A_107 = vector.broadcast %gt3A_106 : f32 to vector<1000x128xf32>
    %gt3A_108 = arith.cmpf ogt, %add3A_105, %gt3A_107 : vector<1000x128xf32>
    %exp3A_109 = math.exp %add3A_105 : vector<1000x128xf32>
    %sub3A_110 = arith.constant 1.000000e+00 : f32
    %sub3A_111 = vector.broadcast %sub3A_110 : f32 to vector<1000x128xf32>
    %sub3A_112 = arith.subf %exp3A_109, %sub3A_111 : vector<1000x128xf32>
    %select_n3A_113 = arith.select %gt3A_108, %add3A_105, %sub3A_112 : vector<1000x128xi1>, vector<1000x128xf32>
    %add3A_114 = arith.addf %select_n3A_113, %add3A_13 : vector<1000x128xf32>
    %swap3A = arith.constant 0 : index
    %swap3A_115 = arith.constant 0 : index
    %swap3A_116 = vector.load %arg10[%swap3A, %swap3A_115] : memref<1000x128xf32, #tpu.memory_space<vmem>>, vector<1000x128xf32>
    tpu.vector_store %arg10[%swap3A, %swap3A_115], %add3A_114 {strides = array<i32>} : memref<1000x128xf32, #tpu.memory_space<vmem>>, vector<1000x128xf32>,
    %eq3A = arith.constant 0 : i32
    %eq3A_117 = arith.cmpi eq, %arg0, %eq3A : i32
    %convert_element_type3A = arith.extui %eq3A_117 : i1 to i32
    %cond3A = arith.constant 0 : i32
    %cond3A_118 = arith.cmpi ne, %convert_element_type3A, %cond3A : i32
    scf.if %cond3A_118 {
      %broadcast_in_dim3A_139 = arith.constant 0.000000e+00 : f32
      %broadcast_in_dim3A_140 = vector.broadcast %broadcast_in_dim3A_139 : f32 to vector<8x128xf32>
      %swap3A_141 = arith.constant 0 : index
      %swap3A_142 = arith.constant 0 : index
      %swap3A_143 = vector.load %arg11[%swap3A_141, %swap3A_142] : memref<8x128xf32, #tpu.memory_space<vmem>>, vector<8x128xf32>
      tpu.vector_store %arg11[%swap3A_141, %swap3A_142], %broadcast_in_dim3A_140 {strides = array<i32>} : memref<8x128xf32, #tpu.memory_space<vmem>>, vector<8x128xf32>,
    } else {
    }
    %broadcast_in_dim3A_119 = arith.constant 1.000000e+00 : f32
    %broadcast_in_dim3A_120 = vector.broadcast %broadcast_in_dim3A_119 : f32 to vector<1x1000xf32>
    %get3A_121 = arith.constant 0 : index
    %get3A_122 = arith.constant 0 : index
    %get3A_123 = vector.load %arg11[%get3A_121, %get3A_122] : memref<8x128xf32, #tpu.memory_space<vmem>>, vector<1x128xf32>
    %dot_general3A_124 = arith.constant dense<0.000000e+00> : vector<1x128xf32>
    %dot_general3A_125 = tpu.matmul %broadcast_in_dim3A_120, %add3A_114, %dot_general3A_124 {dimension_numbers = #tpu.dot_dimension_numbers<[1], [0], [0], [1], [0, 0, 1, 1], [], []>, transpose_lhs_hint = false} : vector<1x1000xf32>, vector<1000x128xf32>, vector<1x128xf32> -> vector<1x128xf32>
    %add3A_126 = arith.addf %get3A_123, %dot_general3A_125 : vector<1x128xf32>
    %swap3A_127 = arith.constant 0 : index
    %swap3A_128 = arith.constant 0 : index
    %swap3A_129 = vector.load %arg11[%swap3A_127, %swap3A_128] : memref<8x128xf32, #tpu.memory_space<vmem>>, vector<1x128xf32>
    tpu.vector_store %arg11[%swap3A_127, %swap3A_128], %add3A_126 {strides = array<i32>} : memref<8x128xf32, #tpu.memory_space<vmem>>, vector<1x128xf32>,
    %get3A_130 = arith.constant 1 : index
    %get3A_131 = arith.constant 0 : index
    %get3A_132 = vector.load %arg11[%get3A_130, %get3A_131] : memref<8x128xf32, #tpu.memory_space<vmem>>, vector<1x128xf32>
    %mul3A = arith.mulf %add3A_114, %add3A_114 : vector<1000x128xf32>
    %dot_general3A_133 = arith.constant dense<0.000000e+00> : vector<1x128xf32>
    %dot_general3A_134 = tpu.matmul %broadcast_in_dim3A_120, %mul3A, %dot_general3A_133 {dimension_numbers = #tpu.dot_dimension_numbers<[1], [0], [0], [1], [0, 0, 1, 1], [], []>, transpose_lhs_hint = false} : vector<1x1000xf32>, vector<1000x128xf32>, vector<1x128xf32> -> vector<1x128xf32>
    %add3A_135 = arith.addf %get3A_132, %dot_general3A_134 : vector<1x128xf32>
    %swap3A_136 = arith.constant 1 : index
    %swap3A_137 = arith.constant 0 : index
    %swap3A_138 = vector.load %arg11[%swap3A_136, %swap3A_137] : memref<8x128xf32, #tpu.memory_space<vmem>>, vector<1x128xf32>
    tpu.vector_store %arg11[%swap3A_136, %swap3A_137], %add3A_135 {strides = array<i32>} : memref<8x128xf32, #tpu.memory_space<vmem>>, vector<1x128xf32>,
    return
  }
  func.func @transform_0(%arg0: i32) -> (i32, i32) {
    %c0_i32 = arith.constant 0 : i32
    %c0_i32_0 = arith.constant 0 : i32
    return %arg0, %c0_i32 : i32, i32
  }
  func.func @transform_1(%arg0: i32) -> (i32, i32) {
    %add3A = arith.constant 0 : i32
    %add3A_0 = arith.addi %arg0, %add3A : i32
    %c0_i32 = arith.constant 0 : i32
    %c0_i32_1 = arith.constant 0 : i32
    return %add3A_0, %c0_i32 : i32, i32
  }
  func.func @transform_2(%arg0: i32) -> (i32, i32) {
    %c0_i32 = arith.constant 0 : i32
    %c0_i32_0 = arith.constant 0 : i32
    %c0_i32_1 = arith.constant 0 : i32
    return %c0_i32, %c0_i32_0 : i32, i32
  }
  func.func @transform_3(%arg0: i32) -> (i32, i32) {
    %c0_i32 = arith.constant 0 : i32
    %c0_i32_0 = arith.constant 0 : i32
    %c0_i32_1 = arith.constant 0 : i32
    return %c0_i32, %c0_i32_0 : i32, i32
  }
  func.func @transform_4(%arg0: i32) -> (i32, i32, i32) {
    %c0_i32 = arith.constant 0 : i32
    %c0_i32_0 = arith.constant 0 : i32
    %c0_i32_1 = arith.constant 0 : i32
    %c0_i32_2 = arith.constant 0 : i32
    return %c0_i32, %c0_i32_0, %c0_i32_1 : i32, i32, i32
  }
  func.func @transform_5(%arg0: i32) -> (i32, i32) {
    %c0_i32 = arith.constant 0 : i32
    %c0_i32_0 = arith.constant 0 : i32
    %c0_i32_1 = arith.constant 0 : i32
    return %c0_i32, %c0_i32_0 : i32, i32
  }
  func.func @transform_6(%arg0: i32) -> (i32, i32) {
    %c0_i32 = arith.constant 0 : i32
    %c0_i32_0 = arith.constant 0 : i32
    %c0_i32_1 = arith.constant 0 : i32
    return %c0_i32, %c0_i32_0 : i32, i32
  }
  func.func @transform_7(%arg0: i32) -> (i32, i32) {
    %c0_i32 = arith.constant 0 : i32
    %c0_i32_0 = arith.constant 0 : i32
    %c0_i32_1 = arith.constant 0 : i32
    return %c0_i32, %c0_i32_0 : i32, i32
  }
  func.func @transform_8(%arg0: i32) -> (i32, i32) {
    %c0_i32 = arith.constant 0 : i32
    %c0_i32_0 = arith.constant 0 : i32
    %c0_i32_1 = arith.constant 0 : i32
    return %c0_i32, %c0_i32_0 : i32, i32
  }
  func.func @transform_9(%arg0: i32) -> (i32, i32) {
    %c0_i32 = arith.constant 0 : i32
    %c0_i32_0 = arith.constant 0 : i32
    return %arg0, %c0_i32 : i32, i32
  }
  func.func @transform_10(%arg0: i32) -> (i32, i32) {
    %c0_i32 = arith.constant 0 : i32
    %c0_i32_0 = arith.constant 0 : i32
    %c0_i32_1 = arith.constant 0 : i32
    return %c0_i32, %c0_i32_0 : i32, i32
  }
}

module attributes {stable_mosaic.version = 14 : i64} {
  func.func @_layer_ab0_body(%arg0: i32, %arg1: memref<9008x128xf32, #tpu.memory_space<vmem>>, %arg2: memref<1000x128xf32, #tpu.memory_space<vmem>>, %arg3: memref<128x128xf32, #tpu.memory_space<vmem>>, %arg4: memref<1x128xf32, #tpu.memory_space<vmem>>, %arg5: memref<3x128x128xf32, #tpu.memory_space<vmem>>, %arg6: memref<1x128xf32, #tpu.memory_space<vmem>>, %arg7: memref<128x128xf32, #tpu.memory_space<vmem>>, %arg8: memref<128x128xf32, #tpu.memory_space<vmem>>, %arg9: memref<1x128xf32, #tpu.memory_space<vmem>>, %arg10: memref<1000x128xf32, #tpu.memory_space<vmem>>, %arg11: memref<8x128xf32, #tpu.memory_space<vmem>>, %arg12: memref<1x128xf32, #tpu.memory_space<vmem>>, %arg13: memref<1x128xf32, #tpu.memory_space<vmem>>, %arg14: memref<128x128xf32, #tpu.memory_space<vmem>>, %arg15: memref<1x128xf32, #tpu.memory_space<vmem>>, %arg16: memref<128x128xf32, #tpu.memory_space<vmem>>, %arg17: memref<1x128xf32, #tpu.memory_space<vmem>>, %arg18: memref<1000x128xf32, #tpu.memory_space<vmem>>, %arg19: memref<8x128xf32, #tpu.memory_space<vmem>>, %arg20: memref<5000x128xf32, #tpu.memory_space<vmem>>, %arg21: memref<8x128xf32, #tpu.memory_space<vmem>>) attributes {dimension_semantics = [#tpu.dimension_semantics<arbitrary>], iteration_bounds = array<i64: 15>, scalar_prefetch = 0 : i64, scratch_operands = 2 : i64, tpu.core_type = #tpu.core_type<tc>, window_params = [{transform_indices = @transform_0, window_bounds = array<i64: 9008, 128>}, {transform_indices = @transform_1, window_bounds = array<i64: 1000, 128>}, {pipeline_mode = #tpu.pipeline_mode<synchronous>, transform_indices = @transform_2, window_bounds = array<i64: 128, 128>}, {pipeline_mode = #tpu.pipeline_mode<synchronous>, transform_indices = @transform_3, window_bounds = array<i64: 1, 128>}, {pipeline_mode = #tpu.pipeline_mode<synchronous>, transform_indices = @transform_4, window_bounds = array<i64: 3, 128, 128>}, {pipeline_mode = #tpu.pipeline_mode<synchronous>, transform_indices = @transform_5, window_bounds = array<i64: 1, 128>}, {pipeline_mode = #tpu.pipeline_mode<synchronous>, transform_indices = @transform_6, window_bounds = array<i64: 128, 128>}, {pipeline_mode = #tpu.pipeline_mode<synchronous>, transform_indices = @transform_7, window_bounds = array<i64: 128, 128>}, {pipeline_mode = #tpu.pipeline_mode<synchronous>, transform_indices = @transform_8, window_bounds = array<i64: 1, 128>}, {transform_indices = @transform_9, window_bounds = array<i64: 1000, 128>}, {pipeline_mode = #tpu.pipeline_mode<synchronous>, transform_indices = @transform_10, window_bounds = array<i64: 8, 128>}, {pipeline_mode = #tpu.pipeline_mode<synchronous>, transform_indices = @transform_11, window_bounds = array<i64: 1, 128>}, {pipeline_mode = #tpu.pipeline_mode<synchronous>, transform_indices = @transform_12, window_bounds = array<i64: 1, 128>}, {pipeline_mode = #tpu.pipeline_mode<synchronous>, transform_indices = @transform_13, window_bounds = array<i64: 128, 128>}, {pipeline_mode = #tpu.pipeline_mode<synchronous>, transform_indices = @transform_14, window_bounds = array<i64: 1, 128>}, {pipeline_mode = #tpu.pipeline_mode<synchronous>, transform_indices = @transform_15, window_bounds = array<i64: 128, 128>}, {pipeline_mode = #tpu.pipeline_mode<synchronous>, transform_indices = @transform_16, window_bounds = array<i64: 1, 128>}, {transform_indices = @transform_17, window_bounds = array<i64: 1000, 128>}, {pipeline_mode = #tpu.pipeline_mode<synchronous>, transform_indices = @transform_18, window_bounds = array<i64: 8, 128>}]} {
    %lt3A = arith.constant 5 : i32
    %lt3A_0 = arith.cmpi slt, %arg0, %lt3A : i32
    %convert_element_type3A = arith.extui %lt3A_0 : i1 to i32
    %cond3A = arith.constant 0 : i32
    %cond3A_1 = arith.cmpi ne, %convert_element_type3A, %cond3A : i32
    scf.if %cond3A_1 {
      %get3A = arith.constant 0 : index
      %get3A_6 = arith.constant 0 : index
      %get3A_7 = vector.load %arg3[%get3A, %get3A_6] : memref<128x128xf32, #tpu.memory_space<vmem>>, vector<128x128xf32>
      %get3A_8 = arith.constant 0 : index
      %get3A_9 = arith.constant 0 : index
      %get3A_10 = vector.load %arg4[%get3A_8, %get3A_9] : memref<1x128xf32, #tpu.memory_space<vmem>>, vector<1x128xf32>
      %get3A_11 = arith.constant 0 : index
      %get3A_12 = arith.constant 0 : index
      %get3A_13 = vector.load %arg1[%get3A_11, %get3A_12] : memref<9008x128xf32, #tpu.memory_space<vmem>>, vector<9008x128xf32>
      %slice3A = vector.extract_strided_slice %get3A_13 {offsets = [0, 0], sizes = [8000, 128], strides = [1, 1]} : vector<9008x128xf32> to vector<8000x128xf32>
      %slice3A_14 = vector.extract_strided_slice %get3A_13 {offsets = [8000, 0], sizes = [1000, 128], strides = [1, 1]} : vector<9008x128xf32> to vector<1000x128xf32>
      %get3A_15 = arith.constant 0 : index
      %get3A_16 = arith.constant 0 : index
      %get3A_17 = vector.load %arg2[%get3A_15, %get3A_16] : memref<1000x128xf32, #tpu.memory_space<vmem>>, vector<1000x128xf32>
      %dot_general3A = arith.constant dense<0.000000e+00> : vector<1000x128xf32>
      %dot_general3A_18 = tpu.matmul %get3A_17, %get3A_7, %dot_general3A {dimension_numbers = #tpu.dot_dimension_numbers<[1], [0], [0], [1], [0, 0, 1, 1], [], []>, transpose_lhs_hint = false} : vector<1000x128xf32>, vector<128x128xf32>, vector<1000x128xf32> -> vector<1000x128xf32>
      %add3A = vector.broadcast %get3A_10 : vector<1x128xf32> to vector<1000x128xf32>
      %add3A_19 = arith.addf %dot_general3A_18, %add3A : vector<1000x128xf32>
      %get3A_20 = arith.constant 0 : index
      %get3A_21 = arith.constant 0 : index
      %get3A_22 = arith.constant 0 : index
      %get3A_23 = vector.load %arg5[%get3A_20, %get3A_21, %get3A_22] : memref<3x128x128xf32, #tpu.memory_space<vmem>>, vector<1x128x128xf32>
      %get3A_24 = vector.shape_cast %get3A_23 : vector<1x128x128xf32> to vector<128x128xf32>
      %get3A_25 = arith.constant 1 : index
      %get3A_26 = arith.constant 0 : index
      %get3A_27 = arith.constant 0 : index
      %get3A_28 = vector.load %arg5[%get3A_25, %get3A_26, %get3A_27] : memref<3x128x128xf32, #tpu.memory_space<vmem>>, vector<1x128x128xf32>
      %get3A_29 = vector.shape_cast %get3A_28 : vector<1x128x128xf32> to vector<128x128xf32>
      %add3A_30 = arith.addf %get3A_24, %get3A_29 : vector<128x128xf32>
      %get3A_31 = arith.constant 2 : index
      %get3A_32 = arith.constant 0 : index
      %get3A_33 = arith.constant 0 : index
      %get3A_34 = vector.load %arg5[%get3A_31, %get3A_32, %get3A_33] : memref<3x128x128xf32, #tpu.memory_space<vmem>>, vector<1x128x128xf32>
      %get3A_35 = vector.shape_cast %get3A_34 : vector<1x128x128xf32> to vector<128x128xf32>
      %add3A_36 = arith.addf %add3A_30, %get3A_35 : vector<128x128xf32>
      %get3A_37 = arith.constant 0 : index
      %get3A_38 = arith.constant 0 : index
      %get3A_39 = vector.load %arg6[%get3A_37, %get3A_38] : memref<1x128xf32, #tpu.memory_space<vmem>>, vector<1x128xf32>
      %dot_general3A_40 = arith.constant dense<0.000000e+00> : vector<1x128xf32>
      %dot_general3A_41 = tpu.matmul %get3A_10, %add3A_36, %dot_general3A_40 {dimension_numbers = #tpu.dot_dimension_numbers<[1], [0], [0], [1], [0, 0, 1, 1], [], []>, transpose_lhs_hint = false} : vector<1x128xf32>, vector<128x128xf32>, vector<1x128xf32> -> vector<1x128xf32>
      %add3A_42 = arith.addf %get3A_39, %dot_general3A_41 : vector<1x128xf32>
      %broadcast_in_dim3A = arith.constant 0.000000e+00 : f32
      %broadcast_in_dim3A_43 = vector.broadcast %broadcast_in_dim3A : f32 to vector<1000x8x128xf32>
      %get3A_44 = arith.constant 0 : index
      %get3A_45 = arith.constant 0 : index
      %get3A_46 = arith.constant 0 : index
      %get3A_47 = vector.load %arg5[%get3A_44, %get3A_45, %get3A_46] : memref<3x128x128xf32, #tpu.memory_space<vmem>>, vector<1x128x128xf32>
      %get3A_48 = vector.shape_cast %get3A_47 : vector<1x128x128xf32> to vector<128x128xf32>
      %dot_general3A_49 = arith.constant dense<0.000000e+00> : vector<128x128xf32>
      %dot_general3A_50 = tpu.matmul %get3A_7, %get3A_48, %dot_general3A_49 {dimension_numbers = #tpu.dot_dimension_numbers<[1], [0], [0], [1], [0, 0, 1, 1], [], []>, transpose_lhs_hint = false} : vector<128x128xf32>, vector<128x128xf32>, vector<128x128xf32> -> vector<128x128xf32>
      %dot_general3A_51 = arith.constant dense<0.000000e+00> : vector<8000x128xf32>
      %dot_general3A_52 = tpu.matmul %slice3A, %dot_general3A_50, %dot_general3A_51 {dimension_numbers = #tpu.dot_dimension_numbers<[1], [0], [0], [1], [0, 0, 1, 1], [], []>, transpose_lhs_hint = false} : vector<8000x128xf32>, vector<128x128xf32>, vector<8000x128xf32> -> vector<8000x128xf32>
      %reshape3A = vector.shape_cast %dot_general3A_52 : vector<8000x128xf32> to vector<1000x8x128xf32>
      %add3A_53 = arith.addf %broadcast_in_dim3A_43, %reshape3A : vector<1000x8x128xf32>
      %get3A_54 = arith.constant 1 : index
      %get3A_55 = arith.constant 0 : index
      %get3A_56 = arith.constant 0 : index
      %get3A_57 = vector.load %arg5[%get3A_54, %get3A_55, %get3A_56] : memref<3x128x128xf32, #tpu.memory_space<vmem>>, vector<1x128x128xf32>
      %get3A_58 = vector.shape_cast %get3A_57 : vector<1x128x128xf32> to vector<128x128xf32>
      %dot_general3A_59 = arith.constant dense<0.000000e+00> : vector<128x128xf32>
      %dot_general3A_60 = tpu.matmul %get3A_7, %get3A_58, %dot_general3A_59 {dimension_numbers = #tpu.dot_dimension_numbers<[1], [0], [0], [1], [0, 0, 1, 1], [], []>, transpose_lhs_hint = false} : vector<128x128xf32>, vector<128x128xf32>, vector<128x128xf32> -> vector<128x128xf32>
      %dot_general3A_61 = arith.constant dense<0.000000e+00> : vector<8000x128xf32>
      %dot_general3A_62 = tpu.matmul %slice3A, %dot_general3A_60, %dot_general3A_61 {dimension_numbers = #tpu.dot_dimension_numbers<[1], [0], [0], [1], [0, 0, 1, 1], [], []>, transpose_lhs_hint = false} : vector<8000x128xf32>, vector<128x128xf32>, vector<8000x128xf32> -> vector<8000x128xf32>
      %reshape3A_63 = vector.shape_cast %dot_general3A_62 : vector<8000x128xf32> to vector<1000x8x128xf32>
      %slice3A_64 = vector.extract_strided_slice %reshape3A_63 {offsets = [0, 1, 0], sizes = [1000, 7, 128], strides = [1, 1, 1]} : vector<1000x8x128xf32> to vector<1000x7x128xf32>
      %slice3A_65 = vector.extract_strided_slice %reshape3A_63 {offsets = [0, 0, 0], sizes = [1000, 1, 128], strides = [1, 1, 1]} : vector<1000x8x128xf32> to vector<1000x1x128xf32>
      %concatenate3A = tpu.concatenate %slice3A_64, %slice3A_65 in 1 : vector<1000x7x128xf32>, vector<1000x1x128xf32> -> vector<1000x8x128xf32>
      %add3A_66 = arith.addf %add3A_53, %concatenate3A : vector<1000x8x128xf32>
      %get3A_67 = arith.constant 2 : index
      %get3A_68 = arith.constant 0 : index
      %get3A_69 = arith.constant 0 : index
      %get3A_70 = vector.load %arg5[%get3A_67, %get3A_68, %get3A_69] : memref<3x128x128xf32, #tpu.memory_space<vmem>>, vector<1x128x128xf32>
      %get3A_71 = vector.shape_cast %get3A_70 : vector<1x128x128xf32> to vector<128x128xf32>
      %dot_general3A_72 = arith.constant dense<0.000000e+00> : vector<128x128xf32>
      %dot_general3A_73 = tpu.matmul %get3A_7, %get3A_71, %dot_general3A_72 {dimension_numbers = #tpu.dot_dimension_numbers<[1], [0], [0], [1], [0, 0, 1, 1], [], []>, transpose_lhs_hint = false} : vector<128x128xf32>, vector<128x128xf32>, vector<128x128xf32> -> vector<128x128xf32>
      %dot_general3A_74 = arith.constant dense<0.000000e+00> : vector<8000x128xf32>
      %dot_general3A_75 = tpu.matmul %slice3A, %dot_general3A_73, %dot_general3A_74 {dimension_numbers = #tpu.dot_dimension_numbers<[1], [0], [0], [1], [0, 0, 1, 1], [], []>, transpose_lhs_hint = false} : vector<8000x128xf32>, vector<128x128xf32>, vector<8000x128xf32> -> vector<8000x128xf32>
      %reshape3A_76 = vector.shape_cast %dot_general3A_75 : vector<8000x128xf32> to vector<1000x8x128xf32>
      %slice3A_77 = vector.extract_strided_slice %reshape3A_76 {offsets = [0, 2, 0], sizes = [1000, 6, 128], strides = [1, 1, 1]} : vector<1000x8x128xf32> to vector<1000x6x128xf32>
      %slice3A_78 = vector.extract_strided_slice %reshape3A_76 {offsets = [0, 0, 0], sizes = [1000, 2, 128], strides = [1, 1, 1]} : vector<1000x8x128xf32> to vector<1000x2x128xf32>
      %concatenate3A_79 = tpu.concatenate %slice3A_77, %slice3A_78 in 1 : vector<1000x6x128xf32>, vector<1000x2x128xf32> -> vector<1000x8x128xf32>
      %add3A_80 = arith.addf %add3A_66, %concatenate3A_79 : vector<1000x8x128xf32>
      %reshape3A_81 = vector.shape_cast %add3A_42 : vector<1x128xf32> to vector<1x1x128xf32>
      %add3A_82 = vector.broadcast %reshape3A_81 : vector<1x1x128xf32> to vector<1000x8x128xf32>
      %add3A_83 = arith.addf %add3A_80, %add3A_82 : vector<1000x8x128xf32>
      %gt3A = arith.constant 0.000000e+00 : f32
      %gt3A_84 = vector.broadcast %gt3A : f32 to vector<1000x8x128xf32>
      %gt3A_85 = arith.cmpf ogt, %add3A_83, %gt3A_84 : vector<1000x8x128xf32>
      %exp3A = math.exp %add3A_83 : vector<1000x8x128xf32>
      %sub3A = arith.constant 1.000000e+00 : f32
      %sub3A_86 = vector.broadcast %sub3A : f32 to vector<1000x8x128xf32>
      %sub3A_87 = arith.subf %exp3A, %sub3A_86 : vector<1000x8x128xf32>
      %select_n3A = arith.select %gt3A_85, %add3A_83, %sub3A_87 : vector<1000x8x128xi1>, vector<1000x8x128xf32>
      %reduce_sum3A = arith.constant dense<0.000000e+00> : vector<1000x128xf32>
      %reduce_sum3A_88 = vector.multi_reduction <add>, %select_n3A, %reduce_sum3A [1] : vector<1000x8x128xf32> to vector<1000x128xf32>
      %get3A_89 = arith.constant 0 : index
      %get3A_90 = arith.constant 0 : index
      %get3A_91 = vector.load %arg8[%get3A_89, %get3A_90] : memref<128x128xf32, #tpu.memory_space<vmem>>, vector<128x128xf32>
      %dot_general3A_92 = arith.constant dense<0.000000e+00> : vector<128x128xf32>
      %dot_general3A_93 = tpu.matmul %get3A_7, %get3A_91, %dot_general3A_92 {dimension_numbers = #tpu.dot_dimension_numbers<[1], [0], [0], [1], [0, 0, 1, 1], [], []>, transpose_lhs_hint = false} : vector<128x128xf32>, vector<128x128xf32>, vector<128x128xf32> -> vector<128x128xf32>
      %get3A_94 = arith.constant 0 : index
      %get3A_95 = arith.constant 0 : index
      %get3A_96 = vector.load %arg7[%get3A_94, %get3A_95] : memref<128x128xf32, #tpu.memory_space<vmem>>, vector<128x128xf32>
      %dot_general3A_97 = arith.constant dense<0.000000e+00> : vector<1000x128xf32>
      %dot_general3A_98 = tpu.matmul %add3A_19, %get3A_96, %dot_general3A_97 {dimension_numbers = #tpu.dot_dimension_numbers<[1], [0], [0], [1], [0, 0, 1, 1], [], []>, transpose_lhs_hint = false} : vector<1000x128xf32>, vector<128x128xf32>, vector<1000x128xf32> -> vector<1000x128xf32>
      %add3A_99 = arith.addf %reduce_sum3A_88, %dot_general3A_98 : vector<1000x128xf32>
      %dot_general3A_100 = arith.constant dense<0.000000e+00> : vector<1000x128xf32>
      %dot_general3A_101 = tpu.matmul %slice3A_14, %dot_general3A_93, %dot_general3A_100 {dimension_numbers = #tpu.dot_dimension_numbers<[1], [0], [0], [1], [0, 0, 1, 1], [], []>, transpose_lhs_hint = false} : vector<1000x128xf32>, vector<128x128xf32>, vector<1000x128xf32> -> vector<1000x128xf32>
      %add3A_102 = arith.addf %add3A_99, %dot_general3A_101 : vector<1000x128xf32>
      %get3A_103 = arith.constant 0 : index
      %get3A_104 = arith.constant 0 : index
      %get3A_105 = vector.load %arg9[%get3A_103, %get3A_104] : memref<1x128xf32, #tpu.memory_space<vmem>>, vector<1x128xf32>
      %add3A_106 = vector.broadcast %get3A_105 : vector<1x128xf32> to vector<1000x128xf32>
      %add3A_107 = arith.addf %add3A_102, %add3A_106 : vector<1000x128xf32>
      %dot_general3A_108 = arith.constant dense<0.000000e+00> : vector<1x128xf32>
      %dot_general3A_109 = tpu.matmul %get3A_10, %get3A_91, %dot_general3A_108 {dimension_numbers = #tpu.dot_dimension_numbers<[1], [0], [0], [1], [0, 0, 1, 1], [], []>, transpose_lhs_hint = false} : vector<1x128xf32>, vector<128x128xf32>, vector<1x128xf32> -> vector<1x128xf32>
      %add3A_110 = vector.broadcast %dot_general3A_109 : vector<1x128xf32> to vector<1000x128xf32>
      %add3A_111 = arith.addf %add3A_107, %add3A_110 : vector<1000x128xf32>
      %gt3A_112 = arith.constant 0.000000e+00 : f32
      %gt3A_113 = vector.broadcast %gt3A_112 : f32 to vector<1000x128xf32>
      %gt3A_114 = arith.cmpf ogt, %add3A_111, %gt3A_113 : vector<1000x128xf32>
      %exp3A_115 = math.exp %add3A_111 : vector<1000x128xf32>
      %sub3A_116 = arith.constant 1.000000e+00 : f32
      %sub3A_117 = vector.broadcast %sub3A_116 : f32 to vector<1000x128xf32>
      %sub3A_118 = arith.subf %exp3A_115, %sub3A_117 : vector<1000x128xf32>
      %select_n3A_119 = arith.select %gt3A_114, %add3A_111, %sub3A_118 : vector<1000x128xi1>, vector<1000x128xf32>
      %add3A_120 = arith.addf %select_n3A_119, %add3A_19 : vector<1000x128xf32>
      %mul3A = arith.constant 1000 : i32
      %mul3A_121 = arith.muli %arg0, %mul3A : i32
      %multiple_of3A = tpu.assume_multiple %mul3A_121, 1000 : i32
      %swap3A = arith.index_cast %multiple_of3A : i32 to index
      %swap3A_122 = arith.constant 0 : index
      %swap3A_123 = vector.load %arg20[%swap3A, %swap3A_122] : memref<5000x128xf32, #tpu.memory_space<vmem>>, vector<1000x128xf32>
      tpu.vector_store %arg20[%swap3A, %swap3A_122], %add3A_120 {strides = array<i32>} : memref<5000x128xf32, #tpu.memory_space<vmem>>, vector<1000x128xf32>,
      %eq3A = arith.constant 0 : i32
      %eq3A_124 = arith.cmpi eq, %arg0, %eq3A : i32
      %convert_element_type3A_125 = arith.extui %eq3A_124 : i1 to i32
      %cond3A_126 = arith.constant 0 : i32
      %cond3A_127 = arith.cmpi ne, %convert_element_type3A_125, %cond3A_126 : i32
      scf.if %cond3A_127 {
        %broadcast_in_dim3A_149 = arith.constant 0.000000e+00 : f32
        %broadcast_in_dim3A_150 = vector.broadcast %broadcast_in_dim3A_149 : f32 to vector<8x128xf32>
        %swap3A_151 = arith.constant 0 : index
        %swap3A_152 = arith.constant 0 : index
        %swap3A_153 = vector.load %arg21[%swap3A_151, %swap3A_152] : memref<8x128xf32, #tpu.memory_space<vmem>>, vector<8x128xf32>
        tpu.vector_store %arg21[%swap3A_151, %swap3A_152], %broadcast_in_dim3A_150 {strides = array<i32>} : memref<8x128xf32, #tpu.memory_space<vmem>>, vector<8x128xf32>,
      } else {
      }
      %broadcast_in_dim3A_128 = arith.constant 1.000000e+00 : f32
      %broadcast_in_dim3A_129 = vector.broadcast %broadcast_in_dim3A_128 : f32 to vector<1x1000xf32>
      %get3A_130 = arith.constant 0 : index
      %get3A_131 = arith.constant 0 : index
      %get3A_132 = vector.load %arg21[%get3A_130, %get3A_131] : memref<8x128xf32, #tpu.memory_space<vmem>>, vector<1x128xf32>
      %dot_general3A_133 = arith.constant dense<0.000000e+00> : vector<1x128xf32>
      %dot_general3A_134 = tpu.matmul %broadcast_in_dim3A_129, %add3A_120, %dot_general3A_133 {dimension_numbers = #tpu.dot_dimension_numbers<[1], [0], [0], [1], [0, 0, 1, 1], [], []>, transpose_lhs_hint = false} : vector<1x1000xf32>, vector<1000x128xf32>, vector<1x128xf32> -> vector<1x128xf32>
      %add3A_135 = arith.addf %get3A_132, %dot_general3A_134 : vector<1x128xf32>
      %swap3A_136 = arith.constant 0 : index
      %swap3A_137 = arith.constant 0 : index
      %swap3A_138 = vector.load %arg21[%swap3A_136, %swap3A_137] : memref<8x128xf32, #tpu.memory_space<vmem>>, vector<1x128xf32>
      tpu.vector_store %arg21[%swap3A_136, %swap3A_137], %add3A_135 {strides = array<i32>} : memref<8x128xf32, #tpu.memory_space<vmem>>, vector<1x128xf32>,
      %get3A_139 = arith.constant 1 : index
      %get3A_140 = arith.constant 0 : index
      %get3A_141 = vector.load %arg21[%get3A_139, %get3A_140] : memref<8x128xf32, #tpu.memory_space<vmem>>, vector<1x128xf32>
      %mul3A_142 = arith.mulf %add3A_120, %add3A_120 : vector<1000x128xf32>
      %dot_general3A_143 = arith.constant dense<0.000000e+00> : vector<1x128xf32>
      %dot_general3A_144 = tpu.matmul %broadcast_in_dim3A_129, %mul3A_142, %dot_general3A_143 {dimension_numbers = #tpu.dot_dimension_numbers<[1], [0], [0], [1], [0, 0, 1, 1], [], []>, transpose_lhs_hint = false} : vector<1x1000xf32>, vector<1000x128xf32>, vector<1x128xf32> -> vector<1x128xf32>
      %add3A_145 = arith.addf %get3A_141, %dot_general3A_144 : vector<1x128xf32>
      %swap3A_146 = arith.constant 1 : index
      %swap3A_147 = arith.constant 0 : index
      %swap3A_148 = vector.load %arg21[%swap3A_146, %swap3A_147] : memref<8x128xf32, #tpu.memory_space<vmem>>, vector<1x128xf32>
      tpu.vector_store %arg21[%swap3A_146, %swap3A_147], %add3A_145 {strides = array<i32>} : memref<8x128xf32, #tpu.memory_space<vmem>>, vector<1x128xf32>,
    } else {
    }
    %ge3A = arith.constant 5 : i32
    %ge3A_2 = arith.cmpi sge, %arg0, %ge3A : i32
    %convert_element_type3A_3 = arith.extui %ge3A_2 : i1 to i32
    %cond3A_4 = arith.constant 0 : i32
    %cond3A_5 = arith.cmpi ne, %convert_element_type3A_3, %cond3A_4 : i32
    scf.if %cond3A_5 {
      %sub3A = arith.constant 10 : i32
      %sub3A_6 = arith.subi %arg0, %sub3A : i32
      %max3A = arith.constant 0 : i32
      %max3A_7 = arith.maxsi %sub3A_6, %max3A : i32
      %mul3A = arith.constant 1000 : i32
      %mul3A_8 = arith.muli %max3A_7, %mul3A : i32
      %multiple_of3A = tpu.assume_multiple %mul3A_8, 1000 : i32
      %get3A = arith.index_cast %multiple_of3A : i32 to index
      %get3A_9 = arith.constant 0 : index
      %get3A_10 = vector.load %arg20[%get3A, %get3A_9] : memref<5000x128xf32, #tpu.memory_space<vmem>>, vector<1000x128xf32>
      %lt3A_11 = arith.constant 10 : i32
      %lt3A_12 = arith.cmpi slt, %arg0, %lt3A_11 : i32
      %get3A_13 = arith.constant 0 : index
      %get3A_14 = arith.constant 0 : index
      %get3A_15 = vector.load %arg10[%get3A_13, %get3A_14] : memref<1000x128xf32, #tpu.memory_space<vmem>>, vector<1000x128xf32>
      %select_n3A = arith.select %lt3A_12, %get3A_15, %get3A_10 : vector<1000x128xf32>
      %get3A_16 = arith.constant 0 : index
      %get3A_17 = arith.constant 0 : index
      %get3A_18 = vector.load %arg11[%get3A_16, %get3A_17] : memref<8x128xf32, #tpu.memory_space<vmem>>, vector<8x128xf32>
      %get3A_19 = arith.constant 0 : index
      %get3A_20 = arith.constant 0 : index
      %get3A_21 = vector.load %arg21[%get3A_19, %get3A_20] : memref<8x128xf32, #tpu.memory_space<vmem>>, vector<8x128xf32>
      %add3A = arith.addf %get3A_18, %get3A_21 : vector<8x128xf32>
      %slice3A = vector.extract_strided_slice %add3A {offsets = [0, 0], sizes = [1, 128], strides = [1, 1]} : vector<8x128xf32> to vector<1x128xf32>
      %mul3A_22 = arith.constant 9.99999974E-5 : f32
      %mul3A_23 = vector.broadcast %mul3A_22 : f32 to vector<1x128xf32>
      %mul3A_24 = arith.mulf %slice3A, %mul3A_23 : vector<1x128xf32>
      %slice3A_25 = vector.extract_strided_slice %add3A {offsets = [1, 0], sizes = [1, 128], strides = [1, 1]} : vector<8x128xf32> to vector<1x128xf32>
      %mul3A_26 = arith.constant 9.99999974E-5 : f32
      %mul3A_27 = vector.broadcast %mul3A_26 : f32 to vector<1x128xf32>
      %mul3A_28 = arith.mulf %slice3A_25, %mul3A_27 : vector<1x128xf32>
      %mul3A_29 = arith.mulf %mul3A_24, %mul3A_24 : vector<1x128xf32>
      %sub3A_30 = arith.subf %mul3A_28, %mul3A_29 : vector<1x128xf32>
      %add3A_31 = arith.constant 9.99999974E-6 : f32
      %add3A_32 = vector.broadcast %add3A_31 : f32 to vector<1x128xf32>
      %add3A_33 = arith.addf %sub3A_30, %add3A_32 : vector<1x128xf32>
      %rsqrt3A = math.rsqrt %add3A_33 : vector<1x128xf32>
      %get3A_34 = arith.constant 0 : index
      %get3A_35 = arith.constant 0 : index
      %get3A_36 = vector.load %arg12[%get3A_34, %get3A_35] : memref<1x128xf32, #tpu.memory_space<vmem>>, vector<1x128xf32>
      %mul3A_37 = arith.mulf %rsqrt3A, %get3A_36 : vector<1x128xf32>
      %get3A_38 = arith.constant 0 : index
      %get3A_39 = arith.constant 0 : index
      %get3A_40 = vector.load %arg13[%get3A_38, %get3A_39] : memref<1x128xf32, #tpu.memory_space<vmem>>, vector<1x128xf32>
      %mul3A_41 = arith.mulf %mul3A_24, %mul3A_37 : vector<1x128xf32>
      %sub3A_42 = arith.subf %get3A_40, %mul3A_41 : vector<1x128xf32>
      %mul3A_43 = vector.broadcast %mul3A_37 : vector<1x128xf32> to vector<1000x128xf32>
      %mul3A_44 = arith.mulf %select_n3A, %mul3A_43 : vector<1000x128xf32>
      %add3A_45 = vector.broadcast %sub3A_42 : vector<1x128xf32> to vector<1000x128xf32>
      %add3A_46 = arith.addf %mul3A_44, %add3A_45 : vector<1000x128xf32>
      %get3A_47 = arith.constant 0 : index
      %get3A_48 = arith.constant 0 : index
      %get3A_49 = vector.load %arg14[%get3A_47, %get3A_48] : memref<128x128xf32, #tpu.memory_space<vmem>>, vector<128x128xf32>
      %dot_general3A = arith.constant dense<0.000000e+00> : vector<1000x128xf32>
      %dot_general3A_50 = tpu.matmul %add3A_46, %get3A_49, %dot_general3A {dimension_numbers = #tpu.dot_dimension_numbers<[1], [0], [0], [1], [0, 0, 1, 1], [], []>, transpose_lhs_hint = false} : vector<1000x128xf32>, vector<128x128xf32>, vector<1000x128xf32> -> vector<1000x128xf32>
      %get3A_51 = arith.constant 0 : index
      %get3A_52 = arith.constant 0 : index
      %get3A_53 = vector.load %arg15[%get3A_51, %get3A_52] : memref<1x128xf32, #tpu.memory_space<vmem>>, vector<1x128xf32>
      %add3A_54 = vector.broadcast %get3A_53 : vector<1x128xf32> to vector<1000x128xf32>
      %add3A_55 = arith.addf %dot_general3A_50, %add3A_54 : vector<1000x128xf32>
      %max3A_56 = arith.constant 0.000000e+00 : f32
      %max3A_57 = vector.broadcast %max3A_56 : f32 to vector<1000x128xf32>
      %max3A_58 = arith.maximumf %add3A_55, %max3A_57 : vector<1000x128xf32>
      %get3A_59 = arith.constant 0 : index
      %get3A_60 = arith.constant 0 : index
      %get3A_61 = vector.load %arg16[%get3A_59, %get3A_60] : memref<128x128xf32, #tpu.memory_space<vmem>>, vector<128x128xf32>
      %dot_general3A_62 = arith.constant dense<0.000000e+00> : vector<1000x128xf32>
      %dot_general3A_63 = tpu.matmul %max3A_58, %get3A_61, %dot_general3A_62 {dimension_numbers = #tpu.dot_dimension_numbers<[1], [0], [0], [1], [0, 0, 1, 1], [], []>, transpose_lhs_hint = false} : vector<1000x128xf32>, vector<128x128xf32>, vector<1000x128xf32> -> vector<1000x128xf32>
      %get3A_64 = arith.constant 0 : index
      %get3A_65 = arith.constant 0 : index
      %get3A_66 = vector.load %arg17[%get3A_64, %get3A_65] : memref<1x128xf32, #tpu.memory_space<vmem>>, vector<1x128xf32>
      %add3A_67 = vector.broadcast %get3A_66 : vector<1x128xf32> to vector<1000x128xf32>
      %add3A_68 = arith.addf %dot_general3A_63, %add3A_67 : vector<1000x128xf32>
      %add3A_69 = arith.addf %add3A_46, %add3A_68 : vector<1000x128xf32>
      %swap3A = arith.constant 0 : index
      %swap3A_70 = arith.constant 0 : index
      %swap3A_71 = vector.load %arg18[%swap3A, %swap3A_70] : memref<1000x128xf32, #tpu.memory_space<vmem>>, vector<1000x128xf32>
      tpu.vector_store %arg18[%swap3A, %swap3A_70], %add3A_69 {strides = array<i32>} : memref<1000x128xf32, #tpu.memory_space<vmem>>, vector<1000x128xf32>,
      %eq3A = arith.constant 5 : i32
      %eq3A_72 = arith.cmpi eq, %arg0, %eq3A : i32
      %convert_element_type3A_73 = arith.extui %eq3A_72 : i1 to i32
      %cond3A_74 = arith.constant 0 : i32
      %cond3A_75 = arith.cmpi ne, %convert_element_type3A_73, %cond3A_74 : i32
      scf.if %cond3A_75 {
        %broadcast_in_dim3A_96 = arith.constant 0.000000e+00 : f32
        %broadcast_in_dim3A_97 = vector.broadcast %broadcast_in_dim3A_96 : f32 to vector<8x128xf32>
        %swap3A_98 = arith.constant 0 : index
        %swap3A_99 = arith.constant 0 : index
        %swap3A_100 = vector.load %arg19[%swap3A_98, %swap3A_99] : memref<8x128xf32, #tpu.memory_space<vmem>>, vector<8x128xf32>
        tpu.vector_store %arg19[%swap3A_98, %swap3A_99], %broadcast_in_dim3A_97 {strides = array<i32>} : memref<8x128xf32, #tpu.memory_space<vmem>>, vector<8x128xf32>,
      } else {
      }
      %broadcast_in_dim3A = arith.constant 1.000000e+00 : f32
      %broadcast_in_dim3A_76 = vector.broadcast %broadcast_in_dim3A : f32 to vector<1x1000xf32>
      %get3A_77 = arith.constant 0 : index
      %get3A_78 = arith.constant 0 : index
      %get3A_79 = vector.load %arg19[%get3A_77, %get3A_78] : memref<8x128xf32, #tpu.memory_space<vmem>>, vector<1x128xf32>
      %dot_general3A_80 = arith.constant dense<0.000000e+00> : vector<1x128xf32>
      %dot_general3A_81 = tpu.matmul %broadcast_in_dim3A_76, %add3A_69, %dot_general3A_80 {dimension_numbers = #tpu.dot_dimension_numbers<[1], [0], [0], [1], [0, 0, 1, 1], [], []>, transpose_lhs_hint = false} : vector<1x1000xf32>, vector<1000x128xf32>, vector<1x128xf32> -> vector<1x128xf32>
      %add3A_82 = arith.addf %get3A_79, %dot_general3A_81 : vector<1x128xf32>
      %swap3A_83 = arith.constant 0 : index
      %swap3A_84 = arith.constant 0 : index
      %swap3A_85 = vector.load %arg19[%swap3A_83, %swap3A_84] : memref<8x128xf32, #tpu.memory_space<vmem>>, vector<1x128xf32>
      tpu.vector_store %arg19[%swap3A_83, %swap3A_84], %add3A_82 {strides = array<i32>} : memref<8x128xf32, #tpu.memory_space<vmem>>, vector<1x128xf32>,
      %get3A_86 = arith.constant 1 : index
      %get3A_87 = arith.constant 0 : index
      %get3A_88 = vector.load %arg19[%get3A_86, %get3A_87] : memref<8x128xf32, #tpu.memory_space<vmem>>, vector<1x128xf32>
      %mul3A_89 = arith.mulf %add3A_69, %add3A_69 : vector<1000x128xf32>
      %dot_general3A_90 = arith.constant dense<0.000000e+00> : vector<1x128xf32>
      %dot_general3A_91 = tpu.matmul %broadcast_in_dim3A_76, %mul3A_89, %dot_general3A_90 {dimension_numbers = #tpu.dot_dimension_numbers<[1], [0], [0], [1], [0, 0, 1, 1], [], []>, transpose_lhs_hint = false} : vector<1x1000xf32>, vector<1000x128xf32>, vector<1x128xf32> -> vector<1x128xf32>
      %add3A_92 = arith.addf %get3A_88, %dot_general3A_91 : vector<1x128xf32>
      %swap3A_93 = arith.constant 1 : index
      %swap3A_94 = arith.constant 0 : index
      %swap3A_95 = vector.load %arg19[%swap3A_93, %swap3A_94] : memref<8x128xf32, #tpu.memory_space<vmem>>, vector<1x128xf32>
      tpu.vector_store %arg19[%swap3A_93, %swap3A_94], %add3A_92 {strides = array<i32>} : memref<8x128xf32, #tpu.memory_space<vmem>>, vector<1x128xf32>,
    } else {
    }
    return
  }
  func.func @transform_0(%arg0: i32) -> (i32, i32) {
    %min3A = arith.constant 4 : i32
    %min3A_0 = arith.minsi %arg0, %min3A : i32
    %c0_i32 = arith.constant 0 : i32
    %c0_i32_1 = arith.constant 0 : i32
    return %min3A_0, %c0_i32 : i32, i32
  }
  func.func @transform_1(%arg0: i32) -> (i32, i32) {
    %add3A = arith.constant 5 : i32
    %add3A_0 = arith.addi %arg0, %add3A : i32
    %min3A = arith.constant 9 : i32
    %min3A_1 = arith.minsi %add3A_0, %min3A : i32
    %c0_i32 = arith.constant 0 : i32
    %c0_i32_2 = arith.constant 0 : i32
    return %min3A_1, %c0_i32 : i32, i32
  }
  func.func @transform_2(%arg0: i32) -> (i32, i32) {
    %c0_i32 = arith.constant 0 : i32
    %c0_i32_0 = arith.constant 0 : i32
    %c0_i32_1 = arith.constant 0 : i32
    return %c0_i32, %c0_i32_0 : i32, i32
  }
  func.func @transform_3(%arg0: i32) -> (i32, i32) {
    %c0_i32 = arith.constant 0 : i32
    %c0_i32_0 = arith.constant 0 : i32
    %c0_i32_1 = arith.constant 0 : i32
    return %c0_i32, %c0_i32_0 : i32, i32
  }
  func.func @transform_4(%arg0: i32) -> (i32, i32, i32) {
    %c0_i32 = arith.constant 0 : i32
    %c0_i32_0 = arith.constant 0 : i32
    %c0_i32_1 = arith.constant 0 : i32
    %c0_i32_2 = arith.constant 0 : i32
    return %c0_i32, %c0_i32_0, %c0_i32_1 : i32, i32, i32
  }
  func.func @transform_5(%arg0: i32) -> (i32, i32) {
    %c0_i32 = arith.constant 0 : i32
    %c0_i32_0 = arith.constant 0 : i32
    %c0_i32_1 = arith.constant 0 : i32
    return %c0_i32, %c0_i32_0 : i32, i32
  }
  func.func @transform_6(%arg0: i32) -> (i32, i32) {
    %c0_i32 = arith.constant 0 : i32
    %c0_i32_0 = arith.constant 0 : i32
    %c0_i32_1 = arith.constant 0 : i32
    return %c0_i32, %c0_i32_0 : i32, i32
  }
  func.func @transform_7(%arg0: i32) -> (i32, i32) {
    %c0_i32 = arith.constant 0 : i32
    %c0_i32_0 = arith.constant 0 : i32
    %c0_i32_1 = arith.constant 0 : i32
    return %c0_i32, %c0_i32_0 : i32, i32
  }
  func.func @transform_8(%arg0: i32) -> (i32, i32) {
    %c0_i32 = arith.constant 0 : i32
    %c0_i32_0 = arith.constant 0 : i32
    %c0_i32_1 = arith.constant 0 : i32
    return %c0_i32, %c0_i32_0 : i32, i32
  }
  func.func @transform_9(%arg0: i32) -> (i32, i32) {
    %sub3A = arith.constant 5 : i32
    %sub3A_0 = arith.subi %arg0, %sub3A : i32
    %jit3A = arith.constant 0 : i32
    %jit3A_1 = arith.constant 4 : i32
    %max3A = arith.maxsi %jit3A, %sub3A_0 : i32
    %min3A = arith.minsi %jit3A_1, %max3A : i32
    %c0_i32 = arith.constant 0 : i32
    %c0_i32_2 = arith.constant 0 : i32
    return %min3A, %c0_i32 : i32, i32
  }
  func.func @transform_10(%arg0: i32) -> (i32, i32) {
    %c0_i32 = arith.constant 0 : i32
    %c0_i32_0 = arith.constant 0 : i32
    %c0_i32_1 = arith.constant 0 : i32
    return %c0_i32, %c0_i32_0 : i32, i32
  }
  func.func @transform_11(%arg0: i32) -> (i32, i32) {
    %c0_i32 = arith.constant 0 : i32
    %c0_i32_0 = arith.constant 0 : i32
    %c0_i32_1 = arith.constant 0 : i32
    return %c0_i32, %c0_i32_0 : i32, i32
  }
  func.func @transform_12(%arg0: i32) -> (i32, i32) {
    %c0_i32 = arith.constant 0 : i32
    %c0_i32_0 = arith.constant 0 : i32
    %c0_i32_1 = arith.constant 0 : i32
    return %c0_i32, %c0_i32_0 : i32, i32
  }
  func.func @transform_13(%arg0: i32) -> (i32, i32) {
    %c0_i32 = arith.constant 0 : i32
    %c0_i32_0 = arith.constant 0 : i32
    %c0_i32_1 = arith.constant 0 : i32
    return %c0_i32, %c0_i32_0 : i32, i32
  }
  func.func @transform_14(%arg0: i32) -> (i32, i32) {
    %c0_i32 = arith.constant 0 : i32
    %c0_i32_0 = arith.constant 0 : i32
    %c0_i32_1 = arith.constant 0 : i32
    return %c0_i32, %c0_i32_0 : i32, i32
  }
  func.func @transform_15(%arg0: i32) -> (i32, i32) {
    %c0_i32 = arith.constant 0 : i32
    %c0_i32_0 = arith.constant 0 : i32
    %c0_i32_1 = arith.constant 0 : i32
    return %c0_i32, %c0_i32_0 : i32, i32
  }
  func.func @transform_16(%arg0: i32) -> (i32, i32) {
    %c0_i32 = arith.constant 0 : i32
    %c0_i32_0 = arith.constant 0 : i32
    %c0_i32_1 = arith.constant 0 : i32
    return %c0_i32, %c0_i32_0 : i32, i32
  }
  func.func @transform_17(%arg0: i32) -> (i32, i32) {
    %sub3A = arith.constant 5 : i32
    %sub3A_0 = arith.subi %arg0, %sub3A : i32
    %jit3A = arith.constant 0 : i32
    %jit3A_1 = arith.constant 9 : i32
    %max3A = arith.maxsi %jit3A, %sub3A_0 : i32
    %min3A = arith.minsi %jit3A_1, %max3A : i32
    %c0_i32 = arith.constant 0 : i32
    %c0_i32_2 = arith.constant 0 : i32
    return %min3A, %c0_i32 : i32, i32
  }
  func.func @transform_18(%arg0: i32) -> (i32, i32) {
    %c0_i32 = arith.constant 0 : i32
    %c0_i32_0 = arith.constant 0 : i32
    %c0_i32_1 = arith.constant 0 : i32
    return %c0_i32, %c0_i32_0 : i32, i32
  }
}

module attributes {stable_mosaic.version = 14 : i64} {
  func.func @_layer_a_body(%arg0: i32, %arg1: memref<9008x128xf32, #tpu.memory_space<vmem>>, %arg2: memref<1000x128xf32, #tpu.memory_space<vmem>>, %arg3: memref<8x128xf32, #tpu.memory_space<vmem>>, %arg4: memref<1x128xf32, #tpu.memory_space<vmem>>, %arg5: memref<1x128xf32, #tpu.memory_space<vmem>>, %arg6: memref<3x128x128xf32, #tpu.memory_space<vmem>>, %arg7: memref<1x128xf32, #tpu.memory_space<vmem>>, %arg8: memref<128x128xf32, #tpu.memory_space<vmem>>, %arg9: memref<128x128xf32, #tpu.memory_space<vmem>>, %arg10: memref<1x128xf32, #tpu.memory_space<vmem>>, %arg11: memref<1000x128xf32, #tpu.memory_space<vmem>>, %arg12: memref<8x128xf32, #tpu.memory_space<vmem>>) attributes {dimension_semantics = [#tpu.dimension_semantics<arbitrary>], iteration_bounds = array<i64: 5>, scalar_prefetch = 0 : i64, scratch_operands = 0 : i64, tpu.core_type = #tpu.core_type<tc>, window_params = [{transform_indices = @transform_0, window_bounds = array<i64: 9008, 128>}, {transform_indices = @transform_1, window_bounds = array<i64: 1000, 128>}, {pipeline_mode = #tpu.pipeline_mode<synchronous>, transform_indices = @transform_2, window_bounds = array<i64: 8, 128>}, {pipeline_mode = #tpu.pipeline_mode<synchronous>, transform_indices = @transform_3, window_bounds = array<i64: 1, 128>}, {pipeline_mode = #tpu.pipeline_mode<synchronous>, transform_indices = @transform_4, window_bounds = array<i64: 1, 128>}, {pipeline_mode = #tpu.pipeline_mode<synchronous>, transform_indices = @transform_5, window_bounds = array<i64: 3, 128, 128>}, {pipeline_mode = #tpu.pipeline_mode<synchronous>, transform_indices = @transform_6, window_bounds = array<i64: 1, 128>}, {pipeline_mode = #tpu.pipeline_mode<synchronous>, transform_indices = @transform_7, window_bounds = array<i64: 128, 128>}, {pipeline_mode = #tpu.pipeline_mode<synchronous>, transform_indices = @transform_8, window_bounds = array<i64: 128, 128>}, {pipeline_mode = #tpu.pipeline_mode<synchronous>, transform_indices = @transform_9, window_bounds = array<i64: 1, 128>}, {transform_indices = @transform_10, window_bounds = array<i64: 1000, 128>}, {pipeline_mode = #tpu.pipeline_mode<synchronous>, transform_indices = @transform_11, window_bounds = array<i64: 8, 128>}]} {
    %get3A = arith.constant 0 : index
    %get3A_0 = arith.constant 0 : index
    %get3A_1 = vector.load %arg3[%get3A, %get3A_0] : memref<8x128xf32, #tpu.memory_space<vmem>>, vector<1x128xf32>
    %mul3A = arith.constant 9.99999974E-5 : f32
    %mul3A_2 = vector.broadcast %mul3A : f32 to vector<1x128xf32>
    %mul3A_3 = arith.mulf %get3A_1, %mul3A_2 : vector<1x128xf32>
    %get3A_4 = arith.constant 1 : index
    %get3A_5 = arith.constant 0 : index
    %get3A_6 = vector.load %arg3[%get3A_4, %get3A_5] : memref<8x128xf32, #tpu.memory_space<vmem>>, vector<1x128xf32>
    %mul3A_7 = arith.constant 9.99999974E-5 : f32
    %mul3A_8 = vector.broadcast %mul3A_7 : f32 to vector<1x128xf32>
    %mul3A_9 = arith.mulf %get3A_6, %mul3A_8 : vector<1x128xf32>
    %mul3A_10 = arith.mulf %mul3A_3, %mul3A_3 : vector<1x128xf32>
    %sub3A = arith.subf %mul3A_9, %mul3A_10 : vector<1x128xf32>
    %add3A = arith.constant 9.99999974E-6 : f32
    %add3A_11 = vector.broadcast %add3A : f32 to vector<1x128xf32>
    %add3A_12 = arith.addf %sub3A, %add3A_11 : vector<1x128xf32>
    %rsqrt3A = math.rsqrt %add3A_12 : vector<1x128xf32>
    %get3A_13 = arith.constant 0 : index
    %get3A_14 = arith.constant 0 : index
    %get3A_15 = vector.load %arg4[%get3A_13, %get3A_14] : memref<1x128xf32, #tpu.memory_space<vmem>>, vector<1x128xf32>
    %mul3A_16 = arith.mulf %rsqrt3A, %get3A_15 : vector<1x128xf32>
    %get3A_17 = arith.constant 0 : index
    %get3A_18 = arith.constant 0 : index
    %get3A_19 = vector.load %arg5[%get3A_17, %get3A_18] : memref<1x128xf32, #tpu.memory_space<vmem>>, vector<1x128xf32>
    %mul3A_20 = arith.mulf %mul3A_3, %mul3A_16 : vector<1x128xf32>
    %sub3A_21 = arith.subf %get3A_19, %mul3A_20 : vector<1x128xf32>
    %get3A_22 = arith.constant 0 : index
    %get3A_23 = arith.constant 0 : index
    %get3A_24 = vector.load %arg1[%get3A_22, %get3A_23] : memref<9008x128xf32, #tpu.memory_space<vmem>>, vector<9008x128xf32>
    %mul3A_25 = vector.broadcast %mul3A_16 : vector<1x128xf32> to vector<9008x128xf32>
    %mul3A_26 = arith.mulf %get3A_24, %mul3A_25 : vector<9008x128xf32>
    %add3A_27 = vector.broadcast %sub3A_21 : vector<1x128xf32> to vector<9008x128xf32>
    %add3A_28 = arith.addf %mul3A_26, %add3A_27 : vector<9008x128xf32>
    %slice3A = vector.extract_strided_slice %add3A_28 {offsets = [0, 0], sizes = [8000, 128], strides = [1, 1]} : vector<9008x128xf32> to vector<8000x128xf32>
    %slice3A_29 = vector.extract_strided_slice %add3A_28 {offsets = [8000, 0], sizes = [1000, 128], strides = [1, 1]} : vector<9008x128xf32> to vector<1000x128xf32>
    %get3A_30 = arith.constant 0 : index
    %get3A_31 = arith.constant 0 : index
    %get3A_32 = vector.load %arg2[%get3A_30, %get3A_31] : memref<1000x128xf32, #tpu.memory_space<vmem>>, vector<1000x128xf32>
    %mul3A_33 = vector.broadcast %mul3A_16 : vector<1x128xf32> to vector<1000x128xf32>
    %mul3A_34 = arith.mulf %get3A_32, %mul3A_33 : vector<1000x128xf32>
    %add3A_35 = vector.broadcast %sub3A_21 : vector<1x128xf32> to vector<1000x128xf32>
    %add3A_36 = arith.addf %mul3A_34, %add3A_35 : vector<1000x128xf32>
    %broadcast_in_dim3A = arith.constant 0.000000e+00 : f32
    %broadcast_in_dim3A_37 = vector.broadcast %broadcast_in_dim3A : f32 to vector<1000x8x128xf32>
    %get3A_38 = arith.constant 0 : index
    %get3A_39 = arith.constant 0 : index
    %get3A_40 = arith.constant 0 : index
    %get3A_41 = vector.load %arg6[%get3A_38, %get3A_39, %get3A_40] : memref<3x128x128xf32, #tpu.memory_space<vmem>>, vector<1x128x128xf32>
    %get3A_42 = vector.shape_cast %get3A_41 : vector<1x128x128xf32> to vector<128x128xf32>
    %dot_general3A = arith.constant dense<0.000000e+00> : vector<8000x128xf32>
    %dot_general3A_43 = tpu.matmul %slice3A, %get3A_42, %dot_general3A {dimension_numbers = #tpu.dot_dimension_numbers<[1], [0], [0], [1], [0, 0, 1, 1], [], []>, transpose_lhs_hint = false} : vector<8000x128xf32>, vector<128x128xf32>, vector<8000x128xf32> -> vector<8000x128xf32>
    %reshape3A = vector.shape_cast %dot_general3A_43 : vector<8000x128xf32> to vector<1000x8x128xf32>
    %add3A_44 = arith.addf %broadcast_in_dim3A_37, %reshape3A : vector<1000x8x128xf32>
    %get3A_45 = arith.constant 1 : index
    %get3A_46 = arith.constant 0 : index
    %get3A_47 = arith.constant 0 : index
    %get3A_48 = vector.load %arg6[%get3A_45, %get3A_46, %get3A_47] : memref<3x128x128xf32, #tpu.memory_space<vmem>>, vector<1x128x128xf32>
    %get3A_49 = vector.shape_cast %get3A_48 : vector<1x128x128xf32> to vector<128x128xf32>
    %dot_general3A_50 = arith.constant dense<0.000000e+00> : vector<8000x128xf32>
    %dot_general3A_51 = tpu.matmul %slice3A, %get3A_49, %dot_general3A_50 {dimension_numbers = #tpu.dot_dimension_numbers<[1], [0], [0], [1], [0, 0, 1, 1], [], []>, transpose_lhs_hint = false} : vector<8000x128xf32>, vector<128x128xf32>, vector<8000x128xf32> -> vector<8000x128xf32>
    %reshape3A_52 = vector.shape_cast %dot_general3A_51 : vector<8000x128xf32> to vector<1000x8x128xf32>
    %slice3A_53 = vector.extract_strided_slice %reshape3A_52 {offsets = [0, 1, 0], sizes = [1000, 7, 128], strides = [1, 1, 1]} : vector<1000x8x128xf32> to vector<1000x7x128xf32>
    %slice3A_54 = vector.extract_strided_slice %reshape3A_52 {offsets = [0, 0, 0], sizes = [1000, 1, 128], strides = [1, 1, 1]} : vector<1000x8x128xf32> to vector<1000x1x128xf32>
    %concatenate3A = tpu.concatenate %slice3A_53, %slice3A_54 in 1 : vector<1000x7x128xf32>, vector<1000x1x128xf32> -> vector<1000x8x128xf32>
    %add3A_55 = arith.addf %add3A_44, %concatenate3A : vector<1000x8x128xf32>
    %get3A_56 = arith.constant 2 : index
    %get3A_57 = arith.constant 0 : index
    %get3A_58 = arith.constant 0 : index
    %get3A_59 = vector.load %arg6[%get3A_56, %get3A_57, %get3A_58] : memref<3x128x128xf32, #tpu.memory_space<vmem>>, vector<1x128x128xf32>
    %get3A_60 = vector.shape_cast %get3A_59 : vector<1x128x128xf32> to vector<128x128xf32>
    %dot_general3A_61 = arith.constant dense<0.000000e+00> : vector<8000x128xf32>
    %dot_general3A_62 = tpu.matmul %slice3A, %get3A_60, %dot_general3A_61 {dimension_numbers = #tpu.dot_dimension_numbers<[1], [0], [0], [1], [0, 0, 1, 1], [], []>, transpose_lhs_hint = false} : vector<8000x128xf32>, vector<128x128xf32>, vector<8000x128xf32> -> vector<8000x128xf32>
    %reshape3A_63 = vector.shape_cast %dot_general3A_62 : vector<8000x128xf32> to vector<1000x8x128xf32>
    %slice3A_64 = vector.extract_strided_slice %reshape3A_63 {offsets = [0, 2, 0], sizes = [1000, 6, 128], strides = [1, 1, 1]} : vector<1000x8x128xf32> to vector<1000x6x128xf32>
    %slice3A_65 = vector.extract_strided_slice %reshape3A_63 {offsets = [0, 0, 0], sizes = [1000, 2, 128], strides = [1, 1, 1]} : vector<1000x8x128xf32> to vector<1000x2x128xf32>
    %concatenate3A_66 = tpu.concatenate %slice3A_64, %slice3A_65 in 1 : vector<1000x6x128xf32>, vector<1000x2x128xf32> -> vector<1000x8x128xf32>
    %add3A_67 = arith.addf %add3A_55, %concatenate3A_66 : vector<1000x8x128xf32>
    %get3A_68 = arith.constant 0 : index
    %get3A_69 = arith.constant 0 : index
    %get3A_70 = vector.load %arg7[%get3A_68, %get3A_69] : memref<1x128xf32, #tpu.memory_space<vmem>>, vector<1x128xf32>
    %reshape3A_71 = vector.shape_cast %get3A_70 : vector<1x128xf32> to vector<1x1x128xf32>
    %add3A_72 = vector.broadcast %reshape3A_71 : vector<1x1x128xf32> to vector<1000x8x128xf32>
    %add3A_73 = arith.addf %add3A_67, %add3A_72 : vector<1000x8x128xf32>
    %gt3A = arith.constant 0.000000e+00 : f32
    %gt3A_74 = vector.broadcast %gt3A : f32 to vector<1000x8x128xf32>
    %gt3A_75 = arith.cmpf ogt, %add3A_73, %gt3A_74 : vector<1000x8x128xf32>
    %exp3A = math.exp %add3A_73 : vector<1000x8x128xf32>
    %sub3A_76 = arith.constant 1.000000e+00 : f32
    %sub3A_77 = vector.broadcast %sub3A_76 : f32 to vector<1000x8x128xf32>
    %sub3A_78 = arith.subf %exp3A, %sub3A_77 : vector<1000x8x128xf32>
    %select_n3A = arith.select %gt3A_75, %add3A_73, %sub3A_78 : vector<1000x8x128xi1>, vector<1000x8x128xf32>
    %reduce_sum3A = arith.constant dense<0.000000e+00> : vector<1000x128xf32>
    %reduce_sum3A_79 = vector.multi_reduction <add>, %select_n3A, %reduce_sum3A [1] : vector<1000x8x128xf32> to vector<1000x128xf32>
    %get3A_80 = arith.constant 0 : index
    %get3A_81 = arith.constant 0 : index
    %get3A_82 = vector.load %arg8[%get3A_80, %get3A_81] : memref<128x128xf32, #tpu.memory_space<vmem>>, vector<128x128xf32>
    %dot_general3A_83 = arith.constant dense<0.000000e+00> : vector<1000x128xf32>
    %dot_general3A_84 = tpu.matmul %add3A_36, %get3A_82, %dot_general3A_83 {dimension_numbers = #tpu.dot_dimension_numbers<[1], [0], [0], [1], [0, 0, 1, 1], [], []>, transpose_lhs_hint = false} : vector<1000x128xf32>, vector<128x128xf32>, vector<1000x128xf32> -> vector<1000x128xf32>
    %add3A_85 = arith.addf %reduce_sum3A_79, %dot_general3A_84 : vector<1000x128xf32>
    %get3A_86 = arith.constant 0 : index
    %get3A_87 = arith.constant 0 : index
    %get3A_88 = vector.load %arg9[%get3A_86, %get3A_87] : memref<128x128xf32, #tpu.memory_space<vmem>>, vector<128x128xf32>
    %dot_general3A_89 = arith.constant dense<0.000000e+00> : vector<1000x128xf32>
    %dot_general3A_90 = tpu.matmul %slice3A_29, %get3A_88, %dot_general3A_89 {dimension_numbers = #tpu.dot_dimension_numbers<[1], [0], [0], [1], [0, 0, 1, 1], [], []>, transpose_lhs_hint = false} : vector<1000x128xf32>, vector<128x128xf32>, vector<1000x128xf32> -> vector<1000x128xf32>
    %add3A_91 = arith.addf %add3A_85, %dot_general3A_90 : vector<1000x128xf32>
    %get3A_92 = arith.constant 0 : index
    %get3A_93 = arith.constant 0 : index
    %get3A_94 = vector.load %arg10[%get3A_92, %get3A_93] : memref<1x128xf32, #tpu.memory_space<vmem>>, vector<1x128xf32>
    %add3A_95 = vector.broadcast %get3A_94 : vector<1x128xf32> to vector<1000x128xf32>
    %add3A_96 = arith.addf %add3A_91, %add3A_95 : vector<1000x128xf32>
    %gt3A_97 = arith.constant 0.000000e+00 : f32
    %gt3A_98 = vector.broadcast %gt3A_97 : f32 to vector<1000x128xf32>
    %gt3A_99 = arith.cmpf ogt, %add3A_96, %gt3A_98 : vector<1000x128xf32>
    %exp3A_100 = math.exp %add3A_96 : vector<1000x128xf32>
    %sub3A_101 = arith.constant 1.000000e+00 : f32
    %sub3A_102 = vector.broadcast %sub3A_101 : f32 to vector<1000x128xf32>
    %sub3A_103 = arith.subf %exp3A_100, %sub3A_102 : vector<1000x128xf32>
    %select_n3A_104 = arith.select %gt3A_99, %add3A_96, %sub3A_103 : vector<1000x128xi1>, vector<1000x128xf32>
    %add3A_105 = arith.addf %select_n3A_104, %add3A_36 : vector<1000x128xf32>
    %swap3A = arith.constant 0 : index
    %swap3A_106 = arith.constant 0 : index
    %swap3A_107 = vector.load %arg11[%swap3A, %swap3A_106] : memref<1000x128xf32, #tpu.memory_space<vmem>>, vector<1000x128xf32>
    tpu.vector_store %arg11[%swap3A, %swap3A_106], %add3A_105 {strides = array<i32>} : memref<1000x128xf32, #tpu.memory_space<vmem>>, vector<1000x128xf32>,
    %eq3A = arith.constant 0 : i32
    %eq3A_108 = arith.cmpi eq, %arg0, %eq3A : i32
    %convert_element_type3A = arith.extui %eq3A_108 : i1 to i32
    %cond3A = arith.constant 0 : i32
    %cond3A_109 = arith.cmpi ne, %convert_element_type3A, %cond3A : i32
    scf.if %cond3A_109 {
      %broadcast_in_dim3A_131 = arith.constant 0.000000e+00 : f32
      %broadcast_in_dim3A_132 = vector.broadcast %broadcast_in_dim3A_131 : f32 to vector<8x128xf32>
      %swap3A_133 = arith.constant 0 : index
      %swap3A_134 = arith.constant 0 : index
      %swap3A_135 = vector.load %arg12[%swap3A_133, %swap3A_134] : memref<8x128xf32, #tpu.memory_space<vmem>>, vector<8x128xf32>
      tpu.vector_store %arg12[%swap3A_133, %swap3A_134], %broadcast_in_dim3A_132 {strides = array<i32>} : memref<8x128xf32, #tpu.memory_space<vmem>>, vector<8x128xf32>,
    } else {
    }
    %broadcast_in_dim3A_110 = arith.constant 1.000000e+00 : f32
    %broadcast_in_dim3A_111 = vector.broadcast %broadcast_in_dim3A_110 : f32 to vector<1x1000xf32>
    %get3A_112 = arith.constant 0 : index
    %get3A_113 = arith.constant 0 : index
    %get3A_114 = vector.load %arg12[%get3A_112, %get3A_113] : memref<8x128xf32, #tpu.memory_space<vmem>>, vector<1x128xf32>
    %dot_general3A_115 = arith.constant dense<0.000000e+00> : vector<1x128xf32>
    %dot_general3A_116 = tpu.matmul %broadcast_in_dim3A_111, %add3A_105, %dot_general3A_115 {dimension_numbers = #tpu.dot_dimension_numbers<[1], [0], [0], [1], [0, 0, 1, 1], [], []>, transpose_lhs_hint = false} : vector<1x1000xf32>, vector<1000x128xf32>, vector<1x128xf32> -> vector<1x128xf32>
    %add3A_117 = arith.addf %get3A_114, %dot_general3A_116 : vector<1x128xf32>
    %swap3A_118 = arith.constant 0 : index
    %swap3A_119 = arith.constant 0 : index
    %swap3A_120 = vector.load %arg12[%swap3A_118, %swap3A_119] : memref<8x128xf32, #tpu.memory_space<vmem>>, vector<1x128xf32>
    tpu.vector_store %arg12[%swap3A_118, %swap3A_119], %add3A_117 {strides = array<i32>} : memref<8x128xf32, #tpu.memory_space<vmem>>, vector<1x128xf32>,
    %get3A_121 = arith.constant 1 : index
    %get3A_122 = arith.constant 0 : index
    %get3A_123 = vector.load %arg12[%get3A_121, %get3A_122] : memref<8x128xf32, #tpu.memory_space<vmem>>, vector<1x128xf32>
    %mul3A_124 = arith.mulf %add3A_105, %add3A_105 : vector<1000x128xf32>
    %dot_general3A_125 = arith.constant dense<0.000000e+00> : vector<1x128xf32>
    %dot_general3A_126 = tpu.matmul %broadcast_in_dim3A_111, %mul3A_124, %dot_general3A_125 {dimension_numbers = #tpu.dot_dimension_numbers<[1], [0], [0], [1], [0, 0, 1, 1], [], []>, transpose_lhs_hint = false} : vector<1x1000xf32>, vector<1000x128xf32>, vector<1x128xf32> -> vector<1x128xf32>
    %add3A_127 = arith.addf %get3A_123, %dot_general3A_126 : vector<1x128xf32>
    %swap3A_128 = arith.constant 1 : index
    %swap3A_129 = arith.constant 0 : index
    %swap3A_130 = vector.load %arg12[%swap3A_128, %swap3A_129] : memref<8x128xf32, #tpu.memory_space<vmem>>, vector<1x128xf32>
    tpu.vector_store %arg12[%swap3A_128, %swap3A_129], %add3A_127 {strides = array<i32>} : memref<8x128xf32, #tpu.memory_space<vmem>>, vector<1x128xf32>,
    return
  }
  func.func @transform_0(%arg0: i32) -> (i32, i32) {
    %c0_i32 = arith.constant 0 : i32
    %c0_i32_0 = arith.constant 0 : i32
    return %arg0, %c0_i32 : i32, i32
  }
  func.func @transform_1(%arg0: i32) -> (i32, i32) {
    %add3A = arith.constant 0 : i32
    %add3A_0 = arith.addi %arg0, %add3A : i32
    %c0_i32 = arith.constant 0 : i32
    %c0_i32_1 = arith.constant 0 : i32
    return %add3A_0, %c0_i32 : i32, i32
  }
  func.func @transform_2(%arg0: i32) -> (i32, i32) {
    %c0_i32 = arith.constant 0 : i32
    %c0_i32_0 = arith.constant 0 : i32
    %c0_i32_1 = arith.constant 0 : i32
    return %c0_i32, %c0_i32_0 : i32, i32
  }
  func.func @transform_3(%arg0: i32) -> (i32, i32) {
    %c0_i32 = arith.constant 0 : i32
    %c0_i32_0 = arith.constant 0 : i32
    %c0_i32_1 = arith.constant 0 : i32
    return %c0_i32, %c0_i32_0 : i32, i32
  }
  func.func @transform_4(%arg0: i32) -> (i32, i32) {
    %c0_i32 = arith.constant 0 : i32
    %c0_i32_0 = arith.constant 0 : i32
    %c0_i32_1 = arith.constant 0 : i32
    return %c0_i32, %c0_i32_0 : i32, i32
  }
  func.func @transform_5(%arg0: i32) -> (i32, i32, i32) {
    %c0_i32 = arith.constant 0 : i32
    %c0_i32_0 = arith.constant 0 : i32
    %c0_i32_1 = arith.constant 0 : i32
    %c0_i32_2 = arith.constant 0 : i32
    return %c0_i32, %c0_i32_0, %c0_i32_1 : i32, i32, i32
  }
  func.func @transform_6(%arg0: i32) -> (i32, i32) {
    %c0_i32 = arith.constant 0 : i32
    %c0_i32_0 = arith.constant 0 : i32
    %c0_i32_1 = arith.constant 0 : i32
    return %c0_i32, %c0_i32_0 : i32, i32
  }
  func.func @transform_7(%arg0: i32) -> (i32, i32) {
    %c0_i32 = arith.constant 0 : i32
    %c0_i32_0 = arith.constant 0 : i32
    %c0_i32_1 = arith.constant 0 : i32
    return %c0_i32, %c0_i32_0 : i32, i32
  }
  func.func @transform_8(%arg0: i32) -> (i32, i32) {
    %c0_i32 = arith.constant 0 : i32
    %c0_i32_0 = arith.constant 0 : i32
    %c0_i32_1 = arith.constant 0 : i32
    return %c0_i32, %c0_i32_0 : i32, i32
  }
  func.func @transform_9(%arg0: i32) -> (i32, i32) {
    %c0_i32 = arith.constant 0 : i32
    %c0_i32_0 = arith.constant 0 : i32
    %c0_i32_1 = arith.constant 0 : i32
    return %c0_i32, %c0_i32_0 : i32, i32
  }
  func.func @transform_10(%arg0: i32) -> (i32, i32) {
    %c0_i32 = arith.constant 0 : i32
    %c0_i32_0 = arith.constant 0 : i32
    return %arg0, %c0_i32 : i32, i32
  }
  func.func @transform_11(%arg0: i32) -> (i32, i32) {
    %c0_i32 = arith.constant 0 : i32
    %c0_i32_0 = arith.constant 0 : i32
    %c0_i32_1 = arith.constant 0 : i32
    return %c0_i32, %c0_i32_0 : i32, i32
  }
}

module attributes {stable_mosaic.version = 14 : i64} {
  func.func @_layer_ab_body(%arg0: i32, %arg1: memref<9008x128xf32, #tpu.memory_space<vmem>>, %arg2: memref<1000x128xf32, #tpu.memory_space<vmem>>, %arg3: memref<8x128xf32, #tpu.memory_space<vmem>>, %arg4: memref<1x128xf32, #tpu.memory_space<vmem>>, %arg5: memref<1x128xf32, #tpu.memory_space<vmem>>, %arg6: memref<3x128x128xf32, #tpu.memory_space<vmem>>, %arg7: memref<1x128xf32, #tpu.memory_space<vmem>>, %arg8: memref<128x128xf32, #tpu.memory_space<vmem>>, %arg9: memref<128x128xf32, #tpu.memory_space<vmem>>, %arg10: memref<1x128xf32, #tpu.memory_space<vmem>>, %arg11: memref<1000x128xf32, #tpu.memory_space<vmem>>, %arg12: memref<8x128xf32, #tpu.memory_space<vmem>>, %arg13: memref<1x128xf32, #tpu.memory_space<vmem>>, %arg14: memref<1x128xf32, #tpu.memory_space<vmem>>, %arg15: memref<128x128xf32, #tpu.memory_space<vmem>>, %arg16: memref<1x128xf32, #tpu.memory_space<vmem>>, %arg17: memref<128x128xf32, #tpu.memory_space<vmem>>, %arg18: memref<1x128xf32, #tpu.memory_space<vmem>>, %arg19: memref<1000x128xf32, #tpu.memory_space<vmem>>, %arg20: memref<8x128xf32, #tpu.memory_space<vmem>>, %arg21: memref<5000x128xf32, #tpu.memory_space<vmem>>, %arg22: memref<8x128xf32, #tpu.memory_space<vmem>>) attributes {dimension_semantics = [#tpu.dimension_semantics<arbitrary>], iteration_bounds = array<i64: 15>, scalar_prefetch = 0 : i64, scratch_operands = 2 : i64, tpu.core_type = #tpu.core_type<tc>, window_params = [{transform_indices = @transform_0, window_bounds = array<i64: 9008, 128>}, {transform_indices = @transform_1, window_bounds = array<i64: 1000, 128>}, {pipeline_mode = #tpu.pipeline_mode<synchronous>, transform_indices = @transform_2, window_bounds = array<i64: 8, 128>}, {pipeline_mode = #tpu.pipeline_mode<synchronous>, transform_indices = @transform_3, window_bounds = array<i64: 1, 128>}, {pipeline_mode = #tpu.pipeline_mode<synchronous>, transform_indices = @transform_4, window_bounds = array<i64: 1, 128>}, {pipeline_mode = #tpu.pipeline_mode<synchronous>, transform_indices = @transform_5, window_bounds = array<i64: 3, 128, 128>}, {pipeline_mode = #tpu.pipeline_mode<synchronous>, transform_indices = @transform_6, window_bounds = array<i64: 1, 128>}, {pipeline_mode = #tpu.pipeline_mode<synchronous>, transform_indices = @transform_7, window_bounds = array<i64: 128, 128>}, {pipeline_mode = #tpu.pipeline_mode<synchronous>, transform_indices = @transform_8, window_bounds = array<i64: 128, 128>}, {pipeline_mode = #tpu.pipeline_mode<synchronous>, transform_indices = @transform_9, window_bounds = array<i64: 1, 128>}, {transform_indices = @transform_10, window_bounds = array<i64: 1000, 128>}, {pipeline_mode = #tpu.pipeline_mode<synchronous>, transform_indices = @transform_11, window_bounds = array<i64: 8, 128>}, {pipeline_mode = #tpu.pipeline_mode<synchronous>, transform_indices = @transform_12, window_bounds = array<i64: 1, 128>}, {pipeline_mode = #tpu.pipeline_mode<synchronous>, transform_indices = @transform_13, window_bounds = array<i64: 1, 128>}, {pipeline_mode = #tpu.pipeline_mode<synchronous>, transform_indices = @transform_14, window_bounds = array<i64: 128, 128>}, {pipeline_mode = #tpu.pipeline_mode<synchronous>, transform_indices = @transform_15, window_bounds = array<i64: 1, 128>}, {pipeline_mode = #tpu.pipeline_mode<synchronous>, transform_indices = @transform_16, window_bounds = array<i64: 128, 128>}, {pipeline_mode = #tpu.pipeline_mode<synchronous>, transform_indices = @transform_17, window_bounds = array<i64: 1, 128>}, {transform_indices = @transform_18, window_bounds = array<i64: 1000, 128>}, {pipeline_mode = #tpu.pipeline_mode<synchronous>, transform_indices = @transform_19, window_bounds = array<i64: 8, 128>}]} {
    %lt3A = arith.constant 5 : i32
    %lt3A_0 = arith.cmpi slt, %arg0, %lt3A : i32
    %convert_element_type3A = arith.extui %lt3A_0 : i1 to i32
    %cond3A = arith.constant 0 : i32
    %cond3A_1 = arith.cmpi ne, %convert_element_type3A, %cond3A : i32
    scf.if %cond3A_1 {
      %get3A = arith.constant 0 : index
      %get3A_6 = arith.constant 0 : index
      %get3A_7 = vector.load %arg3[%get3A, %get3A_6] : memref<8x128xf32, #tpu.memory_space<vmem>>, vector<1x128xf32>
      %mul3A = arith.constant 9.99999974E-5 : f32
      %mul3A_8 = vector.broadcast %mul3A : f32 to vector<1x128xf32>
      %mul3A_9 = arith.mulf %get3A_7, %mul3A_8 : vector<1x128xf32>
      %get3A_10 = arith.constant 1 : index
      %get3A_11 = arith.constant 0 : index
      %get3A_12 = vector.load %arg3[%get3A_10, %get3A_11] : memref<8x128xf32, #tpu.memory_space<vmem>>, vector<1x128xf32>
      %mul3A_13 = arith.constant 9.99999974E-5 : f32
      %mul3A_14 = vector.broadcast %mul3A_13 : f32 to vector<1x128xf32>
      %mul3A_15 = arith.mulf %get3A_12, %mul3A_14 : vector<1x128xf32>
      %mul3A_16 = arith.mulf %mul3A_9, %mul3A_9 : vector<1x128xf32>
      %sub3A = arith.subf %mul3A_15, %mul3A_16 : vector<1x128xf32>
      %add3A = arith.constant 9.99999974E-6 : f32
      %add3A_17 = vector.broadcast %add3A : f32 to vector<1x128xf32>
      %add3A_18 = arith.addf %sub3A, %add3A_17 : vector<1x128xf32>
      %rsqrt3A = math.rsqrt %add3A_18 : vector<1x128xf32>
      %get3A_19 = arith.constant 0 : index
      %get3A_20 = arith.constant 0 : index
      %get3A_21 = vector.load %arg4[%get3A_19, %get3A_20] : memref<1x128xf32, #tpu.memory_space<vmem>>, vector<1x128xf32>
      %mul3A_22 = arith.mulf %rsqrt3A, %get3A_21 : vector<1x128xf32>
      %get3A_23 = arith.constant 0 : index
      %get3A_24 = arith.constant 0 : index
      %get3A_25 = vector.load %arg5[%get3A_23, %get3A_24] : memref<1x128xf32, #tpu.memory_space<vmem>>, vector<1x128xf32>
      %mul3A_26 = arith.mulf %mul3A_9, %mul3A_22 : vector<1x128xf32>
      %sub3A_27 = arith.subf %get3A_25, %mul3A_26 : vector<1x128xf32>
      %get3A_28 = arith.constant 0 : index
      %get3A_29 = arith.constant 0 : index
      %get3A_30 = vector.load %arg1[%get3A_28, %get3A_29] : memref<9008x128xf32, #tpu.memory_space<vmem>>, vector<9008x128xf32>
      %mul3A_31 = vector.broadcast %mul3A_22 : vector<1x128xf32> to vector<9008x128xf32>
      %mul3A_32 = arith.mulf %get3A_30, %mul3A_31 : vector<9008x128xf32>
      %add3A_33 = vector.broadcast %sub3A_27 : vector<1x128xf32> to vector<9008x128xf32>
      %add3A_34 = arith.addf %mul3A_32, %add3A_33 : vector<9008x128xf32>
      %slice3A = vector.extract_strided_slice %add3A_34 {offsets = [0, 0], sizes = [8000, 128], strides = [1, 1]} : vector<9008x128xf32> to vector<8000x128xf32>
      %slice3A_35 = vector.extract_strided_slice %add3A_34 {offsets = [8000, 0], sizes = [1000, 128], strides = [1, 1]} : vector<9008x128xf32> to vector<1000x128xf32>
      %get3A_36 = arith.constant 0 : index
      %get3A_37 = arith.constant 0 : index
      %get3A_38 = vector.load %arg2[%get3A_36, %get3A_37] : memref<1000x128xf32, #tpu.memory_space<vmem>>, vector<1000x128xf32>
      %mul3A_39 = vector.broadcast %mul3A_22 : vector<1x128xf32> to vector<1000x128xf32>
      %mul3A_40 = arith.mulf %get3A_38, %mul3A_39 : vector<1000x128xf32>
      %add3A_41 = vector.broadcast %sub3A_27 : vector<1x128xf32> to vector<1000x128xf32>
      %add3A_42 = arith.addf %mul3A_40, %add3A_41 : vector<1000x128xf32>
      %broadcast_in_dim3A = arith.constant 0.000000e+00 : f32
      %broadcast_in_dim3A_43 = vector.broadcast %broadcast_in_dim3A : f32 to vector<1000x8x128xf32>
      %get3A_44 = arith.constant 0 : index
      %get3A_45 = arith.constant 0 : index
      %get3A_46 = arith.constant 0 : index
      %get3A_47 = vector.load %arg6[%get3A_44, %get3A_45, %get3A_46] : memref<3x128x128xf32, #tpu.memory_space<vmem>>, vector<1x128x128xf32>
      %get3A_48 = vector.shape_cast %get3A_47 : vector<1x128x128xf32> to vector<128x128xf32>
      %dot_general3A = arith.constant dense<0.000000e+00> : vector<8000x128xf32>
      %dot_general3A_49 = tpu.matmul %slice3A, %get3A_48, %dot_general3A {dimension_numbers = #tpu.dot_dimension_numbers<[1], [0], [0], [1], [0, 0, 1, 1], [], []>, transpose_lhs_hint = false} : vector<8000x128xf32>, vector<128x128xf32>, vector<8000x128xf32> -> vector<8000x128xf32>
      %reshape3A = vector.shape_cast %dot_general3A_49 : vector<8000x128xf32> to vector<1000x8x128xf32>
      %add3A_50 = arith.addf %broadcast_in_dim3A_43, %reshape3A : vector<1000x8x128xf32>
      %get3A_51 = arith.constant 1 : index
      %get3A_52 = arith.constant 0 : index
      %get3A_53 = arith.constant 0 : index
      %get3A_54 = vector.load %arg6[%get3A_51, %get3A_52, %get3A_53] : memref<3x128x128xf32, #tpu.memory_space<vmem>>, vector<1x128x128xf32>
      %get3A_55 = vector.shape_cast %get3A_54 : vector<1x128x128xf32> to vector<128x128xf32>
      %dot_general3A_56 = arith.constant dense<0.000000e+00> : vector<8000x128xf32>
      %dot_general3A_57 = tpu.matmul %slice3A, %get3A_55, %dot_general3A_56 {dimension_numbers = #tpu.dot_dimension_numbers<[1], [0], [0], [1], [0, 0, 1, 1], [], []>, transpose_lhs_hint = false} : vector<8000x128xf32>, vector<128x128xf32>, vector<8000x128xf32> -> vector<8000x128xf32>
      %reshape3A_58 = vector.shape_cast %dot_general3A_57 : vector<8000x128xf32> to vector<1000x8x128xf32>
      %slice3A_59 = vector.extract_strided_slice %reshape3A_58 {offsets = [0, 1, 0], sizes = [1000, 7, 128], strides = [1, 1, 1]} : vector<1000x8x128xf32> to vector<1000x7x128xf32>
      %slice3A_60 = vector.extract_strided_slice %reshape3A_58 {offsets = [0, 0, 0], sizes = [1000, 1, 128], strides = [1, 1, 1]} : vector<1000x8x128xf32> to vector<1000x1x128xf32>
      %concatenate3A = tpu.concatenate %slice3A_59, %slice3A_60 in 1 : vector<1000x7x128xf32>, vector<1000x1x128xf32> -> vector<1000x8x128xf32>
      %add3A_61 = arith.addf %add3A_50, %concatenate3A : vector<1000x8x128xf32>
      %get3A_62 = arith.constant 2 : index
      %get3A_63 = arith.constant 0 : index
      %get3A_64 = arith.constant 0 : index
      %get3A_65 = vector.load %arg6[%get3A_62, %get3A_63, %get3A_64] : memref<3x128x128xf32, #tpu.memory_space<vmem>>, vector<1x128x128xf32>
      %get3A_66 = vector.shape_cast %get3A_65 : vector<1x128x128xf32> to vector<128x128xf32>
      %dot_general3A_67 = arith.constant dense<0.000000e+00> : vector<8000x128xf32>
      %dot_general3A_68 = tpu.matmul %slice3A, %get3A_66, %dot_general3A_67 {dimension_numbers = #tpu.dot_dimension_numbers<[1], [0], [0], [1], [0, 0, 1, 1], [], []>, transpose_lhs_hint = false} : vector<8000x128xf32>, vector<128x128xf32>, vector<8000x128xf32> -> vector<8000x128xf32>
      %reshape3A_69 = vector.shape_cast %dot_general3A_68 : vector<8000x128xf32> to vector<1000x8x128xf32>
      %slice3A_70 = vector.extract_strided_slice %reshape3A_69 {offsets = [0, 2, 0], sizes = [1000, 6, 128], strides = [1, 1, 1]} : vector<1000x8x128xf32> to vector<1000x6x128xf32>
      %slice3A_71 = vector.extract_strided_slice %reshape3A_69 {offsets = [0, 0, 0], sizes = [1000, 2, 128], strides = [1, 1, 1]} : vector<1000x8x128xf32> to vector<1000x2x128xf32>
      %concatenate3A_72 = tpu.concatenate %slice3A_70, %slice3A_71 in 1 : vector<1000x6x128xf32>, vector<1000x2x128xf32> -> vector<1000x8x128xf32>
      %add3A_73 = arith.addf %add3A_61, %concatenate3A_72 : vector<1000x8x128xf32>
      %get3A_74 = arith.constant 0 : index
      %get3A_75 = arith.constant 0 : index
      %get3A_76 = vector.load %arg7[%get3A_74, %get3A_75] : memref<1x128xf32, #tpu.memory_space<vmem>>, vector<1x128xf32>
      %reshape3A_77 = vector.shape_cast %get3A_76 : vector<1x128xf32> to vector<1x1x128xf32>
      %add3A_78 = vector.broadcast %reshape3A_77 : vector<1x1x128xf32> to vector<1000x8x128xf32>
      %add3A_79 = arith.addf %add3A_73, %add3A_78 : vector<1000x8x128xf32>
      %gt3A = arith.constant 0.000000e+00 : f32
      %gt3A_80 = vector.broadcast %gt3A : f32 to vector<1000x8x128xf32>
      %gt3A_81 = arith.cmpf ogt, %add3A_79, %gt3A_80 : vector<1000x8x128xf32>
      %exp3A = math.exp %add3A_79 : vector<1000x8x128xf32>
      %sub3A_82 = arith.constant 1.000000e+00 : f32
      %sub3A_83 = vector.broadcast %sub3A_82 : f32 to vector<1000x8x128xf32>
      %sub3A_84 = arith.subf %exp3A, %sub3A_83 : vector<1000x8x128xf32>
      %select_n3A = arith.select %gt3A_81, %add3A_79, %sub3A_84 : vector<1000x8x128xi1>, vector<1000x8x128xf32>
      %reduce_sum3A = arith.constant dense<0.000000e+00> : vector<1000x128xf32>
      %reduce_sum3A_85 = vector.multi_reduction <add>, %select_n3A, %reduce_sum3A [1] : vector<1000x8x128xf32> to vector<1000x128xf32>
      %get3A_86 = arith.constant 0 : index
      %get3A_87 = arith.constant 0 : index
      %get3A_88 = vector.load %arg8[%get3A_86, %get3A_87] : memref<128x128xf32, #tpu.memory_space<vmem>>, vector<128x128xf32>
      %dot_general3A_89 = arith.constant dense<0.000000e+00> : vector<1000x128xf32>
      %dot_general3A_90 = tpu.matmul %add3A_42, %get3A_88, %dot_general3A_89 {dimension_numbers = #tpu.dot_dimension_numbers<[1], [0], [0], [1], [0, 0, 1, 1], [], []>, transpose_lhs_hint = false} : vector<1000x128xf32>, vector<128x128xf32>, vector<1000x128xf32> -> vector<1000x128xf32>
      %add3A_91 = arith.addf %reduce_sum3A_85, %dot_general3A_90 : vector<1000x128xf32>
      %get3A_92 = arith.constant 0 : index
      %get3A_93 = arith.constant 0 : index
      %get3A_94 = vector.load %arg9[%get3A_92, %get3A_93] : memref<128x128xf32, #tpu.memory_space<vmem>>, vector<128x128xf32>
      %dot_general3A_95 = arith.constant dense<0.000000e+00> : vector<1000x128xf32>
      %dot_general3A_96 = tpu.matmul %slice3A_35, %get3A_94, %dot_general3A_95 {dimension_numbers = #tpu.dot_dimension_numbers<[1], [0], [0], [1], [0, 0, 1, 1], [], []>, transpose_lhs_hint = false} : vector<1000x128xf32>, vector<128x128xf32>, vector<1000x128xf32> -> vector<1000x128xf32>
      %add3A_97 = arith.addf %add3A_91, %dot_general3A_96 : vector<1000x128xf32>
      %get3A_98 = arith.constant 0 : index
      %get3A_99 = arith.constant 0 : index
      %get3A_100 = vector.load %arg10[%get3A_98, %get3A_99] : memref<1x128xf32, #tpu.memory_space<vmem>>, vector<1x128xf32>
      %add3A_101 = vector.broadcast %get3A_100 : vector<1x128xf32> to vector<1000x128xf32>
      %add3A_102 = arith.addf %add3A_97, %add3A_101 : vector<1000x128xf32>
      %gt3A_103 = arith.constant 0.000000e+00 : f32
      %gt3A_104 = vector.broadcast %gt3A_103 : f32 to vector<1000x128xf32>
      %gt3A_105 = arith.cmpf ogt, %add3A_102, %gt3A_104 : vector<1000x128xf32>
      %exp3A_106 = math.exp %add3A_102 : vector<1000x128xf32>
      %sub3A_107 = arith.constant 1.000000e+00 : f32
      %sub3A_108 = vector.broadcast %sub3A_107 : f32 to vector<1000x128xf32>
      %sub3A_109 = arith.subf %exp3A_106, %sub3A_108 : vector<1000x128xf32>
      %select_n3A_110 = arith.select %gt3A_105, %add3A_102, %sub3A_109 : vector<1000x128xi1>, vector<1000x128xf32>
      %add3A_111 = arith.addf %select_n3A_110, %add3A_42 : vector<1000x128xf32>
      %mul3A_112 = arith.constant 1000 : i32
      %mul3A_113 = arith.muli %arg0, %mul3A_112 : i32
      %multiple_of3A = tpu.assume_multiple %mul3A_113, 1000 : i32
      %swap3A = arith.index_cast %multiple_of3A : i32 to index
      %swap3A_114 = arith.constant 0 : index
      %swap3A_115 = vector.load %arg21[%swap3A, %swap3A_114] : memref<5000x128xf32, #tpu.memory_space<vmem>>, vector<1000x128xf32>
      tpu.vector_store %arg21[%swap3A, %swap3A_114], %add3A_111 {strides = array<i32>} : memref<5000x128xf32, #tpu.memory_space<vmem>>, vector<1000x128xf32>,
      %eq3A = arith.constant 0 : i32
      %eq3A_116 = arith.cmpi eq, %arg0, %eq3A : i32
      %convert_element_type3A_117 = arith.extui %eq3A_116 : i1 to i32
      %cond3A_118 = arith.constant 0 : i32
      %cond3A_119 = arith.cmpi ne, %convert_element_type3A_117, %cond3A_118 : i32
      scf.if %cond3A_119 {
        %broadcast_in_dim3A_141 = arith.constant 0.000000e+00 : f32
        %broadcast_in_dim3A_142 = vector.broadcast %broadcast_in_dim3A_141 : f32 to vector<8x128xf32>
        %swap3A_143 = arith.constant 0 : index
        %swap3A_144 = arith.constant 0 : index
        %swap3A_145 = vector.load %arg22[%swap3A_143, %swap3A_144] : memref<8x128xf32, #tpu.memory_space<vmem>>, vector<8x128xf32>
        tpu.vector_store %arg22[%swap3A_143, %swap3A_144], %broadcast_in_dim3A_142 {strides = array<i32>} : memref<8x128xf32, #tpu.memory_space<vmem>>, vector<8x128xf32>,
      } else {
      }
      %broadcast_in_dim3A_120 = arith.constant 1.000000e+00 : f32
      %broadcast_in_dim3A_121 = vector.broadcast %broadcast_in_dim3A_120 : f32 to vector<1x1000xf32>
      %get3A_122 = arith.constant 0 : index
      %get3A_123 = arith.constant 0 : index
      %get3A_124 = vector.load %arg22[%get3A_122, %get3A_123] : memref<8x128xf32, #tpu.memory_space<vmem>>, vector<1x128xf32>
      %dot_general3A_125 = arith.constant dense<0.000000e+00> : vector<1x128xf32>
      %dot_general3A_126 = tpu.matmul %broadcast_in_dim3A_121, %add3A_111, %dot_general3A_125 {dimension_numbers = #tpu.dot_dimension_numbers<[1], [0], [0], [1], [0, 0, 1, 1], [], []>, transpose_lhs_hint = false} : vector<1x1000xf32>, vector<1000x128xf32>, vector<1x128xf32> -> vector<1x128xf32>
      %add3A_127 = arith.addf %get3A_124, %dot_general3A_126 : vector<1x128xf32>
      %swap3A_128 = arith.constant 0 : index
      %swap3A_129 = arith.constant 0 : index
      %swap3A_130 = vector.load %arg22[%swap3A_128, %swap3A_129] : memref<8x128xf32, #tpu.memory_space<vmem>>, vector<1x128xf32>
      tpu.vector_store %arg22[%swap3A_128, %swap3A_129], %add3A_127 {strides = array<i32>} : memref<8x128xf32, #tpu.memory_space<vmem>>, vector<1x128xf32>,
      %get3A_131 = arith.constant 1 : index
      %get3A_132 = arith.constant 0 : index
      %get3A_133 = vector.load %arg22[%get3A_131, %get3A_132] : memref<8x128xf32, #tpu.memory_space<vmem>>, vector<1x128xf32>
      %mul3A_134 = arith.mulf %add3A_111, %add3A_111 : vector<1000x128xf32>
      %dot_general3A_135 = arith.constant dense<0.000000e+00> : vector<1x128xf32>
      %dot_general3A_136 = tpu.matmul %broadcast_in_dim3A_121, %mul3A_134, %dot_general3A_135 {dimension_numbers = #tpu.dot_dimension_numbers<[1], [0], [0], [1], [0, 0, 1, 1], [], []>, transpose_lhs_hint = false} : vector<1x1000xf32>, vector<1000x128xf32>, vector<1x128xf32> -> vector<1x128xf32>
      %add3A_137 = arith.addf %get3A_133, %dot_general3A_136 : vector<1x128xf32>
      %swap3A_138 = arith.constant 1 : index
      %swap3A_139 = arith.constant 0 : index
      %swap3A_140 = vector.load %arg22[%swap3A_138, %swap3A_139] : memref<8x128xf32, #tpu.memory_space<vmem>>, vector<1x128xf32>
      tpu.vector_store %arg22[%swap3A_138, %swap3A_139], %add3A_137 {strides = array<i32>} : memref<8x128xf32, #tpu.memory_space<vmem>>, vector<1x128xf32>,
    } else {
    }
    %ge3A = arith.constant 5 : i32
    %ge3A_2 = arith.cmpi sge, %arg0, %ge3A : i32
    %convert_element_type3A_3 = arith.extui %ge3A_2 : i1 to i32
    %cond3A_4 = arith.constant 0 : i32
    %cond3A_5 = arith.cmpi ne, %convert_element_type3A_3, %cond3A_4 : i32
    scf.if %cond3A_5 {
      %sub3A = arith.constant 10 : i32
      %sub3A_6 = arith.subi %arg0, %sub3A : i32
      %max3A = arith.constant 0 : i32
      %max3A_7 = arith.maxsi %sub3A_6, %max3A : i32
      %mul3A = arith.constant 1000 : i32
      %mul3A_8 = arith.muli %max3A_7, %mul3A : i32
      %multiple_of3A = tpu.assume_multiple %mul3A_8, 1000 : i32
      %get3A = arith.index_cast %multiple_of3A : i32 to index
      %get3A_9 = arith.constant 0 : index
      %get3A_10 = vector.load %arg21[%get3A, %get3A_9] : memref<5000x128xf32, #tpu.memory_space<vmem>>, vector<1000x128xf32>
      %lt3A_11 = arith.constant 10 : i32
      %lt3A_12 = arith.cmpi slt, %arg0, %lt3A_11 : i32
      %get3A_13 = arith.constant 0 : index
      %get3A_14 = arith.constant 0 : index
      %get3A_15 = vector.load %arg11[%get3A_13, %get3A_14] : memref<1000x128xf32, #tpu.memory_space<vmem>>, vector<1000x128xf32>
      %select_n3A = arith.select %lt3A_12, %get3A_15, %get3A_10 : vector<1000x128xf32>
      %get3A_16 = arith.constant 0 : index
      %get3A_17 = arith.constant 0 : index
      %get3A_18 = vector.load %arg12[%get3A_16, %get3A_17] : memref<8x128xf32, #tpu.memory_space<vmem>>, vector<8x128xf32>
      %get3A_19 = arith.constant 0 : index
      %get3A_20 = arith.constant 0 : index
      %get3A_21 = vector.load %arg22[%get3A_19, %get3A_20] : memref<8x128xf32, #tpu.memory_space<vmem>>, vector<8x128xf32>
      %add3A = arith.addf %get3A_18, %get3A_21 : vector<8x128xf32>
      %slice3A = vector.extract_strided_slice %add3A {offsets = [0, 0], sizes = [1, 128], strides = [1, 1]} : vector<8x128xf32> to vector<1x128xf32>
      %mul3A_22 = arith.constant 9.99999974E-5 : f32
      %mul3A_23 = vector.broadcast %mul3A_22 : f32 to vector<1x128xf32>
      %mul3A_24 = arith.mulf %slice3A, %mul3A_23 : vector<1x128xf32>
      %slice3A_25 = vector.extract_strided_slice %add3A {offsets = [1, 0], sizes = [1, 128], strides = [1, 1]} : vector<8x128xf32> to vector<1x128xf32>
      %mul3A_26 = arith.constant 9.99999974E-5 : f32
      %mul3A_27 = vector.broadcast %mul3A_26 : f32 to vector<1x128xf32>
      %mul3A_28 = arith.mulf %slice3A_25, %mul3A_27 : vector<1x128xf32>
      %mul3A_29 = arith.mulf %mul3A_24, %mul3A_24 : vector<1x128xf32>
      %sub3A_30 = arith.subf %mul3A_28, %mul3A_29 : vector<1x128xf32>
      %add3A_31 = arith.constant 9.99999974E-6 : f32
      %add3A_32 = vector.broadcast %add3A_31 : f32 to vector<1x128xf32>
      %add3A_33 = arith.addf %sub3A_30, %add3A_32 : vector<1x128xf32>
      %rsqrt3A = math.rsqrt %add3A_33 : vector<1x128xf32>
      %get3A_34 = arith.constant 0 : index
      %get3A_35 = arith.constant 0 : index
      %get3A_36 = vector.load %arg13[%get3A_34, %get3A_35] : memref<1x128xf32, #tpu.memory_space<vmem>>, vector<1x128xf32>
      %mul3A_37 = arith.mulf %rsqrt3A, %get3A_36 : vector<1x128xf32>
      %get3A_38 = arith.constant 0 : index
      %get3A_39 = arith.constant 0 : index
      %get3A_40 = vector.load %arg14[%get3A_38, %get3A_39] : memref<1x128xf32, #tpu.memory_space<vmem>>, vector<1x128xf32>
      %mul3A_41 = arith.mulf %mul3A_24, %mul3A_37 : vector<1x128xf32>
      %sub3A_42 = arith.subf %get3A_40, %mul3A_41 : vector<1x128xf32>
      %mul3A_43 = vector.broadcast %mul3A_37 : vector<1x128xf32> to vector<1000x128xf32>
      %mul3A_44 = arith.mulf %select_n3A, %mul3A_43 : vector<1000x128xf32>
      %add3A_45 = vector.broadcast %sub3A_42 : vector<1x128xf32> to vector<1000x128xf32>
      %add3A_46 = arith.addf %mul3A_44, %add3A_45 : vector<1000x128xf32>
      %get3A_47 = arith.constant 0 : index
      %get3A_48 = arith.constant 0 : index
      %get3A_49 = vector.load %arg15[%get3A_47, %get3A_48] : memref<128x128xf32, #tpu.memory_space<vmem>>, vector<128x128xf32>
      %dot_general3A = arith.constant dense<0.000000e+00> : vector<1000x128xf32>
      %dot_general3A_50 = tpu.matmul %add3A_46, %get3A_49, %dot_general3A {dimension_numbers = #tpu.dot_dimension_numbers<[1], [0], [0], [1], [0, 0, 1, 1], [], []>, transpose_lhs_hint = false} : vector<1000x128xf32>, vector<128x128xf32>, vector<1000x128xf32> -> vector<1000x128xf32>
      %get3A_51 = arith.constant 0 : index
      %get3A_52 = arith.constant 0 : index
      %get3A_53 = vector.load %arg16[%get3A_51, %get3A_52] : memref<1x128xf32, #tpu.memory_space<vmem>>, vector<1x128xf32>
      %add3A_54 = vector.broadcast %get3A_53 : vector<1x128xf32> to vector<1000x128xf32>
      %add3A_55 = arith.addf %dot_general3A_50, %add3A_54 : vector<1000x128xf32>
      %max3A_56 = arith.constant 0.000000e+00 : f32
      %max3A_57 = vector.broadcast %max3A_56 : f32 to vector<1000x128xf32>
      %max3A_58 = arith.maximumf %add3A_55, %max3A_57 : vector<1000x128xf32>
      %get3A_59 = arith.constant 0 : index
      %get3A_60 = arith.constant 0 : index
      %get3A_61 = vector.load %arg17[%get3A_59, %get3A_60] : memref<128x128xf32, #tpu.memory_space<vmem>>, vector<128x128xf32>
      %dot_general3A_62 = arith.constant dense<0.000000e+00> : vector<1000x128xf32>
      %dot_general3A_63 = tpu.matmul %max3A_58, %get3A_61, %dot_general3A_62 {dimension_numbers = #tpu.dot_dimension_numbers<[1], [0], [0], [1], [0, 0, 1, 1], [], []>, transpose_lhs_hint = false} : vector<1000x128xf32>, vector<128x128xf32>, vector<1000x128xf32> -> vector<1000x128xf32>
      %get3A_64 = arith.constant 0 : index
      %get3A_65 = arith.constant 0 : index
      %get3A_66 = vector.load %arg18[%get3A_64, %get3A_65] : memref<1x128xf32, #tpu.memory_space<vmem>>, vector<1x128xf32>
      %add3A_67 = vector.broadcast %get3A_66 : vector<1x128xf32> to vector<1000x128xf32>
      %add3A_68 = arith.addf %dot_general3A_63, %add3A_67 : vector<1000x128xf32>
      %add3A_69 = arith.addf %add3A_46, %add3A_68 : vector<1000x128xf32>
      %swap3A = arith.constant 0 : index
      %swap3A_70 = arith.constant 0 : index
      %swap3A_71 = vector.load %arg19[%swap3A, %swap3A_70] : memref<1000x128xf32, #tpu.memory_space<vmem>>, vector<1000x128xf32>
      tpu.vector_store %arg19[%swap3A, %swap3A_70], %add3A_69 {strides = array<i32>} : memref<1000x128xf32, #tpu.memory_space<vmem>>, vector<1000x128xf32>,
      %eq3A = arith.constant 5 : i32
      %eq3A_72 = arith.cmpi eq, %arg0, %eq3A : i32
      %convert_element_type3A_73 = arith.extui %eq3A_72 : i1 to i32
      %cond3A_74 = arith.constant 0 : i32
      %cond3A_75 = arith.cmpi ne, %convert_element_type3A_73, %cond3A_74 : i32
      scf.if %cond3A_75 {
        %broadcast_in_dim3A_96 = arith.constant 0.000000e+00 : f32
        %broadcast_in_dim3A_97 = vector.broadcast %broadcast_in_dim3A_96 : f32 to vector<8x128xf32>
        %swap3A_98 = arith.constant 0 : index
        %swap3A_99 = arith.constant 0 : index
        %swap3A_100 = vector.load %arg20[%swap3A_98, %swap3A_99] : memref<8x128xf32, #tpu.memory_space<vmem>>, vector<8x128xf32>
        tpu.vector_store %arg20[%swap3A_98, %swap3A_99], %broadcast_in_dim3A_97 {strides = array<i32>} : memref<8x128xf32, #tpu.memory_space<vmem>>, vector<8x128xf32>,
      } else {
      }
      %broadcast_in_dim3A = arith.constant 1.000000e+00 : f32
      %broadcast_in_dim3A_76 = vector.broadcast %broadcast_in_dim3A : f32 to vector<1x1000xf32>
      %get3A_77 = arith.constant 0 : index
      %get3A_78 = arith.constant 0 : index
      %get3A_79 = vector.load %arg20[%get3A_77, %get3A_78] : memref<8x128xf32, #tpu.memory_space<vmem>>, vector<1x128xf32>
      %dot_general3A_80 = arith.constant dense<0.000000e+00> : vector<1x128xf32>
      %dot_general3A_81 = tpu.matmul %broadcast_in_dim3A_76, %add3A_69, %dot_general3A_80 {dimension_numbers = #tpu.dot_dimension_numbers<[1], [0], [0], [1], [0, 0, 1, 1], [], []>, transpose_lhs_hint = false} : vector<1x1000xf32>, vector<1000x128xf32>, vector<1x128xf32> -> vector<1x128xf32>
      %add3A_82 = arith.addf %get3A_79, %dot_general3A_81 : vector<1x128xf32>
      %swap3A_83 = arith.constant 0 : index
      %swap3A_84 = arith.constant 0 : index
      %swap3A_85 = vector.load %arg20[%swap3A_83, %swap3A_84] : memref<8x128xf32, #tpu.memory_space<vmem>>, vector<1x128xf32>
      tpu.vector_store %arg20[%swap3A_83, %swap3A_84], %add3A_82 {strides = array<i32>} : memref<8x128xf32, #tpu.memory_space<vmem>>, vector<1x128xf32>,
      %get3A_86 = arith.constant 1 : index
      %get3A_87 = arith.constant 0 : index
      %get3A_88 = vector.load %arg20[%get3A_86, %get3A_87] : memref<8x128xf32, #tpu.memory_space<vmem>>, vector<1x128xf32>
      %mul3A_89 = arith.mulf %add3A_69, %add3A_69 : vector<1000x128xf32>
      %dot_general3A_90 = arith.constant dense<0.000000e+00> : vector<1x128xf32>
      %dot_general3A_91 = tpu.matmul %broadcast_in_dim3A_76, %mul3A_89, %dot_general3A_90 {dimension_numbers = #tpu.dot_dimension_numbers<[1], [0], [0], [1], [0, 0, 1, 1], [], []>, transpose_lhs_hint = false} : vector<1x1000xf32>, vector<1000x128xf32>, vector<1x128xf32> -> vector<1x128xf32>
      %add3A_92 = arith.addf %get3A_88, %dot_general3A_91 : vector<1x128xf32>
      %swap3A_93 = arith.constant 1 : index
      %swap3A_94 = arith.constant 0 : index
      %swap3A_95 = vector.load %arg20[%swap3A_93, %swap3A_94] : memref<8x128xf32, #tpu.memory_space<vmem>>, vector<1x128xf32>
      tpu.vector_store %arg20[%swap3A_93, %swap3A_94], %add3A_92 {strides = array<i32>} : memref<8x128xf32, #tpu.memory_space<vmem>>, vector<1x128xf32>,
    } else {
    }
    return
  }
  func.func @transform_0(%arg0: i32) -> (i32, i32) {
    %min3A = arith.constant 4 : i32
    %min3A_0 = arith.minsi %arg0, %min3A : i32
    %c0_i32 = arith.constant 0 : i32
    %c0_i32_1 = arith.constant 0 : i32
    return %min3A_0, %c0_i32 : i32, i32
  }
  func.func @transform_1(%arg0: i32) -> (i32, i32) {
    %add3A = arith.constant 5 : i32
    %add3A_0 = arith.addi %arg0, %add3A : i32
    %min3A = arith.constant 9 : i32
    %min3A_1 = arith.minsi %add3A_0, %min3A : i32
    %c0_i32 = arith.constant 0 : i32
    %c0_i32_2 = arith.constant 0 : i32
    return %min3A_1, %c0_i32 : i32, i32
  }
  func.func @transform_2(%arg0: i32) -> (i32, i32) {
    %c0_i32 = arith.constant 0 : i32
    %c0_i32_0 = arith.constant 0 : i32
    %c0_i32_1 = arith.constant 0 : i32
    return %c0_i32, %c0_i32_0 : i32, i32
  }
  func.func @transform_3(%arg0: i32) -> (i32, i32) {
    %c0_i32 = arith.constant 0 : i32
    %c0_i32_0 = arith.constant 0 : i32
    %c0_i32_1 = arith.constant 0 : i32
    return %c0_i32, %c0_i32_0 : i32, i32
  }
  func.func @transform_4(%arg0: i32) -> (i32, i32) {
    %c0_i32 = arith.constant 0 : i32
    %c0_i32_0 = arith.constant 0 : i32
    %c0_i32_1 = arith.constant 0 : i32
    return %c0_i32, %c0_i32_0 : i32, i32
  }
  func.func @transform_5(%arg0: i32) -> (i32, i32, i32) {
    %c0_i32 = arith.constant 0 : i32
    %c0_i32_0 = arith.constant 0 : i32
    %c0_i32_1 = arith.constant 0 : i32
    %c0_i32_2 = arith.constant 0 : i32
    return %c0_i32, %c0_i32_0, %c0_i32_1 : i32, i32, i32
  }
  func.func @transform_6(%arg0: i32) -> (i32, i32) {
    %c0_i32 = arith.constant 0 : i32
    %c0_i32_0 = arith.constant 0 : i32
    %c0_i32_1 = arith.constant 0 : i32
    return %c0_i32, %c0_i32_0 : i32, i32
  }
  func.func @transform_7(%arg0: i32) -> (i32, i32) {
    %c0_i32 = arith.constant 0 : i32
    %c0_i32_0 = arith.constant 0 : i32
    %c0_i32_1 = arith.constant 0 : i32
    return %c0_i32, %c0_i32_0 : i32, i32
  }
  func.func @transform_8(%arg0: i32) -> (i32, i32) {
    %c0_i32 = arith.constant 0 : i32
    %c0_i32_0 = arith.constant 0 : i32
    %c0_i32_1 = arith.constant 0 : i32
    return %c0_i32, %c0_i32_0 : i32, i32
  }
  func.func @transform_9(%arg0: i32) -> (i32, i32) {
    %c0_i32 = arith.constant 0 : i32
    %c0_i32_0 = arith.constant 0 : i32
    %c0_i32_1 = arith.constant 0 : i32
    return %c0_i32, %c0_i32_0 : i32, i32
  }
  func.func @transform_10(%arg0: i32) -> (i32, i32) {
    %sub3A = arith.constant 5 : i32
    %sub3A_0 = arith.subi %arg0, %sub3A : i32
    %jit3A = arith.constant 0 : i32
    %jit3A_1 = arith.constant 4 : i32
    %max3A = arith.maxsi %jit3A, %sub3A_0 : i32
    %min3A = arith.minsi %jit3A_1, %max3A : i32
    %c0_i32 = arith.constant 0 : i32
    %c0_i32_2 = arith.constant 0 : i32
    return %min3A, %c0_i32 : i32, i32
  }
  func.func @transform_11(%arg0: i32) -> (i32, i32) {
    %c0_i32 = arith.constant 0 : i32
    %c0_i32_0 = arith.constant 0 : i32
    %c0_i32_1 = arith.constant 0 : i32
    return %c0_i32, %c0_i32_0 : i32, i32
  }
  func.func @transform_12(%arg0: i32) -> (i32, i32) {
    %c0_i32 = arith.constant 0 : i32
    %c0_i32_0 = arith.constant 0 : i32
    %c0_i32_1 = arith.constant 0 : i32
    return %c0_i32, %c0_i32_0 : i32, i32
  }
  func.func @transform_13(%arg0: i32) -> (i32, i32) {
    %c0_i32 = arith.constant 0 : i32
    %c0_i32_0 = arith.constant 0 : i32
    %c0_i32_1 = arith.constant 0 : i32
    return %c0_i32, %c0_i32_0 : i32, i32
  }
  func.func @transform_14(%arg0: i32) -> (i32, i32) {
    %c0_i32 = arith.constant 0 : i32
    %c0_i32_0 = arith.constant 0 : i32
    %c0_i32_1 = arith.constant 0 : i32
    return %c0_i32, %c0_i32_0 : i32, i32
  }
  func.func @transform_15(%arg0: i32) -> (i32, i32) {
    %c0_i32 = arith.constant 0 : i32
    %c0_i32_0 = arith.constant 0 : i32
    %c0_i32_1 = arith.constant 0 : i32
    return %c0_i32, %c0_i32_0 : i32, i32
  }
  func.func @transform_16(%arg0: i32) -> (i32, i32) {
    %c0_i32 = arith.constant 0 : i32
    %c0_i32_0 = arith.constant 0 : i32
    %c0_i32_1 = arith.constant 0 : i32
    return %c0_i32, %c0_i32_0 : i32, i32
  }
  func.func @transform_17(%arg0: i32) -> (i32, i32) {
    %c0_i32 = arith.constant 0 : i32
    %c0_i32_0 = arith.constant 0 : i32
    %c0_i32_1 = arith.constant 0 : i32
    return %c0_i32, %c0_i32_0 : i32, i32
  }
  func.func @transform_18(%arg0: i32) -> (i32, i32) {
    %sub3A = arith.constant 5 : i32
    %sub3A_0 = arith.subi %arg0, %sub3A : i32
    %jit3A = arith.constant 0 : i32
    %jit3A_1 = arith.constant 9 : i32
    %max3A = arith.maxsi %jit3A, %sub3A_0 : i32
    %min3A = arith.minsi %jit3A_1, %max3A : i32
    %c0_i32 = arith.constant 0 : i32
    %c0_i32_2 = arith.constant 0 : i32
    return %min3A, %c0_i32 : i32, i32
  }
  func.func @transform_19(%arg0: i32) -> (i32, i32) {
    %c0_i32 = arith.constant 0 : i32
    %c0_i32_0 = arith.constant 0 : i32
    %c0_i32_1 = arith.constant 0 : i32
    return %c0_i32, %c0_i32_0 : i32, i32
  }
}

module attributes {stable_mosaic.version = 14 : i64} {
  func.func @_layer_ab_last_body(%arg0: i32, %arg1: memref<9008x128xf32, #tpu.memory_space<vmem>>, %arg2: memref<1000x128xf32, #tpu.memory_space<vmem>>, %arg3: memref<8x128xf32, #tpu.memory_space<vmem>>, %arg4: memref<1x128xf32, #tpu.memory_space<vmem>>, %arg5: memref<1x128xf32, #tpu.memory_space<vmem>>, %arg6: memref<3x128x128xf32, #tpu.memory_space<vmem>>, %arg7: memref<1x128xf32, #tpu.memory_space<vmem>>, %arg8: memref<128x128xf32, #tpu.memory_space<vmem>>, %arg9: memref<128x128xf32, #tpu.memory_space<vmem>>, %arg10: memref<1x128xf32, #tpu.memory_space<vmem>>, %arg11: memref<1000x128xf32, #tpu.memory_space<vmem>>, %arg12: memref<8x128xf32, #tpu.memory_space<vmem>>, %arg13: memref<1x128xf32, #tpu.memory_space<vmem>>, %arg14: memref<1x128xf32, #tpu.memory_space<vmem>>, %arg15: memref<128x128xf32, #tpu.memory_space<vmem>>, %arg16: memref<1x128xf32, #tpu.memory_space<vmem>>, %arg17: memref<128x128xf32, #tpu.memory_space<vmem>>, %arg18: memref<1x128xf32, #tpu.memory_space<vmem>>, %arg19: memref<1x128xf32, #tpu.memory_space<vmem>>, %arg20: memref<1x128xf32, #tpu.memory_space<vmem>>, %arg21: memref<1x1x1000xi32, #tpu.memory_space<vmem>>, %arg22: memref<128x64xf32, #tpu.memory_space<vmem>>, %arg23: memref<1x64xf32, #tpu.memory_space<vmem>>, %arg24: memref<64x32xf32, #tpu.memory_space<vmem>>, %arg25: memref<1x32xf32, #tpu.memory_space<vmem>>, %arg26: memref<1x32xf32, #tpu.memory_space<vmem>>, %arg27: memref<1x1xf32, #tpu.memory_space<vmem>>, %arg28: memref<400x1xf32, #tpu.memory_space<vmem>>, %arg29: memref<5000x128xf32, #tpu.memory_space<vmem>>, %arg30: memref<8x128xf32, #tpu.memory_space<vmem>>, %arg31: memref<8x128xf32, #tpu.memory_space<vmem>>, %arg32: memref<400x128xf32, #tpu.memory_space<vmem>>, %arg33: memref<400x128xf32, #tpu.memory_space<vmem>>) attributes {dimension_semantics = [#tpu.dimension_semantics<arbitrary>], iteration_bounds = array<i64: 15>, scalar_prefetch = 0 : i64, scratch_operands = 5 : i64, tpu.core_type = #tpu.core_type<tc>, window_params = [{transform_indices = @transform_0, window_bounds = array<i64: 9008, 128>}, {transform_indices = @transform_1, window_bounds = array<i64: 1000, 128>}, {pipeline_mode = #tpu.pipeline_mode<synchronous>, transform_indices = @transform_2, window_bounds = array<i64: 8, 128>}, {pipeline_mode = #tpu.pipeline_mode<synchronous>, transform_indices = @transform_3, window_bounds = array<i64: 1, 128>}, {pipeline_mode = #tpu.pipeline_mode<synchronous>, transform_indices = @transform_4, window_bounds = array<i64: 1, 128>}, {pipeline_mode = #tpu.pipeline_mode<synchronous>, transform_indices = @transform_5, window_bounds = array<i64: 3, 128, 128>}, {pipeline_mode = #tpu.pipeline_mode<synchronous>, transform_indices = @transform_6, window_bounds = array<i64: 1, 128>}, {pipeline_mode = #tpu.pipeline_mode<synchronous>, transform_indices = @transform_7, window_bounds = array<i64: 128, 128>}, {pipeline_mode = #tpu.pipeline_mode<synchronous>, transform_indices = @transform_8, window_bounds = array<i64: 128, 128>}, {pipeline_mode = #tpu.pipeline_mode<synchronous>, transform_indices = @transform_9, window_bounds = array<i64: 1, 128>}, {transform_indices = @transform_10, window_bounds = array<i64: 1000, 128>}, {pipeline_mode = #tpu.pipeline_mode<synchronous>, transform_indices = @transform_11, window_bounds = array<i64: 8, 128>}, {pipeline_mode = #tpu.pipeline_mode<synchronous>, transform_indices = @transform_12, window_bounds = array<i64: 1, 128>}, {pipeline_mode = #tpu.pipeline_mode<synchronous>, transform_indices = @transform_13, window_bounds = array<i64: 1, 128>}, {pipeline_mode = #tpu.pipeline_mode<synchronous>, transform_indices = @transform_14, window_bounds = array<i64: 128, 128>}, {pipeline_mode = #tpu.pipeline_mode<synchronous>, transform_indices = @transform_15, window_bounds = array<i64: 1, 128>}, {pipeline_mode = #tpu.pipeline_mode<synchronous>, transform_indices = @transform_16, window_bounds = array<i64: 128, 128>}, {pipeline_mode = #tpu.pipeline_mode<synchronous>, transform_indices = @transform_17, window_bounds = array<i64: 1, 128>}, {pipeline_mode = #tpu.pipeline_mode<synchronous>, transform_indices = @transform_18, window_bounds = array<i64: 1, 128>}, {pipeline_mode = #tpu.pipeline_mode<synchronous>, transform_indices = @transform_19, window_bounds = array<i64: 1, 128>}, {transform_indices = @transform_20, window_bounds = array<i64: 1, 1, 1000>}, {pipeline_mode = #tpu.pipeline_mode<synchronous>, transform_indices = @transform_21, window_bounds = array<i64: 128, 64>}, {pipeline_mode = #tpu.pipeline_mode<synchronous>, transform_indices = @transform_22, window_bounds = array<i64: 1, 64>}, {pipeline_mode = #tpu.pipeline_mode<synchronous>, transform_indices = @transform_23, window_bounds = array<i64: 64, 32>}, {pipeline_mode = #tpu.pipeline_mode<synchronous>, transform_indices = @transform_24, window_bounds = array<i64: 1, 32>}, {pipeline_mode = #tpu.pipeline_mode<synchronous>, transform_indices = @transform_25, window_bounds = array<i64: 1, 32>}, {pipeline_mode = #tpu.pipeline_mode<synchronous>, transform_indices = @transform_26, window_bounds = array<i64: 1, 1>}, {pipeline_mode = #tpu.pipeline_mode<synchronous>, transform_indices = @transform_27, window_bounds = array<i64: 400, 1>}]} {
    %lt3A = arith.constant 5 : i32
    %lt3A_0 = arith.cmpi slt, %arg0, %lt3A : i32
    %convert_element_type3A = arith.extui %lt3A_0 : i1 to i32
    %cond3A = arith.constant 0 : i32
    %cond3A_1 = arith.cmpi ne, %convert_element_type3A, %cond3A : i32
    scf.if %cond3A_1 {
      %get3A = arith.constant 0 : index
      %get3A_6 = arith.constant 0 : index
      %get3A_7 = vector.load %arg3[%get3A, %get3A_6] : memref<8x128xf32, #tpu.memory_space<vmem>>, vector<1x128xf32>
      %mul3A = arith.constant 9.99999974E-5 : f32
      %mul3A_8 = vector.broadcast %mul3A : f32 to vector<1x128xf32>
      %mul3A_9 = arith.mulf %get3A_7, %mul3A_8 : vector<1x128xf32>
      %get3A_10 = arith.constant 1 : index
      %get3A_11 = arith.constant 0 : index
      %get3A_12 = vector.load %arg3[%get3A_10, %get3A_11] : memref<8x128xf32, #tpu.memory_space<vmem>>, vector<1x128xf32>
      %mul3A_13 = arith.constant 9.99999974E-5 : f32
      %mul3A_14 = vector.broadcast %mul3A_13 : f32 to vector<1x128xf32>
      %mul3A_15 = arith.mulf %get3A_12, %mul3A_14 : vector<1x128xf32>
      %mul3A_16 = arith.mulf %mul3A_9, %mul3A_9 : vector<1x128xf32>
      %sub3A = arith.subf %mul3A_15, %mul3A_16 : vector<1x128xf32>
      %add3A = arith.constant 9.99999974E-6 : f32
      %add3A_17 = vector.broadcast %add3A : f32 to vector<1x128xf32>
      %add3A_18 = arith.addf %sub3A, %add3A_17 : vector<1x128xf32>
      %rsqrt3A = math.rsqrt %add3A_18 : vector<1x128xf32>
      %get3A_19 = arith.constant 0 : index
      %get3A_20 = arith.constant 0 : index
      %get3A_21 = vector.load %arg4[%get3A_19, %get3A_20] : memref<1x128xf32, #tpu.memory_space<vmem>>, vector<1x128xf32>
      %mul3A_22 = arith.mulf %rsqrt3A, %get3A_21 : vector<1x128xf32>
      %get3A_23 = arith.constant 0 : index
      %get3A_24 = arith.constant 0 : index
      %get3A_25 = vector.load %arg5[%get3A_23, %get3A_24] : memref<1x128xf32, #tpu.memory_space<vmem>>, vector<1x128xf32>
      %mul3A_26 = arith.mulf %mul3A_9, %mul3A_22 : vector<1x128xf32>
      %sub3A_27 = arith.subf %get3A_25, %mul3A_26 : vector<1x128xf32>
      %get3A_28 = arith.constant 0 : index
      %get3A_29 = arith.constant 0 : index
      %get3A_30 = vector.load %arg1[%get3A_28, %get3A_29] : memref<9008x128xf32, #tpu.memory_space<vmem>>, vector<9008x128xf32>
      %mul3A_31 = vector.broadcast %mul3A_22 : vector<1x128xf32> to vector<9008x128xf32>
      %mul3A_32 = arith.mulf %get3A_30, %mul3A_31 : vector<9008x128xf32>
      %add3A_33 = vector.broadcast %sub3A_27 : vector<1x128xf32> to vector<9008x128xf32>
      %add3A_34 = arith.addf %mul3A_32, %add3A_33 : vector<9008x128xf32>
      %slice3A = vector.extract_strided_slice %add3A_34 {offsets = [0, 0], sizes = [8000, 128], strides = [1, 1]} : vector<9008x128xf32> to vector<8000x128xf32>
      %slice3A_35 = vector.extract_strided_slice %add3A_34 {offsets = [8000, 0], sizes = [1000, 128], strides = [1, 1]} : vector<9008x128xf32> to vector<1000x128xf32>
      %get3A_36 = arith.constant 0 : index
      %get3A_37 = arith.constant 0 : index
      %get3A_38 = vector.load %arg2[%get3A_36, %get3A_37] : memref<1000x128xf32, #tpu.memory_space<vmem>>, vector<1000x128xf32>
      %mul3A_39 = vector.broadcast %mul3A_22 : vector<1x128xf32> to vector<1000x128xf32>
      %mul3A_40 = arith.mulf %get3A_38, %mul3A_39 : vector<1000x128xf32>
      %add3A_41 = vector.broadcast %sub3A_27 : vector<1x128xf32> to vector<1000x128xf32>
      %add3A_42 = arith.addf %mul3A_40, %add3A_41 : vector<1000x128xf32>
      %broadcast_in_dim3A = arith.constant 0.000000e+00 : f32
      %broadcast_in_dim3A_43 = vector.broadcast %broadcast_in_dim3A : f32 to vector<1000x8x128xf32>
      %get3A_44 = arith.constant 0 : index
      %get3A_45 = arith.constant 0 : index
      %get3A_46 = arith.constant 0 : index
      %get3A_47 = vector.load %arg6[%get3A_44, %get3A_45, %get3A_46] : memref<3x128x128xf32, #tpu.memory_space<vmem>>, vector<1x128x128xf32>
      %get3A_48 = vector.shape_cast %get3A_47 : vector<1x128x128xf32> to vector<128x128xf32>
      %dot_general3A = arith.constant dense<0.000000e+00> : vector<8000x128xf32>
      %dot_general3A_49 = tpu.matmul %slice3A, %get3A_48, %dot_general3A {dimension_numbers = #tpu.dot_dimension_numbers<[1], [0], [0], [1], [0, 0, 1, 1], [], []>, transpose_lhs_hint = false} : vector<8000x128xf32>, vector<128x128xf32>, vector<8000x128xf32> -> vector<8000x128xf32>
      %reshape3A = vector.shape_cast %dot_general3A_49 : vector<8000x128xf32> to vector<1000x8x128xf32>
      %add3A_50 = arith.addf %broadcast_in_dim3A_43, %reshape3A : vector<1000x8x128xf32>
      %get3A_51 = arith.constant 1 : index
      %get3A_52 = arith.constant 0 : index
      %get3A_53 = arith.constant 0 : index
      %get3A_54 = vector.load %arg6[%get3A_51, %get3A_52, %get3A_53] : memref<3x128x128xf32, #tpu.memory_space<vmem>>, vector<1x128x128xf32>
      %get3A_55 = vector.shape_cast %get3A_54 : vector<1x128x128xf32> to vector<128x128xf32>
      %dot_general3A_56 = arith.constant dense<0.000000e+00> : vector<8000x128xf32>
      %dot_general3A_57 = tpu.matmul %slice3A, %get3A_55, %dot_general3A_56 {dimension_numbers = #tpu.dot_dimension_numbers<[1], [0], [0], [1], [0, 0, 1, 1], [], []>, transpose_lhs_hint = false} : vector<8000x128xf32>, vector<128x128xf32>, vector<8000x128xf32> -> vector<8000x128xf32>
      %reshape3A_58 = vector.shape_cast %dot_general3A_57 : vector<8000x128xf32> to vector<1000x8x128xf32>
      %slice3A_59 = vector.extract_strided_slice %reshape3A_58 {offsets = [0, 1, 0], sizes = [1000, 7, 128], strides = [1, 1, 1]} : vector<1000x8x128xf32> to vector<1000x7x128xf32>
      %slice3A_60 = vector.extract_strided_slice %reshape3A_58 {offsets = [0, 0, 0], sizes = [1000, 1, 128], strides = [1, 1, 1]} : vector<1000x8x128xf32> to vector<1000x1x128xf32>
      %concatenate3A = tpu.concatenate %slice3A_59, %slice3A_60 in 1 : vector<1000x7x128xf32>, vector<1000x1x128xf32> -> vector<1000x8x128xf32>
      %add3A_61 = arith.addf %add3A_50, %concatenate3A : vector<1000x8x128xf32>
      %get3A_62 = arith.constant 2 : index
      %get3A_63 = arith.constant 0 : index
      %get3A_64 = arith.constant 0 : index
      %get3A_65 = vector.load %arg6[%get3A_62, %get3A_63, %get3A_64] : memref<3x128x128xf32, #tpu.memory_space<vmem>>, vector<1x128x128xf32>
      %get3A_66 = vector.shape_cast %get3A_65 : vector<1x128x128xf32> to vector<128x128xf32>
      %dot_general3A_67 = arith.constant dense<0.000000e+00> : vector<8000x128xf32>
      %dot_general3A_68 = tpu.matmul %slice3A, %get3A_66, %dot_general3A_67 {dimension_numbers = #tpu.dot_dimension_numbers<[1], [0], [0], [1], [0, 0, 1, 1], [], []>, transpose_lhs_hint = false} : vector<8000x128xf32>, vector<128x128xf32>, vector<8000x128xf32> -> vector<8000x128xf32>
      %reshape3A_69 = vector.shape_cast %dot_general3A_68 : vector<8000x128xf32> to vector<1000x8x128xf32>
      %slice3A_70 = vector.extract_strided_slice %reshape3A_69 {offsets = [0, 2, 0], sizes = [1000, 6, 128], strides = [1, 1, 1]} : vector<1000x8x128xf32> to vector<1000x6x128xf32>
      %slice3A_71 = vector.extract_strided_slice %reshape3A_69 {offsets = [0, 0, 0], sizes = [1000, 2, 128], strides = [1, 1, 1]} : vector<1000x8x128xf32> to vector<1000x2x128xf32>
      %concatenate3A_72 = tpu.concatenate %slice3A_70, %slice3A_71 in 1 : vector<1000x6x128xf32>, vector<1000x2x128xf32> -> vector<1000x8x128xf32>
      %add3A_73 = arith.addf %add3A_61, %concatenate3A_72 : vector<1000x8x128xf32>
      %get3A_74 = arith.constant 0 : index
      %get3A_75 = arith.constant 0 : index
      %get3A_76 = vector.load %arg7[%get3A_74, %get3A_75] : memref<1x128xf32, #tpu.memory_space<vmem>>, vector<1x128xf32>
      %reshape3A_77 = vector.shape_cast %get3A_76 : vector<1x128xf32> to vector<1x1x128xf32>
      %add3A_78 = vector.broadcast %reshape3A_77 : vector<1x1x128xf32> to vector<1000x8x128xf32>
      %add3A_79 = arith.addf %add3A_73, %add3A_78 : vector<1000x8x128xf32>
      %gt3A = arith.constant 0.000000e+00 : f32
      %gt3A_80 = vector.broadcast %gt3A : f32 to vector<1000x8x128xf32>
      %gt3A_81 = arith.cmpf ogt, %add3A_79, %gt3A_80 : vector<1000x8x128xf32>
      %exp3A = math.exp %add3A_79 : vector<1000x8x128xf32>
      %sub3A_82 = arith.constant 1.000000e+00 : f32
      %sub3A_83 = vector.broadcast %sub3A_82 : f32 to vector<1000x8x128xf32>
      %sub3A_84 = arith.subf %exp3A, %sub3A_83 : vector<1000x8x128xf32>
      %select_n3A = arith.select %gt3A_81, %add3A_79, %sub3A_84 : vector<1000x8x128xi1>, vector<1000x8x128xf32>
      %reduce_sum3A = arith.constant dense<0.000000e+00> : vector<1000x128xf32>
      %reduce_sum3A_85 = vector.multi_reduction <add>, %select_n3A, %reduce_sum3A [1] : vector<1000x8x128xf32> to vector<1000x128xf32>
      %get3A_86 = arith.constant 0 : index
      %get3A_87 = arith.constant 0 : index
      %get3A_88 = vector.load %arg8[%get3A_86, %get3A_87] : memref<128x128xf32, #tpu.memory_space<vmem>>, vector<128x128xf32>
      %dot_general3A_89 = arith.constant dense<0.000000e+00> : vector<1000x128xf32>
      %dot_general3A_90 = tpu.matmul %add3A_42, %get3A_88, %dot_general3A_89 {dimension_numbers = #tpu.dot_dimension_numbers<[1], [0], [0], [1], [0, 0, 1, 1], [], []>, transpose_lhs_hint = false} : vector<1000x128xf32>, vector<128x128xf32>, vector<1000x128xf32> -> vector<1000x128xf32>
      %add3A_91 = arith.addf %reduce_sum3A_85, %dot_general3A_90 : vector<1000x128xf32>
      %get3A_92 = arith.constant 0 : index
      %get3A_93 = arith.constant 0 : index
      %get3A_94 = vector.load %arg9[%get3A_92, %get3A_93] : memref<128x128xf32, #tpu.memory_space<vmem>>, vector<128x128xf32>
      %dot_general3A_95 = arith.constant dense<0.000000e+00> : vector<1000x128xf32>
      %dot_general3A_96 = tpu.matmul %slice3A_35, %get3A_94, %dot_general3A_95 {dimension_numbers = #tpu.dot_dimension_numbers<[1], [0], [0], [1], [0, 0, 1, 1], [], []>, transpose_lhs_hint = false} : vector<1000x128xf32>, vector<128x128xf32>, vector<1000x128xf32> -> vector<1000x128xf32>
      %add3A_97 = arith.addf %add3A_91, %dot_general3A_96 : vector<1000x128xf32>
      %get3A_98 = arith.constant 0 : index
      %get3A_99 = arith.constant 0 : index
      %get3A_100 = vector.load %arg10[%get3A_98, %get3A_99] : memref<1x128xf32, #tpu.memory_space<vmem>>, vector<1x128xf32>
      %add3A_101 = vector.broadcast %get3A_100 : vector<1x128xf32> to vector<1000x128xf32>
      %add3A_102 = arith.addf %add3A_97, %add3A_101 : vector<1000x128xf32>
      %gt3A_103 = arith.constant 0.000000e+00 : f32
      %gt3A_104 = vector.broadcast %gt3A_103 : f32 to vector<1000x128xf32>
      %gt3A_105 = arith.cmpf ogt, %add3A_102, %gt3A_104 : vector<1000x128xf32>
      %exp3A_106 = math.exp %add3A_102 : vector<1000x128xf32>
      %sub3A_107 = arith.constant 1.000000e+00 : f32
      %sub3A_108 = vector.broadcast %sub3A_107 : f32 to vector<1000x128xf32>
      %sub3A_109 = arith.subf %exp3A_106, %sub3A_108 : vector<1000x128xf32>
      %select_n3A_110 = arith.select %gt3A_105, %add3A_102, %sub3A_109 : vector<1000x128xi1>, vector<1000x128xf32>
      %add3A_111 = arith.addf %select_n3A_110, %add3A_42 : vector<1000x128xf32>
      %mul3A_112 = arith.constant 1000 : i32
      %mul3A_113 = arith.muli %arg0, %mul3A_112 : i32
      %multiple_of3A = tpu.assume_multiple %mul3A_113, 1000 : i32
      %swap3A = arith.index_cast %multiple_of3A : i32 to index
      %swap3A_114 = arith.constant 0 : index
      %swap3A_115 = vector.load %arg29[%swap3A, %swap3A_114] : memref<5000x128xf32, #tpu.memory_space<vmem>>, vector<1000x128xf32>
      tpu.vector_store %arg29[%swap3A, %swap3A_114], %add3A_111 {strides = array<i32>} : memref<5000x128xf32, #tpu.memory_space<vmem>>, vector<1000x128xf32>,
      %eq3A = arith.constant 0 : i32
      %eq3A_116 = arith.cmpi eq, %arg0, %eq3A : i32
      %convert_element_type3A_117 = arith.extui %eq3A_116 : i1 to i32
      %cond3A_118 = arith.constant 0 : i32
      %cond3A_119 = arith.cmpi ne, %convert_element_type3A_117, %cond3A_118 : i32
      scf.if %cond3A_119 {
        %broadcast_in_dim3A_141 = arith.constant 0.000000e+00 : f32
        %broadcast_in_dim3A_142 = vector.broadcast %broadcast_in_dim3A_141 : f32 to vector<8x128xf32>
        %swap3A_143 = arith.constant 0 : index
        %swap3A_144 = arith.constant 0 : index
        %swap3A_145 = vector.load %arg30[%swap3A_143, %swap3A_144] : memref<8x128xf32, #tpu.memory_space<vmem>>, vector<8x128xf32>
        tpu.vector_store %arg30[%swap3A_143, %swap3A_144], %broadcast_in_dim3A_142 {strides = array<i32>} : memref<8x128xf32, #tpu.memory_space<vmem>>, vector<8x128xf32>,
      } else {
      }
      %broadcast_in_dim3A_120 = arith.constant 1.000000e+00 : f32
      %broadcast_in_dim3A_121 = vector.broadcast %broadcast_in_dim3A_120 : f32 to vector<1x1000xf32>
      %get3A_122 = arith.constant 0 : index
      %get3A_123 = arith.constant 0 : index
      %get3A_124 = vector.load %arg30[%get3A_122, %get3A_123] : memref<8x128xf32, #tpu.memory_space<vmem>>, vector<1x128xf32>
      %dot_general3A_125 = arith.constant dense<0.000000e+00> : vector<1x128xf32>
      %dot_general3A_126 = tpu.matmul %broadcast_in_dim3A_121, %add3A_111, %dot_general3A_125 {dimension_numbers = #tpu.dot_dimension_numbers<[1], [0], [0], [1], [0, 0, 1, 1], [], []>, transpose_lhs_hint = false} : vector<1x1000xf32>, vector<1000x128xf32>, vector<1x128xf32> -> vector<1x128xf32>
      %add3A_127 = arith.addf %get3A_124, %dot_general3A_126 : vector<1x128xf32>
      %swap3A_128 = arith.constant 0 : index
      %swap3A_129 = arith.constant 0 : index
      %swap3A_130 = vector.load %arg30[%swap3A_128, %swap3A_129] : memref<8x128xf32, #tpu.memory_space<vmem>>, vector<1x128xf32>
      tpu.vector_store %arg30[%swap3A_128, %swap3A_129], %add3A_127 {strides = array<i32>} : memref<8x128xf32, #tpu.memory_space<vmem>>, vector<1x128xf32>,
      %get3A_131 = arith.constant 1 : index
      %get3A_132 = arith.constant 0 : index
      %get3A_133 = vector.load %arg30[%get3A_131, %get3A_132] : memref<8x128xf32, #tpu.memory_space<vmem>>, vector<1x128xf32>
      %mul3A_134 = arith.mulf %add3A_111, %add3A_111 : vector<1000x128xf32>
      %dot_general3A_135 = arith.constant dense<0.000000e+00> : vector<1x128xf32>
      %dot_general3A_136 = tpu.matmul %broadcast_in_dim3A_121, %mul3A_134, %dot_general3A_135 {dimension_numbers = #tpu.dot_dimension_numbers<[1], [0], [0], [1], [0, 0, 1, 1], [], []>, transpose_lhs_hint = false} : vector<1x1000xf32>, vector<1000x128xf32>, vector<1x128xf32> -> vector<1x128xf32>
      %add3A_137 = arith.addf %get3A_133, %dot_general3A_136 : vector<1x128xf32>
      %swap3A_138 = arith.constant 1 : index
      %swap3A_139 = arith.constant 0 : index
      %swap3A_140 = vector.load %arg30[%swap3A_138, %swap3A_139] : memref<8x128xf32, #tpu.memory_space<vmem>>, vector<1x128xf32>
      tpu.vector_store %arg30[%swap3A_138, %swap3A_139], %add3A_137 {strides = array<i32>} : memref<8x128xf32, #tpu.memory_space<vmem>>, vector<1x128xf32>,
    } else {
    }
    %ge3A = arith.constant 5 : i32
    %ge3A_2 = arith.cmpi sge, %arg0, %ge3A : i32
    %convert_element_type3A_3 = arith.extui %ge3A_2 : i1 to i32
    %cond3A_4 = arith.constant 0 : i32
    %cond3A_5 = arith.cmpi ne, %convert_element_type3A_3, %cond3A_4 : i32
    scf.if %cond3A_5 {
      %sub3A = arith.constant 10 : i32
      %sub3A_6 = arith.subi %arg0, %sub3A : i32
      %max3A = arith.constant 0 : i32
      %max3A_7 = arith.maxsi %sub3A_6, %max3A : i32
      %mul3A = arith.constant 1000 : i32
      %mul3A_8 = arith.muli %max3A_7, %mul3A : i32
      %multiple_of3A = tpu.assume_multiple %mul3A_8, 1000 : i32
      %get3A = arith.index_cast %multiple_of3A : i32 to index
      %get3A_9 = arith.constant 0 : index
      %get3A_10 = vector.load %arg29[%get3A, %get3A_9] : memref<5000x128xf32, #tpu.memory_space<vmem>>, vector<1000x128xf32>
      %lt3A_11 = arith.constant 10 : i32
      %lt3A_12 = arith.cmpi slt, %arg0, %lt3A_11 : i32
      %get3A_13 = arith.constant 0 : index
      %get3A_14 = arith.constant 0 : index
      %get3A_15 = vector.load %arg11[%get3A_13, %get3A_14] : memref<1000x128xf32, #tpu.memory_space<vmem>>, vector<1000x128xf32>
      %select_n3A = arith.select %lt3A_12, %get3A_15, %get3A_10 : vector<1000x128xf32>
      %get3A_16 = arith.constant 0 : index
      %get3A_17 = arith.constant 0 : index
      %get3A_18 = vector.load %arg12[%get3A_16, %get3A_17] : memref<8x128xf32, #tpu.memory_space<vmem>>, vector<8x128xf32>
      %get3A_19 = arith.constant 0 : index
      %get3A_20 = arith.constant 0 : index
      %get3A_21 = vector.load %arg30[%get3A_19, %get3A_20] : memref<8x128xf32, #tpu.memory_space<vmem>>, vector<8x128xf32>
      %add3A = arith.addf %get3A_18, %get3A_21 : vector<8x128xf32>
      %slice3A = vector.extract_strided_slice %add3A {offsets = [0, 0], sizes = [1, 128], strides = [1, 1]} : vector<8x128xf32> to vector<1x128xf32>
      %mul3A_22 = arith.constant 9.99999974E-5 : f32
      %mul3A_23 = vector.broadcast %mul3A_22 : f32 to vector<1x128xf32>
      %mul3A_24 = arith.mulf %slice3A, %mul3A_23 : vector<1x128xf32>
      %slice3A_25 = vector.extract_strided_slice %add3A {offsets = [1, 0], sizes = [1, 128], strides = [1, 1]} : vector<8x128xf32> to vector<1x128xf32>
      %mul3A_26 = arith.constant 9.99999974E-5 : f32
      %mul3A_27 = vector.broadcast %mul3A_26 : f32 to vector<1x128xf32>
      %mul3A_28 = arith.mulf %slice3A_25, %mul3A_27 : vector<1x128xf32>
      %mul3A_29 = arith.mulf %mul3A_24, %mul3A_24 : vector<1x128xf32>
      %sub3A_30 = arith.subf %mul3A_28, %mul3A_29 : vector<1x128xf32>
      %add3A_31 = arith.constant 9.99999974E-6 : f32
      %add3A_32 = vector.broadcast %add3A_31 : f32 to vector<1x128xf32>
      %add3A_33 = arith.addf %sub3A_30, %add3A_32 : vector<1x128xf32>
      %rsqrt3A = math.rsqrt %add3A_33 : vector<1x128xf32>
      %get3A_34 = arith.constant 0 : index
      %get3A_35 = arith.constant 0 : index
      %get3A_36 = vector.load %arg13[%get3A_34, %get3A_35] : memref<1x128xf32, #tpu.memory_space<vmem>>, vector<1x128xf32>
      %mul3A_37 = arith.mulf %rsqrt3A, %get3A_36 : vector<1x128xf32>
      %get3A_38 = arith.constant 0 : index
      %get3A_39 = arith.constant 0 : index
      %get3A_40 = vector.load %arg14[%get3A_38, %get3A_39] : memref<1x128xf32, #tpu.memory_space<vmem>>, vector<1x128xf32>
      %mul3A_41 = arith.mulf %mul3A_24, %mul3A_37 : vector<1x128xf32>
      %sub3A_42 = arith.subf %get3A_40, %mul3A_41 : vector<1x128xf32>
      %mul3A_43 = vector.broadcast %mul3A_37 : vector<1x128xf32> to vector<1000x128xf32>
      %mul3A_44 = arith.mulf %select_n3A, %mul3A_43 : vector<1000x128xf32>
      %add3A_45 = vector.broadcast %sub3A_42 : vector<1x128xf32> to vector<1000x128xf32>
      %add3A_46 = arith.addf %mul3A_44, %add3A_45 : vector<1000x128xf32>
      %get3A_47 = arith.constant 0 : index
      %get3A_48 = arith.constant 0 : index
      %get3A_49 = vector.load %arg15[%get3A_47, %get3A_48] : memref<128x128xf32, #tpu.memory_space<vmem>>, vector<128x128xf32>
      %dot_general3A = arith.constant dense<0.000000e+00> : vector<1000x128xf32>
      %dot_general3A_50 = tpu.matmul %add3A_46, %get3A_49, %dot_general3A {dimension_numbers = #tpu.dot_dimension_numbers<[1], [0], [0], [1], [0, 0, 1, 1], [], []>, transpose_lhs_hint = false} : vector<1000x128xf32>, vector<128x128xf32>, vector<1000x128xf32> -> vector<1000x128xf32>
      %get3A_51 = arith.constant 0 : index
      %get3A_52 = arith.constant 0 : index
      %get3A_53 = vector.load %arg16[%get3A_51, %get3A_52] : memref<1x128xf32, #tpu.memory_space<vmem>>, vector<1x128xf32>
      %add3A_54 = vector.broadcast %get3A_53 : vector<1x128xf32> to vector<1000x128xf32>
      %add3A_55 = arith.addf %dot_general3A_50, %add3A_54 : vector<1000x128xf32>
      %max3A_56 = arith.constant 0.000000e+00 : f32
      %max3A_57 = vector.broadcast %max3A_56 : f32 to vector<1000x128xf32>
      %max3A_58 = arith.maximumf %add3A_55, %max3A_57 : vector<1000x128xf32>
      %get3A_59 = arith.constant 0 : index
      %get3A_60 = arith.constant 0 : index
      %get3A_61 = vector.load %arg17[%get3A_59, %get3A_60] : memref<128x128xf32, #tpu.memory_space<vmem>>, vector<128x128xf32>
      %dot_general3A_62 = arith.constant dense<0.000000e+00> : vector<1000x128xf32>
      %dot_general3A_63 = tpu.matmul %max3A_58, %get3A_61, %dot_general3A_62 {dimension_numbers = #tpu.dot_dimension_numbers<[1], [0], [0], [1], [0, 0, 1, 1], [], []>, transpose_lhs_hint = false} : vector<1000x128xf32>, vector<128x128xf32>, vector<1000x128xf32> -> vector<1000x128xf32>
      %get3A_64 = arith.constant 0 : index
      %get3A_65 = arith.constant 0 : index
      %get3A_66 = vector.load %arg18[%get3A_64, %get3A_65] : memref<1x128xf32, #tpu.memory_space<vmem>>, vector<1x128xf32>
      %add3A_67 = vector.broadcast %get3A_66 : vector<1x128xf32> to vector<1000x128xf32>
      %add3A_68 = arith.addf %dot_general3A_63, %add3A_67 : vector<1000x128xf32>
      %add3A_69 = arith.addf %add3A_46, %add3A_68 : vector<1000x128xf32>
      %eq3A = arith.constant 5 : i32
      %eq3A_70 = arith.cmpi eq, %arg0, %eq3A : i32
      %convert_element_type3A_71 = arith.extui %eq3A_70 : i1 to i32
      %cond3A_72 = arith.constant 0 : i32
      %cond3A_73 = arith.cmpi ne, %convert_element_type3A_71, %cond3A_72 : i32
      scf.if %cond3A_73 {
        %broadcast_in_dim3A_125 = arith.constant 0.000000e+00 : f32
        %broadcast_in_dim3A_126 = vector.broadcast %broadcast_in_dim3A_125 : f32 to vector<8x128xf32>
        %swap3A_127 = arith.constant 0 : index
        %swap3A_128 = arith.constant 0 : index
        %swap3A_129 = vector.load %arg31[%swap3A_127, %swap3A_128] : memref<8x128xf32, #tpu.memory_space<vmem>>, vector<8x128xf32>
        tpu.vector_store %arg31[%swap3A_127, %swap3A_128], %broadcast_in_dim3A_126 {strides = array<i32>} : memref<8x128xf32, #tpu.memory_space<vmem>>, vector<8x128xf32>,
        %broadcast_in_dim3A_130 = arith.constant 0.000000e+00 : f32
        %broadcast_in_dim3A_131 = vector.broadcast %broadcast_in_dim3A_130 : f32 to vector<400x128xf32>
        %swap3A_132 = arith.constant 0 : index
        %swap3A_133 = arith.constant 0 : index
        %swap3A_134 = vector.load %arg32[%swap3A_132, %swap3A_133] : memref<400x128xf32, #tpu.memory_space<vmem>>, vector<400x128xf32>
        tpu.vector_store %arg32[%swap3A_132, %swap3A_133], %broadcast_in_dim3A_131 {strides = array<i32>} : memref<400x128xf32, #tpu.memory_space<vmem>>, vector<400x128xf32>,
        %broadcast_in_dim3A_135 = arith.constant 0.000000e+00 : f32
        %broadcast_in_dim3A_136 = vector.broadcast %broadcast_in_dim3A_135 : f32 to vector<400x128xf32>
        %swap3A_137 = arith.constant 0 : index
        %swap3A_138 = arith.constant 0 : index
        %swap3A_139 = vector.load %arg33[%swap3A_137, %swap3A_138] : memref<400x128xf32, #tpu.memory_space<vmem>>, vector<400x128xf32>
        tpu.vector_store %arg33[%swap3A_137, %swap3A_138], %broadcast_in_dim3A_136 {strides = array<i32>} : memref<400x128xf32, #tpu.memory_space<vmem>>, vector<400x128xf32>,
      } else {
      }
      %broadcast_in_dim3A = arith.constant 1.000000e+00 : f32
      %broadcast_in_dim3A_74 = vector.broadcast %broadcast_in_dim3A : f32 to vector<1x1000xf32>
      %get3A_75 = arith.constant 0 : index
      %get3A_76 = arith.constant 0 : index
      %get3A_77 = vector.load %arg31[%get3A_75, %get3A_76] : memref<8x128xf32, #tpu.memory_space<vmem>>, vector<1x128xf32>
      %dot_general3A_78 = arith.constant dense<0.000000e+00> : vector<1x128xf32>
      %dot_general3A_79 = tpu.matmul %broadcast_in_dim3A_74, %add3A_69, %dot_general3A_78 {dimension_numbers = #tpu.dot_dimension_numbers<[1], [0], [0], [1], [0, 0, 1, 1], [], []>, transpose_lhs_hint = false} : vector<1x1000xf32>, vector<1000x128xf32>, vector<1x128xf32> -> vector<1x128xf32>
      %add3A_80 = arith.addf %get3A_77, %dot_general3A_79 : vector<1x128xf32>
      %swap3A = arith.constant 0 : index
      %swap3A_81 = arith.constant 0 : index
      %swap3A_82 = vector.load %arg31[%swap3A, %swap3A_81] : memref<8x128xf32, #tpu.memory_space<vmem>>, vector<1x128xf32>
      tpu.vector_store %arg31[%swap3A, %swap3A_81], %add3A_80 {strides = array<i32>} : memref<8x128xf32, #tpu.memory_space<vmem>>, vector<1x128xf32>,
      %get3A_83 = arith.constant 1 : index
      %get3A_84 = arith.constant 0 : index
      %get3A_85 = vector.load %arg31[%get3A_83, %get3A_84] : memref<8x128xf32, #tpu.memory_space<vmem>>, vector<1x128xf32>
      %mul3A_86 = arith.mulf %add3A_69, %add3A_69 : vector<1000x128xf32>
      %dot_general3A_87 = arith.constant dense<0.000000e+00> : vector<1x128xf32>
      %dot_general3A_88 = tpu.matmul %broadcast_in_dim3A_74, %mul3A_86, %dot_general3A_87 {dimension_numbers = #tpu.dot_dimension_numbers<[1], [0], [0], [1], [0, 0, 1, 1], [], []>, transpose_lhs_hint = false} : vector<1x1000xf32>, vector<1000x128xf32>, vector<1x128xf32> -> vector<1x128xf32>
      %add3A_89 = arith.addf %get3A_85, %dot_general3A_88 : vector<1x128xf32>
      %swap3A_90 = arith.constant 1 : index
      %swap3A_91 = arith.constant 0 : index
      %swap3A_92 = vector.load %arg31[%swap3A_90, %swap3A_91] : memref<8x128xf32, #tpu.memory_space<vmem>>, vector<1x128xf32>
      tpu.vector_store %arg31[%swap3A_90, %swap3A_91], %add3A_89 {strides = array<i32>} : memref<8x128xf32, #tpu.memory_space<vmem>>, vector<1x128xf32>,
      %get3A_93 = arith.constant 0 : index
      %get3A_94 = arith.constant 0 : index
      %get3A_95 = arith.constant 0 : index
      %get3A_96 = vector.load %arg21[%get3A_93, %get3A_94, %get3A_95] : memref<1x1x1000xi32, #tpu.memory_space<vmem>>, vector<1x1x1000xi32>
      %reshape3A = vector.shape_cast %get3A_96 : vector<1x1x1000xi32> to vector<1x1000xi32>
      %iota3A = tpu.iota {dimensions = array<i32: 0>} : vector<400x1000xi32>
      %eq3A_97 = vector.broadcast %reshape3A : vector<1x1000xi32> to vector<400x1000xi32>
      %eq3A_98 = arith.cmpi eq, %iota3A, %eq3A_97 : vector<400x1000xi32>
      %convert_element_type3A_99 = arith.extui %eq3A_98 : vector<400x1000xi1> to vector<400x1000xi32>
      %convert_element_type3A_100 = arith.sitofp %convert_element_type3A_99 : vector<400x1000xi32> to vector<400x1000xf32>
      %get3A_101 = arith.constant 0 : index
      %get3A_102 = arith.constant 0 : index
      %get3A_103 = vector.load %arg32[%get3A_101, %get3A_102] : memref<400x128xf32, #tpu.memory_space<vmem>>, vector<400x128xf32>
      %dot_general3A_104 = arith.constant dense<0.000000e+00> : vector<400x128xf32>
      %dot_general3A_105 = tpu.matmul %convert_element_type3A_100, %add3A_69, %dot_general3A_104 {dimension_numbers = #tpu.dot_dimension_numbers<[1], [0], [0], [1], [0, 0, 1, 1], [], []>, precision = #tpu.contract_precision<fp32>, transpose_lhs_hint = false} : vector<400x1000xf32>, vector<1000x128xf32>, vector<400x128xf32> -> vector<400x128xf32>
      %add3A_106 = arith.addf %get3A_103, %dot_general3A_105 : vector<400x128xf32>
      %swap3A_107 = arith.constant 0 : index
      %swap3A_108 = arith.constant 0 : index
      %swap3A_109 = vector.load %arg32[%swap3A_107, %swap3A_108] : memref<400x128xf32, #tpu.memory_space<vmem>>, vector<400x128xf32>
      tpu.vector_store %arg32[%swap3A_107, %swap3A_108], %add3A_106 {strides = array<i32>} : memref<400x128xf32, #tpu.memory_space<vmem>>, vector<400x128xf32>,
      %get3A_110 = arith.constant 0 : index
      %get3A_111 = arith.constant 0 : index
      %get3A_112 = vector.load %arg33[%get3A_110, %get3A_111] : memref<400x128xf32, #tpu.memory_space<vmem>>, vector<400x128xf32>
      %reduce_sum3A = arith.constant dense<0.000000e+00> : vector<400xf32>
      %reduce_sum3A_113 = vector.multi_reduction <add>, %convert_element_type3A_100, %reduce_sum3A [1] : vector<400x1000xf32> to vector<400xf32>
      %broadcast_in_dim3A_114 = vector.shape_cast %reduce_sum3A_113 : vector<400xf32> to vector<400x1xf32>
      %add3A_115 = vector.broadcast %broadcast_in_dim3A_114 : vector<400x1xf32> to vector<400x128xf32>
      %add3A_116 = arith.addf %get3A_112, %add3A_115 : vector<400x128xf32>
      %swap3A_117 = arith.constant 0 : index
      %swap3A_118 = arith.constant 0 : index
      %swap3A_119 = vector.load %arg33[%swap3A_117, %swap3A_118] : memref<400x128xf32, #tpu.memory_space<vmem>>, vector<400x128xf32>
      tpu.vector_store %arg33[%swap3A_117, %swap3A_118], %add3A_116 {strides = array<i32>} : memref<400x128xf32, #tpu.memory_space<vmem>>, vector<400x128xf32>,
      %eq3A_120 = arith.constant 14 : i32
      %eq3A_121 = arith.cmpi eq, %arg0, %eq3A_120 : i32
      %convert_element_type3A_122 = arith.extui %eq3A_121 : i1 to i32
      %cond3A_123 = arith.constant 0 : i32
      %cond3A_124 = arith.cmpi ne, %convert_element_type3A_122, %cond3A_123 : i32
      scf.if %cond3A_124 {
        %get3A_125 = arith.constant 0 : index
        %get3A_126 = arith.constant 0 : index
        %get3A_127 = vector.load %arg31[%get3A_125, %get3A_126] : memref<8x128xf32, #tpu.memory_space<vmem>>, vector<8x128xf32>
        %slice3A_128 = vector.extract_strided_slice %get3A_127 {offsets = [0, 0], sizes = [1, 128], strides = [1, 1]} : vector<8x128xf32> to vector<1x128xf32>
        %mul3A_129 = arith.constant 9.99999974E-5 : f32
        %mul3A_130 = vector.broadcast %mul3A_129 : f32 to vector<1x128xf32>
        %mul3A_131 = arith.mulf %slice3A_128, %mul3A_130 : vector<1x128xf32>
        %slice3A_132 = vector.extract_strided_slice %get3A_127 {offsets = [1, 0], sizes = [1, 128], strides = [1, 1]} : vector<8x128xf32> to vector<1x128xf32>
        %mul3A_133 = arith.constant 9.99999974E-5 : f32
        %mul3A_134 = vector.broadcast %mul3A_133 : f32 to vector<1x128xf32>
        %mul3A_135 = arith.mulf %slice3A_132, %mul3A_134 : vector<1x128xf32>
        %mul3A_136 = arith.mulf %mul3A_131, %mul3A_131 : vector<1x128xf32>
        %sub3A_137 = arith.subf %mul3A_135, %mul3A_136 : vector<1x128xf32>
        %add3A_138 = arith.constant 9.99999974E-6 : f32
        %add3A_139 = vector.broadcast %add3A_138 : f32 to vector<1x128xf32>
        %add3A_140 = arith.addf %sub3A_137, %add3A_139 : vector<1x128xf32>
        %rsqrt3A_141 = math.rsqrt %add3A_140 : vector<1x128xf32>
        %get3A_142 = arith.constant 0 : index
        %get3A_143 = arith.constant 0 : index
        %get3A_144 = vector.load %arg19[%get3A_142, %get3A_143] : memref<1x128xf32, #tpu.memory_space<vmem>>, vector<1x128xf32>
        %mul3A_145 = arith.mulf %rsqrt3A_141, %get3A_144 : vector<1x128xf32>
        %get3A_146 = arith.constant 0 : index
        %get3A_147 = arith.constant 0 : index
        %get3A_148 = vector.load %arg20[%get3A_146, %get3A_147] : memref<1x128xf32, #tpu.memory_space<vmem>>, vector<1x128xf32>
        %mul3A_149 = arith.mulf %mul3A_131, %mul3A_145 : vector<1x128xf32>
        %sub3A_150 = arith.subf %get3A_148, %mul3A_149 : vector<1x128xf32>
        %get3A_151 = arith.constant 0 : index
        %get3A_152 = arith.constant 0 : index
        %get3A_153 = vector.load %arg32[%get3A_151, %get3A_152] : memref<400x128xf32, #tpu.memory_space<vmem>>, vector<400x128xf32>
        %mul3A_154 = vector.broadcast %mul3A_145 : vector<1x128xf32> to vector<400x128xf32>
        %mul3A_155 = arith.mulf %get3A_153, %mul3A_154 : vector<400x128xf32>
        %get3A_156 = arith.constant 0 : index
        %get3A_157 = arith.constant 0 : index
        %get3A_158 = vector.load %arg33[%get3A_156, %get3A_157] : memref<400x128xf32, #tpu.memory_space<vmem>>, vector<400x128xf32>
        %slice3A_159 = vector.extract_strided_slice %get3A_158 {offsets = [0, 0], sizes = [400, 1], strides = [1, 1]} : vector<400x128xf32> to vector<400x1xf32>
        %mul3A_160 = vector.broadcast %slice3A_159 : vector<400x1xf32> to vector<400x128xf32>
        %mul3A_161 = vector.broadcast %sub3A_150 : vector<1x128xf32> to vector<400x128xf32>
        %mul3A_162 = arith.mulf %mul3A_160, %mul3A_161 : vector<400x128xf32>
        %add3A_163 = arith.addf %mul3A_155, %mul3A_162 : vector<400x128xf32>
        %get3A_164 = arith.constant 0 : index
        %get3A_165 = arith.constant 0 : index
        %get3A_166 = vector.load %arg22[%get3A_164, %get3A_165] : memref<128x64xf32, #tpu.memory_space<vmem>>, vector<128x64xf32>
        %dot_general3A_167 = arith.constant dense<0.000000e+00> : vector<400x64xf32>
        %dot_general3A_168 = tpu.matmul %add3A_163, %get3A_166, %dot_general3A_167 {dimension_numbers = #tpu.dot_dimension_numbers<[1], [0], [0], [1], [0, 0, 1, 1], [], []>, transpose_lhs_hint = false} : vector<400x128xf32>, vector<128x64xf32>, vector<400x64xf32> -> vector<400x64xf32>
        %get3A_169 = arith.constant 0 : index
        %get3A_170 = arith.constant 0 : index
        %get3A_171 = vector.load %arg23[%get3A_169, %get3A_170] : memref<1x64xf32, #tpu.memory_space<vmem>>, vector<1x64xf32>
        %add3A_172 = vector.broadcast %get3A_171 : vector<1x64xf32> to vector<400x64xf32>
        %add3A_173 = arith.addf %dot_general3A_168, %add3A_172 : vector<400x64xf32>
        %max3A_174 = arith.constant 0.000000e+00 : f32
        %max3A_175 = vector.broadcast %max3A_174 : f32 to vector<400x64xf32>
        %max3A_176 = arith.maximumf %add3A_173, %max3A_175 : vector<400x64xf32>
        %get3A_177 = arith.constant 0 : index
        %get3A_178 = arith.constant 0 : index
        %get3A_179 = vector.load %arg24[%get3A_177, %get3A_178] : memref<64x32xf32, #tpu.memory_space<vmem>>, vector<64x32xf32>
        %dot_general3A_180 = arith.constant dense<0.000000e+00> : vector<400x32xf32>
        %dot_general3A_181 = tpu.matmul %max3A_176, %get3A_179, %dot_general3A_180 {dimension_numbers = #tpu.dot_dimension_numbers<[1], [0], [0], [1], [0, 0, 1, 1], [], []>, transpose_lhs_hint = false} : vector<400x64xf32>, vector<64x32xf32>, vector<400x32xf32> -> vector<400x32xf32>
        %get3A_182 = arith.constant 0 : index
        %get3A_183 = arith.constant 0 : index
        %get3A_184 = vector.load %arg25[%get3A_182, %get3A_183] : memref<1x32xf32, #tpu.memory_space<vmem>>, vector<1x32xf32>
        %add3A_185 = vector.broadcast %get3A_184 : vector<1x32xf32> to vector<400x32xf32>
        %add3A_186 = arith.addf %dot_general3A_181, %add3A_185 : vector<400x32xf32>
        %max3A_187 = arith.constant 0.000000e+00 : f32
        %max3A_188 = vector.broadcast %max3A_187 : f32 to vector<400x32xf32>
        %max3A_189 = arith.maximumf %add3A_186, %max3A_188 : vector<400x32xf32>
        %get3A_190 = arith.constant 0 : index
        %get3A_191 = arith.constant 0 : index
        %get3A_192 = vector.load %arg26[%get3A_190, %get3A_191] : memref<1x32xf32, #tpu.memory_space<vmem>>, vector<1x32xf32>
        %mul3A_193 = vector.broadcast %get3A_192 : vector<1x32xf32> to vector<400x32xf32>
        %mul3A_194 = arith.mulf %max3A_189, %mul3A_193 : vector<400x32xf32>
        %reduce_sum3A_195 = arith.constant dense<0.000000e+00> : vector<400xf32>
        %reduce_sum3A_196 = vector.multi_reduction <add>, %mul3A_194, %reduce_sum3A_195 [1] : vector<400x32xf32> to vector<400xf32>
        %broadcast_in_dim3A_197 = vector.shape_cast %reduce_sum3A_196 : vector<400xf32> to vector<400x1xf32>
        %get3A_198 = arith.constant 0 : index
        %get3A_199 = arith.constant 0 : index
        %get3A_200 = vector.load %arg27[%get3A_198, %get3A_199] : memref<1x1xf32, #tpu.memory_space<vmem>>, vector<1x1xf32>
        %add3A_201 = vector.broadcast %get3A_200 : vector<1x1xf32> to vector<400x1xf32>
        %add3A_202 = arith.addf %broadcast_in_dim3A_197, %add3A_201 : vector<400x1xf32>
        %swap3A_203 = arith.constant 0 : index
        %swap3A_204 = arith.constant 0 : index
        %swap3A_205 = vector.load %arg28[%swap3A_203, %swap3A_204] : memref<400x1xf32, #tpu.memory_space<vmem>>, vector<400x1xf32>
        tpu.vector_store %arg28[%swap3A_203, %swap3A_204], %add3A_202 {strides = array<i32>} : memref<400x1xf32, #tpu.memory_space<vmem>>, vector<400x1xf32>,
      } else {
      }
    } else {
    }
    return
  }
  func.func @transform_0(%arg0: i32) -> (i32, i32) {
    %min3A = arith.constant 4 : i32
    %min3A_0 = arith.minsi %arg0, %min3A : i32
    %c0_i32 = arith.constant 0 : i32
    %c0_i32_1 = arith.constant 0 : i32
    return %min3A_0, %c0_i32 : i32, i32
  }
  func.func @transform_1(%arg0: i32) -> (i32, i32) {
    %add3A = arith.constant 5 : i32
    %add3A_0 = arith.addi %arg0, %add3A : i32
    %min3A = arith.constant 9 : i32
    %min3A_1 = arith.minsi %add3A_0, %min3A : i32
    %c0_i32 = arith.constant 0 : i32
    %c0_i32_2 = arith.constant 0 : i32
    return %min3A_1, %c0_i32 : i32, i32
  }
  func.func @transform_2(%arg0: i32) -> (i32, i32) {
    %c0_i32 = arith.constant 0 : i32
    %c0_i32_0 = arith.constant 0 : i32
    %c0_i32_1 = arith.constant 0 : i32
    return %c0_i32, %c0_i32_0 : i32, i32
  }
  func.func @transform_3(%arg0: i32) -> (i32, i32) {
    %c0_i32 = arith.constant 0 : i32
    %c0_i32_0 = arith.constant 0 : i32
    %c0_i32_1 = arith.constant 0 : i32
    return %c0_i32, %c0_i32_0 : i32, i32
  }
  func.func @transform_4(%arg0: i32) -> (i32, i32) {
    %c0_i32 = arith.constant 0 : i32
    %c0_i32_0 = arith.constant 0 : i32
    %c0_i32_1 = arith.constant 0 : i32
    return %c0_i32, %c0_i32_0 : i32, i32
  }
  func.func @transform_5(%arg0: i32) -> (i32, i32, i32) {
    %c0_i32 = arith.constant 0 : i32
    %c0_i32_0 = arith.constant 0 : i32
    %c0_i32_1 = arith.constant 0 : i32
    %c0_i32_2 = arith.constant 0 : i32
    return %c0_i32, %c0_i32_0, %c0_i32_1 : i32, i32, i32
  }
  func.func @transform_6(%arg0: i32) -> (i32, i32) {
    %c0_i32 = arith.constant 0 : i32
    %c0_i32_0 = arith.constant 0 : i32
    %c0_i32_1 = arith.constant 0 : i32
    return %c0_i32, %c0_i32_0 : i32, i32
  }
  func.func @transform_7(%arg0: i32) -> (i32, i32) {
    %c0_i32 = arith.constant 0 : i32
    %c0_i32_0 = arith.constant 0 : i32
    %c0_i32_1 = arith.constant 0 : i32
    return %c0_i32, %c0_i32_0 : i32, i32
  }
  func.func @transform_8(%arg0: i32) -> (i32, i32) {
    %c0_i32 = arith.constant 0 : i32
    %c0_i32_0 = arith.constant 0 : i32
    %c0_i32_1 = arith.constant 0 : i32
    return %c0_i32, %c0_i32_0 : i32, i32
  }
  func.func @transform_9(%arg0: i32) -> (i32, i32) {
    %c0_i32 = arith.constant 0 : i32
    %c0_i32_0 = arith.constant 0 : i32
    %c0_i32_1 = arith.constant 0 : i32
    return %c0_i32, %c0_i32_0 : i32, i32
  }
  func.func @transform_10(%arg0: i32) -> (i32, i32) {
    %sub3A = arith.constant 5 : i32
    %sub3A_0 = arith.subi %arg0, %sub3A : i32
    %jit3A = arith.constant 0 : i32
    %jit3A_1 = arith.constant 4 : i32
    %max3A = arith.maxsi %jit3A, %sub3A_0 : i32
    %min3A = arith.minsi %jit3A_1, %max3A : i32
    %c0_i32 = arith.constant 0 : i32
    %c0_i32_2 = arith.constant 0 : i32
    return %min3A, %c0_i32 : i32, i32
  }
  func.func @transform_11(%arg0: i32) -> (i32, i32) {
    %c0_i32 = arith.constant 0 : i32
    %c0_i32_0 = arith.constant 0 : i32
    %c0_i32_1 = arith.constant 0 : i32
    return %c0_i32, %c0_i32_0 : i32, i32
  }
  func.func @transform_12(%arg0: i32) -> (i32, i32) {
    %c0_i32 = arith.constant 0 : i32
    %c0_i32_0 = arith.constant 0 : i32
    %c0_i32_1 = arith.constant 0 : i32
    return %c0_i32, %c0_i32_0 : i32, i32
  }
  func.func @transform_13(%arg0: i32) -> (i32, i32) {
    %c0_i32 = arith.constant 0 : i32
    %c0_i32_0 = arith.constant 0 : i32
    %c0_i32_1 = arith.constant 0 : i32
    return %c0_i32, %c0_i32_0 : i32, i32
  }
  func.func @transform_14(%arg0: i32) -> (i32, i32) {
    %c0_i32 = arith.constant 0 : i32
    %c0_i32_0 = arith.constant 0 : i32
    %c0_i32_1 = arith.constant 0 : i32
    return %c0_i32, %c0_i32_0 : i32, i32
  }
  func.func @transform_15(%arg0: i32) -> (i32, i32) {
    %c0_i32 = arith.constant 0 : i32
    %c0_i32_0 = arith.constant 0 : i32
    %c0_i32_1 = arith.constant 0 : i32
    return %c0_i32, %c0_i32_0 : i32, i32
  }
  func.func @transform_16(%arg0: i32) -> (i32, i32) {
    %c0_i32 = arith.constant 0 : i32
    %c0_i32_0 = arith.constant 0 : i32
    %c0_i32_1 = arith.constant 0 : i32
    return %c0_i32, %c0_i32_0 : i32, i32
  }
  func.func @transform_17(%arg0: i32) -> (i32, i32) {
    %c0_i32 = arith.constant 0 : i32
    %c0_i32_0 = arith.constant 0 : i32
    %c0_i32_1 = arith.constant 0 : i32
    return %c0_i32, %c0_i32_0 : i32, i32
  }
  func.func @transform_18(%arg0: i32) -> (i32, i32) {
    %c0_i32 = arith.constant 0 : i32
    %c0_i32_0 = arith.constant 0 : i32
    %c0_i32_1 = arith.constant 0 : i32
    return %c0_i32, %c0_i32_0 : i32, i32
  }
  func.func @transform_19(%arg0: i32) -> (i32, i32) {
    %c0_i32 = arith.constant 0 : i32
    %c0_i32_0 = arith.constant 0 : i32
    %c0_i32_1 = arith.constant 0 : i32
    return %c0_i32, %c0_i32_0 : i32, i32
  }
  func.func @transform_20(%arg0: i32) -> (i32, i32, i32) {
    %sub3A = arith.constant 5 : i32
    %sub3A_0 = arith.subi %arg0, %sub3A : i32
    %jit3A = arith.constant 0 : i32
    %jit3A_1 = arith.constant 9 : i32
    %max3A = arith.maxsi %jit3A, %sub3A_0 : i32
    %min3A = arith.minsi %jit3A_1, %max3A : i32
    %c0_i32 = arith.constant 0 : i32
    %c0_i32_2 = arith.constant 0 : i32
    %c0_i32_3 = arith.constant 0 : i32
    return %min3A, %c0_i32, %c0_i32_2 : i32, i32, i32
  }
  func.func @transform_21(%arg0: i32) -> (i32, i32) {
    %c0_i32 = arith.constant 0 : i32
    %c0_i32_0 = arith.constant 0 : i32
    %c0_i32_1 = arith.constant 0 : i32
    return %c0_i32, %c0_i32_0 : i32, i32
  }
  func.func @transform_22(%arg0: i32) -> (i32, i32) {
    %c0_i32 = arith.constant 0 : i32
    %c0_i32_0 = arith.constant 0 : i32
    %c0_i32_1 = arith.constant 0 : i32
    return %c0_i32, %c0_i32_0 : i32, i32
  }
  func.func @transform_23(%arg0: i32) -> (i32, i32) {
    %c0_i32 = arith.constant 0 : i32
    %c0_i32_0 = arith.constant 0 : i32
    %c0_i32_1 = arith.constant 0 : i32
    return %c0_i32, %c0_i32_0 : i32, i32
  }
  func.func @transform_24(%arg0: i32) -> (i32, i32) {
    %c0_i32 = arith.constant 0 : i32
    %c0_i32_0 = arith.constant 0 : i32
    %c0_i32_1 = arith.constant 0 : i32
    return %c0_i32, %c0_i32_0 : i32, i32
  }
  func.func @transform_25(%arg0: i32) -> (i32, i32) {
    %c0_i32 = arith.constant 0 : i32
    %c0_i32_0 = arith.constant 0 : i32
    %c0_i32_1 = arith.constant 0 : i32
    return %c0_i32, %c0_i32_0 : i32, i32
  }
  func.func @transform_26(%arg0: i32) -> (i32, i32) {
    %c0_i32 = arith.constant 0 : i32
    %c0_i32_0 = arith.constant 0 : i32
    %c0_i32_1 = arith.constant 0 : i32
    return %c0_i32, %c0_i32_0 : i32, i32
  }
  func.func @transform_27(%arg0: i32) -> (i32, i32) {
    %c0_i32 = arith.constant 0 : i32
    %c0_i32_0 = arith.constant 0 : i32
    %c0_i32_1 = arith.constant 0 : i32
    return %c0_i32, %c0_i32_0 : i32, i32
  }
}

</mosaic_0001>

<sc_bundles>
// kernel: kernel.14.cloned.1.call-start
scs
__scs_entry_jumppad:
0x0: {  	(pc) =	sbr.rel $0x88, $3  }
0x1: {  	(tag) =	ssettag $0x0;
	lr =	simm.s32 $0x1  }
0x2: {  	[smem:$0x3F87] =	sst lr;
	_ =	strace $0xD0000000  }
0x3: {  	_ = 	snop  }
0x4: {  	_ = 	snop  }
0x5: {  	_ = 	snop  }
0x6: {  	_ = 	snop  }
0x7: {  	_ = 	snop  }
__scs_overlays_trampoline_lowered:
0x8: {  	[smem:$0x3F96] =	sst s0  }
0x9: {  	[smem:$0x3F97] =	sst s1  }
0xa: {  	[smem:$0x3F98] =	sst s2  }
0xb: {  	[smem:$0x3F99] =	sst s3  }
0xc: {  	[smem:$0x3F9A] =	sst s4  }
0xd: {  	[smem:$0x3F9B] =	sst s5  }
0xe: {  	[smem:$0x3F9C] =	sst s6  }
0xf: {  	[smem:$0x3F9D] =	sst s7  }
0x10: {  	[smem:$0x3F9E] =	sst s8  }
0x11: {  	[smem:$0x3F9F] =	sst s9;
	s0 =	simm.s32 @!p0 $0x0  }
0x12: {  	s1 =	sld [smem:$0x3F85];
	s0 =	simm.s32 @p0 $0x1  }
0x13: {  	[smem:$0x3FA0] =	sst s0;
	s0 =	simm.s32 @!p1 $0x0  }
0x14: {  	s2 =	sld [smem:$0x3F84];
	s0 =	simm.s32 @p1 $0x1  }
0x15: {  	[smem:$0x3FA1] =	sst s0;
	s0 =	simm.s32 @!p2 $0x0  }
0x16: {  	s3 =	sld [smem:$0x3FDB];
	s0 =	simm.s32 @p2 $0x1  }
0x17: {  	s4 =	simm.s32 $0x1BF5;
	[smem:$0x3FA3] =	sst s0  }
0x18: {  	s0 =	sld [smem:$0x3F86];
	_ =	swait.ge [sflag:s4], $0x0  }
0x19: {  	s7 =	sld [smem:$0x3F87]  }
0x1a: {  	s8 =	sadd.s32 $0xFFFFE003, lr  }
0x1b: {  	s9 =	sadd.s32 $0xFFFFFEF7, lr;
	s5 =	simm.s32 $0xFFFFFFFF;
	p2 =	slt.u32 s8, $0xFFFFF086  }
0x1c: {  	p1 =	slt.u32 s9, $0xF7A;
	s5 =	simm.s32 @!p2 $0x0  }
0x1d: {  	s5 =	simm.s32 @p1 $0x1;
	p0 =	seq.s32 s7, s2  }
0x1e: {  	s7 =	smul.u32 @!p0 $0xF7A, s2;
	p2 =	seq.s32 @!p0 s5, $0x0  }
0x1f: {  	s9 =	smul.u32 $0xF7A, s1;
	s8 =	simm.s32 @!p0 $0x1BF5;
	p2 =	por !p2, p0  }
0x20: {  	[sflag:s8] =	ssyncset.s32 @!p0 $0xFFFFF086;
	s6 =	sadd.s32 @!p0 s3, s7;
	s7 =	simm.s32 @!p0 $0x108  }
0x21: {  	s3 =	sadd.s32 s3, s9;
	s6 =	sadd.s32 @!p0 $0x88, s6;
	s7 =	simm.s32 @p2 $0x1082  }
0x22: {  	[simem:s7], [sflag:s8] =	dma.local @!p0 [hbm:s6], $0xF7A  }
0x23: {  	s9 =	sor.u32 $0xD0000000, s2;
	s6 =	simm.s32 $0x108;
	_ =	swait.ge @!p0 [sflag:s8], $0x0  }
0x24: {  	s3 =	sadd.s32 $0x88, s3;
	s6 =	simm.s32 @!p1 $0x1082;
	[sflag:s4] =	ssyncset.s32 $0xFFFFF086  }
0x25: {  	[simem:s6], [sflag:s4] =	dma.local [hbm:s3], $0xF7A  }
0x26: {  	[smem:$0x3F87] =	sst s1;
	(tag) =	ssettag s2;
	_ =	strace s9  }
0x27: {  	s1 =	sld [smem:$0x3F97]  }
0x28: {  	s2 =	sld [smem:$0x3F98]  }
0x29: {  	s4 =	sld [smem:$0x3F9A]  }
0x2a: {  	p0 =	seq.s32 s5, $0x0;
	s5 =	sld [smem:$0x3F9B]  }
0x2b: {  	s6 =	sld [smem:$0x3F9C]  }
0x2c: {  	s7 =	sld [smem:$0x3F9D]  }
0x2d: {  	s3 =	simm.s32 $0x108;
	s8 =	sld [smem:$0x3F9E]  }
0x2e: {  	s3 =	simm.s32 @!p0 $0x1082;
	s9 =	sld [smem:$0x3F9F]  }
0x2f: {  	lr =	sadd.s32 s0, s3;
	s0 =	sld [smem:$0x3F96]  }
0x30: {  	s3 =	sld [smem:$0x3F99]  }
0x31: {  	[smem:$0x3FA2] =	sst s10  }
0x32: {  	s10 =	sld [smem:$0x3FA0];
	_ =	sdelay $0x3  }
0x33: {  	p0 =	seq.s32 s10, $0x1;
	s10 =	sld [smem:$0x3FA2];
	_ =	sdelay $0x3  }
0x34: {  	[smem:$0x3FA2] =	sst s10  }
0x35: {  	s10 =	sld [smem:$0x3FA1];
	_ =	sdelay $0x3  }
0x36: {  	p1 =	seq.s32 s10, $0x1;
	s10 =	sld [smem:$0x3FA2];
	_ =	sdelay $0x3  }
0x37: {  	[smem:$0x3FA2] =	sst s10  }
0x38: {  	s10 =	sld [smem:$0x3FA3]  }
0x39: {  	_ = 	snop;
	(pc) =	sbr.ind lr, $3  }
0x3a: {  	_ = 	snop  }
0x3b: {  	_ = 	snop  }
0x3c: {  	p2 =	seq.s32 s10, $0x1;
	s10 =	sld [smem:$0x3FA2]  }
0x3d: {  	_ =	shalt  }
0x3e: {  	_ =	shalt  }
0x3f: {  	_ =	shalt  }
0x40: {  	_ =	shalt  }
0x41: {  	_ =	shalt  }
0x42: {  	_ =	shalt  }
0x43: {  	_ =	shalt  }
0x44: {  	_ =	shalt  }
0x45: {  	_ =	shalt  }
0x46: {  	_ =	shalt  }
0x47: {  	_ =	shalt  }
0x48: {  	_ =	shalt  }
0x49: {  	_ =	shalt  }
0x4a: {  	_ =	shalt  }
0x4b: {  	_ =	shalt  }
0x4c: {  	_ =	shalt  }
0x4d: {  	_ =	shalt  }
0x4e: {  	_ =	shalt  }
0x4f: {  	_ =	shalt  }
0x50: {  	_ =	shalt  }
0x51: {  	_ =	shalt  }
0x52: {  	_ =	shalt  }
0x53: {  	_ =	shalt  }
0x54: {  	_ =	shalt  }
0x55: {  	_ =	shalt  }
0x56: {  	_ =	shalt  }
0x57: {  	_ =	shalt  }
0x58: {  	_ =	shalt  }
0x59: {  	_ =	shalt  }
0x5a: {  	_ =	shalt  }
0x5b: {  	_ =	shalt  }
0x5c: {  	_ =	shalt  }
0x5d: {  	_ =	shalt  }
0x5e: {  	_ =	shalt  }
0x5f: {  	_ =	shalt  }
0x60: {  	_ =	shalt  }
0x61: {  	_ =	shalt  }
0x62: {  	_ =	shalt  }
0x63: {  	_ =	shalt  }
0x64: {  	_ =	shalt  }
0x65: {  	_ =	shalt  }
0x66: {  	_ =	shalt  }
0x67: {  	_ =	shalt  }
0x68: {  	_ =	shalt  }
0x69: {  	_ =	shalt  }
0x6a: {  	_ =	shalt  }
0x6b: {  	_ =	shalt  }
0x6c: {  	_ =	shalt  }
0x6d: {  	_ =	shalt  }
0x6e: {  	_ =	shalt  }
0x6f: {  	_ =	shalt  }
0x70: {  	_ =	shalt  }
0x71: {  	_ =	shalt  }
0x72: {  	_ =	shalt  }
0x73: {  	_ =	shalt  }
0x74: {  	_ =	shalt  }
0x75: {  	_ =	shalt  }
0x76: {  	_ =	shalt  }
0x77: {  	_ =	shalt  }
0x78: {  	_ =	shalt  }
0x79: {  	_ =	shalt  }
0x7a: {  	_ =	shalt  }
0x7b: {  	_ =	shalt  }
0x7c: {  	_ =	shalt  }
0x7d: {  	_ =	shalt  }
0x7e: {  	_ =	shalt  }
0x7f: {  	_ =	shalt  }
0x80: {  	_ =	shalt  }
0x81: {  	_ =	shalt  }
0x82: {  	_ =	shalt  }
0x83: {  	_ =	shalt  }
0x84: {  	_ =	shalt  }
0x85: {  	_ =	shalt  }
0x86: {  	_ =	shalt  }
0x87: {  	_ =	shalt  }
.Lfunc_end0:
.L_simem_size_0:
called_computation_lowered:
.L_overlay_start_0:
0x88: {  	s2 =	sld [smem:$0x3FD9]  }
0x89: {  	s3 =	sld [smem:$0x3FFE];
	_ =	sdelay $0x1  }
0x8a: {  	s1 =	srdreg.scid  }
0x8b: {  	s0 =	sand.u32 $0x1, s1  }
0x8c: {  	s17 =	sshll.u32 s0, $0xA;
	s2 =	sadd.s32 s3, s2  }
0x8d: {  	s2 =	sadd.s32 s2, s17  }
0x8e: {  	[smem:$0x3FAE] =	sst s2  }
0x8f: {  	_ = 	snop  }
0x90: {  	s2 =	sld [smem:$0x3FC9];
	(tm) =	ssettm $0x1  }
0x91: {  	s18 =	sld [smem:$0x3FFB];
	_ =	sdelay $0x3  }
0x92: {  	_ =	strace s18  }
0x93: {  	s3 =	sld [smem:$0x3FFC];
	_ =	sdelay $0x3  }
0x94: {  	_ =	strace s3  }
0x95: {  	s3 =	sld [smem:$0x3FFD];
	_ =	sdelay $0x3  }
0x96: {  	_ =	strace s3  }
0x97: {  	_ =	strace $0x8FFFFFFF  }
0x98: {  	s19 =	sld [smem:$0x3FDB];
	_ =	sdelay $0x1  }
0x99: {  	s4 =	simm.s32 $_scs_section_size  }
0x9a: {  	s5 =	simm.s32 $_size__tile_overlayer_lowered;
	s6 =	simm.s32 $_tile_overlayer_lowered  }
0x9b: {  	s22 =	simm.s32 $0x1BFF;
	s21 =	sshll.u32 s6, $0x1;
	s3 =	sadd.s32 s4, s19  }
0x9c: {  	s7 =	simm.s32 $0x0;
	s20 =	sshll.u32 s5, $0x1;
	s5 =	sadd.s32 s21, s3  }
0x9d: {  	[timem:s7], [sflag:s22] =	dma.local [hbm:s5], s20  }
0x9e: {  	_ =	swait.ge [sflag:s22], s20  }
0x9f: {  	s4 =	ssub.s32 $0x0, s20;
	[sflag:s22] =	ssyncset.done $0x0  }
0xa0: {  	[sflag:s22] =	ssyncadd.s32 s4;
	_ =	sdelay $0x1  }
0xa1: {  	s23 =	simm.s32 $0x1B8B  }
0xa2: {  	_ =	swait.ge [sflag:s23], $0x1  }
0xa3: {  	[sflag:s23] =	ssyncset.done $0x0  }
0xa4: {  	s25 =	simm.s32 $0x1B8E;
	s24 =	sld [smem:$0x3FFE];
	[sflag:s23] =	ssyncadd.s32 $0xFFFFFFFF  }
0xa5: {  	s26 =	simm.s32 $execute0_lowered;
	[smem:$0x3FD2] =	sst s25  }
0xa6: {  	s5 =	sshll.u32 s26, $0x1;
	_ =	strace $0x80000046;
	[dreg:$0x1] =	wrdreg $0xFFFFFFFF  }
0xa7: {  	s28 =	simm.s32 $_size_execute0_lowered;
	s3 =	sadd.s32 s3, s5;
	[dreg:$0x0] =	wrdreg $0x0  }
0xa8: {  	s5 =	sshll.u32 s28, $0x1;
	[dreg:$0x2] =	wrdreg s3  }
0xa9: {  	[dreg:$0x3] =	wrdreg s5  }
0xaa: {  	[dreg:$0x4] =	wrdreg $0xC0  }
0xab: {  	_ =	task [dreg:s7], $0x5FFFF  }
0xac: {  	[dreg:$0x1] =	wrdreg $0xFFFFFFFF  }
0xad: {  	[dreg:$0x0] =	wrdreg $0x60  }
0xae: {  	[dreg:$0x2] =	wrdreg s2  }
0xaf: {  	[dreg:$0x3] =	wrdreg s24  }
0xb0: {  	[dreg:$0x4] =	wrdreg $0x9  }
0xb1: {  	_ =	task.clear_ibuf [dreg:s7], $0x5FFFF;
	_ =	strace $0x90000046  }
0xb2: {  	s29 =	simm.s32 $0x9;
	_ =	strace $0x80000048  }
0xb3: {  	_ =	swait.ge [sflag:s29], $0x1  }
0xb4: {  	[sflag:s29] =	ssyncadd.s32 $0xFFFFFFFF  }
0xb5: {  	_ =	strace $0x90000048  }
0xb6: {  	_ =	sfence  }
0xb7: {  	s30 =	sld [smem:$0x0];
	_ =	sdelay $0x2  }
0xb8: {  	s31 =	sshll.u32 s1, $0xD;
	s1 =	sshrl.u32 s1, $0x2  }
0xb9: {  	s3 =	sand.u32 $0x4000, s31;
	s1 =	sadd.s32 s1, s30  }
0xba: {  	s0 =	sor.u32 s3, s0;
	s1 =	sshll.u32 s1, $0x11  }
0xbb: {  	s0 =	sor.u32 s1, s0  }
0xbc: {  	s0 =	sadd.s32 $0x8F2B, s0  }
0xbd: {  	[sflag:s0] =	ssyncadd.remote.s32 $0x1  }
0xbe: {  	_ =	sfence.sel $0xFFFF  }
0xbf: {  	[dreg:$0x0] =	wrdreg $0xFFFFFFFF;
	(pc) =	sbr.abs _section_cstart, $3  }
0xc0: {  	[dreg:$0x1] =	wrdreg $0xFFFFFFFF  }
0xc1: {  	_ =	task.clear_ibuf [dreg:s7], $0x2FFFF;
	_ =	strace $0x9FFFFFFF  }
0xc2: {  	(tm) =	ssettm $0x7FFFFFFF  }
0xc3: {  	_ =	shalt  }
tec
execute0_lowered:
.L_overlay_start_1:
0x0: {  	(tag) =	ssettag $0x1  }
0x1: {  	s1 =	srdreg.scid;
	s0 =	stileid.u32  }
0x2: {  	s18 =	sand.u32 $0x1, s1;
	s30 =	sshll.u32 s0, $0x1  }
0x3: {  	s12 =	sor.u32 s18, s30  }
0x4: {  	s2 =	rddreg [dreg:$0x0];
	s4 =	smul.u32 $0xB0, s12  }
0x5: {  	s9 =	rddreg [dreg:$0x1];
	s3 =	simm.s32 $0x0  }
0x6: {  	s5 =	simm.s32 $0x5;
	[smem:$0x7FF] =	sst s3;
	s4 =	sadd.s32 s4, s9  }
0x7: {  	s1 =	rddreg [dreg:$0x2];
	_ =	strace $0x80000047;
	s4 =	sadd.s32 $0x8E00, s4  }
0x8: {  	[tilespmem:s3], [sflag:$0x5] =	stream.linear.gather [hbm4b:s4+s3], $0x580, $0x38;
	[tilespmem:$0x16580] =	vst v63  }
0x9: {  	_ =	swait.ge [sflag:s5], $0x580  }
0xa: {  	s6 =	simm.s32 $0x160;
	[sflag:s5] =	ssyncset.done $0x0  }
0xb: {  	s7 =	simm.s32 $0x580;
	s8 =	simm.s32 $0x1;
	[sflag:s5] =	ssyncadd.s32 $0xFFFFFA80  }
0xc: {  	[tilespmem:s7], [sflag:$0x1] =	stream.indirect.gather [hbm4b:s2+s6], $0x80, s3, s6, $0xb8;
	[tilespmem:$0x16580] =	vst v63  }
0xd: {  	_ =	swait.ge [sflag:s8], $0xB000  }
0xe: {  	s13 =	sadd.s32 $0xA400, s9;
	[sflag:s8] =	ssyncset.done $0x0  }
0xf: {  	s10 =	smul.u32 $0x5800, s12;
	s9 =	simm.s32 $0xB580;
	[sflag:s8] =	ssyncadd.s32 $0xFFFF5000  }
0x10: {  	[tilespmem:s9], [sflag:$0x2] =	stream.indirect.gather [hbm4b:s2+s6], $0x80, s6, s6, $0xb8;
	[tilespmem:$0x16580] =	vst v63  }
0x11: {  	s11 =	simm.s32 $0x2;
	s10 =	sadd.s32 s13, s10  }
0x12: {  	[hbm4b:s10+s3] =	stream.linear.scatter [tilespmem:s7], [sflag:$0x3], $0xB000, $0x38;
	[tilespmem:$0x16580] =	vst v63  }
0x13: {  	_ =	swait.ge [sflag:s11], $0xB000  }
0x14: {  	[sflag:s11] =	ssyncset.done $0x0  }
0x15: {  	s14 =	smul.u32 $0x2C000, s12;
	s12 =	simm.s32 $0x3;
	[sflag:s11] =	ssyncadd.s32 $0xFFFF5000  }
0x16: {  	_ =	swait.ge [sflag:s12], $0xB000  }
0x17: {  	s14 =	sshrl.u32 s14, $0x3;
	[sflag:s12] =	ssyncset.done $0x0  }
0x18: {  	s19 =	sadd.s32 s13, s14;
	s13 =	simm.s32 $0x2C0;
	[sflag:s12] =	ssyncadd.s32 $0xFFFF5000  }
0x19: {  	[tilespmem:s7], [sflag:$0x1] =	stream.indirect.gather [hbm4b:s2+s6], $0x80, s13, s6, $0xb8;
	[tilespmem:$0x16580] =	vst v63  }
0x1a: {  	s14 =	sadd.s32 $0x1600, s19  }
0x1b: {  	[hbm4b:s14+s3] =	stream.linear.scatter [tilespmem:s9], [sflag:$0x4], $0xB000, $0x38;
	[tilespmem:$0x16580] =	vst v63  }
0x1c: {  	_ =	swait.ge [sflag:s8], $0xB000  }
0x1d: {  	[sflag:s8] =	ssyncset.done $0x0  }
0x1e: {  	s15 =	simm.s32 $0x4;
	[sflag:s8] =	ssyncadd.s32 $0xFFFF5000  }
0x1f: {  	_ =	swait.ge [sflag:s15], $0xB000  }
0x20: {  	[sflag:s15] =	ssyncset.done $0x0  }
0x21: {  	s16 =	simm.s32 $0x420;
	s20 =	ssub.s32 $0x2, s18;
	[sflag:s15] =	ssyncadd.s32 $0xFFFF5000  }
0x22: {  	[tilespmem:s9], [sflag:$0x2] =	stream.indirect.gather [hbm4b:s2+s6], $0x80, s16, s6, $0xb8;
	[tilespmem:$0x16580] =	vst v63  }
0x23: {  	s31 =	sshrl.u32 s20, $0x1;
	s17 =	sadd.s32 $0x2C00, s19  }
0x24: {  	[hbm4b:s17+s3] =	stream.linear.scatter [tilespmem:s7], [sflag:$0x3], $0xB000, $0x38;
	[tilespmem:$0x16580] =	vst v63  }
0x25: {  	s18 =	sadd.s32 $0x4200, s19;
	s19 =	ssub.s32 s20, s31;
	_ =	swait.ge [sflag:s11], $0xB000  }
0x26: {  	s19 =	smax.u32 s19, $0x1;
	[sflag:s11] =	ssyncset.done $0x0  }
0x27: {  	p0 =	sne.s32 s19, $0x1;
	[sflag:s11] =	ssyncadd.s32 $0xFFFF5000  }
0x28: {  	[hbm4b:s18+s3] =	stream.linear.scatter [tilespmem:s9], [sflag:$0x4], $0xB000, $0x38;
	[tilespmem:$0x16580] =	vst v63  }
.Ltmp0:
0x29: {  	_ =	swait.ge [sflag:s12], $0xB000;
	(pc) =	sbr.rel @!p0 .LBB2_2-.Ltmp0, $4  }
0x2a: {  	[sflag:s12] =	ssyncset.done $0x0  }
0x2b: {  	[sflag:s12] =	ssyncadd.s32 $0xFFFF5000  }
0x2c: {  	_ =	swait.ge [sflag:s15], $0xB000  }
0x2d: {  	s19 =	sadd.s32 $0xFFFFFFFF, s19;
	[sflag:s15] =	ssyncset.done $0x0  }
.LBB2_1:
0x2e: {  	p0 =	sne.s32 s19, $0x1;
	s19 =	sadd.s32 $0xFFFFFFFF, s19;
	[sflag:s15] =	ssyncadd.s32 $0xFFFF5000  }
0x2f: {  	[tilespmem:s3], [sflag:$0x5] =	stream.linear.gather [hbm4b:s4+s3], $0x580, $0x38;
	[tilespmem:$0x16580] =	vst v63  }
0x30: {  	_ =	swait.ge [sflag:s5], $0x580  }
0x31: {  	[sflag:s5] =	ssyncset.done $0x0  }
0x32: {  	[sflag:s5] =	ssyncadd.s32 $0xFFFFFA80  }
0x33: {  	[tilespmem:s7], [sflag:$0x1] =	stream.indirect.gather [hbm4b:s2+s6], $0x80, s3, s6, $0xb8;
	[tilespmem:$0x16580] =	vst v63  }
0x34: {  	_ =	swait.ge [sflag:s8], $0xB000  }
0x35: {  	[sflag:s8] =	ssyncset.done $0x0  }
0x36: {  	[sflag:s8] =	ssyncadd.s32 $0xFFFF5000  }
0x37: {  	[tilespmem:s9], [sflag:$0x2] =	stream.indirect.gather [hbm4b:s2+s6], $0x80, s6, s6, $0xb8;
	[tilespmem:$0x16580] =	vst v63  }
0x38: {  	_ = 	snop  }
0x39: {  	[hbm4b:s10+s3] =	stream.linear.scatter [tilespmem:s7], [sflag:$0x3], $0xB000, $0x38;
	[tilespmem:$0x16580] =	vst v63  }
0x3a: {  	_ =	swait.ge [sflag:s11], $0xB000  }
0x3b: {  	[sflag:s11] =	ssyncset.done $0x0  }
0x3c: {  	[sflag:s11] =	ssyncadd.s32 $0xFFFF5000  }
0x3d: {  	_ =	swait.ge [sflag:s12], $0xB000  }
0x3e: {  	[sflag:s12] =	ssyncset.done $0x0  }
0x3f: {  	[sflag:s12] =	ssyncadd.s32 $0xFFFF5000  }
0x40: {  	[tilespmem:s7], [sflag:$0x1] =	stream.indirect.gather [hbm4b:s2+s6], $0x80, s13, s6, $0xb8;
	[tilespmem:$0x16580] =	vst v63  }
0x41: {  	_ = 	snop  }
0x42: {  	[hbm4b:s14+s3] =	stream.linear.scatter [tilespmem:s9], [sflag:$0x4], $0xB000, $0x38;
	[tilespmem:$0x16580] =	vst v63  }
0x43: {  	_ =	swait.ge [sflag:s8], $0xB000  }
0x44: {  	[sflag:s8] =	ssyncset.done $0x0  }
0x45: {  	[sflag:s8] =	ssyncadd.s32 $0xFFFF5000  }
0x46: {  	_ =	swait.ge [sflag:s15], $0xB000  }
0x47: {  	[sflag:s15] =	ssyncset.done $0x0  }
0x48: {  	[sflag:s15] =	ssyncadd.s32 $0xFFFF5000  }
0x49: {  	[tilespmem:s9], [sflag:$0x2] =	stream.indirect.gather [hbm4b:s2+s6], $0x80, s16, s6, $0xb8;
	[tilespmem:$0x16580] =	vst v63  }
0x4a: {  	_ = 	snop  }
0x4b: {  	[hbm4b:s17+s3] =	stream.linear.scatter [tilespmem:s7], [sflag:$0x3], $0xB000, $0x38;
	[tilespmem:$0x16580] =	vst v63  }
0x4c: {  	_ =	swait.ge [sflag:s11], $0xB000  }
0x4d: {  	[sflag:s11] =	ssyncset.done $0x0  }
0x4e: {  	[sflag:s11] =	ssyncadd.s32 $0xFFFF5000  }
0x4f: {  	[hbm4b:s18+s3] =	stream.linear.scatter [tilespmem:s9], [sflag:$0x4], $0xB000, $0x38;
	[tilespmem:$0x16580] =	vst v63  }
.Ltmp1:
0x50: {  	_ =	swait.ge [sflag:s12], $0xB000;
	(pc) =	sbr.rel @p0 .LBB2_1-.Ltmp1, $4  }
0x51: {  	[sflag:s12] =	ssyncset.done $0x0  }
0x52: {  	[sflag:s12] =	ssyncadd.s32 $0xFFFF5000  }
0x53: {  	_ =	swait.ge [sflag:s15], $0xB000  }
0x54: {  	[sflag:s15] =	ssyncset.done $0x0  }
.LBB2_2:
0x55: {  	[sflag:s15] =	ssyncadd.s32 $0xFFFF5000  }
0x56: {  	_ =	sfence.sel $0x180000  }
0x57: {  	[bflag:$0x0] =	sbarrier.arrive $0xFFFF  }
0x58: {  	p0 =	sne.s32 s0, $0x0;
	_ =	strace $0x90000047  }
0x59: {  	s0 =	sadd.s32 @!p0 $0x100000, s1;
	[bflag:$0x2] =	sbarrier.arrive $0xFFFF  }
0x5a: {  	[sflag:s0] =	ssyncadd.tile.s32 @!p0 $0x1;
	_ =	shalt  }
.Lfunc_end2:
_tile_overlayer_lowered:
.L_overlay_start_2:
0x5b: {  	(tag) =	ssettag $0x2  }
0x5c: {  	s0 =	rddreg [dreg:$0x0];
	s2 =	stileid.u32  }
0x5d: {  	s1 =	rddreg [dreg:$0x1];
	p0 =	sne.s32 s2, $0x0  }
0x5e: {  	s3 =	rddreg [dreg:$0x2];
	[bflag:$0x3] =	sbarrier.arrive $0xFFFF;
	s2 =	simm.s32 @!p0 $0x1C05  }
0x5f: {  	[timem:s3], [sflag:s2] =	dma.local @!p0 [hbm:s0], s1  }
0x60: {  	s0 =	simm.s32 @!p0 $0x5  }
0x61: {  	_ =	swait.ge @!p0 [sflag:s0], s1  }
0x62: {  	s1 =	ssub.s32 @!p0 $0x0, s1;
	[sflag:s0] =	ssyncset.done @!p0 $0x0  }
0x63: {  	[sflag:s0] =	ssyncadd.s32 @!p0 s1  }
0x64: {  	[bflag:$0x3] =	sbarrier.arrive $0xFFFF  }
0x65: {  	_ =	shalt  }

// kernel: kernel.17.cloned.1.call-start
scs
__scs_entry_jumppad:
0x0: {  	(pc) =	sbr.rel $0x88, $3  }
0x1: {  	(tag) =	ssettag $0x0;
	lr =	simm.s32 $0x1  }
0x2: {  	[smem:$0x3F87] =	sst lr;
	_ =	strace $0xD0000000  }
0x3: {  	_ = 	snop  }
0x4: {  	_ = 	snop  }
0x5: {  	_ = 	snop  }
0x6: {  	_ = 	snop  }
0x7: {  	_ = 	snop  }
__scs_overlays_trampoline_lowered:
0x8: {  	[smem:$0x3F96] =	sst s0  }
0x9: {  	[smem:$0x3F97] =	sst s1  }
0xa: {  	[smem:$0x3F98] =	sst s2  }
0xb: {  	[smem:$0x3F99] =	sst s3  }
0xc: {  	[smem:$0x3F9A] =	sst s4  }
0xd: {  	[smem:$0x3F9B] =	sst s5  }
0xe: {  	[smem:$0x3F9C] =	sst s6  }
0xf: {  	[smem:$0x3F9D] =	sst s7  }
0x10: {  	[smem:$0x3F9E] =	sst s8  }
0x11: {  	[smem:$0x3F9F] =	sst s9;
	s0 =	simm.s32 @!p0 $0x0  }
0x12: {  	s1 =	sld [smem:$0x3F85];
	s0 =	simm.s32 @p0 $0x1  }
0x13: {  	[smem:$0x3FA0] =	sst s0;
	s0 =	simm.s32 @!p1 $0x0  }
0x14: {  	s2 =	sld [smem:$0x3F84];
	s0 =	simm.s32 @p1 $0x1  }
0x15: {  	[smem:$0x3FA1] =	sst s0;
	s0 =	simm.s32 @!p2 $0x0  }
0x16: {  	s3 =	sld [smem:$0x3FDB];
	s0 =	simm.s32 @p2 $0x1  }
0x17: {  	s4 =	simm.s32 $0x1BF5;
	[smem:$0x3FA3] =	sst s0  }
0x18: {  	s0 =	sld [smem:$0x3F86];
	_ =	swait.ge [sflag:s4], $0x0  }
0x19: {  	s7 =	sld [smem:$0x3F87]  }
0x1a: {  	s8 =	sadd.s32 $0xFFFFE003, lr  }
0x1b: {  	s9 =	sadd.s32 $0xFFFFFEF7, lr;
	s5 =	simm.s32 $0xFFFFFFFF;
	p2 =	slt.u32 s8, $0xFFFFF086  }
0x1c: {  	p1 =	slt.u32 s9, $0xF7A;
	s5 =	simm.s32 @!p2 $0x0  }
0x1d: {  	s5 =	simm.s32 @p1 $0x1;
	p0 =	seq.s32 s7, s2  }
0x1e: {  	s7 =	smul.u32 @!p0 $0xF7A, s2;
	p2 =	seq.s32 @!p0 s5, $0x0  }
0x1f: {  	s9 =	smul.u32 $0xF7A, s1;
	s8 =	simm.s32 @!p0 $0x1BF5;
	p2 =	por !p2, p0  }
0x20: {  	[sflag:s8] =	ssyncset.s32 @!p0 $0xFFFFF086;
	s6 =	sadd.s32 @!p0 s3, s7;
	s7 =	simm.s32 @!p0 $0x108  }
0x21: {  	s3 =	sadd.s32 s3, s9;
	s6 =	sadd.s32 @!p0 $0x88, s6;
	s7 =	simm.s32 @p2 $0x1082  }
0x22: {  	[simem:s7], [sflag:s8] =	dma.local @!p0 [hbm:s6], $0xF7A  }
0x23: {  	s9 =	sor.u32 $0xD0000000, s2;
	s6 =	simm.s32 $0x108;
	_ =	swait.ge @!p0 [sflag:s8], $0x0  }
0x24: {  	s3 =	sadd.s32 $0x88, s3;
	s6 =	simm.s32 @!p1 $0x1082;
	[sflag:s4] =	ssyncset.s32 $0xFFFFF086  }
0x25: {  	[simem:s6], [sflag:s4] =	dma.local [hbm:s3], $0xF7A  }
0x26: {  	[smem:$0x3F87] =	sst s1;
	(tag) =	ssettag s2;
	_ =	strace s9  }
0x27: {  	s1 =	sld [smem:$0x3F97]  }
0x28: {  	s2 =	sld [smem:$0x3F98]  }
0x29: {  	s4 =	sld [smem:$0x3F9A]  }
0x2a: {  	p0 =	seq.s32 s5, $0x0;
	s5 =	sld [smem:$0x3F9B]  }
0x2b: {  	s6 =	sld [smem:$0x3F9C]  }
0x2c: {  	s7 =	sld [smem:$0x3F9D]  }
0x2d: {  	s3 =	simm.s32 $0x108;
	s8 =	sld [smem:$0x3F9E]  }
0x2e: {  	s3 =	simm.s32 @!p0 $0x1082;
	s9 =	sld [smem:$0x3F9F]  }
0x2f: {  	lr =	sadd.s32 s0, s3;
	s0 =	sld [smem:$0x3F96]  }
0x30: {  	s3 =	sld [smem:$0x3F99]  }
0x31: {  	[smem:$0x3FA2] =	sst s10  }
0x32: {  	s10 =	sld [smem:$0x3FA0];
	_ =	sdelay $0x3  }
0x33: {  	p0 =	seq.s32 s10, $0x1;
	s10 =	sld [smem:$0x3FA2];
	_ =	sdelay $0x3  }
0x34: {  	[smem:$0x3FA2] =	sst s10  }
0x35: {  	s10 =	sld [smem:$0x3FA1];
	_ =	sdelay $0x3  }
0x36: {  	p1 =	seq.s32 s10, $0x1;
	s10 =	sld [smem:$0x3FA2];
	_ =	sdelay $0x3  }
0x37: {  	[smem:$0x3FA2] =	sst s10  }
0x38: {  	s10 =	sld [smem:$0x3FA3]  }
0x39: {  	_ = 	snop;
	(pc) =	sbr.ind lr, $3  }
0x3a: {  	_ = 	snop  }
0x3b: {  	_ = 	snop  }
0x3c: {  	p2 =	seq.s32 s10, $0x1;
	s10 =	sld [smem:$0x3FA2]  }
0x3d: {  	_ =	shalt  }
0x3e: {  	_ =	shalt  }
0x3f: {  	_ =	shalt  }
0x40: {  	_ =	shalt  }
0x41: {  	_ =	shalt  }
0x42: {  	_ =	shalt  }
0x43: {  	_ =	shalt  }
0x44: {  	_ =	shalt  }
0x45: {  	_ =	shalt  }
0x46: {  	_ =	shalt  }
0x47: {  	_ =	shalt  }
0x48: {  	_ =	shalt  }
0x49: {  	_ =	shalt  }
0x4a: {  	_ =	shalt  }
0x4b: {  	_ =	shalt  }
0x4c: {  	_ =	shalt  }
0x4d: {  	_ =	shalt  }
0x4e: {  	_ =	shalt  }
0x4f: {  	_ =	shalt  }
0x50: {  	_ =	shalt  }
0x51: {  	_ =	shalt  }
0x52: {  	_ =	shalt  }
0x53: {  	_ =	shalt  }
0x54: {  	_ =	shalt  }
0x55: {  	_ =	shalt  }
0x56: {  	_ =	shalt  }
0x57: {  	_ =	shalt  }
0x58: {  	_ =	shalt  }
0x59: {  	_ =	shalt  }
0x5a: {  	_ =	shalt  }
0x5b: {  	_ =	shalt  }
0x5c: {  	_ =	shalt  }
0x5d: {  	_ =	shalt  }
0x5e: {  	_ =	shalt  }
0x5f: {  	_ =	shalt  }
0x60: {  	_ =	shalt  }
0x61: {  	_ =	shalt  }
0x62: {  	_ =	shalt  }
0x63: {  	_ =	shalt  }
0x64: {  	_ =	shalt  }
0x65: {  	_ =	shalt  }
0x66: {  	_ =	shalt  }
0x67: {  	_ =	shalt  }
0x68: {  	_ =	shalt  }
0x69: {  	_ =	shalt  }
0x6a: {  	_ =	shalt  }
0x6b: {  	_ =	shalt  }
0x6c: {  	_ =	shalt  }
0x6d: {  	_ =	shalt  }
0x6e: {  	_ =	shalt  }
0x6f: {  	_ =	shalt  }
0x70: {  	_ =	shalt  }
0x71: {  	_ =	shalt  }
0x72: {  	_ =	shalt  }
0x73: {  	_ =	shalt  }
0x74: {  	_ =	shalt  }
0x75: {  	_ =	shalt  }
0x76: {  	_ =	shalt  }
0x77: {  	_ =	shalt  }
0x78: {  	_ =	shalt  }
0x79: {  	_ =	shalt  }
0x7a: {  	_ =	shalt  }
0x7b: {  	_ =	shalt  }
0x7c: {  	_ =	shalt  }
0x7d: {  	_ =	shalt  }
0x7e: {  	_ =	shalt  }
0x7f: {  	_ =	shalt  }
0x80: {  	_ =	shalt  }
0x81: {  	_ =	shalt  }
0x82: {  	_ =	shalt  }
0x83: {  	_ =	shalt  }
0x84: {  	_ =	shalt  }
0x85: {  	_ =	shalt  }
0x86: {  	_ =	shalt  }
0x87: {  	_ =	shalt  }
.Lfunc_end0:
.L_simem_size_0:
called_computation.1_lowered:
.L_overlay_start_0:
0x88: {  	s2 =	sld [smem:$0x3FD9]  }
0x89: {  	s3 =	sld [smem:$0x3FFE];
	_ =	sdelay $0x1  }
0x8a: {  	s1 =	srdreg.scid  }
0x8b: {  	s0 =	sand.u32 $0x1, s1  }
0x8c: {  	s17 =	sshll.u32 s0, $0xA;
	s2 =	sadd.s32 s3, s2  }
0x8d: {  	s2 =	sadd.s32 s2, s17  }
0x8e: {  	[smem:$0x3FAE] =	sst s2  }
0x8f: {  	_ = 	snop  }
0x90: {  	s18 =	sld [smem:$0x3FC9];
	(tm) =	ssettm $0x1  }
0x91: {  	s19 =	sld [smem:$0x3FFB];
	_ =	sdelay $0x3  }
0x92: {  	_ =	strace s19  }
0x93: {  	s2 =	sld [smem:$0x3FFC];
	_ =	sdelay $0x3  }
0x94: {  	_ =	strace s2  }
0x95: {  	s2 =	sld [smem:$0x3FFD];
	_ =	sdelay $0x3  }
0x96: {  	_ =	strace s2  }
0x97: {  	_ =	strace $0x8FFFFFFF  }
0x98: {  	s20 =	sld [smem:$0x3FDB];
	_ =	sdelay $0x1  }
0x99: {  	s4 =	simm.s32 $_scs_section_size  }
0x9a: {  	s5 =	simm.s32 $_size__tile_overlayer_lowered;
	s6 =	simm.s32 $_tile_overlayer_lowered  }
0x9b: {  	s7 =	simm.s32 $0x1BFF;
	s21 =	sshll.u32 s6, $0x1;
	s4 =	sadd.s32 s4, s20  }
0x9c: {  	s22 =	simm.s32 $0x0;
	s5 =	sshll.u32 s5, $0x1;
	s6 =	sadd.s32 s21, s4  }
0x9d: {  	[timem:s22], [sflag:s7] =	dma.local [hbm:s6], s5  }
0x9e: {  	_ =	swait.ge [sflag:s7], s5  }
0x9f: {  	s5 =	ssub.s32 $0x0, s5;
	[sflag:s7] =	ssyncset.done $0x0  }
0xa0: {  	[sflag:s7] =	ssyncadd.s32 s5;
	_ =	sdelay $0x1  }
0xa1: {  	s23 =	simm.s32 $0x1B8B  }
0xa2: {  	_ =	swait.ge [sflag:s23], $0x1  }
0xa3: {  	[sflag:s23] =	ssyncset.done $0x0  }
0xa4: {  	[sflag:s23] =	ssyncadd.s32 $0xFFFFFFFF  }
0xa5: {  	s5 =	sld [smem:$0x0]  }
0xa6: {  	s6 =	sand.u32 $0xFFFFFFFE, s1  }
0xa7: {  	p0 =	sne.s32 s1, s6  }
0xa8: {  	s6 =	sshll.u32 @p0 s6, $0xE  }
0xa9: {  	s6 =	sadd.s32 @p0 $0x11B8D, s6;
	s7 =	sshll.u32 @p0 s5, $0x11  }
0xaa: {  	s6 =	sor.u32 @p0 s7, s6  }
0xab: {  	[sflag:s6] =	ssyncadd.remote.s32 @p0 $0x1;
	_ =	sdelay $0x1  }
0xac: {  	s6 =	simm.s32 @p0 $0x1B8D  }
0xad: {  	_ =	swait.eq @p0 [sflag:s6], $0x1  }
0xae: {  	[sflag:s6] =	ssyncadd.s32 @p0 $0xFFFFFFFF  }
0xaf: {  	s7 =	sshll.u32 @!p0 s1, $0xE  }
0xb0: {  	s7 =	sor.u32 @!p0 $0x4000, s7;
	s6 =	simm.s32 @!p0 $0x1B8D  }
0xb1: {  	s5 =	sshll.u32 @!p0 s5, $0x11;
	s7 =	sadd.s32 @!p0 $0x11B8D, s7;
	_ =	swait.eq @!p0 [sflag:s6], $0x1  }
0xb2: {  	s5 =	sor.u32 @!p0 s5, s7;
	[sflag:s6] =	ssyncadd.s32 @!p0 $0xFFFFFFFF  }
0xb3: {  	s25 =	simm.s32 $0x1B8E;
	s24 =	sld [smem:$0x3FFE];
	[sflag:s5] =	ssyncadd.remote.s32 @!p0 $0x1  }
0xb4: {  	s26 =	simm.s32 $execute0_lowered;
	[smem:$0x3FD2] =	sst s25  }
0xb5: {  	s6 =	sshll.u32 s26, $0x1;
	_ =	strace $0x80000049;
	[dreg:$0x1] =	wrdreg $0xFFFFFFFF  }
0xb6: {  	s28 =	simm.s32 $_size_execute0_lowered;
	s4 =	sadd.s32 s4, s6;
	[dreg:$0x0] =	wrdreg $0x0  }
0xb7: {  	s6 =	sshll.u32 s28, $0x1;
	[dreg:$0x2] =	wrdreg s4  }
0xb8: {  	[dreg:$0x3] =	wrdreg s6  }
0xb9: {  	[dreg:$0x4] =	wrdreg $0xC0  }
0xba: {  	_ =	task [dreg:s22], $0x5FFFF  }
0xbb: {  	[dreg:$0x1] =	wrdreg $0xFFFFFFFF  }
0xbc: {  	[dreg:$0x0] =	wrdreg $0x60  }
0xbd: {  	[dreg:$0x2] =	wrdreg s18  }
0xbe: {  	[dreg:$0x3] =	wrdreg s24  }
0xbf: {  	[dreg:$0x4] =	wrdreg $0xA  }
0xc0: {  	_ =	task.clear_ibuf [dreg:s22], $0x5FFFF;
	_ =	strace $0x90000049  }
0xc1: {  	s29 =	simm.s32 $0xA;
	_ =	strace $0x8000004B  }
0xc2: {  	_ =	swait.ge [sflag:s29], $0x1  }
0xc3: {  	[sflag:s29] =	ssyncadd.s32 $0xFFFFFFFF  }
0xc4: {  	_ =	strace $0x9000004B  }
0xc5: {  	_ =	sfence  }
0xc6: {  	s30 =	sld [smem:$0x0];
	_ =	sdelay $0x2  }
0xc7: {  	s31 =	sshll.u32 s1, $0xD;
	s1 =	sshrl.u32 s1, $0x2  }
0xc8: {  	s4 =	sand.u32 $0x4000, s31;
	s1 =	sadd.s32 s1, s30  }
0xc9: {  	s0 =	sor.u32 s4, s0;
	s1 =	sshll.u32 s1, $0x11  }
0xca: {  	s0 =	sor.u32 s1, s0  }
0xcb: {  	s0 =	sadd.s32 $0x8F2B, s0  }
0xcc: {  	[sflag:s0] =	ssyncadd.remote.s32 $0x1  }
0xcd: {  	_ =	sfence.sel $0xFFFF  }
0xce: {  	[dreg:$0x0] =	wrdreg $0xFFFFFFFF;
	(pc) =	sbr.abs _section_cstart, $3  }
0xcf: {  	[dreg:$0x1] =	wrdreg $0xFFFFFFFF  }
0xd0: {  	_ =	task.clear_ibuf [dreg:s22], $0x2FFFF;
	_ =	strace $0x9FFFFFFF  }
0xd1: {  	(tm) =	ssettm $0x7FFFFFFF  }
tec
execute0_lowered:
.L_overlay_start_1:
0x0: {  	(tag) =	ssettag $0x1  }
0x1: {  	s1 =	srdreg.scid;
	s0 =	stileid.u32  }
0x2: {  	s18 =	sand.u32 $0x1, s1;
	s30 =	sshll.u32 s0, $0x1  }
0x3: {  	s12 =	sor.u32 s18, s30  }
0x4: {  	s2 =	rddreg [dreg:$0x0];
	s4 =	smul.u32 $0xB0, s12  }
0x5: {  	s9 =	rddreg [dreg:$0x1];
	s3 =	simm.s32 $0x0  }
0x6: {  	s5 =	simm.s32 $0x5;
	[smem:$0x7FF] =	sst s3;
	s4 =	sadd.s32 s4, s9  }
0x7: {  	s1 =	rddreg [dreg:$0x2];
	_ =	strace $0x8000004A;
	s4 =	sadd.s32 $0xBA400, s4  }
0x8: {  	[tilespmem:s3], [sflag:$0x5] =	stream.linear.gather [hbm4b:s4+s3], $0x580, $0x38;
	[tilespmem:$0x16580] =	vst v63  }
0x9: {  	_ =	swait.ge [sflag:s5], $0x580  }
0xa: {  	s6 =	simm.s32 $0x160;
	[sflag:s5] =	ssyncset.done $0x0  }
0xb: {  	s7 =	simm.s32 $0x580;
	s8 =	simm.s32 $0x1;
	[sflag:s5] =	ssyncadd.s32 $0xFFFFFA80  }
0xc: {  	[tilespmem:s7], [sflag:$0x1] =	stream.indirect.gather [hbm4b:s2+s6], $0x80, s3, s6, $0xb8;
	[tilespmem:$0x16580] =	vst v63  }
0xd: {  	_ =	swait.ge [sflag:s8], $0xB000  }
0xe: {  	s13 =	sadd.s32 $0xBBA00, s9;
	[sflag:s8] =	ssyncset.done $0x0  }
0xf: {  	s10 =	smul.u32 $0x5800, s12;
	s9 =	simm.s32 $0xB580;
	[sflag:s8] =	ssyncadd.s32 $0xFFFF5000  }
0x10: {  	[tilespmem:s9], [sflag:$0x2] =	stream.indirect.gather [hbm4b:s2+s6], $0x80, s6, s6, $0xb8;
	[tilespmem:$0x16580] =	vst v63  }
0x11: {  	s11 =	simm.s32 $0x2;
	s10 =	sadd.s32 s13, s10  }
0x12: {  	[hbm4b:s10+s3] =	stream.linear.scatter [tilespmem:s7], [sflag:$0x3], $0xB000, $0x38;
	[tilespmem:$0x16580] =	vst v63  }
0x13: {  	_ =	swait.ge [sflag:s11], $0xB000  }
0x14: {  	[sflag:s11] =	ssyncset.done $0x0  }
0x15: {  	s14 =	smul.u32 $0x2C000, s12;
	s12 =	simm.s32 $0x3;
	[sflag:s11] =	ssyncadd.s32 $0xFFFF5000  }
0x16: {  	_ =	swait.ge [sflag:s12], $0xB000  }
0x17: {  	s14 =	sshrl.u32 s14, $0x3;
	[sflag:s12] =	ssyncset.done $0x0  }
0x18: {  	s19 =	sadd.s32 s13, s14;
	s13 =	simm.s32 $0x2C0;
	[sflag:s12] =	ssyncadd.s32 $0xFFFF5000  }
0x19: {  	[tilespmem:s7], [sflag:$0x1] =	stream.indirect.gather [hbm4b:s2+s6], $0x80, s13, s6, $0xb8;
	[tilespmem:$0x16580] =	vst v63  }
0x1a: {  	s14 =	sadd.s32 $0x1600, s19  }
0x1b: {  	[hbm4b:s14+s3] =	stream.linear.scatter [tilespmem:s9], [sflag:$0x4], $0xB000, $0x38;
	[tilespmem:$0x16580] =	vst v63  }
0x1c: {  	_ =	swait.ge [sflag:s8], $0xB000  }
0x1d: {  	[sflag:s8] =	ssyncset.done $0x0  }
0x1e: {  	s15 =	simm.s32 $0x4;
	[sflag:s8] =	ssyncadd.s32 $0xFFFF5000  }
0x1f: {  	_ =	swait.ge [sflag:s15], $0xB000  }
0x20: {  	[sflag:s15] =	ssyncset.done $0x0  }
0x21: {  	s16 =	simm.s32 $0x420;
	s20 =	ssub.s32 $0x2, s18;
	[sflag:s15] =	ssyncadd.s32 $0xFFFF5000  }
0x22: {  	[tilespmem:s9], [sflag:$0x2] =	stream.indirect.gather [hbm4b:s2+s6], $0x80, s16, s6, $0xb8;
	[tilespmem:$0x16580] =	vst v63  }
0x23: {  	s31 =	sshrl.u32 s20, $0x1;
	s17 =	sadd.s32 $0x2C00, s19  }
0x24: {  	[hbm4b:s17+s3] =	stream.linear.scatter [tilespmem:s7], [sflag:$0x3], $0xB000, $0x38;
	[tilespmem:$0x16580] =	vst v63  }
0x25: {  	s18 =	sadd.s32 $0x4200, s19;
	s19 =	ssub.s32 s20, s31;
	_ =	swait.ge [sflag:s11], $0xB000  }
0x26: {  	s19 =	smax.u32 s19, $0x1;
	[sflag:s11] =	ssyncset.done $0x0  }
0x27: {  	p0 =	sne.s32 s19, $0x1;
	[sflag:s11] =	ssyncadd.s32 $0xFFFF5000  }
0x28: {  	[hbm4b:s18+s3] =	stream.linear.scatter [tilespmem:s9], [sflag:$0x4], $0xB000, $0x38;
	[tilespmem:$0x16580] =	vst v63  }
.Ltmp0:
0x29: {  	_ =	swait.ge [sflag:s12], $0xB000;
	(pc) =	sbr.rel @!p0 .LBB2_2-.Ltmp0, $4  }
0x2a: {  	[sflag:s12] =	ssyncset.done $0x0  }
0x2b: {  	[sflag:s12] =	ssyncadd.s32 $0xFFFF5000  }
0x2c: {  	_ =	swait.ge [sflag:s15], $0xB000  }
0x2d: {  	s19 =	sadd.s32 $0xFFFFFFFF, s19;
	[sflag:s15] =	ssyncset.done $0x0  }
.LBB2_1:
0x2e: {  	p0 =	sne.s32 s19, $0x1;
	s19 =	sadd.s32 $0xFFFFFFFF, s19;
	[sflag:s15] =	ssyncadd.s32 $0xFFFF5000  }
0x2f: {  	[tilespmem:s3], [sflag:$0x5] =	stream.linear.gather [hbm4b:s4+s3], $0x580, $0x38;
	[tilespmem:$0x16580] =	vst v63  }
0x30: {  	_ =	swait.ge [sflag:s5], $0x580  }
0x31: {  	[sflag:s5] =	ssyncset.done $0x0  }
0x32: {  	[sflag:s5] =	ssyncadd.s32 $0xFFFFFA80  }
0x33: {  	[tilespmem:s7], [sflag:$0x1] =	stream.indirect.gather [hbm4b:s2+s6], $0x80, s3, s6, $0xb8;
	[tilespmem:$0x16580] =	vst v63  }
0x34: {  	_ =	swait.ge [sflag:s8], $0xB000  }
0x35: {  	[sflag:s8] =	ssyncset.done $0x0  }
0x36: {  	[sflag:s8] =	ssyncadd.s32 $0xFFFF5000  }
0x37: {  	[tilespmem:s9], [sflag:$0x2] =	stream.indirect.gather [hbm4b:s2+s6], $0x80, s6, s6, $0xb8;
	[tilespmem:$0x16580] =	vst v63  }
0x38: {  	_ = 	snop  }
0x39: {  	[hbm4b:s10+s3] =	stream.linear.scatter [tilespmem:s7], [sflag:$0x3], $0xB000, $0x38;
	[tilespmem:$0x16580] =	vst v63  }
0x3a: {  	_ =	swait.ge [sflag:s11], $0xB000  }
0x3b: {  	[sflag:s11] =	ssyncset.done $0x0  }
0x3c: {  	[sflag:s11] =	ssyncadd.s32 $0xFFFF5000  }
0x3d: {  	_ =	swait.ge [sflag:s12], $0xB000  }
0x3e: {  	[sflag:s12] =	ssyncset.done $0x0  }
0x3f: {  	[sflag:s12] =	ssyncadd.s32 $0xFFFF5000  }
0x40: {  	[tilespmem:s7], [sflag:$0x1] =	stream.indirect.gather [hbm4b:s2+s6], $0x80, s13, s6, $0xb8;
	[tilespmem:$0x16580] =	vst v63  }
0x41: {  	_ = 	snop  }
0x42: {  	[hbm4b:s14+s3] =	stream.linear.scatter [tilespmem:s9], [sflag:$0x4], $0xB000, $0x38;
	[tilespmem:$0x16580] =	vst v63  }
0x43: {  	_ =	swait.ge [sflag:s8], $0xB000  }
0x44: {  	[sflag:s8] =	ssyncset.done $0x0  }
0x45: {  	[sflag:s8] =	ssyncadd.s32 $0xFFFF5000  }
0x46: {  	_ =	swait.ge [sflag:s15], $0xB000  }
0x47: {  	[sflag:s15] =	ssyncset.done $0x0  }
0x48: {  	[sflag:s15] =	ssyncadd.s32 $0xFFFF5000  }
0x49: {  	[tilespmem:s9], [sflag:$0x2] =	stream.indirect.gather [hbm4b:s2+s6], $0x80, s16, s6, $0xb8;
	[tilespmem:$0x16580] =	vst v63  }
0x4a: {  	_ = 	snop  }
0x4b: {  	[hbm4b:s17+s3] =	stream.linear.scatter [tilespmem:s7], [sflag:$0x3], $0xB000, $0x38;
	[tilespmem:$0x16580] =	vst v63  }
0x4c: {  	_ =	swait.ge [sflag:s11], $0xB000  }
0x4d: {  	[sflag:s11] =	ssyncset.done $0x0  }
0x4e: {  	[sflag:s11] =	ssyncadd.s32 $0xFFFF5000  }
0x4f: {  	[hbm4b:s18+s3] =	stream.linear.scatter [tilespmem:s9], [sflag:$0x4], $0xB000, $0x38;
	[tilespmem:$0x16580] =	vst v63  }
.Ltmp1:
0x50: {  	_ =	swait.ge [sflag:s12], $0xB000;
	(pc) =	sbr.rel @p0 .LBB2_1-.Ltmp1, $4  }
0x51: {  	[sflag:s12] =	ssyncset.done $0x0  }
0x52: {  	[sflag:s12] =	ssyncadd.s32 $0xFFFF5000  }
0x53: {  	_ =	swait.ge [sflag:s15], $0xB000  }
0x54: {  	[sflag:s15] =	ssyncset.done $0x0  }
.LBB2_2:
0x55: {  	[sflag:s15] =	ssyncadd.s32 $0xFFFF5000  }
0x56: {  	_ =	sfence.sel $0x180000  }
0x57: {  	[bflag:$0x0] =	sbarrier.arrive $0xFFFF  }
0x58: {  	p0 =	sne.s32 s0, $0x0;
	_ =	strace $0x9000004A  }
0x59: {  	s0 =	sadd.s32 @!p0 $0x100000, s1;
	[bflag:$0x2] =	sbarrier.arrive $0xFFFF  }
0x5a: {  	[sflag:s0] =	ssyncadd.tile.s32 @!p0 $0x1;
	_ =	shalt  }
.Lfunc_end2:
_tile_overlayer_lowered:
.L_overlay_start_2:
0x5b: {  	(tag) =	ssettag $0x2  }
0x5c: {  	s0 =	rddreg [dreg:$0x0];
	s2 =	stileid.u32  }
0x5d: {  	s1 =	rddreg [dreg:$0x1];
	p0 =	sne.s32 s2, $0x0  }
0x5e: {  	s3 =	rddreg [dreg:$0x2];
	[bflag:$0x3] =	sbarrier.arrive $0xFFFF;
	s2 =	simm.s32 @!p0 $0x1C05  }
0x5f: {  	[timem:s3], [sflag:s2] =	dma.local @!p0 [hbm:s0], s1  }
0x60: {  	s0 =	simm.s32 @!p0 $0x5  }
0x61: {  	_ =	swait.ge @!p0 [sflag:s0], s1  }
0x62: {  	s1 =	ssub.s32 @!p0 $0x0, s1;
	[sflag:s0] =	ssyncset.done @!p0 $0x0  }
0x63: {  	[sflag:s0] =	ssyncadd.s32 @!p0 s1  }
0x64: {  	[bflag:$0x3] =	sbarrier.arrive $0xFFFF  }
0x65: {  	_ =	shalt  }

// kernel: kernel.20.cloned.1.call-start
scs
__scs_entry_jumppad:
0x0: {  	(pc) =	sbr.rel $0x88, $3  }
0x1: {  	(tag) =	ssettag $0x0;
	lr =	simm.s32 $0x1  }
0x2: {  	[smem:$0x3F87] =	sst lr;
	_ =	strace $0xD0000000  }
0x3: {  	_ = 	snop  }
0x4: {  	_ = 	snop  }
0x5: {  	_ = 	snop  }
0x6: {  	_ = 	snop  }
0x7: {  	_ = 	snop  }
__scs_overlays_trampoline_lowered:
0x8: {  	[smem:$0x3F96] =	sst s0  }
0x9: {  	[smem:$0x3F97] =	sst s1  }
0xa: {  	[smem:$0x3F98] =	sst s2  }
0xb: {  	[smem:$0x3F99] =	sst s3  }
0xc: {  	[smem:$0x3F9A] =	sst s4  }
0xd: {  	[smem:$0x3F9B] =	sst s5  }
0xe: {  	[smem:$0x3F9C] =	sst s6  }
0xf: {  	[smem:$0x3F9D] =	sst s7  }
0x10: {  	[smem:$0x3F9E] =	sst s8  }
0x11: {  	[smem:$0x3F9F] =	sst s9;
	s0 =	simm.s32 @!p0 $0x0  }
0x12: {  	s1 =	sld [smem:$0x3F85];
	s0 =	simm.s32 @p0 $0x1  }
0x13: {  	[smem:$0x3FA0] =	sst s0;
	s0 =	simm.s32 @!p1 $0x0  }
0x14: {  	s2 =	sld [smem:$0x3F84];
	s0 =	simm.s32 @p1 $0x1  }
0x15: {  	[smem:$0x3FA1] =	sst s0;
	s0 =	simm.s32 @!p2 $0x0  }
0x16: {  	s3 =	sld [smem:$0x3FDB];
	s0 =	simm.s32 @p2 $0x1  }
0x17: {  	s4 =	simm.s32 $0x1BF5;
	[smem:$0x3FA3] =	sst s0  }
0x18: {  	s0 =	sld [smem:$0x3F86];
	_ =	swait.ge [sflag:s4], $0x0  }
0x19: {  	s7 =	sld [smem:$0x3F87]  }
0x1a: {  	s8 =	sadd.s32 $0xFFFFE003, lr  }
0x1b: {  	s9 =	sadd.s32 $0xFFFFFEF7, lr;
	s5 =	simm.s32 $0xFFFFFFFF;
	p2 =	slt.u32 s8, $0xFFFFF086  }
0x1c: {  	p1 =	slt.u32 s9, $0xF7A;
	s5 =	simm.s32 @!p2 $0x0  }
0x1d: {  	s5 =	simm.s32 @p1 $0x1;
	p0 =	seq.s32 s7, s2  }
0x1e: {  	s7 =	smul.u32 @!p0 $0xF7A, s2;
	p2 =	seq.s32 @!p0 s5, $0x0  }
0x1f: {  	s9 =	smul.u32 $0xF7A, s1;
	s8 =	simm.s32 @!p0 $0x1BF5;
	p2 =	por !p2, p0  }
0x20: {  	[sflag:s8] =	ssyncset.s32 @!p0 $0xFFFFF086;
	s6 =	sadd.s32 @!p0 s3, s7;
	s7 =	simm.s32 @!p0 $0x108  }
0x21: {  	s3 =	sadd.s32 s3, s9;
	s6 =	sadd.s32 @!p0 $0x88, s6;
	s7 =	simm.s32 @p2 $0x1082  }
0x22: {  	[simem:s7], [sflag:s8] =	dma.local @!p0 [hbm:s6], $0xF7A  }
0x23: {  	s9 =	sor.u32 $0xD0000000, s2;
	s6 =	simm.s32 $0x108;
	_ =	swait.ge @!p0 [sflag:s8], $0x0  }
0x24: {  	s3 =	sadd.s32 $0x88, s3;
	s6 =	simm.s32 @!p1 $0x1082;
	[sflag:s4] =	ssyncset.s32 $0xFFFFF086  }
0x25: {  	[simem:s6], [sflag:s4] =	dma.local [hbm:s3], $0xF7A  }
0x26: {  	[smem:$0x3F87] =	sst s1;
	(tag) =	ssettag s2;
	_ =	strace s9  }
0x27: {  	s1 =	sld [smem:$0x3F97]  }
0x28: {  	s2 =	sld [smem:$0x3F98]  }
0x29: {  	s4 =	sld [smem:$0x3F9A]  }
0x2a: {  	p0 =	seq.s32 s5, $0x0;
	s5 =	sld [smem:$0x3F9B]  }
0x2b: {  	s6 =	sld [smem:$0x3F9C]  }
0x2c: {  	s7 =	sld [smem:$0x3F9D]  }
0x2d: {  	s3 =	simm.s32 $0x108;
	s8 =	sld [smem:$0x3F9E]  }
0x2e: {  	s3 =	simm.s32 @!p0 $0x1082;
	s9 =	sld [smem:$0x3F9F]  }
0x2f: {  	lr =	sadd.s32 s0, s3;
	s0 =	sld [smem:$0x3F96]  }
0x30: {  	s3 =	sld [smem:$0x3F99]  }
0x31: {  	[smem:$0x3FA2] =	sst s10  }
0x32: {  	s10 =	sld [smem:$0x3FA0];
	_ =	sdelay $0x3  }
0x33: {  	p0 =	seq.s32 s10, $0x1;
	s10 =	sld [smem:$0x3FA2];
	_ =	sdelay $0x3  }
0x34: {  	[smem:$0x3FA2] =	sst s10  }
0x35: {  	s10 =	sld [smem:$0x3FA1];
	_ =	sdelay $0x3  }
0x36: {  	p1 =	seq.s32 s10, $0x1;
	s10 =	sld [smem:$0x3FA2];
	_ =	sdelay $0x3  }
0x37: {  	[smem:$0x3FA2] =	sst s10  }
0x38: {  	s10 =	sld [smem:$0x3FA3]  }
0x39: {  	_ = 	snop;
	(pc) =	sbr.ind lr, $3  }
0x3a: {  	_ = 	snop  }
0x3b: {  	_ = 	snop  }
0x3c: {  	p2 =	seq.s32 s10, $0x1;
	s10 =	sld [smem:$0x3FA2]  }
0x3d: {  	_ =	shalt  }
0x3e: {  	_ =	shalt  }
0x3f: {  	_ =	shalt  }
0x40: {  	_ =	shalt  }
0x41: {  	_ =	shalt  }
0x42: {  	_ =	shalt  }
0x43: {  	_ =	shalt  }
0x44: {  	_ =	shalt  }
0x45: {  	_ =	shalt  }
0x46: {  	_ =	shalt  }
0x47: {  	_ =	shalt  }
0x48: {  	_ =	shalt  }
0x49: {  	_ =	shalt  }
0x4a: {  	_ =	shalt  }
0x4b: {  	_ =	shalt  }
0x4c: {  	_ =	shalt  }
0x4d: {  	_ =	shalt  }
0x4e: {  	_ =	shalt  }
0x4f: {  	_ =	shalt  }
0x50: {  	_ =	shalt  }
0x51: {  	_ =	shalt  }
0x52: {  	_ =	shalt  }
0x53: {  	_ =	shalt  }
0x54: {  	_ =	shalt  }
0x55: {  	_ =	shalt  }
0x56: {  	_ =	shalt  }
0x57: {  	_ =	shalt  }
0x58: {  	_ =	shalt  }
0x59: {  	_ =	shalt  }
0x5a: {  	_ =	shalt  }
0x5b: {  	_ =	shalt  }
0x5c: {  	_ =	shalt  }
0x5d: {  	_ =	shalt  }
0x5e: {  	_ =	shalt  }
0x5f: {  	_ =	shalt  }
0x60: {  	_ =	shalt  }
0x61: {  	_ =	shalt  }
0x62: {  	_ =	shalt  }
0x63: {  	_ =	shalt  }
0x64: {  	_ =	shalt  }
0x65: {  	_ =	shalt  }
0x66: {  	_ =	shalt  }
0x67: {  	_ =	shalt  }
0x68: {  	_ =	shalt  }
0x69: {  	_ =	shalt  }
0x6a: {  	_ =	shalt  }
0x6b: {  	_ =	shalt  }
0x6c: {  	_ =	shalt  }
0x6d: {  	_ =	shalt  }
0x6e: {  	_ =	shalt  }
0x6f: {  	_ =	shalt  }
0x70: {  	_ =	shalt  }
0x71: {  	_ =	shalt  }
0x72: {  	_ =	shalt  }
0x73: {  	_ =	shalt  }
0x74: {  	_ =	shalt  }
0x75: {  	_ =	shalt  }
0x76: {  	_ =	shalt  }
0x77: {  	_ =	shalt  }
0x78: {  	_ =	shalt  }
0x79: {  	_ =	shalt  }
0x7a: {  	_ =	shalt  }
0x7b: {  	_ =	shalt  }
0x7c: {  	_ =	shalt  }
0x7d: {  	_ =	shalt  }
0x7e: {  	_ =	shalt  }
0x7f: {  	_ =	shalt  }
0x80: {  	_ =	shalt  }
0x81: {  	_ =	shalt  }
0x82: {  	_ =	shalt  }
0x83: {  	_ =	shalt  }
0x84: {  	_ =	shalt  }
0x85: {  	_ =	shalt  }
0x86: {  	_ =	shalt  }
0x87: {  	_ =	shalt  }
.Lfunc_end0:
.L_simem_size_0:
called_computation.2_lowered:
.L_overlay_start_0:
0x88: {  	s2 =	sld [smem:$0x3FD9]  }
0x89: {  	s3 =	sld [smem:$0x3FFE];
	_ =	sdelay $0x1  }
0x8a: {  	s1 =	srdreg.scid  }
0x8b: {  	s0 =	sand.u32 $0x1, s1  }
0x8c: {  	s16 =	sshll.u32 s0, $0xA;
	s2 =	sadd.s32 s3, s2  }
0x8d: {  	s2 =	sadd.s32 s2, s16  }
0x8e: {  	[smem:$0x3FAE] =	sst s2  }
0x8f: {  	_ = 	snop  }
0x90: {  	(tm) =	ssettm $0x1  }
0x91: {  	s17 =	sld [smem:$0x3FFB];
	_ =	sdelay $0x3  }
0x92: {  	_ =	strace s17  }
0x93: {  	s2 =	sld [smem:$0x3FFC];
	_ =	sdelay $0x3  }
0x94: {  	_ =	strace s2  }
0x95: {  	s2 =	sld [smem:$0x3FFD];
	_ =	sdelay $0x3  }
0x96: {  	_ =	strace s2  }
0x97: {  	_ =	strace $0x8FFFFFFF  }
0x98: {  	s18 =	sld [smem:$0x3FDB];
	_ =	sdelay $0x1  }
0x99: {  	s19 =	simm.s32 $_scs_section_size  }
0x9a: {  	s4 =	simm.s32 $_size__tile_overlayer_lowered;
	s5 =	simm.s32 $_tile_overlayer_lowered  }
0x9b: {  	s22 =	simm.s32 $0x1BFF;
	s21 =	sshll.u32 s5, $0x1;
	s2 =	sadd.s32 s19, s18  }
0x9c: {  	s6 =	simm.s32 $0x0;
	s20 =	sshll.u32 s4, $0x1;
	s4 =	sadd.s32 s21, s2  }
0x9d: {  	[timem:s6], [sflag:s22] =	dma.local [hbm:s4], s20  }
0x9e: {  	_ =	swait.ge [sflag:s22], s20  }
0x9f: {  	s3 =	ssub.s32 $0x0, s20;
	[sflag:s22] =	ssyncset.done $0x0  }
0xa0: {  	[sflag:s22] =	ssyncadd.s32 s3;
	_ =	sdelay $0x1  }
0xa1: {  	s23 =	simm.s32 $0x1B8B  }
0xa2: {  	_ =	swait.ge [sflag:s23], $0x1  }
0xa3: {  	[sflag:s23] =	ssyncset.done $0x0  }
0xa4: {  	s25 =	simm.s32 $0x1B8E;
	s24 =	sld [smem:$0x3FFE];
	[sflag:s23] =	ssyncadd.s32 $0xFFFFFFFF  }
0xa5: {  	s26 =	simm.s32 $execute0_lowered;
	[smem:$0x3FD2] =	sst s25  }
0xa6: {  	s4 =	sshll.u32 s26, $0x1;
	_ =	strace $0x8000004C;
	[dreg:$0x1] =	wrdreg $0xFFFFFFFF  }
0xa7: {  	s28 =	simm.s32 $_size_execute0_lowered;
	s2 =	sadd.s32 s2, s4;
	[dreg:$0x0] =	wrdreg $0x0  }
0xa8: {  	s4 =	sshll.u32 s28, $0x1;
	[dreg:$0x2] =	wrdreg s2  }
0xa9: {  	[dreg:$0x3] =	wrdreg s4  }
0xaa: {  	[dreg:$0x4] =	wrdreg $0xC0  }
0xab: {  	_ =	task [dreg:s6], $0x5FFFF  }
0xac: {  	[dreg:$0x1] =	wrdreg $0xFFFFFFFF  }
0xad: {  	[dreg:$0x0] =	wrdreg $0x60  }
0xae: {  	[dreg:$0x2] =	wrdreg s24  }
0xaf: {  	[dreg:$0x3] =	wrdreg $0x9  }
0xb0: {  	_ =	task.clear_ibuf [dreg:s6], $0x4FFFF;
	_ =	strace $0x9000004C  }
0xb1: {  	s29 =	simm.s32 $0x9;
	_ =	strace $0x8000004E  }
0xb2: {  	_ =	swait.ge [sflag:s29], $0x1  }
0xb3: {  	[sflag:s29] =	ssyncadd.s32 $0xFFFFFFFF  }
0xb4: {  	_ =	strace $0x9000004E  }
0xb5: {  	_ =	sfence  }
0xb6: {  	s30 =	sld [smem:$0x0];
	_ =	sdelay $0x2  }
0xb7: {  	s31 =	sshll.u32 s1, $0xD;
	s1 =	sshrl.u32 s1, $0x2  }
0xb8: {  	s3 =	sand.u32 $0x4000, s31;
	s1 =	sadd.s32 s1, s30  }
0xb9: {  	s0 =	sor.u32 s3, s0;
	s1 =	sshll.u32 s1, $0x11  }
0xba: {  	s0 =	sor.u32 s1, s0  }
0xbb: {  	s0 =	sadd.s32 $0x8F2B, s0  }
0xbc: {  	[sflag:s0] =	ssyncadd.remote.s32 $0x1  }
0xbd: {  	_ =	sfence.sel $0xFFFF  }
0xbe: {  	[dreg:$0x0] =	wrdreg $0xFFFFFFFF;
	(pc) =	sbr.abs _section_cstart, $3  }
0xbf: {  	[dreg:$0x1] =	wrdreg $0xFFFFFFFF  }
0xc0: {  	_ =	task.clear_ibuf [dreg:s6], $0x2FFFF;
	_ =	strace $0x9FFFFFFF  }
0xc1: {  	(tm) =	ssettm $0x7FFFFFFF  }
tec
execute0_lowered:
.L_overlay_start_1:
0x0: {  	(tag) =	ssettag $0x1  }
0x1: {  	s1 =	srdreg.scid;
	s0 =	stileid.u32  }
0x2: {  	s18 =	sand.u32 $0x1, s1;
	s30 =	sshll.u32 s0, $0x1  }
0x3: {  	s12 =	sor.u32 s18, s30  }
0x4: {  	s3 =	smul.u32 $0xB0, s12  }
0x5: {  	s9 =	rddreg [dreg:$0x0];
	s2 =	simm.s32 $0x0  }
0x6: {  	s4 =	simm.s32 $0x5;
	[smem:$0x7FF] =	sst s2;
	s3 =	sadd.s32 s3, s9  }
0x7: {  	s1 =	rddreg [dreg:$0x1];
	_ =	strace $0x8000004D;
	s3 =	sadd.s32 $0x8E00, s3  }
0x8: {  	[tilespmem:s2], [sflag:$0x5] =	stream.linear.gather [hbm4b:s3+s2], $0x580, $0x38;
	[tilespmem:$0x16580] =	vst v63  }
0x9: {  	_ =	swait.ge [sflag:s4], $0x580  }
0xa: {  	s6 =	simm.s32 $0x160;
	s7 =	simm.s32 $0x580;
	[sflag:s4] =	ssyncset.done $0x0  }
0xb: {  	s8 =	simm.s32 $0x1;
	s5 =	sadd.s32 $0xA400, s9;
	[sflag:s4] =	ssyncadd.s32 $0xFFFFFA80  }
0xc: {  	[tilespmem:s7], [sflag:$0x1] =	stream.indirect.gather [hbm4b:s5+s6], $0x80, s2, s6, $0xb8;
	[tilespmem:$0x16580] =	vst v63  }
0xd: {  	_ =	swait.ge [sflag:s8], $0xB000  }
0xe: {  	s13 =	sadd.s32 $0xBBA00, s9;
	[sflag:s8] =	ssyncset.done $0x0  }
0xf: {  	s10 =	smul.u32 $0x5800, s12;
	s9 =	simm.s32 $0xB580;
	[sflag:s8] =	ssyncadd.s32 $0xFFFF5000  }
0x10: {  	[tilespmem:s9], [sflag:$0x2] =	stream.indirect.gather [hbm4b:s5+s6], $0x80, s6, s6, $0xb8;
	[tilespmem:$0x16580] =	vst v63  }
0x11: {  	s11 =	simm.s32 $0x2;
	s10 =	sadd.s32 s13, s10  }
0x12: {  	[hbm4b:s10+s2] =	stream.linear.scatter [tilespmem:s7], [sflag:$0x3], $0xB000, $0x38;
	[tilespmem:$0x16580] =	vst v63  }
0x13: {  	_ =	swait.ge [sflag:s11], $0xB000  }
0x14: {  	[sflag:s11] =	ssyncset.done $0x0  }
0x15: {  	s14 =	smul.u32 $0x2C000, s12;
	s12 =	simm.s32 $0x3;
	[sflag:s11] =	ssyncadd.s32 $0xFFFF5000  }
0x16: {  	_ =	swait.ge [sflag:s12], $0xB000  }
0x17: {  	s14 =	sshrl.u32 s14, $0x3;
	[sflag:s12] =	ssyncset.done $0x0  }
0x18: {  	s19 =	sadd.s32 s13, s14;
	s13 =	simm.s32 $0x2C0;
	[sflag:s12] =	ssyncadd.s32 $0xFFFF5000  }
0x19: {  	[tilespmem:s7], [sflag:$0x1] =	stream.indirect.gather [hbm4b:s5+s6], $0x80, s13, s6, $0xb8;
	[tilespmem:$0x16580] =	vst v63  }
0x1a: {  	s14 =	sadd.s32 $0x1600, s19  }
0x1b: {  	[hbm4b:s14+s2] =	stream.linear.scatter [tilespmem:s9], [sflag:$0x4], $0xB000, $0x38;
	[tilespmem:$0x16580] =	vst v63  }
0x1c: {  	_ =	swait.ge [sflag:s8], $0xB000  }
0x1d: {  	[sflag:s8] =	ssyncset.done $0x0  }
0x1e: {  	s15 =	simm.s32 $0x4;
	[sflag:s8] =	ssyncadd.s32 $0xFFFF5000  }
0x1f: {  	_ =	swait.ge [sflag:s15], $0xB000  }
0x20: {  	[sflag:s15] =	ssyncset.done $0x0  }
0x21: {  	s16 =	simm.s32 $0x420;
	s20 =	ssub.s32 $0x2, s18;
	[sflag:s15] =	ssyncadd.s32 $0xFFFF5000  }
0x22: {  	[tilespmem:s9], [sflag:$0x2] =	stream.indirect.gather [hbm4b:s5+s6], $0x80, s16, s6, $0xb8;
	[tilespmem:$0x16580] =	vst v63  }
0x23: {  	s31 =	sshrl.u32 s20, $0x1;
	s17 =	sadd.s32 $0x2C00, s19  }
0x24: {  	[hbm4b:s17+s2] =	stream.linear.scatter [tilespmem:s7], [sflag:$0x3], $0xB000, $0x38;
	[tilespmem:$0x16580] =	vst v63  }
0x25: {  	s18 =	sadd.s32 $0x4200, s19;
	s19 =	ssub.s32 s20, s31;
	_ =	swait.ge [sflag:s11], $0xB000  }
0x26: {  	s19 =	smax.u32 s19, $0x1;
	[sflag:s11] =	ssyncset.done $0x0  }
0x27: {  	p0 =	sne.s32 s19, $0x1;
	[sflag:s11] =	ssyncadd.s32 $0xFFFF5000  }
0x28: {  	[hbm4b:s18+s2] =	stream.linear.scatter [tilespmem:s9], [sflag:$0x4], $0xB000, $0x38;
	[tilespmem:$0x16580] =	vst v63  }
.Ltmp0:
0x29: {  	_ =	swait.ge [sflag:s12], $0xB000;
	(pc) =	sbr.rel @!p0 .LBB2_2-.Ltmp0, $4  }
0x2a: {  	[sflag:s12] =	ssyncset.done $0x0  }
0x2b: {  	[sflag:s12] =	ssyncadd.s32 $0xFFFF5000  }
0x2c: {  	_ =	swait.ge [sflag:s15], $0xB000  }
0x2d: {  	s19 =	sadd.s32 $0xFFFFFFFF, s19;
	[sflag:s15] =	ssyncset.done $0x0  }
.LBB2_1:
0x2e: {  	p0 =	sne.s32 s19, $0x1;
	s19 =	sadd.s32 $0xFFFFFFFF, s19;
	[sflag:s15] =	ssyncadd.s32 $0xFFFF5000  }
0x2f: {  	[tilespmem:s2], [sflag:$0x5] =	stream.linear.gather [hbm4b:s3+s2], $0x580, $0x38;
	[tilespmem:$0x16580] =	vst v63  }
0x30: {  	_ =	swait.ge [sflag:s4], $0x580  }
0x31: {  	[sflag:s4] =	ssyncset.done $0x0  }
0x32: {  	[sflag:s4] =	ssyncadd.s32 $0xFFFFFA80  }
0x33: {  	[tilespmem:s7], [sflag:$0x1] =	stream.indirect.gather [hbm4b:s5+s6], $0x80, s2, s6, $0xb8;
	[tilespmem:$0x16580] =	vst v63  }
0x34: {  	_ =	swait.ge [sflag:s8], $0xB000  }
0x35: {  	[sflag:s8] =	ssyncset.done $0x0  }
0x36: {  	[sflag:s8] =	ssyncadd.s32 $0xFFFF5000  }
0x37: {  	[tilespmem:s9], [sflag:$0x2] =	stream.indirect.gather [hbm4b:s5+s6], $0x80, s6, s6, $0xb8;
	[tilespmem:$0x16580] =	vst v63  }
0x38: {  	_ = 	snop  }
0x39: {  	[hbm4b:s10+s2] =	stream.linear.scatter [tilespmem:s7], [sflag:$0x3], $0xB000, $0x38;
	[tilespmem:$0x16580] =	vst v63  }
0x3a: {  	_ =	swait.ge [sflag:s11], $0xB000  }
0x3b: {  	[sflag:s11] =	ssyncset.done $0x0  }
0x3c: {  	[sflag:s11] =	ssyncadd.s32 $0xFFFF5000  }
0x3d: {  	_ =	swait.ge [sflag:s12], $0xB000  }
0x3e: {  	[sflag:s12] =	ssyncset.done $0x0  }
0x3f: {  	[sflag:s12] =	ssyncadd.s32 $0xFFFF5000  }
0x40: {  	[tilespmem:s7], [sflag:$0x1] =	stream.indirect.gather [hbm4b:s5+s6], $0x80, s13, s6, $0xb8;
	[tilespmem:$0x16580] =	vst v63  }
0x41: {  	_ = 	snop  }
0x42: {  	[hbm4b:s14+s2] =	stream.linear.scatter [tilespmem:s9], [sflag:$0x4], $0xB000, $0x38;
	[tilespmem:$0x16580] =	vst v63  }
0x43: {  	_ =	swait.ge [sflag:s8], $0xB000  }
0x44: {  	[sflag:s8] =	ssyncset.done $0x0  }
0x45: {  	[sflag:s8] =	ssyncadd.s32 $0xFFFF5000  }
0x46: {  	_ =	swait.ge [sflag:s15], $0xB000  }
0x47: {  	[sflag:s15] =	ssyncset.done $0x0  }
0x48: {  	[sflag:s15] =	ssyncadd.s32 $0xFFFF5000  }
0x49: {  	[tilespmem:s9], [sflag:$0x2] =	stream.indirect.gather [hbm4b:s5+s6], $0x80, s16, s6, $0xb8;
	[tilespmem:$0x16580] =	vst v63  }
0x4a: {  	_ = 	snop  }
0x4b: {  	[hbm4b:s17+s2] =	stream.linear.scatter [tilespmem:s7], [sflag:$0x3], $0xB000, $0x38;
	[tilespmem:$0x16580] =	vst v63  }
0x4c: {  	_ =	swait.ge [sflag:s11], $0xB000  }
0x4d: {  	[sflag:s11] =	ssyncset.done $0x0  }
0x4e: {  	[sflag:s11] =	ssyncadd.s32 $0xFFFF5000  }
0x4f: {  	[hbm4b:s18+s2] =	stream.linear.scatter [tilespmem:s9], [sflag:$0x4], $0xB000, $0x38;
	[tilespmem:$0x16580] =	vst v63  }
.Ltmp1:
0x50: {  	_ =	swait.ge [sflag:s12], $0xB000;
	(pc) =	sbr.rel @p0 .LBB2_1-.Ltmp1, $4  }
0x51: {  	[sflag:s12] =	ssyncset.done $0x0  }
0x52: {  	[sflag:s12] =	ssyncadd.s32 $0xFFFF5000  }
0x53: {  	_ =	swait.ge [sflag:s15], $0xB000  }
0x54: {  	[sflag:s15] =	ssyncset.done $0x0  }
.LBB2_2:
0x55: {  	[sflag:s15] =	ssyncadd.s32 $0xFFFF5000  }
0x56: {  	_ =	sfence.sel $0x180000  }
0x57: {  	[bflag:$0x0] =	sbarrier.arrive $0xFFFF  }
0x58: {  	p0 =	sne.s32 s0, $0x0;
	_ =	strace $0x9000004D  }
0x59: {  	s0 =	sadd.s32 @!p0 $0x100000, s1;
	[bflag:$0x2] =	sbarrier.arrive $0xFFFF  }
0x5a: {  	[sflag:s0] =	ssyncadd.tile.s32 @!p0 $0x1;
	_ =	shalt  }
.Lfunc_end2:
_tile_overlayer_lowered:
.L_overlay_start_2:
0x5b: {  	(tag) =	ssettag $0x2  }
0x5c: {  	s0 =	rddreg [dreg:$0x0];
	s2 =	stileid.u32  }
0x5d: {  	s1 =	rddreg [dreg:$0x1];
	p0 =	sne.s32 s2, $0x0  }
0x5e: {  	s3 =	rddreg [dreg:$0x2];
	[bflag:$0x3] =	sbarrier.arrive $0xFFFF;
	s2 =	simm.s32 @!p0 $0x1C05  }
0x5f: {  	[timem:s3], [sflag:s2] =	dma.local @!p0 [hbm:s0], s1  }
0x60: {  	s0 =	simm.s32 @!p0 $0x5  }
0x61: {  	_ =	swait.ge @!p0 [sflag:s0], s1  }
0x62: {  	s1 =	ssub.s32 @!p0 $0x0, s1;
	[sflag:s0] =	ssyncset.done @!p0 $0x0  }
0x63: {  	[sflag:s0] =	ssyncadd.s32 @!p0 s1  }
0x64: {  	[bflag:$0x3] =	sbarrier.arrive $0xFFFF  }
0x65: {  	_ =	shalt  }

// kernel: kernel.23.cloned.1.call-start
scs
__scs_entry_jumppad:
0x0: {  	(pc) =	sbr.rel $0x88, $3  }
0x1: {  	(tag) =	ssettag $0x0;
	lr =	simm.s32 $0x1  }
0x2: {  	[smem:$0x3F87] =	sst lr;
	_ =	strace $0xD0000000  }
0x3: {  	_ = 	snop  }
0x4: {  	_ = 	snop  }
0x5: {  	_ = 	snop  }
0x6: {  	_ = 	snop  }
0x7: {  	_ = 	snop  }
__scs_overlays_trampoline_lowered:
0x8: {  	[smem:$0x3F96] =	sst s0  }
0x9: {  	[smem:$0x3F97] =	sst s1  }
0xa: {  	[smem:$0x3F98] =	sst s2  }
0xb: {  	[smem:$0x3F99] =	sst s3  }
0xc: {  	[smem:$0x3F9A] =	sst s4  }
0xd: {  	[smem:$0x3F9B] =	sst s5  }
0xe: {  	[smem:$0x3F9C] =	sst s6  }
0xf: {  	[smem:$0x3F9D] =	sst s7  }
0x10: {  	[smem:$0x3F9E] =	sst s8  }
0x11: {  	[smem:$0x3F9F] =	sst s9;
	s0 =	simm.s32 @!p0 $0x0  }
0x12: {  	s1 =	sld [smem:$0x3F85];
	s0 =	simm.s32 @p0 $0x1  }
0x13: {  	[smem:$0x3FA0] =	sst s0;
	s0 =	simm.s32 @!p1 $0x0  }
0x14: {  	s2 =	sld [smem:$0x3F84];
	s0 =	simm.s32 @p1 $0x1  }
0x15: {  	[smem:$0x3FA1] =	sst s0;
	s0 =	simm.s32 @!p2 $0x0  }
0x16: {  	s3 =	sld [smem:$0x3FDB];
	s0 =	simm.s32 @p2 $0x1  }
0x17: {  	s4 =	simm.s32 $0x1BF5;
	[smem:$0x3FA3] =	sst s0  }
0x18: {  	s0 =	sld [smem:$0x3F86];
	_ =	swait.ge [sflag:s4], $0x0  }
0x19: {  	s7 =	sld [smem:$0x3F87]  }
0x1a: {  	s8 =	sadd.s32 $0xFFFFE003, lr  }
0x1b: {  	s9 =	sadd.s32 $0xFFFFFEF7, lr;
	s5 =	simm.s32 $0xFFFFFFFF;
	p2 =	slt.u32 s8, $0xFFFFF086  }
0x1c: {  	p1 =	slt.u32 s9, $0xF7A;
	s5 =	simm.s32 @!p2 $0x0  }
0x1d: {  	s5 =	simm.s32 @p1 $0x1;
	p0 =	seq.s32 s7, s2  }
0x1e: {  	s7 =	smul.u32 @!p0 $0xF7A, s2;
	p2 =	seq.s32 @!p0 s5, $0x0  }
0x1f: {  	s9 =	smul.u32 $0xF7A, s1;
	s8 =	simm.s32 @!p0 $0x1BF5;
	p2 =	por !p2, p0  }
0x20: {  	[sflag:s8] =	ssyncset.s32 @!p0 $0xFFFFF086;
	s6 =	sadd.s32 @!p0 s3, s7;
	s7 =	simm.s32 @!p0 $0x108  }
0x21: {  	s3 =	sadd.s32 s3, s9;
	s6 =	sadd.s32 @!p0 $0x88, s6;
	s7 =	simm.s32 @p2 $0x1082  }
0x22: {  	[simem:s7], [sflag:s8] =	dma.local @!p0 [hbm:s6], $0xF7A  }
0x23: {  	s9 =	sor.u32 $0xD0000000, s2;
	s6 =	simm.s32 $0x108;
	_ =	swait.ge @!p0 [sflag:s8], $0x0  }
0x24: {  	s3 =	sadd.s32 $0x88, s3;
	s6 =	simm.s32 @!p1 $0x1082;
	[sflag:s4] =	ssyncset.s32 $0xFFFFF086  }
0x25: {  	[simem:s6], [sflag:s4] =	dma.local [hbm:s3], $0xF7A  }
0x26: {  	[smem:$0x3F87] =	sst s1;
	(tag) =	ssettag s2;
	_ =	strace s9  }
0x27: {  	s1 =	sld [smem:$0x3F97]  }
0x28: {  	s2 =	sld [smem:$0x3F98]  }
0x29: {  	s4 =	sld [smem:$0x3F9A]  }
0x2a: {  	p0 =	seq.s32 s5, $0x0;
	s5 =	sld [smem:$0x3F9B]  }
0x2b: {  	s6 =	sld [smem:$0x3F9C]  }
0x2c: {  	s7 =	sld [smem:$0x3F9D]  }
0x2d: {  	s3 =	simm.s32 $0x108;
	s8 =	sld [smem:$0x3F9E]  }
0x2e: {  	s3 =	simm.s32 @!p0 $0x1082;
	s9 =	sld [smem:$0x3F9F]  }
0x2f: {  	lr =	sadd.s32 s0, s3;
	s0 =	sld [smem:$0x3F96]  }
0x30: {  	s3 =	sld [smem:$0x3F99]  }
0x31: {  	[smem:$0x3FA2] =	sst s10  }
0x32: {  	s10 =	sld [smem:$0x3FA0];
	_ =	sdelay $0x3  }
0x33: {  	p0 =	seq.s32 s10, $0x1;
	s10 =	sld [smem:$0x3FA2];
	_ =	sdelay $0x3  }
0x34: {  	[smem:$0x3FA2] =	sst s10  }
0x35: {  	s10 =	sld [smem:$0x3FA1];
	_ =	sdelay $0x3  }
0x36: {  	p1 =	seq.s32 s10, $0x1;
	s10 =	sld [smem:$0x3FA2];
	_ =	sdelay $0x3  }
0x37: {  	[smem:$0x3FA2] =	sst s10  }
0x38: {  	s10 =	sld [smem:$0x3FA3]  }
0x39: {  	_ = 	snop;
	(pc) =	sbr.ind lr, $3  }
0x3a: {  	_ = 	snop  }
0x3b: {  	_ = 	snop  }
0x3c: {  	p2 =	seq.s32 s10, $0x1;
	s10 =	sld [smem:$0x3FA2]  }
0x3d: {  	_ =	shalt  }
0x3e: {  	_ =	shalt  }
0x3f: {  	_ =	shalt  }
0x40: {  	_ =	shalt  }
0x41: {  	_ =	shalt  }
0x42: {  	_ =	shalt  }
0x43: {  	_ =	shalt  }
0x44: {  	_ =	shalt  }
0x45: {  	_ =	shalt  }
0x46: {  	_ =	shalt  }
0x47: {  	_ =	shalt  }
0x48: {  	_ =	shalt  }
0x49: {  	_ =	shalt  }
0x4a: {  	_ =	shalt  }
0x4b: {  	_ =	shalt  }
0x4c: {  	_ =	shalt  }
0x4d: {  	_ =	shalt  }
0x4e: {  	_ =	shalt  }
0x4f: {  	_ =	shalt  }
0x50: {  	_ =	shalt  }
0x51: {  	_ =	shalt  }
0x52: {  	_ =	shalt  }
0x53: {  	_ =	shalt  }
0x54: {  	_ =	shalt  }
0x55: {  	_ =	shalt  }
0x56: {  	_ =	shalt  }
0x57: {  	_ =	shalt  }
0x58: {  	_ =	shalt  }
0x59: {  	_ =	shalt  }
0x5a: {  	_ =	shalt  }
0x5b: {  	_ =	shalt  }
0x5c: {  	_ =	shalt  }
0x5d: {  	_ =	shalt  }
0x5e: {  	_ =	shalt  }
0x5f: {  	_ =	shalt  }
0x60: {  	_ =	shalt  }
0x61: {  	_ =	shalt  }
0x62: {  	_ =	shalt  }
0x63: {  	_ =	shalt  }
0x64: {  	_ =	shalt  }
0x65: {  	_ =	shalt  }
0x66: {  	_ =	shalt  }
0x67: {  	_ =	shalt  }
0x68: {  	_ =	shalt  }
0x69: {  	_ =	shalt  }
0x6a: {  	_ =	shalt  }
0x6b: {  	_ =	shalt  }
0x6c: {  	_ =	shalt  }
0x6d: {  	_ =	shalt  }
0x6e: {  	_ =	shalt  }
0x6f: {  	_ =	shalt  }
0x70: {  	_ =	shalt  }
0x71: {  	_ =	shalt  }
0x72: {  	_ =	shalt  }
0x73: {  	_ =	shalt  }
0x74: {  	_ =	shalt  }
0x75: {  	_ =	shalt  }
0x76: {  	_ =	shalt  }
0x77: {  	_ =	shalt  }
0x78: {  	_ =	shalt  }
0x79: {  	_ =	shalt  }
0x7a: {  	_ =	shalt  }
0x7b: {  	_ =	shalt  }
0x7c: {  	_ =	shalt  }
0x7d: {  	_ =	shalt  }
0x7e: {  	_ =	shalt  }
0x7f: {  	_ =	shalt  }
0x80: {  	_ =	shalt  }
0x81: {  	_ =	shalt  }
0x82: {  	_ =	shalt  }
0x83: {  	_ =	shalt  }
0x84: {  	_ =	shalt  }
0x85: {  	_ =	shalt  }
0x86: {  	_ =	shalt  }
0x87: {  	_ =	shalt  }
.Lfunc_end0:
.L_simem_size_0:
called_computation.3_lowered:
.L_overlay_start_0:
0x88: {  	s2 =	sld [smem:$0x3FD9]  }
0x89: {  	s3 =	sld [smem:$0x3FFE];
	_ =	sdelay $0x1  }
0x8a: {  	s1 =	srdreg.scid  }
0x8b: {  	s0 =	sand.u32 $0x1, s1  }
0x8c: {  	s17 =	sshll.u32 s0, $0xA;
	s2 =	sadd.s32 s3, s2  }
0x8d: {  	s2 =	sadd.s32 s2, s17  }
0x8e: {  	[smem:$0x3FAE] =	sst s2  }
0x8f: {  	_ = 	snop  }
0x90: {  	(tm) =	ssettm $0x1  }
0x91: {  	s18 =	sld [smem:$0x3FFB];
	_ =	sdelay $0x3  }
0x92: {  	_ =	strace s18  }
0x93: {  	s2 =	sld [smem:$0x3FFC];
	_ =	sdelay $0x3  }
0x94: {  	_ =	strace s2  }
0x95: {  	s2 =	sld [smem:$0x3FFD];
	_ =	sdelay $0x3  }
0x96: {  	_ =	strace s2  }
0x97: {  	_ =	strace $0x8FFFFFFF  }
0x98: {  	s19 =	sld [smem:$0x3FDB];
	_ =	sdelay $0x1  }
0x99: {  	s20 =	simm.s32 $_scs_section_size  }
0x9a: {  	s4 =	simm.s32 $_size__tile_overlayer_lowered;
	s5 =	simm.s32 $_tile_overlayer_lowered  }
0x9b: {  	s6 =	simm.s32 $0x1BFF;
	s21 =	sshll.u32 s5, $0x1;
	s3 =	sadd.s32 s20, s19  }
0x9c: {  	s22 =	simm.s32 $0x0;
	s4 =	sshll.u32 s4, $0x1;
	s5 =	sadd.s32 s21, s3  }
0x9d: {  	[timem:s22], [sflag:s6] =	dma.local [hbm:s5], s4  }
0x9e: {  	_ =	swait.ge [sflag:s6], s4  }
0x9f: {  	s4 =	ssub.s32 $0x0, s4;
	[sflag:s6] =	ssyncset.done $0x0  }
0xa0: {  	[sflag:s6] =	ssyncadd.s32 s4;
	_ =	sdelay $0x1  }
0xa1: {  	s23 =	simm.s32 $0x1B8B  }
0xa2: {  	_ =	swait.ge [sflag:s23], $0x1  }
0xa3: {  	[sflag:s23] =	ssyncset.done $0x0  }
0xa4: {  	[sflag:s23] =	ssyncadd.s32 $0xFFFFFFFF  }
0xa5: {  	s4 =	sld [smem:$0x0]  }
0xa6: {  	s5 =	sand.u32 $0xFFFFFFFE, s1  }
0xa7: {  	p0 =	sne.s32 s1, s5  }
0xa8: {  	s5 =	sshll.u32 @p0 s5, $0xE  }
0xa9: {  	s5 =	sadd.s32 @p0 $0x11B8D, s5;
	s6 =	sshll.u32 @p0 s4, $0x11  }
0xaa: {  	s5 =	sor.u32 @p0 s6, s5  }
0xab: {  	[sflag:s5] =	ssyncadd.remote.s32 @p0 $0x1;
	_ =	sdelay $0x1  }
0xac: {  	s5 =	simm.s32 @p0 $0x1B8D  }
0xad: {  	_ =	swait.eq @p0 [sflag:s5], $0x1  }
0xae: {  	[sflag:s5] =	ssyncadd.s32 @p0 $0xFFFFFFFF  }
0xaf: {  	s6 =	sshll.u32 @!p0 s1, $0xE  }
0xb0: {  	s6 =	sor.u32 @!p0 $0x4000, s6;
	s5 =	simm.s32 @!p0 $0x1B8D  }
0xb1: {  	s4 =	sshll.u32 @!p0 s4, $0x11;
	s6 =	sadd.s32 @!p0 $0x11B8D, s6;
	_ =	swait.eq @!p0 [sflag:s5], $0x1  }
0xb2: {  	s4 =	sor.u32 @!p0 s4, s6;
	[sflag:s5] =	ssyncadd.s32 @!p0 $0xFFFFFFFF  }
0xb3: {  	s25 =	simm.s32 $0x1B8E;
	s24 =	sld [smem:$0x3FFE];
	[sflag:s4] =	ssyncadd.remote.s32 @!p0 $0x1  }
0xb4: {  	s26 =	simm.s32 $execute0_lowered;
	[smem:$0x3FD2] =	sst s25  }
0xb5: {  	s5 =	sshll.u32 s26, $0x1;
	_ =	strace $0x8000004F;
	[dreg:$0x1] =	wrdreg $0xFFFFFFFF  }
0xb6: {  	s28 =	simm.s32 $_size_execute0_lowered;
	s3 =	sadd.s32 s3, s5;
	[dreg:$0x0] =	wrdreg $0x0  }
0xb7: {  	s5 =	sshll.u32 s28, $0x1;
	[dreg:$0x2] =	wrdreg s3  }
0xb8: {  	[dreg:$0x3] =	wrdreg s5  }
0xb9: {  	[dreg:$0x4] =	wrdreg $0xC0  }
0xba: {  	_ =	task [dreg:s22], $0x5FFFF  }
0xbb: {  	[dreg:$0x1] =	wrdreg $0xFFFFFFFF  }
0xbc: {  	[dreg:$0x0] =	wrdreg $0x60  }
0xbd: {  	[dreg:$0x2] =	wrdreg s24  }
0xbe: {  	[dreg:$0x3] =	wrdreg $0xA  }
0xbf: {  	_ =	task.clear_ibuf [dreg:s22], $0x4FFFF;
	_ =	strace $0x9000004F  }
0xc0: {  	s29 =	simm.s32 $0xA;
	_ =	strace $0x80000051  }
0xc1: {  	_ =	swait.ge [sflag:s29], $0x1  }
0xc2: {  	[sflag:s29] =	ssyncadd.s32 $0xFFFFFFFF  }
0xc3: {  	_ =	strace $0x90000051  }
0xc4: {  	_ =	sfence  }
0xc5: {  	s30 =	sld [smem:$0x0];
	_ =	sdelay $0x2  }
0xc6: {  	s31 =	sshll.u32 s1, $0xD;
	s1 =	sshrl.u32 s1, $0x2  }
0xc7: {  	s4 =	sand.u32 $0x4000, s31;
	s1 =	sadd.s32 s1, s30  }
0xc8: {  	s0 =	sor.u32 s4, s0;
	s1 =	sshll.u32 s1, $0x11  }
0xc9: {  	s0 =	sor.u32 s1, s0  }
0xca: {  	s0 =	sadd.s32 $0x8F2B, s0  }
0xcb: {  	[sflag:s0] =	ssyncadd.remote.s32 $0x1  }
0xcc: {  	_ =	sfence.sel $0xFFFF  }
0xcd: {  	[dreg:$0x0] =	wrdreg $0xFFFFFFFF;
	(pc) =	sbr.abs _section_cstart, $3  }
0xce: {  	[dreg:$0x1] =	wrdreg $0xFFFFFFFF  }
0xcf: {  	_ =	task.clear_ibuf [dreg:s22], $0x2FFFF;
	_ =	strace $0x9FFFFFFF  }
0xd0: {  	(tm) =	ssettm $0x7FFFFFFF  }
0xd1: {  	_ =	shalt  }
tec
execute0_lowered:
.L_overlay_start_1:
0x0: {  	(tag) =	ssettag $0x1  }
0x1: {  	s1 =	srdreg.scid;
	s0 =	stileid.u32  }
0x2: {  	s18 =	sand.u32 $0x1, s1;
	s30 =	sshll.u32 s0, $0x1  }
0x3: {  	s12 =	sor.u32 s18, s30  }
0x4: {  	s3 =	smul.u32 $0xB0, s12  }
0x5: {  	s9 =	rddreg [dreg:$0x0];
	s2 =	simm.s32 $0x0  }
0x6: {  	s4 =	simm.s32 $0x5;
	[smem:$0x7FF] =	sst s2;
	s3 =	sadd.s32 s3, s9  }
0x7: {  	s1 =	rddreg [dreg:$0x1];
	_ =	strace $0x80000050;
	s3 =	sadd.s32 $0xBA400, s3  }
0x8: {  	[tilespmem:s2], [sflag:$0x5] =	stream.linear.gather [hbm4b:s3+s2], $0x580, $0x38;
	[tilespmem:$0x16580] =	vst v63  }
0x9: {  	_ =	swait.ge [sflag:s4], $0x580  }
0xa: {  	s6 =	simm.s32 $0x160;
	s7 =	simm.s32 $0x580;
	[sflag:s4] =	ssyncset.done $0x0  }
0xb: {  	s8 =	simm.s32 $0x1;
	s5 =	sadd.s32 $0xA400, s9;
	[sflag:s4] =	ssyncadd.s32 $0xFFFFFA80  }
0xc: {  	[tilespmem:s7], [sflag:$0x1] =	stream.indirect.gather [hbm4b:s5+s6], $0x80, s2, s6, $0xb8;
	[tilespmem:$0x16580] =	vst v63  }
0xd: {  	_ =	swait.ge [sflag:s8], $0xB000  }
0xe: {  	s13 =	sadd.s32 $0x16FC00, s9;
	[sflag:s8] =	ssyncset.done $0x0  }
0xf: {  	s10 =	smul.u32 $0x5800, s12;
	s9 =	simm.s32 $0xB580;
	[sflag:s8] =	ssyncadd.s32 $0xFFFF5000  }
0x10: {  	[tilespmem:s9], [sflag:$0x2] =	stream.indirect.gather [hbm4b:s5+s6], $0x80, s6, s6, $0xb8;
	[tilespmem:$0x16580] =	vst v63  }
0x11: {  	s11 =	simm.s32 $0x2;
	s10 =	sadd.s32 s13, s10  }
0x12: {  	[hbm4b:s10+s2] =	stream.linear.scatter [tilespmem:s7], [sflag:$0x3], $0xB000, $0x38;
	[tilespmem:$0x16580] =	vst v63  }
0x13: {  	_ =	swait.ge [sflag:s11], $0xB000  }
0x14: {  	[sflag:s11] =	ssyncset.done $0x0  }
0x15: {  	s14 =	smul.u32 $0x2C000, s12;
	s12 =	simm.s32 $0x3;
	[sflag:s11] =	ssyncadd.s32 $0xFFFF5000  }
0x16: {  	_ =	swait.ge [sflag:s12], $0xB000  }
0x17: {  	s14 =	sshrl.u32 s14, $0x3;
	[sflag:s12] =	ssyncset.done $0x0  }
0x18: {  	s19 =	sadd.s32 s13, s14;
	s13 =	simm.s32 $0x2C0;
	[sflag:s12] =	ssyncadd.s32 $0xFFFF5000  }
0x19: {  	[tilespmem:s7], [sflag:$0x1] =	stream.indirect.gather [hbm4b:s5+s6], $0x80, s13, s6, $0xb8;
	[tilespmem:$0x16580] =	vst v63  }
0x1a: {  	s14 =	sadd.s32 $0x1600, s19  }
0x1b: {  	[hbm4b:s14+s2] =	stream.linear.scatter [tilespmem:s9], [sflag:$0x4], $0xB000, $0x38;
	[tilespmem:$0x16580] =	vst v63  }
0x1c: {  	_ =	swait.ge [sflag:s8], $0xB000  }
0x1d: {  	[sflag:s8] =	ssyncset.done $0x0  }
0x1e: {  	s15 =	simm.s32 $0x4;
	[sflag:s8] =	ssyncadd.s32 $0xFFFF5000  }
0x1f: {  	_ =	swait.ge [sflag:s15], $0xB000  }
0x20: {  	[sflag:s15] =	ssyncset.done $0x0  }
0x21: {  	s16 =	simm.s32 $0x420;
	s20 =	ssub.s32 $0x2, s18;
	[sflag:s15] =	ssyncadd.s32 $0xFFFF5000  }
0x22: {  	[tilespmem:s9], [sflag:$0x2] =	stream.indirect.gather [hbm4b:s5+s6], $0x80, s16, s6, $0xb8;
	[tilespmem:$0x16580] =	vst v63  }
0x23: {  	s31 =	sshrl.u32 s20, $0x1;
	s17 =	sadd.s32 $0x2C00, s19  }
0x24: {  	[hbm4b:s17+s2] =	stream.linear.scatter [tilespmem:s7], [sflag:$0x3], $0xB000, $0x38;
	[tilespmem:$0x16580] =	vst v63  }
0x25: {  	s18 =	sadd.s32 $0x4200, s19;
	s19 =	ssub.s32 s20, s31;
	_ =	swait.ge [sflag:s11], $0xB000  }
0x26: {  	s19 =	smax.u32 s19, $0x1;
	[sflag:s11] =	ssyncset.done $0x0  }
0x27: {  	p0 =	sne.s32 s19, $0x1;
	[sflag:s11] =	ssyncadd.s32 $0xFFFF5000  }
0x28: {  	[hbm4b:s18+s2] =	stream.linear.scatter [tilespmem:s9], [sflag:$0x4], $0xB000, $0x38;
	[tilespmem:$0x16580] =	vst v63  }
.Ltmp0:
0x29: {  	_ =	swait.ge [sflag:s12], $0xB000;
	(pc) =	sbr.rel @!p0 .LBB2_2-.Ltmp0, $4  }
0x2a: {  	[sflag:s12] =	ssyncset.done $0x0  }
0x2b: {  	[sflag:s12] =	ssyncadd.s32 $0xFFFF5000  }
0x2c: {  	_ =	swait.ge [sflag:s15], $0xB000  }
0x2d: {  	s19 =	sadd.s32 $0xFFFFFFFF, s19;
	[sflag:s15] =	ssyncset.done $0x0  }
.LBB2_1:
0x2e: {  	p0 =	sne.s32 s19, $0x1;
	s19 =	sadd.s32 $0xFFFFFFFF, s19;
	[sflag:s15] =	ssyncadd.s32 $0xFFFF5000  }
0x2f: {  	[tilespmem:s2], [sflag:$0x5] =	stream.linear.gather [hbm4b:s3+s2], $0x580, $0x38;
	[tilespmem:$0x16580] =	vst v63  }
0x30: {  	_ =	swait.ge [sflag:s4], $0x580  }
0x31: {  	[sflag:s4] =	ssyncset.done $0x0  }
0x32: {  	[sflag:s4] =	ssyncadd.s32 $0xFFFFFA80  }
0x33: {  	[tilespmem:s7], [sflag:$0x1] =	stream.indirect.gather [hbm4b:s5+s6], $0x80, s2, s6, $0xb8;
	[tilespmem:$0x16580] =	vst v63  }
0x34: {  	_ =	swait.ge [sflag:s8], $0xB000  }
0x35: {  	[sflag:s8] =	ssyncset.done $0x0  }
0x36: {  	[sflag:s8] =	ssyncadd.s32 $0xFFFF5000  }
0x37: {  	[tilespmem:s9], [sflag:$0x2] =	stream.indirect.gather [hbm4b:s5+s6], $0x80, s6, s6, $0xb8;
	[tilespmem:$0x16580] =	vst v63  }
0x38: {  	_ = 	snop  }
0x39: {  	[hbm4b:s10+s2] =	stream.linear.scatter [tilespmem:s7], [sflag:$0x3], $0xB000, $0x38;
	[tilespmem:$0x16580] =	vst v63  }
0x3a: {  	_ =	swait.ge [sflag:s11], $0xB000  }
0x3b: {  	[sflag:s11] =	ssyncset.done $0x0  }
0x3c: {  	[sflag:s11] =	ssyncadd.s32 $0xFFFF5000  }
0x3d: {  	_ =	swait.ge [sflag:s12], $0xB000  }
0x3e: {  	[sflag:s12] =	ssyncset.done $0x0  }
0x3f: {  	[sflag:s12] =	ssyncadd.s32 $0xFFFF5000  }
0x40: {  	[tilespmem:s7], [sflag:$0x1] =	stream.indirect.gather [hbm4b:s5+s6], $0x80, s13, s6, $0xb8;
	[tilespmem:$0x16580] =	vst v63  }
0x41: {  	_ = 	snop  }
0x42: {  	[hbm4b:s14+s2] =	stream.linear.scatter [tilespmem:s9], [sflag:$0x4], $0xB000, $0x38;
	[tilespmem:$0x16580] =	vst v63  }
0x43: {  	_ =	swait.ge [sflag:s8], $0xB000  }
0x44: {  	[sflag:s8] =	ssyncset.done $0x0  }
0x45: {  	[sflag:s8] =	ssyncadd.s32 $0xFFFF5000  }
0x46: {  	_ =	swait.ge [sflag:s15], $0xB000  }
0x47: {  	[sflag:s15] =	ssyncset.done $0x0  }
0x48: {  	[sflag:s15] =	ssyncadd.s32 $0xFFFF5000  }
0x49: {  	[tilespmem:s9], [sflag:$0x2] =	stream.indirect.gather [hbm4b:s5+s6], $0x80, s16, s6, $0xb8;
	[tilespmem:$0x16580] =	vst v63  }
0x4a: {  	_ = 	snop  }
0x4b: {  	[hbm4b:s17+s2] =	stream.linear.scatter [tilespmem:s7], [sflag:$0x3], $0xB000, $0x38;
	[tilespmem:$0x16580] =	vst v63  }
0x4c: {  	_ =	swait.ge [sflag:s11], $0xB000  }
0x4d: {  	[sflag:s11] =	ssyncset.done $0x0  }
0x4e: {  	[sflag:s11] =	ssyncadd.s32 $0xFFFF5000  }
0x4f: {  	[hbm4b:s18+s2] =	stream.linear.scatter [tilespmem:s9], [sflag:$0x4], $0xB000, $0x38;
	[tilespmem:$0x16580] =	vst v63  }
.Ltmp1:
0x50: {  	_ =	swait.ge [sflag:s12], $0xB000;
	(pc) =	sbr.rel @p0 .LBB2_1-.Ltmp1, $4  }
0x51: {  	[sflag:s12] =	ssyncset.done $0x0  }
0x52: {  	[sflag:s12] =	ssyncadd.s32 $0xFFFF5000  }
0x53: {  	_ =	swait.ge [sflag:s15], $0xB000  }
0x54: {  	[sflag:s15] =	ssyncset.done $0x0  }
.LBB2_2:
0x55: {  	[sflag:s15] =	ssyncadd.s32 $0xFFFF5000  }
0x56: {  	_ =	sfence.sel $0x180000  }
0x57: {  	[bflag:$0x0] =	sbarrier.arrive $0xFFFF  }
0x58: {  	p0 =	sne.s32 s0, $0x0;
	_ =	strace $0x90000050  }
0x59: {  	s0 =	sadd.s32 @!p0 $0x100000, s1;
	[bflag:$0x2] =	sbarrier.arrive $0xFFFF  }
0x5a: {  	[sflag:s0] =	ssyncadd.tile.s32 @!p0 $0x1;
	_ =	shalt  }
.Lfunc_end2:
_tile_overlayer_lowered:
.L_overlay_start_2:
0x5b: {  	(tag) =	ssettag $0x2  }
0x5c: {  	s0 =	rddreg [dreg:$0x0];
	s2 =	stileid.u32  }
0x5d: {  	s1 =	rddreg [dreg:$0x1];
	p0 =	sne.s32 s2, $0x0  }
0x5e: {  	s3 =	rddreg [dreg:$0x2];
	[bflag:$0x3] =	sbarrier.arrive $0xFFFF;
	s2 =	simm.s32 @!p0 $0x1C05  }
0x5f: {  	[timem:s3], [sflag:s2] =	dma.local @!p0 [hbm:s0], s1  }
0x60: {  	s0 =	simm.s32 @!p0 $0x5  }
0x61: {  	_ =	swait.ge @!p0 [sflag:s0], s1  }
0x62: {  	s1 =	ssub.s32 @!p0 $0x0, s1;
	[sflag:s0] =	ssyncset.done @!p0 $0x0  }
0x63: {  	[sflag:s0] =	ssyncadd.s32 @!p0 s1  }
0x64: {  	[bflag:$0x3] =	sbarrier.arrive $0xFFFF  }
0x65: {  	_ =	shalt  }

// kernel: kernel.26.cloned.1.call-start
scs
__scs_entry_jumppad:
0x0: {  	(pc) =	sbr.rel $0x88, $3  }
0x1: {  	(tag) =	ssettag $0x0;
	lr =	simm.s32 $0x1  }
0x2: {  	[smem:$0x3F87] =	sst lr;
	_ =	strace $0xD0000000  }
0x3: {  	_ = 	snop  }
0x4: {  	_ = 	snop  }
0x5: {  	_ = 	snop  }
0x6: {  	_ = 	snop  }
0x7: {  	_ = 	snop  }
__scs_overlays_trampoline_lowered:
0x8: {  	[smem:$0x3F96] =	sst s0  }
0x9: {  	[smem:$0x3F97] =	sst s1  }
0xa: {  	[smem:$0x3F98] =	sst s2  }
0xb: {  	[smem:$0x3F99] =	sst s3  }
0xc: {  	[smem:$0x3F9A] =	sst s4  }
0xd: {  	[smem:$0x3F9B] =	sst s5  }
0xe: {  	[smem:$0x3F9C] =	sst s6  }
0xf: {  	[smem:$0x3F9D] =	sst s7  }
0x10: {  	[smem:$0x3F9E] =	sst s8  }
0x11: {  	[smem:$0x3F9F] =	sst s9;
	s0 =	simm.s32 @!p0 $0x0  }
0x12: {  	s1 =	sld [smem:$0x3F85];
	s0 =	simm.s32 @p0 $0x1  }
0x13: {  	[smem:$0x3FA0] =	sst s0;
	s0 =	simm.s32 @!p1 $0x0  }
0x14: {  	s2 =	sld [smem:$0x3F84];
	s0 =	simm.s32 @p1 $0x1  }
0x15: {  	[smem:$0x3FA1] =	sst s0;
	s0 =	simm.s32 @!p2 $0x0  }
0x16: {  	s3 =	sld [smem:$0x3FDB];
	s0 =	simm.s32 @p2 $0x1  }
0x17: {  	s4 =	simm.s32 $0x1BF5;
	[smem:$0x3FA3] =	sst s0  }
0x18: {  	s0 =	sld [smem:$0x3F86];
	_ =	swait.ge [sflag:s4], $0x0  }
0x19: {  	s7 =	sld [smem:$0x3F87]  }
0x1a: {  	s8 =	sadd.s32 $0xFFFFE003, lr  }
0x1b: {  	s9 =	sadd.s32 $0xFFFFFEF7, lr;
	s5 =	simm.s32 $0xFFFFFFFF;
	p2 =	slt.u32 s8, $0xFFFFF086  }
0x1c: {  	p1 =	slt.u32 s9, $0xF7A;
	s5 =	simm.s32 @!p2 $0x0  }
0x1d: {  	s5 =	simm.s32 @p1 $0x1;
	p0 =	seq.s32 s7, s2  }
0x1e: {  	s7 =	smul.u32 @!p0 $0xF7A, s2;
	p2 =	seq.s32 @!p0 s5, $0x0  }
0x1f: {  	s9 =	smul.u32 $0xF7A, s1;
	s8 =	simm.s32 @!p0 $0x1BF5;
	p2 =	por !p2, p0  }
0x20: {  	[sflag:s8] =	ssyncset.s32 @!p0 $0xFFFFF086;
	s6 =	sadd.s32 @!p0 s3, s7;
	s7 =	simm.s32 @!p0 $0x108  }
0x21: {  	s3 =	sadd.s32 s3, s9;
	s6 =	sadd.s32 @!p0 $0x88, s6;
	s7 =	simm.s32 @p2 $0x1082  }
0x22: {  	[simem:s7], [sflag:s8] =	dma.local @!p0 [hbm:s6], $0xF7A  }
0x23: {  	s9 =	sor.u32 $0xD0000000, s2;
	s6 =	simm.s32 $0x108;
	_ =	swait.ge @!p0 [sflag:s8], $0x0  }
0x24: {  	s3 =	sadd.s32 $0x88, s3;
	s6 =	simm.s32 @!p1 $0x1082;
	[sflag:s4] =	ssyncset.s32 $0xFFFFF086  }
0x25: {  	[simem:s6], [sflag:s4] =	dma.local [hbm:s3], $0xF7A  }
0x26: {  	[smem:$0x3F87] =	sst s1;
	(tag) =	ssettag s2;
	_ =	strace s9  }
0x27: {  	s1 =	sld [smem:$0x3F97]  }
0x28: {  	s2 =	sld [smem:$0x3F98]  }
0x29: {  	s4 =	sld [smem:$0x3F9A]  }
0x2a: {  	p0 =	seq.s32 s5, $0x0;
	s5 =	sld [smem:$0x3F9B]  }
0x2b: {  	s6 =	sld [smem:$0x3F9C]  }
0x2c: {  	s7 =	sld [smem:$0x3F9D]  }
0x2d: {  	s3 =	simm.s32 $0x108;
	s8 =	sld [smem:$0x3F9E]  }
0x2e: {  	s3 =	simm.s32 @!p0 $0x1082;
	s9 =	sld [smem:$0x3F9F]  }
0x2f: {  	lr =	sadd.s32 s0, s3;
	s0 =	sld [smem:$0x3F96]  }
0x30: {  	s3 =	sld [smem:$0x3F99]  }
0x31: {  	[smem:$0x3FA2] =	sst s10  }
0x32: {  	s10 =	sld [smem:$0x3FA0];
	_ =	sdelay $0x3  }
0x33: {  	p0 =	seq.s32 s10, $0x1;
	s10 =	sld [smem:$0x3FA2];
	_ =	sdelay $0x3  }
0x34: {  	[smem:$0x3FA2] =	sst s10  }
0x35: {  	s10 =	sld [smem:$0x3FA1];
	_ =	sdelay $0x3  }
0x36: {  	p1 =	seq.s32 s10, $0x1;
	s10 =	sld [smem:$0x3FA2];
	_ =	sdelay $0x3  }
0x37: {  	[smem:$0x3FA2] =	sst s10  }
0x38: {  	s10 =	sld [smem:$0x3FA3]  }
0x39: {  	_ = 	snop;
	(pc) =	sbr.ind lr, $3  }
0x3a: {  	_ = 	snop  }
0x3b: {  	_ = 	snop  }
0x3c: {  	p2 =	seq.s32 s10, $0x1;
	s10 =	sld [smem:$0x3FA2]  }
0x3d: {  	_ =	shalt  }
0x3e: {  	_ =	shalt  }
0x3f: {  	_ =	shalt  }
0x40: {  	_ =	shalt  }
0x41: {  	_ =	shalt  }
0x42: {  	_ =	shalt  }
0x43: {  	_ =	shalt  }
0x44: {  	_ =	shalt  }
0x45: {  	_ =	shalt  }
0x46: {  	_ =	shalt  }
0x47: {  	_ =	shalt  }
0x48: {  	_ =	shalt  }
0x49: {  	_ =	shalt  }
0x4a: {  	_ =	shalt  }
0x4b: {  	_ =	shalt  }
0x4c: {  	_ =	shalt  }
0x4d: {  	_ =	shalt  }
0x4e: {  	_ =	shalt  }
0x4f: {  	_ =	shalt  }
0x50: {  	_ =	shalt  }
0x51: {  	_ =	shalt  }
0x52: {  	_ =	shalt  }
0x53: {  	_ =	shalt  }
0x54: {  	_ =	shalt  }
0x55: {  	_ =	shalt  }
0x56: {  	_ =	shalt  }
0x57: {  	_ =	shalt  }
0x58: {  	_ =	shalt  }
0x59: {  	_ =	shalt  }
0x5a: {  	_ =	shalt  }
0x5b: {  	_ =	shalt  }
0x5c: {  	_ =	shalt  }
0x5d: {  	_ =	shalt  }
0x5e: {  	_ =	shalt  }
0x5f: {  	_ =	shalt  }
0x60: {  	_ =	shalt  }
0x61: {  	_ =	shalt  }
0x62: {  	_ =	shalt  }
0x63: {  	_ =	shalt  }
0x64: {  	_ =	shalt  }
0x65: {  	_ =	shalt  }
0x66: {  	_ =	shalt  }
0x67: {  	_ =	shalt  }
0x68: {  	_ =	shalt  }
0x69: {  	_ =	shalt  }
0x6a: {  	_ =	shalt  }
0x6b: {  	_ =	shalt  }
0x6c: {  	_ =	shalt  }
0x6d: {  	_ =	shalt  }
0x6e: {  	_ =	shalt  }
0x6f: {  	_ =	shalt  }
0x70: {  	_ =	shalt  }
0x71: {  	_ =	shalt  }
0x72: {  	_ =	shalt  }
0x73: {  	_ =	shalt  }
0x74: {  	_ =	shalt  }
0x75: {  	_ =	shalt  }
0x76: {  	_ =	shalt  }
0x77: {  	_ =	shalt  }
0x78: {  	_ =	shalt  }
0x79: {  	_ =	shalt  }
0x7a: {  	_ =	shalt  }
0x7b: {  	_ =	shalt  }
0x7c: {  	_ =	shalt  }
0x7d: {  	_ =	shalt  }
0x7e: {  	_ =	shalt  }
0x7f: {  	_ =	shalt  }
0x80: {  	_ =	shalt  }
0x81: {  	_ =	shalt  }
0x82: {  	_ =	shalt  }
0x83: {  	_ =	shalt  }
0x84: {  	_ =	shalt  }
0x85: {  	_ =	shalt  }
0x86: {  	_ =	shalt  }
0x87: {  	_ =	shalt  }
.Lfunc_end0:
.L_simem_size_0:
called_computation.4_lowered:
.L_overlay_start_0:
0x88: {  	s2 =	sld [smem:$0x3FD9]  }
0x89: {  	s3 =	sld [smem:$0x3FFE];
	_ =	sdelay $0x1  }
0x8a: {  	s1 =	srdreg.scid  }
0x8b: {  	s0 =	sand.u32 $0x1, s1  }
0x8c: {  	s16 =	sshll.u32 s0, $0xA;
	s2 =	sadd.s32 s3, s2  }
0x8d: {  	s2 =	sadd.s32 s2, s16  }
0x8e: {  	[smem:$0x3FAE] =	sst s2  }
0x8f: {  	_ = 	snop  }
0x90: {  	(tm) =	ssettm $0x1  }
0x91: {  	s17 =	sld [smem:$0x3FFB];
	_ =	sdelay $0x3  }
0x92: {  	_ =	strace s17  }
0x93: {  	s2 =	sld [smem:$0x3FFC];
	_ =	sdelay $0x3  }
0x94: {  	_ =	strace s2  }
0x95: {  	s2 =	sld [smem:$0x3FFD];
	_ =	sdelay $0x3  }
0x96: {  	_ =	strace s2  }
0x97: {  	_ =	strace $0x8FFFFFFF  }
0x98: {  	s18 =	sld [smem:$0x3FDB];
	_ =	sdelay $0x1  }
0x99: {  	s19 =	simm.s32 $_scs_section_size  }
0x9a: {  	s4 =	simm.s32 $_size__tile_overlayer_lowered;
	s5 =	simm.s32 $_tile_overlayer_lowered  }
0x9b: {  	s22 =	simm.s32 $0x1BFF;
	s21 =	sshll.u32 s5, $0x1;
	s2 =	sadd.s32 s19, s18  }
0x9c: {  	s6 =	simm.s32 $0x0;
	s20 =	sshll.u32 s4, $0x1;
	s4 =	sadd.s32 s21, s2  }
0x9d: {  	[timem:s6], [sflag:s22] =	dma.local [hbm:s4], s20  }
0x9e: {  	_ =	swait.ge [sflag:s22], s20  }
0x9f: {  	s3 =	ssub.s32 $0x0, s20;
	[sflag:s22] =	ssyncset.done $0x0  }
0xa0: {  	[sflag:s22] =	ssyncadd.s32 s3;
	_ =	sdelay $0x1  }
0xa1: {  	s23 =	simm.s32 $0x1B8B  }
0xa2: {  	_ =	swait.ge [sflag:s23], $0x1  }
0xa3: {  	[sflag:s23] =	ssyncset.done $0x0  }
0xa4: {  	s25 =	simm.s32 $0x1B8E;
	s24 =	sld [smem:$0x3FFE];
	[sflag:s23] =	ssyncadd.s32 $0xFFFFFFFF  }
0xa5: {  	s26 =	simm.s32 $execute0_lowered;
	[smem:$0x3FD2] =	sst s25  }
0xa6: {  	s4 =	sshll.u32 s26, $0x1;
	_ =	strace $0x80000052;
	[dreg:$0x1] =	wrdreg $0xFFFFFFFF  }
0xa7: {  	s28 =	simm.s32 $_size_execute0_lowered;
	s2 =	sadd.s32 s2, s4;
	[dreg:$0x0] =	wrdreg $0x0  }
0xa8: {  	s4 =	sshll.u32 s28, $0x1;
	[dreg:$0x2] =	wrdreg s2  }
0xa9: {  	[dreg:$0x3] =	wrdreg s4  }
0xaa: {  	[dreg:$0x4] =	wrdreg $0xC0  }
0xab: {  	_ =	task [dreg:s6], $0x5FFFF  }
0xac: {  	[dreg:$0x1] =	wrdreg $0xFFFFFFFF  }
0xad: {  	[dreg:$0x0] =	wrdreg $0x60  }
0xae: {  	[dreg:$0x2] =	wrdreg s24  }
0xaf: {  	[dreg:$0x3] =	wrdreg $0x9  }
0xb0: {  	_ =	task.clear_ibuf [dreg:s6], $0x4FFFF;
	_ =	strace $0x90000052  }
0xb1: {  	s29 =	simm.s32 $0x9;
	_ =	strace $0x80000054  }
0xb2: {  	_ =	swait.ge [sflag:s29], $0x1  }
0xb3: {  	[sflag:s29] =	ssyncadd.s32 $0xFFFFFFFF  }
0xb4: {  	_ =	strace $0x90000054  }
0xb5: {  	_ =	sfence  }
0xb6: {  	s30 =	sld [smem:$0x0];
	_ =	sdelay $0x2  }
0xb7: {  	s31 =	sshll.u32 s1, $0xD;
	s1 =	sshrl.u32 s1, $0x2  }
0xb8: {  	s3 =	sand.u32 $0x4000, s31;
	s1 =	sadd.s32 s1, s30  }
0xb9: {  	s0 =	sor.u32 s3, s0;
	s1 =	sshll.u32 s1, $0x11  }
0xba: {  	s0 =	sor.u32 s1, s0  }
0xbb: {  	s0 =	sadd.s32 $0x8F2B, s0  }
0xbc: {  	[sflag:s0] =	ssyncadd.remote.s32 $0x1  }
0xbd: {  	_ =	sfence.sel $0xFFFF  }
0xbe: {  	[dreg:$0x0] =	wrdreg $0xFFFFFFFF;
	(pc) =	sbr.abs _section_cstart, $3  }
0xbf: {  	[dreg:$0x1] =	wrdreg $0xFFFFFFFF  }
0xc0: {  	_ =	task.clear_ibuf [dreg:s6], $0x2FFFF;
	_ =	strace $0x9FFFFFFF  }
0xc1: {  	(tm) =	ssettm $0x7FFFFFFF  }
tec
execute0_lowered:
.L_overlay_start_1:
0x0: {  	(tag) =	ssettag $0x1  }
0x1: {  	s1 =	srdreg.scid;
	s0 =	stileid.u32  }
0x2: {  	s18 =	sand.u32 $0x1, s1;
	s30 =	sshll.u32 s0, $0x1  }
0x3: {  	s12 =	sor.u32 s18, s30  }
0x4: {  	s3 =	smul.u32 $0xB0, s12  }
0x5: {  	s9 =	rddreg [dreg:$0x0];
	s2 =	simm.s32 $0x0  }
0x6: {  	s4 =	simm.s32 $0x5;
	[smem:$0x7FF] =	sst s2;
	s3 =	sadd.s32 s3, s9  }
0x7: {  	s1 =	rddreg [dreg:$0x1];
	_ =	strace $0x80000053;
	s3 =	sadd.s32 $0x8E00, s3  }
0x8: {  	[tilespmem:s2], [sflag:$0x5] =	stream.linear.gather [hbm4b:s3+s2], $0x580, $0x38;
	[tilespmem:$0x16580] =	vst v63  }
0x9: {  	_ =	swait.ge [sflag:s4], $0x580  }
0xa: {  	s6 =	simm.s32 $0x160;
	s7 =	simm.s32 $0x580;
	[sflag:s4] =	ssyncset.done $0x0  }
0xb: {  	s8 =	simm.s32 $0x1;
	s5 =	sadd.s32 $0xA400, s9;
	[sflag:s4] =	ssyncadd.s32 $0xFFFFFA80  }
0xc: {  	[tilespmem:s7], [sflag:$0x1] =	stream.indirect.gather [hbm4b:s5+s6], $0x80, s2, s6, $0xb8;
	[tilespmem:$0x16580] =	vst v63  }
0xd: {  	_ =	swait.ge [sflag:s8], $0xB000  }
0xe: {  	s13 =	sadd.s32 $0xBBA00, s9;
	[sflag:s8] =	ssyncset.done $0x0  }
0xf: {  	s10 =	smul.u32 $0x5800, s12;
	s9 =	simm.s32 $0xB580;
	[sflag:s8] =	ssyncadd.s32 $0xFFFF5000  }
0x10: {  	[tilespmem:s9], [sflag:$0x2] =	stream.indirect.gather [hbm4b:s5+s6], $0x80, s6, s6, $0xb8;
	[tilespmem:$0x16580] =	vst v63  }
0x11: {  	s11 =	simm.s32 $0x2;
	s10 =	sadd.s32 s13, s10  }
0x12: {  	[hbm4b:s10+s2] =	stream.linear.scatter [tilespmem:s7], [sflag:$0x3], $0xB000, $0x38;
	[tilespmem:$0x16580] =	vst v63  }
0x13: {  	_ =	swait.ge [sflag:s11], $0xB000  }
0x14: {  	[sflag:s11] =	ssyncset.done $0x0  }
0x15: {  	s14 =	smul.u32 $0x2C000, s12;
	s12 =	simm.s32 $0x3;
	[sflag:s11] =	ssyncadd.s32 $0xFFFF5000  }
0x16: {  	_ =	swait.ge [sflag:s12], $0xB000  }
0x17: {  	s14 =	sshrl.u32 s14, $0x3;
	[sflag:s12] =	ssyncset.done $0x0  }
0x18: {  	s19 =	sadd.s32 s13, s14;
	s13 =	simm.s32 $0x2C0;
	[sflag:s12] =	ssyncadd.s32 $0xFFFF5000  }
0x19: {  	[tilespmem:s7], [sflag:$0x1] =	stream.indirect.gather [hbm4b:s5+s6], $0x80, s13, s6, $0xb8;
	[tilespmem:$0x16580] =	vst v63  }
0x1a: {  	s14 =	sadd.s32 $0x1600, s19  }
0x1b: {  	[hbm4b:s14+s2] =	stream.linear.scatter [tilespmem:s9], [sflag:$0x4], $0xB000, $0x38;
	[tilespmem:$0x16580] =	vst v63  }
0x1c: {  	_ =	swait.ge [sflag:s8], $0xB000  }
0x1d: {  	[sflag:s8] =	ssyncset.done $0x0  }
0x1e: {  	s15 =	simm.s32 $0x4;
	[sflag:s8] =	ssyncadd.s32 $0xFFFF5000  }
0x1f: {  	_ =	swait.ge [sflag:s15], $0xB000  }
0x20: {  	[sflag:s15] =	ssyncset.done $0x0  }
0x21: {  	s16 =	simm.s32 $0x420;
	s20 =	ssub.s32 $0x2, s18;
	[sflag:s15] =	ssyncadd.s32 $0xFFFF5000  }
0x22: {  	[tilespmem:s9], [sflag:$0x2] =	stream.indirect.gather [hbm4b:s5+s6], $0x80, s16, s6, $0xb8;
	[tilespmem:$0x16580] =	vst v63  }
0x23: {  	s31 =	sshrl.u32 s20, $0x1;
	s17 =	sadd.s32 $0x2C00, s19  }
0x24: {  	[hbm4b:s17+s2] =	stream.linear.scatter [tilespmem:s7], [sflag:$0x3], $0xB000, $0x38;
	[tilespmem:$0x16580] =	vst v63  }
0x25: {  	s18 =	sadd.s32 $0x4200, s19;
	s19 =	ssub.s32 s20, s31;
	_ =	swait.ge [sflag:s11], $0xB000  }
0x26: {  	s19 =	smax.u32 s19, $0x1;
	[sflag:s11] =	ssyncset.done $0x0  }
0x27: {  	p0 =	sne.s32 s19, $0x1;
	[sflag:s11] =	ssyncadd.s32 $0xFFFF5000  }
0x28: {  	[hbm4b:s18+s2] =	stream.linear.scatter [tilespmem:s9], [sflag:$0x4], $0xB000, $0x38;
	[tilespmem:$0x16580] =	vst v63  }
.Ltmp0:
0x29: {  	_ =	swait.ge [sflag:s12], $0xB000;
	(pc) =	sbr.rel @!p0 .LBB2_2-.Ltmp0, $4  }
0x2a: {  	[sflag:s12] =	ssyncset.done $0x0  }
0x2b: {  	[sflag:s12] =	ssyncadd.s32 $0xFFFF5000  }
0x2c: {  	_ =	swait.ge [sflag:s15], $0xB000  }
0x2d: {  	s19 =	sadd.s32 $0xFFFFFFFF, s19;
	[sflag:s15] =	ssyncset.done $0x0  }
.LBB2_1:
0x2e: {  	p0 =	sne.s32 s19, $0x1;
	s19 =	sadd.s32 $0xFFFFFFFF, s19;
	[sflag:s15] =	ssyncadd.s32 $0xFFFF5000  }
0x2f: {  	[tilespmem:s2], [sflag:$0x5] =	stream.linear.gather [hbm4b:s3+s2], $0x580, $0x38;
	[tilespmem:$0x16580] =	vst v63  }
0x30: {  	_ =	swait.ge [sflag:s4], $0x580  }
0x31: {  	[sflag:s4] =	ssyncset.done $0x0  }
0x32: {  	[sflag:s4] =	ssyncadd.s32 $0xFFFFFA80  }
0x33: {  	[tilespmem:s7], [sflag:$0x1] =	stream.indirect.gather [hbm4b:s5+s6], $0x80, s2, s6, $0xb8;
	[tilespmem:$0x16580] =	vst v63  }
0x34: {  	_ =	swait.ge [sflag:s8], $0xB000  }
0x35: {  	[sflag:s8] =	ssyncset.done $0x0  }
0x36: {  	[sflag:s8] =	ssyncadd.s32 $0xFFFF5000  }
0x37: {  	[tilespmem:s9], [sflag:$0x2] =	stream.indirect.gather [hbm4b:s5+s6], $0x80, s6, s6, $0xb8;
	[tilespmem:$0x16580] =	vst v63  }
0x38: {  	_ = 	snop  }
0x39: {  	[hbm4b:s10+s2] =	stream.linear.scatter [tilespmem:s7], [sflag:$0x3], $0xB000, $0x38;
	[tilespmem:$0x16580] =	vst v63  }
0x3a: {  	_ =	swait.ge [sflag:s11], $0xB000  }
0x3b: {  	[sflag:s11] =	ssyncset.done $0x0  }
0x3c: {  	[sflag:s11] =	ssyncadd.s32 $0xFFFF5000  }
0x3d: {  	_ =	swait.ge [sflag:s12], $0xB000  }
0x3e: {  	[sflag:s12] =	ssyncset.done $0x0  }
0x3f: {  	[sflag:s12] =	ssyncadd.s32 $0xFFFF5000  }
0x40: {  	[tilespmem:s7], [sflag:$0x1] =	stream.indirect.gather [hbm4b:s5+s6], $0x80, s13, s6, $0xb8;
	[tilespmem:$0x16580] =	vst v63  }
0x41: {  	_ = 	snop  }
0x42: {  	[hbm4b:s14+s2] =	stream.linear.scatter [tilespmem:s9], [sflag:$0x4], $0xB000, $0x38;
	[tilespmem:$0x16580] =	vst v63  }
0x43: {  	_ =	swait.ge [sflag:s8], $0xB000  }
0x44: {  	[sflag:s8] =	ssyncset.done $0x0  }
0x45: {  	[sflag:s8] =	ssyncadd.s32 $0xFFFF5000  }
0x46: {  	_ =	swait.ge [sflag:s15], $0xB000  }
0x47: {  	[sflag:s15] =	ssyncset.done $0x0  }
0x48: {  	[sflag:s15] =	ssyncadd.s32 $0xFFFF5000  }
0x49: {  	[tilespmem:s9], [sflag:$0x2] =	stream.indirect.gather [hbm4b:s5+s6], $0x80, s16, s6, $0xb8;
	[tilespmem:$0x16580] =	vst v63  }
0x4a: {  	_ = 	snop  }
0x4b: {  	[hbm4b:s17+s2] =	stream.linear.scatter [tilespmem:s7], [sflag:$0x3], $0xB000, $0x38;
	[tilespmem:$0x16580] =	vst v63  }
0x4c: {  	_ =	swait.ge [sflag:s11], $0xB000  }
0x4d: {  	[sflag:s11] =	ssyncset.done $0x0  }
0x4e: {  	[sflag:s11] =	ssyncadd.s32 $0xFFFF5000  }
0x4f: {  	[hbm4b:s18+s2] =	stream.linear.scatter [tilespmem:s9], [sflag:$0x4], $0xB000, $0x38;
	[tilespmem:$0x16580] =	vst v63  }
.Ltmp1:
0x50: {  	_ =	swait.ge [sflag:s12], $0xB000;
	(pc) =	sbr.rel @p0 .LBB2_1-.Ltmp1, $4  }
0x51: {  	[sflag:s12] =	ssyncset.done $0x0  }
0x52: {  	[sflag:s12] =	ssyncadd.s32 $0xFFFF5000  }
0x53: {  	_ =	swait.ge [sflag:s15], $0xB000  }
0x54: {  	[sflag:s15] =	ssyncset.done $0x0  }
.LBB2_2:
0x55: {  	[sflag:s15] =	ssyncadd.s32 $0xFFFF5000  }
0x56: {  	_ =	sfence.sel $0x180000  }
0x57: {  	[bflag:$0x0] =	sbarrier.arrive $0xFFFF  }
0x58: {  	p0 =	sne.s32 s0, $0x0;
	_ =	strace $0x90000053  }
0x59: {  	s0 =	sadd.s32 @!p0 $0x100000, s1;
	[bflag:$0x2] =	sbarrier.arrive $0xFFFF  }
0x5a: {  	[sflag:s0] =	ssyncadd.tile.s32 @!p0 $0x1;
	_ =	shalt  }
.Lfunc_end2:
_tile_overlayer_lowered:
.L_overlay_start_2:
0x5b: {  	(tag) =	ssettag $0x2  }
0x5c: {  	s0 =	rddreg [dreg:$0x0];
	s2 =	stileid.u32  }
0x5d: {  	s1 =	rddreg [dreg:$0x1];
	p0 =	sne.s32 s2, $0x0  }
0x5e: {  	s3 =	rddreg [dreg:$0x2];
	[bflag:$0x3] =	sbarrier.arrive $0xFFFF;
	s2 =	simm.s32 @!p0 $0x1C05  }
0x5f: {  	[timem:s3], [sflag:s2] =	dma.local @!p0 [hbm:s0], s1  }
0x60: {  	s0 =	simm.s32 @!p0 $0x5  }
0x61: {  	_ =	swait.ge @!p0 [sflag:s0], s1  }
0x62: {  	s1 =	ssub.s32 @!p0 $0x0, s1;
	[sflag:s0] =	ssyncset.done @!p0 $0x0  }
0x63: {  	[sflag:s0] =	ssyncadd.s32 @!p0 s1  }
0x64: {  	[bflag:$0x3] =	sbarrier.arrive $0xFFFF  }
0x65: {  	_ =	shalt  }

// kernel: kernel.29.cloned.1.call-start
scs
__scs_entry_jumppad:
0x0: {  	(pc) =	sbr.rel $0x88, $3  }
0x1: {  	(tag) =	ssettag $0x0;
	lr =	simm.s32 $0x1  }
0x2: {  	[smem:$0x3F87] =	sst lr;
	_ =	strace $0xD0000000  }
0x3: {  	_ = 	snop  }
0x4: {  	_ = 	snop  }
0x5: {  	_ = 	snop  }
0x6: {  	_ = 	snop  }
0x7: {  	_ = 	snop  }
__scs_overlays_trampoline_lowered:
0x8: {  	[smem:$0x3F96] =	sst s0  }
0x9: {  	[smem:$0x3F97] =	sst s1  }
0xa: {  	[smem:$0x3F98] =	sst s2  }
0xb: {  	[smem:$0x3F99] =	sst s3  }
0xc: {  	[smem:$0x3F9A] =	sst s4  }
0xd: {  	[smem:$0x3F9B] =	sst s5  }
0xe: {  	[smem:$0x3F9C] =	sst s6  }
0xf: {  	[smem:$0x3F9D] =	sst s7  }
0x10: {  	[smem:$0x3F9E] =	sst s8  }
0x11: {  	[smem:$0x3F9F] =	sst s9;
	s0 =	simm.s32 @!p0 $0x0  }
0x12: {  	s1 =	sld [smem:$0x3F85];
	s0 =	simm.s32 @p0 $0x1  }
0x13: {  	[smem:$0x3FA0] =	sst s0;
	s0 =	simm.s32 @!p1 $0x0  }
0x14: {  	s2 =	sld [smem:$0x3F84];
	s0 =	simm.s32 @p1 $0x1  }
0x15: {  	[smem:$0x3FA1] =	sst s0;
	s0 =	simm.s32 @!p2 $0x0  }
0x16: {  	s3 =	sld [smem:$0x3FDB];
	s0 =	simm.s32 @p2 $0x1  }
0x17: {  	s4 =	simm.s32 $0x1BF5;
	[smem:$0x3FA3] =	sst s0  }
0x18: {  	s0 =	sld [smem:$0x3F86];
	_ =	swait.ge [sflag:s4], $0x0  }
0x19: {  	s7 =	sld [smem:$0x3F87]  }
0x1a: {  	s8 =	sadd.s32 $0xFFFFE003, lr  }
0x1b: {  	s9 =	sadd.s32 $0xFFFFFEF7, lr;
	s5 =	simm.s32 $0xFFFFFFFF;
	p2 =	slt.u32 s8, $0xFFFFF086  }
0x1c: {  	p1 =	slt.u32 s9, $0xF7A;
	s5 =	simm.s32 @!p2 $0x0  }
0x1d: {  	s5 =	simm.s32 @p1 $0x1;
	p0 =	seq.s32 s7, s2  }
0x1e: {  	s7 =	smul.u32 @!p0 $0xF7A, s2;
	p2 =	seq.s32 @!p0 s5, $0x0  }
0x1f: {  	s9 =	smul.u32 $0xF7A, s1;
	s8 =	simm.s32 @!p0 $0x1BF5;
	p2 =	por !p2, p0  }
0x20: {  	[sflag:s8] =	ssyncset.s32 @!p0 $0xFFFFF086;
	s6 =	sadd.s32 @!p0 s3, s7;
	s7 =	simm.s32 @!p0 $0x108  }
0x21: {  	s3 =	sadd.s32 s3, s9;
	s6 =	sadd.s32 @!p0 $0x88, s6;
	s7 =	simm.s32 @p2 $0x1082  }
0x22: {  	[simem:s7], [sflag:s8] =	dma.local @!p0 [hbm:s6], $0xF7A  }
0x23: {  	s9 =	sor.u32 $0xD0000000, s2;
	s6 =	simm.s32 $0x108;
	_ =	swait.ge @!p0 [sflag:s8], $0x0  }
0x24: {  	s3 =	sadd.s32 $0x88, s3;
	s6 =	simm.s32 @!p1 $0x1082;
	[sflag:s4] =	ssyncset.s32 $0xFFFFF086  }
0x25: {  	[simem:s6], [sflag:s4] =	dma.local [hbm:s3], $0xF7A  }
0x26: {  	[smem:$0x3F87] =	sst s1;
	(tag) =	ssettag s2;
	_ =	strace s9  }
0x27: {  	s1 =	sld [smem:$0x3F97]  }
0x28: {  	s2 =	sld [smem:$0x3F98]  }
0x29: {  	s4 =	sld [smem:$0x3F9A]  }
0x2a: {  	p0 =	seq.s32 s5, $0x0;
	s5 =	sld [smem:$0x3F9B]  }
0x2b: {  	s6 =	sld [smem:$0x3F9C]  }
0x2c: {  	s7 =	sld [smem:$0x3F9D]  }
0x2d: {  	s3 =	simm.s32 $0x108;
	s8 =	sld [smem:$0x3F9E]  }
0x2e: {  	s3 =	simm.s32 @!p0 $0x1082;
	s9 =	sld [smem:$0x3F9F]  }
0x2f: {  	lr =	sadd.s32 s0, s3;
	s0 =	sld [smem:$0x3F96]  }
0x30: {  	s3 =	sld [smem:$0x3F99]  }
0x31: {  	[smem:$0x3FA2] =	sst s10  }
0x32: {  	s10 =	sld [smem:$0x3FA0];
	_ =	sdelay $0x3  }
0x33: {  	p0 =	seq.s32 s10, $0x1;
	s10 =	sld [smem:$0x3FA2];
	_ =	sdelay $0x3  }
0x34: {  	[smem:$0x3FA2] =	sst s10  }
0x35: {  	s10 =	sld [smem:$0x3FA1];
	_ =	sdelay $0x3  }
0x36: {  	p1 =	seq.s32 s10, $0x1;
	s10 =	sld [smem:$0x3FA2];
	_ =	sdelay $0x3  }
0x37: {  	[smem:$0x3FA2] =	sst s10  }
0x38: {  	s10 =	sld [smem:$0x3FA3]  }
0x39: {  	_ = 	snop;
	(pc) =	sbr.ind lr, $3  }
0x3a: {  	_ = 	snop  }
0x3b: {  	_ = 	snop  }
0x3c: {  	p2 =	seq.s32 s10, $0x1;
	s10 =	sld [smem:$0x3FA2]  }
0x3d: {  	_ =	shalt  }
0x3e: {  	_ =	shalt  }
0x3f: {  	_ =	shalt  }
0x40: {  	_ =	shalt  }
0x41: {  	_ =	shalt  }
0x42: {  	_ =	shalt  }
0x43: {  	_ =	shalt  }
0x44: {  	_ =	shalt  }
0x45: {  	_ =	shalt  }
0x46: {  	_ =	shalt  }
0x47: {  	_ =	shalt  }
0x48: {  	_ =	shalt  }
0x49: {  	_ =	shalt  }
0x4a: {  	_ =	shalt  }
0x4b: {  	_ =	shalt  }
0x4c: {  	_ =	shalt  }
0x4d: {  	_ =	shalt  }
0x4e: {  	_ =	shalt  }
0x4f: {  	_ =	shalt  }
0x50: {  	_ =	shalt  }
0x51: {  	_ =	shalt  }
0x52: {  	_ =	shalt  }
0x53: {  	_ =	shalt  }
0x54: {  	_ =	shalt  }
0x55: {  	_ =	shalt  }
0x56: {  	_ =	shalt  }
0x57: {  	_ =	shalt  }
0x58: {  	_ =	shalt  }
0x59: {  	_ =	shalt  }
0x5a: {  	_ =	shalt  }
0x5b: {  	_ =	shalt  }
0x5c: {  	_ =	shalt  }
0x5d: {  	_ =	shalt  }
0x5e: {  	_ =	shalt  }
0x5f: {  	_ =	shalt  }
0x60: {  	_ =	shalt  }
0x61: {  	_ =	shalt  }
0x62: {  	_ =	shalt  }
0x63: {  	_ =	shalt  }
0x64: {  	_ =	shalt  }
0x65: {  	_ =	shalt  }
0x66: {  	_ =	shalt  }
0x67: {  	_ =	shalt  }
0x68: {  	_ =	shalt  }
0x69: {  	_ =	shalt  }
0x6a: {  	_ =	shalt  }
0x6b: {  	_ =	shalt  }
0x6c: {  	_ =	shalt  }
0x6d: {  	_ =	shalt  }
0x6e: {  	_ =	shalt  }
0x6f: {  	_ =	shalt  }
0x70: {  	_ =	shalt  }
0x71: {  	_ =	shalt  }
0x72: {  	_ =	shalt  }
0x73: {  	_ =	shalt  }
0x74: {  	_ =	shalt  }
0x75: {  	_ =	shalt  }
0x76: {  	_ =	shalt  }
0x77: {  	_ =	shalt  }
0x78: {  	_ =	shalt  }
0x79: {  	_ =	shalt  }
0x7a: {  	_ =	shalt  }
0x7b: {  	_ =	shalt  }
0x7c: {  	_ =	shalt  }
0x7d: {  	_ =	shalt  }
0x7e: {  	_ =	shalt  }
0x7f: {  	_ =	shalt  }
0x80: {  	_ =	shalt  }
0x81: {  	_ =	shalt  }
0x82: {  	_ =	shalt  }
0x83: {  	_ =	shalt  }
0x84: {  	_ =	shalt  }
0x85: {  	_ =	shalt  }
0x86: {  	_ =	shalt  }
0x87: {  	_ =	shalt  }
.Lfunc_end0:
.L_simem_size_0:
called_computation.5_lowered:
.L_overlay_start_0:
0x88: {  	s2 =	sld [smem:$0x3FD9]  }
0x89: {  	s3 =	sld [smem:$0x3FFE];
	_ =	sdelay $0x1  }
0x8a: {  	s1 =	srdreg.scid  }
0x8b: {  	s0 =	sand.u32 $0x1, s1  }
0x8c: {  	s17 =	sshll.u32 s0, $0xA;
	s2 =	sadd.s32 s3, s2  }
0x8d: {  	s2 =	sadd.s32 s2, s17  }
0x8e: {  	[smem:$0x3FAE] =	sst s2  }
0x8f: {  	_ = 	snop  }
0x90: {  	(tm) =	ssettm $0x1  }
0x91: {  	s18 =	sld [smem:$0x3FFB];
	_ =	sdelay $0x3  }
0x92: {  	_ =	strace s18  }
0x93: {  	s2 =	sld [smem:$0x3FFC];
	_ =	sdelay $0x3  }
0x94: {  	_ =	strace s2  }
0x95: {  	s2 =	sld [smem:$0x3FFD];
	_ =	sdelay $0x3  }
0x96: {  	_ =	strace s2  }
0x97: {  	_ =	strace $0x8FFFFFFF  }
0x98: {  	s19 =	sld [smem:$0x3FDB];
	_ =	sdelay $0x1  }
0x99: {  	s20 =	simm.s32 $_scs_section_size  }
0x9a: {  	s4 =	simm.s32 $_size__tile_overlayer_lowered;
	s5 =	simm.s32 $_tile_overlayer_lowered  }
0x9b: {  	s6 =	simm.s32 $0x1BFF;
	s21 =	sshll.u32 s5, $0x1;
	s3 =	sadd.s32 s20, s19  }
0x9c: {  	s22 =	simm.s32 $0x0;
	s4 =	sshll.u32 s4, $0x1;
	s5 =	sadd.s32 s21, s3  }
0x9d: {  	[timem:s22], [sflag:s6] =	dma.local [hbm:s5], s4  }
0x9e: {  	_ =	swait.ge [sflag:s6], s4  }
0x9f: {  	s4 =	ssub.s32 $0x0, s4;
	[sflag:s6] =	ssyncset.done $0x0  }
0xa0: {  	[sflag:s6] =	ssyncadd.s32 s4;
	_ =	sdelay $0x1  }
0xa1: {  	s23 =	simm.s32 $0x1B8B  }
0xa2: {  	_ =	swait.ge [sflag:s23], $0x1  }
0xa3: {  	[sflag:s23] =	ssyncset.done $0x0  }
0xa4: {  	[sflag:s23] =	ssyncadd.s32 $0xFFFFFFFF  }
0xa5: {  	s4 =	sld [smem:$0x0]  }
0xa6: {  	s5 =	sand.u32 $0xFFFFFFFE, s1  }
0xa7: {  	p0 =	sne.s32 s1, s5  }
0xa8: {  	s5 =	sshll.u32 @p0 s5, $0xE  }
0xa9: {  	s5 =	sadd.s32 @p0 $0x11B8D, s5;
	s6 =	sshll.u32 @p0 s4, $0x11  }
0xaa: {  	s5 =	sor.u32 @p0 s6, s5  }
0xab: {  	[sflag:s5] =	ssyncadd.remote.s32 @p0 $0x1;
	_ =	sdelay $0x1  }
0xac: {  	s5 =	simm.s32 @p0 $0x1B8D  }
0xad: {  	_ =	swait.eq @p0 [sflag:s5], $0x1  }
0xae: {  	[sflag:s5] =	ssyncadd.s32 @p0 $0xFFFFFFFF  }
0xaf: {  	s6 =	sshll.u32 @!p0 s1, $0xE  }
0xb0: {  	s6 =	sor.u32 @!p0 $0x4000, s6;
	s5 =	simm.s32 @!p0 $0x1B8D  }
0xb1: {  	s4 =	sshll.u32 @!p0 s4, $0x11;
	s6 =	sadd.s32 @!p0 $0x11B8D, s6;
	_ =	swait.eq @!p0 [sflag:s5], $0x1  }
0xb2: {  	s4 =	sor.u32 @!p0 s4, s6;
	[sflag:s5] =	ssyncadd.s32 @!p0 $0xFFFFFFFF  }
0xb3: {  	s25 =	simm.s32 $0x1B8E;
	s24 =	sld [smem:$0x3FFE];
	[sflag:s4] =	ssyncadd.remote.s32 @!p0 $0x1  }
0xb4: {  	s26 =	simm.s32 $execute0_lowered;
	[smem:$0x3FD2] =	sst s25  }
0xb5: {  	s5 =	sshll.u32 s26, $0x1;
	_ =	strace $0x80000055;
	[dreg:$0x1] =	wrdreg $0xFFFFFFFF  }
0xb6: {  	s28 =	simm.s32 $_size_execute0_lowered;
	s3 =	sadd.s32 s3, s5;
	[dreg:$0x0] =	wrdreg $0x0  }
0xb7: {  	s5 =	sshll.u32 s28, $0x1;
	[dreg:$0x2] =	wrdreg s3  }
0xb8: {  	[dreg:$0x3] =	wrdreg s5  }
0xb9: {  	[dreg:$0x4] =	wrdreg $0xC0  }
0xba: {  	_ =	task [dreg:s22], $0x5FFFF  }
0xbb: {  	[dreg:$0x1] =	wrdreg $0xFFFFFFFF  }
0xbc: {  	[dreg:$0x0] =	wrdreg $0x60  }
0xbd: {  	[dreg:$0x2] =	wrdreg s24  }
0xbe: {  	[dreg:$0x3] =	wrdreg $0xA  }
0xbf: {  	_ =	task.clear_ibuf [dreg:s22], $0x4FFFF;
	_ =	strace $0x90000055  }
0xc0: {  	s29 =	simm.s32 $0xA;
	_ =	strace $0x80000057  }
0xc1: {  	_ =	swait.ge [sflag:s29], $0x1  }
0xc2: {  	[sflag:s29] =	ssyncadd.s32 $0xFFFFFFFF  }
0xc3: {  	_ =	strace $0x90000057  }
0xc4: {  	_ =	sfence  }
0xc5: {  	s30 =	sld [smem:$0x0];
	_ =	sdelay $0x2  }
0xc6: {  	s31 =	sshll.u32 s1, $0xD;
	s1 =	sshrl.u32 s1, $0x2  }
0xc7: {  	s4 =	sand.u32 $0x4000, s31;
	s1 =	sadd.s32 s1, s30  }
0xc8: {  	s0 =	sor.u32 s4, s0;
	s1 =	sshll.u32 s1, $0x11  }
0xc9: {  	s0 =	sor.u32 s1, s0  }
0xca: {  	s0 =	sadd.s32 $0x8F2B, s0  }
0xcb: {  	[sflag:s0] =	ssyncadd.remote.s32 $0x1  }
0xcc: {  	_ =	sfence.sel $0xFFFF  }
0xcd: {  	[dreg:$0x0] =	wrdreg $0xFFFFFFFF;
	(pc) =	sbr.abs _section_cstart, $3  }
0xce: {  	[dreg:$0x1] =	wrdreg $0xFFFFFFFF  }
0xcf: {  	_ =	task.clear_ibuf [dreg:s22], $0x2FFFF;
	_ =	strace $0x9FFFFFFF  }
0xd0: {  	(tm) =	ssettm $0x7FFFFFFF  }
0xd1: {  	_ =	shalt  }
tec
execute0_lowered:
.L_overlay_start_1:
0x0: {  	(tag) =	ssettag $0x1  }
0x1: {  	s1 =	srdreg.scid;
	s0 =	stileid.u32  }
0x2: {  	s18 =	sand.u32 $0x1, s1;
	s30 =	sshll.u32 s0, $0x1  }
0x3: {  	s12 =	sor.u32 s18, s30  }
0x4: {  	s3 =	smul.u32 $0xB0, s12  }
0x5: {  	s9 =	rddreg [dreg:$0x0];
	s2 =	simm.s32 $0x0  }
0x6: {  	s4 =	simm.s32 $0x5;
	[smem:$0x7FF] =	sst s2;
	s3 =	sadd.s32 s3, s9  }
0x7: {  	s1 =	rddreg [dreg:$0x1];
	_ =	strace $0x80000056;
	s3 =	sadd.s32 $0xBA400, s3  }
0x8: {  	[tilespmem:s2], [sflag:$0x5] =	stream.linear.gather [hbm4b:s3+s2], $0x580, $0x38;
	[tilespmem:$0x16580] =	vst v63  }
0x9: {  	_ =	swait.ge [sflag:s4], $0x580  }
0xa: {  	s6 =	simm.s32 $0x160;
	s7 =	simm.s32 $0x580;
	[sflag:s4] =	ssyncset.done $0x0  }
0xb: {  	s8 =	simm.s32 $0x1;
	s5 =	sadd.s32 $0xA400, s9;
	[sflag:s4] =	ssyncadd.s32 $0xFFFFFA80  }
0xc: {  	[tilespmem:s7], [sflag:$0x1] =	stream.indirect.gather [hbm4b:s5+s6], $0x80, s2, s6, $0xb8;
	[tilespmem:$0x16580] =	vst v63  }
0xd: {  	_ =	swait.ge [sflag:s8], $0xB000  }
0xe: {  	s13 =	sadd.s32 $0x16FC00, s9;
	[sflag:s8] =	ssyncset.done $0x0  }
0xf: {  	s10 =	smul.u32 $0x5800, s12;
	s9 =	simm.s32 $0xB580;
	[sflag:s8] =	ssyncadd.s32 $0xFFFF5000  }
0x10: {  	[tilespmem:s9], [sflag:$0x2] =	stream.indirect.gather [hbm4b:s5+s6], $0x80, s6, s6, $0xb8;
	[tilespmem:$0x16580] =	vst v63  }
0x11: {  	s11 =	simm.s32 $0x2;
	s10 =	sadd.s32 s13, s10  }
0x12: {  	[hbm4b:s10+s2] =	stream.linear.scatter [tilespmem:s7], [sflag:$0x3], $0xB000, $0x38;
	[tilespmem:$0x16580] =	vst v63  }
0x13: {  	_ =	swait.ge [sflag:s11], $0xB000  }
0x14: {  	[sflag:s11] =	ssyncset.done $0x0  }
0x15: {  	s14 =	smul.u32 $0x2C000, s12;
	s12 =	simm.s32 $0x3;
	[sflag:s11] =	ssyncadd.s32 $0xFFFF5000  }
0x16: {  	_ =	swait.ge [sflag:s12], $0xB000  }
0x17: {  	s14 =	sshrl.u32 s14, $0x3;
	[sflag:s12] =	ssyncset.done $0x0  }
0x18: {  	s19 =	sadd.s32 s13, s14;
	s13 =	simm.s32 $0x2C0;
	[sflag:s12] =	ssyncadd.s32 $0xFFFF5000  }
0x19: {  	[tilespmem:s7], [sflag:$0x1] =	stream.indirect.gather [hbm4b:s5+s6], $0x80, s13, s6, $0xb8;
	[tilespmem:$0x16580] =	vst v63  }
0x1a: {  	s14 =	sadd.s32 $0x1600, s19  }
0x1b: {  	[hbm4b:s14+s2] =	stream.linear.scatter [tilespmem:s9], [sflag:$0x4], $0xB000, $0x38;
	[tilespmem:$0x16580] =	vst v63  }
0x1c: {  	_ =	swait.ge [sflag:s8], $0xB000  }
0x1d: {  	[sflag:s8] =	ssyncset.done $0x0  }
0x1e: {  	s15 =	simm.s32 $0x4;
	[sflag:s8] =	ssyncadd.s32 $0xFFFF5000  }
0x1f: {  	_ =	swait.ge [sflag:s15], $0xB000  }
0x20: {  	[sflag:s15] =	ssyncset.done $0x0  }
0x21: {  	s16 =	simm.s32 $0x420;
	s20 =	ssub.s32 $0x2, s18;
	[sflag:s15] =	ssyncadd.s32 $0xFFFF5000  }
0x22: {  	[tilespmem:s9], [sflag:$0x2] =	stream.indirect.gather [hbm4b:s5+s6], $0x80, s16, s6, $0xb8;
	[tilespmem:$0x16580] =	vst v63  }
0x23: {  	s31 =	sshrl.u32 s20, $0x1;
	s17 =	sadd.s32 $0x2C00, s19  }
0x24: {  	[hbm4b:s17+s2] =	stream.linear.scatter [tilespmem:s7], [sflag:$0x3], $0xB000, $0x38;
	[tilespmem:$0x16580] =	vst v63  }
0x25: {  	s18 =	sadd.s32 $0x4200, s19;
	s19 =	ssub.s32 s20, s31;
	_ =	swait.ge [sflag:s11], $0xB000  }
0x26: {  	s19 =	smax.u32 s19, $0x1;
	[sflag:s11] =	ssyncset.done $0x0  }
0x27: {  	p0 =	sne.s32 s19, $0x1;
	[sflag:s11] =	ssyncadd.s32 $0xFFFF5000  }
0x28: {  	[hbm4b:s18+s2] =	stream.linear.scatter [tilespmem:s9], [sflag:$0x4], $0xB000, $0x38;
	[tilespmem:$0x16580] =	vst v63  }
.Ltmp0:
0x29: {  	_ =	swait.ge [sflag:s12], $0xB000;
	(pc) =	sbr.rel @!p0 .LBB2_2-.Ltmp0, $4  }
0x2a: {  	[sflag:s12] =	ssyncset.done $0x0  }
0x2b: {  	[sflag:s12] =	ssyncadd.s32 $0xFFFF5000  }
0x2c: {  	_ =	swait.ge [sflag:s15], $0xB000  }
0x2d: {  	s19 =	sadd.s32 $0xFFFFFFFF, s19;
	[sflag:s15] =	ssyncset.done $0x0  }
.LBB2_1:
0x2e: {  	p0 =	sne.s32 s19, $0x1;
	s19 =	sadd.s32 $0xFFFFFFFF, s19;
	[sflag:s15] =	ssyncadd.s32 $0xFFFF5000  }
0x2f: {  	[tilespmem:s2], [sflag:$0x5] =	stream.linear.gather [hbm4b:s3+s2], $0x580, $0x38;
	[tilespmem:$0x16580] =	vst v63  }
0x30: {  	_ =	swait.ge [sflag:s4], $0x580  }
0x31: {  	[sflag:s4] =	ssyncset.done $0x0  }
0x32: {  	[sflag:s4] =	ssyncadd.s32 $0xFFFFFA80  }
0x33: {  	[tilespmem:s7], [sflag:$0x1] =	stream.indirect.gather [hbm4b:s5+s6], $0x80, s2, s6, $0xb8;
	[tilespmem:$0x16580] =	vst v63  }
0x34: {  	_ =	swait.ge [sflag:s8], $0xB000  }
0x35: {  	[sflag:s8] =	ssyncset.done $0x0  }
0x36: {  	[sflag:s8] =	ssyncadd.s32 $0xFFFF5000  }
0x37: {  	[tilespmem:s9], [sflag:$0x2] =	stream.indirect.gather [hbm4b:s5+s6], $0x80, s6, s6, $0xb8;
	[tilespmem:$0x16580] =	vst v63  }
0x38: {  	_ = 	snop  }
0x39: {  	[hbm4b:s10+s2] =	stream.linear.scatter [tilespmem:s7], [sflag:$0x3], $0xB000, $0x38;
	[tilespmem:$0x16580] =	vst v63  }
0x3a: {  	_ =	swait.ge [sflag:s11], $0xB000  }
0x3b: {  	[sflag:s11] =	ssyncset.done $0x0  }
0x3c: {  	[sflag:s11] =	ssyncadd.s32 $0xFFFF5000  }
0x3d: {  	_ =	swait.ge [sflag:s12], $0xB000  }
0x3e: {  	[sflag:s12] =	ssyncset.done $0x0  }
0x3f: {  	[sflag:s12] =	ssyncadd.s32 $0xFFFF5000  }
0x40: {  	[tilespmem:s7], [sflag:$0x1] =	stream.indirect.gather [hbm4b:s5+s6], $0x80, s13, s6, $0xb8;
	[tilespmem:$0x16580] =	vst v63  }
0x41: {  	_ = 	snop  }
0x42: {  	[hbm4b:s14+s2] =	stream.linear.scatter [tilespmem:s9], [sflag:$0x4], $0xB000, $0x38;
	[tilespmem:$0x16580] =	vst v63  }
0x43: {  	_ =	swait.ge [sflag:s8], $0xB000  }
0x44: {  	[sflag:s8] =	ssyncset.done $0x0  }
0x45: {  	[sflag:s8] =	ssyncadd.s32 $0xFFFF5000  }
0x46: {  	_ =	swait.ge [sflag:s15], $0xB000  }
0x47: {  	[sflag:s15] =	ssyncset.done $0x0  }
0x48: {  	[sflag:s15] =	ssyncadd.s32 $0xFFFF5000  }
0x49: {  	[tilespmem:s9], [sflag:$0x2] =	stream.indirect.gather [hbm4b:s5+s6], $0x80, s16, s6, $0xb8;
	[tilespmem:$0x16580] =	vst v63  }
0x4a: {  	_ = 	snop  }
0x4b: {  	[hbm4b:s17+s2] =	stream.linear.scatter [tilespmem:s7], [sflag:$0x3], $0xB000, $0x38;
	[tilespmem:$0x16580] =	vst v63  }
0x4c: {  	_ =	swait.ge [sflag:s11], $0xB000  }
0x4d: {  	[sflag:s11] =	ssyncset.done $0x0  }
0x4e: {  	[sflag:s11] =	ssyncadd.s32 $0xFFFF5000  }
0x4f: {  	[hbm4b:s18+s2] =	stream.linear.scatter [tilespmem:s9], [sflag:$0x4], $0xB000, $0x38;
	[tilespmem:$0x16580] =	vst v63  }
.Ltmp1:
0x50: {  	_ =	swait.ge [sflag:s12], $0xB000;
	(pc) =	sbr.rel @p0 .LBB2_1-.Ltmp1, $4  }
0x51: {  	[sflag:s12] =	ssyncset.done $0x0  }
0x52: {  	[sflag:s12] =	ssyncadd.s32 $0xFFFF5000  }
0x53: {  	_ =	swait.ge [sflag:s15], $0xB000  }
0x54: {  	[sflag:s15] =	ssyncset.done $0x0  }
.LBB2_2:
0x55: {  	[sflag:s15] =	ssyncadd.s32 $0xFFFF5000  }
0x56: {  	_ =	sfence.sel $0x180000  }
0x57: {  	[bflag:$0x0] =	sbarrier.arrive $0xFFFF  }
0x58: {  	p0 =	sne.s32 s0, $0x0;
	_ =	strace $0x90000056  }
0x59: {  	s0 =	sadd.s32 @!p0 $0x100000, s1;
	[bflag:$0x2] =	sbarrier.arrive $0xFFFF  }
0x5a: {  	[sflag:s0] =	ssyncadd.tile.s32 @!p0 $0x1;
	_ =	shalt  }
.Lfunc_end2:
_tile_overlayer_lowered:
.L_overlay_start_2:
0x5b: {  	(tag) =	ssettag $0x2  }
0x5c: {  	s0 =	rddreg [dreg:$0x0];
	s2 =	stileid.u32  }
0x5d: {  	s1 =	rddreg [dreg:$0x1];
	p0 =	sne.s32 s2, $0x0  }
0x5e: {  	s3 =	rddreg [dreg:$0x2];
	[bflag:$0x3] =	sbarrier.arrive $0xFFFF;
	s2 =	simm.s32 @!p0 $0x1C05  }
0x5f: {  	[timem:s3], [sflag:s2] =	dma.local @!p0 [hbm:s0], s1  }
0x60: {  	s0 =	simm.s32 @!p0 $0x5  }
0x61: {  	_ =	swait.ge @!p0 [sflag:s0], s1  }
0x62: {  	s1 =	ssub.s32 @!p0 $0x0, s1;
	[sflag:s0] =	ssyncset.done @!p0 $0x0  }
0x63: {  	[sflag:s0] =	ssyncadd.s32 @!p0 s1  }
0x64: {  	[bflag:$0x3] =	sbarrier.arrive $0xFFFF  }
0x65: {  	_ =	shalt  }

</sc_bundles>
